<compile_context>
chip_gen: v7x
topology: tpu7x:2x2x1
jax: 0.10.2.dev20260603
libtpu: 0.0.44.dev20260713+nightly
codegen_flags: <defaults>
</compile_context>

<pallas_src>
import jax
import jax.numpy as jnp
from jax import lax
from jax.experimental import pallas as pl
from jax.experimental.pallas import tpu as pltpu
from jax.experimental.pallas import tpu_sc as plsc

N = 10000
E = 160000
D_IN = 256
D_H = 512
D_OUT = 64
EPS = 1e-5

NC = 2
NS = 16
L = 16

CH = 128
EPAD = 163840
NCHK = EPAD // (NS * CH)
SEG = 2
CPS = NCHK // SEG
NPAD = 10240
ROWS_PT = NPAD // NS
ZR = 16
DEG_PT = NPAD // NS

NB = 1000
GRID = N // NB

_SC_MESH = plsc.VectorSubcoreMesh(core_axis_name="c", subcore_axis_name="s")
_F32 = jnp.float32


def _deg_body(dst_hbm, deg_hbm, idx_v, ones_v, zv, acc_sh):
    c = lax.axis_index("c")
    s = lax.axis_index("s")
    for k in range(CH // L):
        ones_v[pl.ds(k * L, L)] = jnp.ones((L,), _F32)
    for k in range(DEG_PT // L):
        zv[pl.ds(k * L, L)] = jnp.zeros((L,), _F32)

    @pl.when(c == 0)
    def _():
        pltpu.sync_copy(zv, acc_sh.at[pl.ds(s * DEG_PT, DEG_PT)])
        plsc.subcore_barrier()
        pltpu.sync_copy(dst_hbm.at[s], idx_v)

        for seg in range(SEG):
            def body(j, carry, seg=seg):
                pltpu.sync_copy(ones_v, acc_sh.at[idx_v.at[seg, j]], add=True)
                return carry

            lax.fori_loop(0, CPS, body, 0)
        plsc.subcore_barrier()
        pltpu.sync_copy(acc_sh.at[pl.ds(s * DEG_PT, DEG_PT)],
                        deg_hbm.at[pl.ds(s * DEG_PT, DEG_PT)])


_deg_call = pl.kernel(
    _deg_body,
    out_type=jax.ShapeDtypeStruct((NPAD,), _F32),
    mesh=_SC_MESH,
    scratch_types=[
        pltpu.VMEM((SEG, CPS, CH), jnp.int32),
        pltpu.VMEM((CH,), _F32),
        pltpu.VMEM((DEG_PT,), _F32),
        pltpu.VMEM_SHARED((NPAD,), _F32),
    ],
)


def _make_agg(nchunk):
    def body(src_hbm, dst_hbm, zeros_hbm, *refs):
        xs = refs[:nchunk]
        outs = refs[nchunk:2 * nchunk]
        sidx, didx, gb0, gb1, acc_sh, sem0, sem1 = refs[2 * nchunk:]
        c = lax.axis_index("c")
        s = lax.axis_index("s")

        def one_chunk(xs_hbm, out_hbm):
            pltpu.sync_copy(zeros_hbm.at[pl.ds(s * ROWS_PT, ROWS_PT)],
                            acc_sh.at[pl.ds(s * ROWS_PT, ROWS_PT)])
            plsc.subcore_barrier()

            def gstart(j, buf, sem):
                pltpu.async_copy(xs_hbm.at[sidx.at[j]], buf, sem)

            def gwait(buf, sem):
                pltpu.make_async_copy(xs_hbm.at[pl.ds(0, CH)], buf, sem).wait()

            def sadd(j, buf):
                pltpu.sync_copy(buf, acc_sh.at[didx.at[j]], add=True)

            for seg in range(SEG):
                pltpu.sync_copy(src_hbm.at[s, seg], sidx)
                pltpu.sync_copy(dst_hbm.at[s, seg], didx)
                gstart(0, gb0, sem0)

                def loop_body(j2, carry):
                    j0 = 2 * j2
                    gstart(j0 + 1, gb1, sem1)
                    gwait(gb0, sem0)
                    sadd(j0, gb0)
                    gstart(j0 + 2, gb0, sem0)
                    gwait(gb1, sem1)
                    sadd(j0 + 1, gb1)
                    return carry

                lax.fori_loop(0, CPS // 2 - 1, loop_body, 0)
                gstart(CPS - 1, gb1, sem1)
                gwait(gb0, sem0)
                sadd(CPS - 2, gb0)
                gwait(gb1, sem1)
                sadd(CPS - 1, gb1)
            plsc.subcore_barrier()
            pltpu.sync_copy(acc_sh.at[pl.ds(s * ROWS_PT, ROWS_PT)],
                            out_hbm.at[pl.ds(s * ROWS_PT, ROWS_PT)])
            plsc.subcore_barrier()

        for p in range(nchunk // 2):
            @pl.when(c == 0)
            def _(p=p):
                one_chunk(xs[2 * p], outs[2 * p])

            @pl.when(c == 1)
            def _(p=p):
                one_chunk(xs[2 * p + 1], outs[2 * p + 1])

    return pl.kernel(
        body,
        out_type=tuple(jax.ShapeDtypeStruct((NPAD, 128), _F32)
                       for _ in range(nchunk)),
        mesh=_SC_MESH,
        scratch_types=[
            pltpu.VMEM((CPS, CH), jnp.int32),
            pltpu.VMEM((CPS, CH), jnp.int32),
            pltpu.VMEM((CH, 128), _F32),
            pltpu.VMEM((CH, 128), _F32),
            pltpu.VMEM_SHARED((NPAD, 128), _F32),
            pltpu.SemaphoreType.DMA,
            pltpu.SemaphoreType.DMA,
        ],
    )


_agg2_call = _make_agg(2)
_agg4_call = _make_agg(4)


def _prep_body(deg_ref, x_ref, dis_ref, xs0_ref, xs1_ref):
    dis = lax.rsqrt(deg_ref[...] + 1.0)
    dis_ref[...] = dis
    xs = x_ref[...] * dis
    xs0_ref[...] = xs[:, :128]
    xs1_ref[...] = xs[:, 128:]


_prep_call = pl.pallas_call(
    _prep_body,
    grid=(GRID,),
    in_specs=[
        pl.BlockSpec((NB, 1), lambda i: (i, 0)),
        pl.BlockSpec((NB, D_IN), lambda i: (i, 0)),
    ],
    out_specs=[
        pl.BlockSpec((NB, 1), lambda i: (i, 0)),
        pl.BlockSpec((NB, 128), lambda i: (i, 0)),
        pl.BlockSpec((NB, 128), lambda i: (i, 0)),
    ],
    out_shape=[
        jax.ShapeDtypeStruct((N, 1), _F32),
        jax.ShapeDtypeStruct((N, 128), _F32),
        jax.ShapeDtypeStruct((N, 128), _F32),
    ],
)


def _make_layer(nchunk, d_out):
    def body(*refs):
        aggs = refs[:nchunk]
        selfs = refs[nchunk:2 * nchunk]
        dis_ref, w_ref, b_ref, h_ref, st_ref, s1, s2 = refs[2 * nchunk:]
        i = pl.program_id(0)
        dis = dis_ref[...]
        h = b_ref[...] + jnp.zeros((NB, d_out), _F32)
        for cix in range(nchunk):
            g = (aggs[cix][...] + selfs[cix][...]) * dis
            h = h + jnp.dot(g, w_ref[cix * 128:(cix + 1) * 128, :],
                            preferred_element_type=_F32)
        h_ref[...] = h

        @pl.when(i == 0)
        def _():
            s1[...] = jnp.zeros_like(s1)
            s2[...] = jnp.zeros_like(s2)

        s1[...] += jnp.sum(h, axis=0, keepdims=True)
        s2[...] += jnp.sum(h * h, axis=0, keepdims=True)

        @pl.when(i == pl.num_programs(0) - 1)
        def _():
            st_ref[...] = jnp.concatenate([s1[...], s2[...]], axis=0)

    d_in = nchunk * 128
    return pl.pallas_call(
        body,
        grid=(GRID,),
        in_specs=(
            [pl.BlockSpec((NB, 128), lambda i: (i, 0))] * (2 * nchunk)
            + [
                pl.BlockSpec((NB, 1), lambda i: (i, 0)),
                pl.BlockSpec((d_in, d_out), lambda i: (0, 0)),
                pl.BlockSpec((1, d_out), lambda i: (0, 0)),
            ]
        ),
        out_specs=[
            pl.BlockSpec((NB, d_out), lambda i: (i, 0)),
            pl.BlockSpec((2, d_out), lambda i: (0, 0)),
        ],
        out_shape=[
            jax.ShapeDtypeStruct((N, d_out), _F32),
            jax.ShapeDtypeStruct((2, d_out), _F32),
        ],
        scratch_shapes=[
            pltpu.VMEM((1, d_out), _F32),
            pltpu.VMEM((1, d_out), _F32),
        ],
    )


_l1_call = _make_layer(2, D_H)
_l2_call = _make_layer(4, D_H)

_INV_SQRT2 = 0.7071067811865476


def _bn_gelu(h, st, g, be):
    m = st[0:1, :] * (1.0 / N)
    v = st[1:2, :] * (1.0 / N) - m * m
    xn = (h - m) * lax.rsqrt(v + EPS) * g + be
    return 0.5 * xn * (1.0 + lax.erf(xn * _INV_SQRT2))


def _make_act(nout):
    def body(h_ref, st_ref, g_ref, be_ref, dis_ref, *outs):
        gs = _bn_gelu(h_ref[...], st_ref[...], g_ref[...], be_ref[...])
        gs = gs * dis_ref[...]
        for cix in range(nout):
            outs[cix][...] = gs[:, cix * 128:(cix + 1) * 128]

    return pl.pallas_call(
        body,
        grid=(GRID,),
        in_specs=[
            pl.BlockSpec((NB, D_H), lambda i: (i, 0)),
            pl.BlockSpec((2, D_H), lambda i: (0, 0)),
            pl.BlockSpec((1, D_H), lambda i: (0, 0)),
            pl.BlockSpec((1, D_H), lambda i: (0, 0)),
            pl.BlockSpec((NB, 1), lambda i: (i, 0)),
        ],
        out_specs=[pl.BlockSpec((NB, 128), lambda i: (i, 0))] * nout,
        out_shape=[jax.ShapeDtypeStruct((N, 128), _F32)] * nout,
    )


_act1_call = _make_act(4)


def _head_body(h_ref, st_ref, g_ref, be_ref, wc_ref, bc_ref, out_ref):
    ge = _bn_gelu(h_ref[...], st_ref[...], g_ref[...], be_ref[...])
    logits = jnp.dot(ge, wc_ref[...], preferred_element_type=_F32) + bc_ref[...]
    zmax = jnp.max(logits, axis=1, keepdims=True)
    ez = jnp.exp(logits - zmax)
    out_ref[...] = ez / jnp.sum(ez, axis=1, keepdims=True)


_head_call = pl.pallas_call(
    _head_body,
    grid=(GRID,),
    in_specs=[
        pl.BlockSpec((NB, D_H), lambda i: (i, 0)),
        pl.BlockSpec((2, D_H), lambda i: (0, 0)),
        pl.BlockSpec((1, D_H), lambda i: (0, 0)),
        pl.BlockSpec((1, D_H), lambda i: (0, 0)),
        pl.BlockSpec((D_H, D_OUT), lambda i: (0, 0)),
        pl.BlockSpec((1, D_OUT), lambda i: (0, 0)),
    ],
    out_specs=pl.BlockSpec((NB, D_OUT), lambda i: (i, 0)),
    out_shape=jax.ShapeDtypeStruct((N, D_OUT), _F32),
)


def kernel(x, edge_index, W1, b1, g1, be1, W2, b2, g2, be2, Wc, bc):
    npadding = EPAD - E
    pad_src = (jnp.arange(npadding, dtype=jnp.int32) * 9973) % N
    pad_dst = N + (jnp.arange(npadding, dtype=jnp.int32) % (NPAD - N))
    src3d = jnp.concatenate([edge_index[0], pad_src]).reshape(NS, SEG, CPS, CH)
    dst3d = jnp.concatenate([edge_index[1], pad_dst]).reshape(NS, SEG, CPS, CH)

    deg_pad = _deg_call(dst3d)
    deg = deg_pad[:N].reshape(N, 1)

    zeros_pad = jnp.zeros((NPAD, 128), _F32)
    dis, xs0, xs1 = _prep_call(deg, x)
    a0, a1 = _agg2_call(src3d, dst3d, zeros_pad, xs0, xs1)
    h1, st1 = _l1_call(a0, a1, xs0, xs1, dis, W1, b1.reshape(1, D_H))
    gs = _act1_call(h1, st1, g1.reshape(1, D_H), be1.reshape(1, D_H), dis)
    b0, b1_, b2_, b3_ = _agg4_call(src3d, dst3d, zeros_pad, *gs)
    h2, st2 = _l2_call(b0, b1_, b2_, b3_, *gs, dis, W2, b2.reshape(1, D_H))
    return _head_call(h2, st2, g2.reshape(1, D_H), be2.reshape(1, D_H),
                      Wc, bc.reshape(1, D_OUT))

# --- scband reference (transcript-rebuilt; emitter-appended) ---
"""Pipeline reference for scband-base-gnn-24404004176566 (READ-ONLY COPY).

The authoritative reference and input builder live on the scoring server;
editing this copy changes nothing except your own understanding.
"""

import jax, jax.numpy as jnp
import numpy as np

N = 10000
E = 160000
D_IN = 256
D_H = 512
D_OUT = 64
EPS = 1e-5


def setup_inputs(seed: int = 0) -> dict:
    key = jax.random.key(seed)
    ks = jax.random.split(key, 12)
    x = jax.random.normal(ks[0], (N, D_IN), dtype=jnp.float32)
    edge_index = jax.random.randint(ks[1], (2, E), 0, N, dtype=jnp.int32)
    W1 = jax.random.normal(ks[2], (D_IN, D_H), dtype=jnp.float32) * (1.0 / np.sqrt(D_IN))
    b1 = jnp.zeros((D_H,), dtype=jnp.float32)
    g1 = jnp.ones((D_H,), dtype=jnp.float32)
    be1 = jnp.zeros((D_H,), dtype=jnp.float32)
    W2 = jax.random.normal(ks[3], (D_H, D_H), dtype=jnp.float32) * (1.0 / np.sqrt(D_H))
    b2 = jnp.zeros((D_H,), dtype=jnp.float32)
    g2 = jnp.ones((D_H,), dtype=jnp.float32)
    be2 = jnp.zeros((D_H,), dtype=jnp.float32)
    Wc = jax.random.normal(ks[4], (D_H, D_OUT), dtype=jnp.float32) * (1.0 / np.sqrt(D_H))
    bc = jnp.zeros((D_OUT,), dtype=jnp.float32)
    return {"x": x, "edge_index": edge_index, "W1": W1, "b1": b1, "g1": g1, "be1": be1,
            "W2": W2, "b2": b2, "g2": g2, "be2": be2, "Wc": Wc, "bc": bc}


def _gcn_norm(edge_index, n_nodes):
    loop = jnp.arange(n_nodes, dtype=edge_index.dtype)
    src = jnp.concatenate([edge_index[0], loop])
    dst = jnp.concatenate([edge_index[1], loop])
    deg = jax.ops.segment_sum(jnp.ones(src.shape[0], dtype=jnp.float32), dst, num_segments=n_nodes)
    dis = jnp.where(deg > 0, deg ** -0.5, 0.0)
    norm = dis[src] * dis[dst]
    return src, dst, norm


def _gcn_conv(x, W, b, src, dst, norm):
    h = x @ W
    msgs = h[src] * norm[:, None]
    out = jax.ops.segment_sum(msgs, dst, num_segments=x.shape[0])
    return out + b


def _bn(h, g, b):
    m = jnp.mean(h, axis=0)
    v = jnp.var(h, axis=0)
    return (h - m) / jnp.sqrt(v + EPS) * g + b


def reference(x, edge_index, W1, b1, g1, be1, W2, b2, g2, be2, Wc, bc):
    src, dst, norm = _gcn_norm(edge_index, x.shape[0])
    h = _gcn_conv(x, W1, b1, src, dst, norm)
    h = jax.nn.gelu(_bn(h, g1, be1), approximate=False)
    h = _gcn_conv(h, W2, b2, src, dst, norm)
    h = jax.nn.gelu(_bn(h, g2, be2), approximate=False)
    logits = h @ Wc + bc
    return jax.nn.softmax(logits, axis=1)

if __name__ == "__main__":
    import jax
    _d = setup_inputs()
    print(jax.jit(kernel)(*tuple(_d.values())))

</pallas_src>

<mosaic_0001>
#map = affine_map<(d0, d1) -> (0, 0, 0, 0)>
#map1 = affine_map<(d0, d1) -> (0)>
module attributes {stable_mosaic.version = 14 : i64} {
  func.func @_deg_body(%arg0: i32, %arg1: i32, %arg2: memref<16x2x40x128xi32, #tpu.memory_space<hbm>>, %arg3: memref<10240xf32, #tpu.memory_space<hbm>>, %arg4: memref<2x40x128xi32, #tpu.memory_space<vmem>>, %arg5: memref<128xf32, #tpu.memory_space<vmem>>, %arg6: memref<640xf32, #tpu.memory_space<vmem>>, %arg7: memref<10240xf32, #tpu.memory_space<vmem_shared>>) attributes {dimension_semantics = [#tpu.dimension_semantics<core_parallel>, #tpu.dimension_semantics<subcore_parallel>], iteration_bounds = array<i64: 2, 16>, scalar_prefetch = 0 : i64, scratch_operands = 4 : i64, tpu.core_type = #tpu.core_type<sc_vector_subcore>, window_params = [{transform_indices = #map}, {transform_indices = #map1}]} {
    %broadcast_in_dim3A = arith.constant 1.000000e+00 : f32
    %broadcast_in_dim3A_0 = vector.broadcast %broadcast_in_dim3A : f32 to vector<16xf32>
    %swap3A = arith.constant 0 : index
    %swap3A_1 = tpu.vector_load %arg5[%swap3A] {strides = array<i32>} : memref<128xf32, #tpu.memory_space<vmem>>, vector<16xf32>,
    %swap3A_2 = vector.shape_cast %swap3A_1 : vector<16xf32> to vector<16xf32>
    %swap3A_3 = vector.shape_cast %broadcast_in_dim3A_0 : vector<16xf32> to vector<16xf32>
    tpu.vector_store %arg5[%swap3A], %swap3A_3 {strides = array<i32>} : memref<128xf32, #tpu.memory_space<vmem>>, vector<16xf32>,
    %broadcast_in_dim3A_4 = arith.constant 1.000000e+00 : f32
    %broadcast_in_dim3A_5 = vector.broadcast %broadcast_in_dim3A_4 : f32 to vector<16xf32>
    %swap3A_6 = arith.constant 16 : index
    %swap3A_7 = tpu.vector_load %arg5[%swap3A_6] {strides = array<i32>} : memref<128xf32, #tpu.memory_space<vmem>>, vector<16xf32>,
    %swap3A_8 = vector.shape_cast %swap3A_7 : vector<16xf32> to vector<16xf32>
    %swap3A_9 = vector.shape_cast %broadcast_in_dim3A_5 : vector<16xf32> to vector<16xf32>
    tpu.vector_store %arg5[%swap3A_6], %swap3A_9 {strides = array<i32>} : memref<128xf32, #tpu.memory_space<vmem>>, vector<16xf32>,
    %broadcast_in_dim3A_10 = arith.constant 1.000000e+00 : f32
    %broadcast_in_dim3A_11 = vector.broadcast %broadcast_in_dim3A_10 : f32 to vector<16xf32>
    %swap3A_12 = arith.constant 32 : index
    %swap3A_13 = tpu.vector_load %arg5[%swap3A_12] {strides = array<i32>} : memref<128xf32, #tpu.memory_space<vmem>>, vector<16xf32>,
    %swap3A_14 = vector.shape_cast %swap3A_13 : vector<16xf32> to vector<16xf32>
    %swap3A_15 = vector.shape_cast %broadcast_in_dim3A_11 : vector<16xf32> to vector<16xf32>
    tpu.vector_store %arg5[%swap3A_12], %swap3A_15 {strides = array<i32>} : memref<128xf32, #tpu.memory_space<vmem>>, vector<16xf32>,
    %broadcast_in_dim3A_16 = arith.constant 1.000000e+00 : f32
    %broadcast_in_dim3A_17 = vector.broadcast %broadcast_in_dim3A_16 : f32 to vector<16xf32>
    %swap3A_18 = arith.constant 48 : index
    %swap3A_19 = tpu.vector_load %arg5[%swap3A_18] {strides = array<i32>} : memref<128xf32, #tpu.memory_space<vmem>>, vector<16xf32>,
    %swap3A_20 = vector.shape_cast %swap3A_19 : vector<16xf32> to vector<16xf32>
    %swap3A_21 = vector.shape_cast %broadcast_in_dim3A_17 : vector<16xf32> to vector<16xf32>
    tpu.vector_store %arg5[%swap3A_18], %swap3A_21 {strides = array<i32>} : memref<128xf32, #tpu.memory_space<vmem>>, vector<16xf32>,
    %broadcast_in_dim3A_22 = arith.constant 1.000000e+00 : f32
    %broadcast_in_dim3A_23 = vector.broadcast %broadcast_in_dim3A_22 : f32 to vector<16xf32>
    %swap3A_24 = arith.constant 64 : index
    %swap3A_25 = tpu.vector_load %arg5[%swap3A_24] {strides = array<i32>} : memref<128xf32, #tpu.memory_space<vmem>>, vector<16xf32>,
    %swap3A_26 = vector.shape_cast %swap3A_25 : vector<16xf32> to vector<16xf32>
    %swap3A_27 = vector.shape_cast %broadcast_in_dim3A_23 : vector<16xf32> to vector<16xf32>
    tpu.vector_store %arg5[%swap3A_24], %swap3A_27 {strides = array<i32>} : memref<128xf32, #tpu.memory_space<vmem>>, vector<16xf32>,
    %broadcast_in_dim3A_28 = arith.constant 1.000000e+00 : f32
    %broadcast_in_dim3A_29 = vector.broadcast %broadcast_in_dim3A_28 : f32 to vector<16xf32>
    %swap3A_30 = arith.constant 80 : index
    %swap3A_31 = tpu.vector_load %arg5[%swap3A_30] {strides = array<i32>} : memref<128xf32, #tpu.memory_space<vmem>>, vector<16xf32>,
    %swap3A_32 = vector.shape_cast %swap3A_31 : vector<16xf32> to vector<16xf32>
    %swap3A_33 = vector.shape_cast %broadcast_in_dim3A_29 : vector<16xf32> to vector<16xf32>
    tpu.vector_store %arg5[%swap3A_30], %swap3A_33 {strides = array<i32>} : memref<128xf32, #tpu.memory_space<vmem>>, vector<16xf32>,
    %broadcast_in_dim3A_34 = arith.constant 1.000000e+00 : f32
    %broadcast_in_dim3A_35 = vector.broadcast %broadcast_in_dim3A_34 : f32 to vector<16xf32>
    %swap3A_36 = arith.constant 96 : index
    %swap3A_37 = tpu.vector_load %arg5[%swap3A_36] {strides = array<i32>} : memref<128xf32, #tpu.memory_space<vmem>>, vector<16xf32>,
    %swap3A_38 = vector.shape_cast %swap3A_37 : vector<16xf32> to vector<16xf32>
    %swap3A_39 = vector.shape_cast %broadcast_in_dim3A_35 : vector<16xf32> to vector<16xf32>
    tpu.vector_store %arg5[%swap3A_36], %swap3A_39 {strides = array<i32>} : memref<128xf32, #tpu.memory_space<vmem>>, vector<16xf32>,
    %broadcast_in_dim3A_40 = arith.constant 1.000000e+00 : f32
    %broadcast_in_dim3A_41 = vector.broadcast %broadcast_in_dim3A_40 : f32 to vector<16xf32>
    %swap3A_42 = arith.constant 112 : index
    %swap3A_43 = tpu.vector_load %arg5[%swap3A_42] {strides = array<i32>} : memref<128xf32, #tpu.memory_space<vmem>>, vector<16xf32>,
    %swap3A_44 = vector.shape_cast %swap3A_43 : vector<16xf32> to vector<16xf32>
    %swap3A_45 = vector.shape_cast %broadcast_in_dim3A_41 : vector<16xf32> to vector<16xf32>
    tpu.vector_store %arg5[%swap3A_42], %swap3A_45 {strides = array<i32>} : memref<128xf32, #tpu.memory_space<vmem>>, vector<16xf32>,
    %broadcast_in_dim3A_46 = arith.constant 0.000000e+00 : f32
    %broadcast_in_dim3A_47 = vector.broadcast %broadcast_in_dim3A_46 : f32 to vector<16xf32>
    %swap3A_48 = arith.constant 0 : index
    %swap3A_49 = tpu.vector_load %arg6[%swap3A_48] {strides = array<i32>} : memref<640xf32, #tpu.memory_space<vmem>>, vector<16xf32>,
    %swap3A_50 = vector.shape_cast %swap3A_49 : vector<16xf32> to vector<16xf32>
    %swap3A_51 = vector.shape_cast %broadcast_in_dim3A_47 : vector<16xf32> to vector<16xf32>
    tpu.vector_store %arg6[%swap3A_48], %swap3A_51 {strides = array<i32>} : memref<640xf32, #tpu.memory_space<vmem>>, vector<16xf32>,
    %broadcast_in_dim3A_52 = arith.constant 0.000000e+00 : f32
    %broadcast_in_dim3A_53 = vector.broadcast %broadcast_in_dim3A_52 : f32 to vector<16xf32>
    %swap3A_54 = arith.constant 16 : index
    %swap3A_55 = tpu.vector_load %arg6[%swap3A_54] {strides = array<i32>} : memref<640xf32, #tpu.memory_space<vmem>>, vector<16xf32>,
    %swap3A_56 = vector.shape_cast %swap3A_55 : vector<16xf32> to vector<16xf32>
    %swap3A_57 = vector.shape_cast %broadcast_in_dim3A_53 : vector<16xf32> to vector<16xf32>
    tpu.vector_store %arg6[%swap3A_54], %swap3A_57 {strides = array<i32>} : memref<640xf32, #tpu.memory_space<vmem>>, vector<16xf32>,
    %broadcast_in_dim3A_58 = arith.constant 0.000000e+00 : f32
    %broadcast_in_dim3A_59 = vector.broadcast %broadcast_in_dim3A_58 : f32 to vector<16xf32>
    %swap3A_60 = arith.constant 32 : index
    %swap3A_61 = tpu.vector_load %arg6[%swap3A_60] {strides = array<i32>} : memref<640xf32, #tpu.memory_space<vmem>>, vector<16xf32>,
    %swap3A_62 = vector.shape_cast %swap3A_61 : vector<16xf32> to vector<16xf32>
    %swap3A_63 = vector.shape_cast %broadcast_in_dim3A_59 : vector<16xf32> to vector<16xf32>
    tpu.vector_store %arg6[%swap3A_60], %swap3A_63 {strides = array<i32>} : memref<640xf32, #tpu.memory_space<vmem>>, vector<16xf32>,
    %broadcast_in_dim3A_64 = arith.constant 0.000000e+00 : f32
    %broadcast_in_dim3A_65 = vector.broadcast %broadcast_in_dim3A_64 : f32 to vector<16xf32>
    %swap3A_66 = arith.constant 48 : index
    %swap3A_67 = tpu.vector_load %arg6[%swap3A_66] {strides = array<i32>} : memref<640xf32, #tpu.memory_space<vmem>>, vector<16xf32>,
    %swap3A_68 = vector.shape_cast %swap3A_67 : vector<16xf32> to vector<16xf32>
    %swap3A_69 = vector.shape_cast %broadcast_in_dim3A_65 : vector<16xf32> to vector<16xf32>
    tpu.vector_store %arg6[%swap3A_66], %swap3A_69 {strides = array<i32>} : memref<640xf32, #tpu.memory_space<vmem>>, vector<16xf32>,
    %broadcast_in_dim3A_70 = arith.constant 0.000000e+00 : f32
    %broadcast_in_dim3A_71 = vector.broadcast %broadcast_in_dim3A_70 : f32 to vector<16xf32>
    %swap3A_72 = arith.constant 64 : index
    %swap3A_73 = tpu.vector_load %arg6[%swap3A_72] {strides = array<i32>} : memref<640xf32, #tpu.memory_space<vmem>>, vector<16xf32>,
    %swap3A_74 = vector.shape_cast %swap3A_73 : vector<16xf32> to vector<16xf32>
    %swap3A_75 = vector.shape_cast %broadcast_in_dim3A_71 : vector<16xf32> to vector<16xf32>
    tpu.vector_store %arg6[%swap3A_72], %swap3A_75 {strides = array<i32>} : memref<640xf32, #tpu.memory_space<vmem>>, vector<16xf32>,
    %broadcast_in_dim3A_76 = arith.constant 0.000000e+00 : f32
    %broadcast_in_dim3A_77 = vector.broadcast %broadcast_in_dim3A_76 : f32 to vector<16xf32>
    %swap3A_78 = arith.constant 80 : index
    %swap3A_79 = tpu.vector_load %arg6[%swap3A_78] {strides = array<i32>} : memref<640xf32, #tpu.memory_space<vmem>>, vector<16xf32>,
    %swap3A_80 = vector.shape_cast %swap3A_79 : vector<16xf32> to vector<16xf32>
    %swap3A_81 = vector.shape_cast %broadcast_in_dim3A_77 : vector<16xf32> to vector<16xf32>
    tpu.vector_store %arg6[%swap3A_78], %swap3A_81 {strides = array<i32>} : memref<640xf32, #tpu.memory_space<vmem>>, vector<16xf32>,
    %broadcast_in_dim3A_82 = arith.constant 0.000000e+00 : f32
    %broadcast_in_dim3A_83 = vector.broadcast %broadcast_in_dim3A_82 : f32 to vector<16xf32>
    %swap3A_84 = arith.constant 96 : index
    %swap3A_85 = tpu.vector_load %arg6[%swap3A_84] {strides = array<i32>} : memref<640xf32, #tpu.memory_space<vmem>>, vector<16xf32>,
    %swap3A_86 = vector.shape_cast %swap3A_85 : vector<16xf32> to vector<16xf32>
    %swap3A_87 = vector.shape_cast %broadcast_in_dim3A_83 : vector<16xf32> to vector<16xf32>
    tpu.vector_store %arg6[%swap3A_84], %swap3A_87 {strides = array<i32>} : memref<640xf32, #tpu.memory_space<vmem>>, vector<16xf32>,
    %broadcast_in_dim3A_88 = arith.constant 0.000000e+00 : f32
    %broadcast_in_dim3A_89 = vector.broadcast %broadcast_in_dim3A_88 : f32 to vector<16xf32>
    %swap3A_90 = arith.constant 112 : index
    %swap3A_91 = tpu.vector_load %arg6[%swap3A_90] {strides = array<i32>} : memref<640xf32, #tpu.memory_space<vmem>>, vector<16xf32>,
    %swap3A_92 = vector.shape_cast %swap3A_91 : vector<16xf32> to vector<16xf32>
    %swap3A_93 = vector.shape_cast %broadcast_in_dim3A_89 : vector<16xf32> to vector<16xf32>
    tpu.vector_store %arg6[%swap3A_90], %swap3A_93 {strides = array<i32>} : memref<640xf32, #tpu.memory_space<vmem>>, vector<16xf32>,
    %broadcast_in_dim3A_94 = arith.constant 0.000000e+00 : f32
    %broadcast_in_dim3A_95 = vector.broadcast %broadcast_in_dim3A_94 : f32 to vector<16xf32>
    %swap3A_96 = arith.constant 128 : index
    %swap3A_97 = tpu.vector_load %arg6[%swap3A_96] {strides = array<i32>} : memref<640xf32, #tpu.memory_space<vmem>>, vector<16xf32>,
    %swap3A_98 = vector.shape_cast %swap3A_97 : vector<16xf32> to vector<16xf32>
    %swap3A_99 = vector.shape_cast %broadcast_in_dim3A_95 : vector<16xf32> to vector<16xf32>
    tpu.vector_store %arg6[%swap3A_96], %swap3A_99 {strides = array<i32>} : memref<640xf32, #tpu.memory_space<vmem>>, vector<16xf32>,
    %broadcast_in_dim3A_100 = arith.constant 0.000000e+00 : f32
    %broadcast_in_dim3A_101 = vector.broadcast %broadcast_in_dim3A_100 : f32 to vector<16xf32>
    %swap3A_102 = arith.constant 144 : index
    %swap3A_103 = tpu.vector_load %arg6[%swap3A_102] {strides = array<i32>} : memref<640xf32, #tpu.memory_space<vmem>>, vector<16xf32>,
    %swap3A_104 = vector.shape_cast %swap3A_103 : vector<16xf32> to vector<16xf32>
    %swap3A_105 = vector.shape_cast %broadcast_in_dim3A_101 : vector<16xf32> to vector<16xf32>
    tpu.vector_store %arg6[%swap3A_102], %swap3A_105 {strides = array<i32>} : memref<640xf32, #tpu.memory_space<vmem>>, vector<16xf32>,
    %broadcast_in_dim3A_106 = arith.constant 0.000000e+00 : f32
    %broadcast_in_dim3A_107 = vector.broadcast %broadcast_in_dim3A_106 : f32 to vector<16xf32>
    %swap3A_108 = arith.constant 160 : index
    %swap3A_109 = tpu.vector_load %arg6[%swap3A_108] {strides = array<i32>} : memref<640xf32, #tpu.memory_space<vmem>>, vector<16xf32>,
    %swap3A_110 = vector.shape_cast %swap3A_109 : vector<16xf32> to vector<16xf32>
    %swap3A_111 = vector.shape_cast %broadcast_in_dim3A_107 : vector<16xf32> to vector<16xf32>
    tpu.vector_store %arg6[%swap3A_108], %swap3A_111 {strides = array<i32>} : memref<640xf32, #tpu.memory_space<vmem>>, vector<16xf32>,
    %broadcast_in_dim3A_112 = arith.constant 0.000000e+00 : f32
    %broadcast_in_dim3A_113 = vector.broadcast %broadcast_in_dim3A_112 : f32 to vector<16xf32>
    %swap3A_114 = arith.constant 176 : index
    %swap3A_115 = tpu.vector_load %arg6[%swap3A_114] {strides = array<i32>} : memref<640xf32, #tpu.memory_space<vmem>>, vector<16xf32>,
    %swap3A_116 = vector.shape_cast %swap3A_115 : vector<16xf32> to vector<16xf32>
    %swap3A_117 = vector.shape_cast %broadcast_in_dim3A_113 : vector<16xf32> to vector<16xf32>
    tpu.vector_store %arg6[%swap3A_114], %swap3A_117 {strides = array<i32>} : memref<640xf32, #tpu.memory_space<vmem>>, vector<16xf32>,
    %broadcast_in_dim3A_118 = arith.constant 0.000000e+00 : f32
    %broadcast_in_dim3A_119 = vector.broadcast %broadcast_in_dim3A_118 : f32 to vector<16xf32>
    %swap3A_120 = arith.constant 192 : index
    %swap3A_121 = tpu.vector_load %arg6[%swap3A_120] {strides = array<i32>} : memref<640xf32, #tpu.memory_space<vmem>>, vector<16xf32>,
    %swap3A_122 = vector.shape_cast %swap3A_121 : vector<16xf32> to vector<16xf32>
    %swap3A_123 = vector.shape_cast %broadcast_in_dim3A_119 : vector<16xf32> to vector<16xf32>
    tpu.vector_store %arg6[%swap3A_120], %swap3A_123 {strides = array<i32>} : memref<640xf32, #tpu.memory_space<vmem>>, vector<16xf32>,
    %broadcast_in_dim3A_124 = arith.constant 0.000000e+00 : f32
    %broadcast_in_dim3A_125 = vector.broadcast %broadcast_in_dim3A_124 : f32 to vector<16xf32>
    %swap3A_126 = arith.constant 208 : index
    %swap3A_127 = tpu.vector_load %arg6[%swap3A_126] {strides = array<i32>} : memref<640xf32, #tpu.memory_space<vmem>>, vector<16xf32>,
    %swap3A_128 = vector.shape_cast %swap3A_127 : vector<16xf32> to vector<16xf32>
    %swap3A_129 = vector.shape_cast %broadcast_in_dim3A_125 : vector<16xf32> to vector<16xf32>
    tpu.vector_store %arg6[%swap3A_126], %swap3A_129 {strides = array<i32>} : memref<640xf32, #tpu.memory_space<vmem>>, vector<16xf32>,
    %broadcast_in_dim3A_130 = arith.constant 0.000000e+00 : f32
    %broadcast_in_dim3A_131 = vector.broadcast %broadcast_in_dim3A_130 : f32 to vector<16xf32>
    %swap3A_132 = arith.constant 224 : index
    %swap3A_133 = tpu.vector_load %arg6[%swap3A_132] {strides = array<i32>} : memref<640xf32, #tpu.memory_space<vmem>>, vector<16xf32>,
    %swap3A_134 = vector.shape_cast %swap3A_133 : vector<16xf32> to vector<16xf32>
    %swap3A_135 = vector.shape_cast %broadcast_in_dim3A_131 : vector<16xf32> to vector<16xf32>
    tpu.vector_store %arg6[%swap3A_132], %swap3A_135 {strides = array<i32>} : memref<640xf32, #tpu.memory_space<vmem>>, vector<16xf32>,
    %broadcast_in_dim3A_136 = arith.constant 0.000000e+00 : f32
    %broadcast_in_dim3A_137 = vector.broadcast %broadcast_in_dim3A_136 : f32 to vector<16xf32>
    %swap3A_138 = arith.constant 240 : index
    %swap3A_139 = tpu.vector_load %arg6[%swap3A_138] {strides = array<i32>} : memref<640xf32, #tpu.memory_space<vmem>>, vector<16xf32>,
    %swap3A_140 = vector.shape_cast %swap3A_139 : vector<16xf32> to vector<16xf32>
    %swap3A_141 = vector.shape_cast %broadcast_in_dim3A_137 : vector<16xf32> to vector<16xf32>
    tpu.vector_store %arg6[%swap3A_138], %swap3A_141 {strides = array<i32>} : memref<640xf32, #tpu.memory_space<vmem>>, vector<16xf32>,
    %broadcast_in_dim3A_142 = arith.constant 0.000000e+00 : f32
    %broadcast_in_dim3A_143 = vector.broadcast %broadcast_in_dim3A_142 : f32 to vector<16xf32>
    %swap3A_144 = arith.constant 256 : index
    %swap3A_145 = tpu.vector_load %arg6[%swap3A_144] {strides = array<i32>} : memref<640xf32, #tpu.memory_space<vmem>>, vector<16xf32>,
    %swap3A_146 = vector.shape_cast %swap3A_145 : vector<16xf32> to vector<16xf32>
    %swap3A_147 = vector.shape_cast %broadcast_in_dim3A_143 : vector<16xf32> to vector<16xf32>
    tpu.vector_store %arg6[%swap3A_144], %swap3A_147 {strides = array<i32>} : memref<640xf32, #tpu.memory_space<vmem>>, vector<16xf32>,
    %broadcast_in_dim3A_148 = arith.constant 0.000000e+00 : f32
    %broadcast_in_dim3A_149 = vector.broadcast %broadcast_in_dim3A_148 : f32 to vector<16xf32>
    %swap3A_150 = arith.constant 272 : index
    %swap3A_151 = tpu.vector_load %arg6[%swap3A_150] {strides = array<i32>} : memref<640xf32, #tpu.memory_space<vmem>>, vector<16xf32>,
    %swap3A_152 = vector.shape_cast %swap3A_151 : vector<16xf32> to vector<16xf32>
    %swap3A_153 = vector.shape_cast %broadcast_in_dim3A_149 : vector<16xf32> to vector<16xf32>
    tpu.vector_store %arg6[%swap3A_150], %swap3A_153 {strides = array<i32>} : memref<640xf32, #tpu.memory_space<vmem>>, vector<16xf32>,
    %broadcast_in_dim3A_154 = arith.constant 0.000000e+00 : f32
    %broadcast_in_dim3A_155 = vector.broadcast %broadcast_in_dim3A_154 : f32 to vector<16xf32>
    %swap3A_156 = arith.constant 288 : index
    %swap3A_157 = tpu.vector_load %arg6[%swap3A_156] {strides = array<i32>} : memref<640xf32, #tpu.memory_space<vmem>>, vector<16xf32>,
    %swap3A_158 = vector.shape_cast %swap3A_157 : vector<16xf32> to vector<16xf32>
    %swap3A_159 = vector.shape_cast %broadcast_in_dim3A_155 : vector<16xf32> to vector<16xf32>
    tpu.vector_store %arg6[%swap3A_156], %swap3A_159 {strides = array<i32>} : memref<640xf32, #tpu.memory_space<vmem>>, vector<16xf32>,
    %broadcast_in_dim3A_160 = arith.constant 0.000000e+00 : f32
    %broadcast_in_dim3A_161 = vector.broadcast %broadcast_in_dim3A_160 : f32 to vector<16xf32>
    %swap3A_162 = arith.constant 304 : index
    %swap3A_163 = tpu.vector_load %arg6[%swap3A_162] {strides = array<i32>} : memref<640xf32, #tpu.memory_space<vmem>>, vector<16xf32>,
    %swap3A_164 = vector.shape_cast %swap3A_163 : vector<16xf32> to vector<16xf32>
    %swap3A_165 = vector.shape_cast %broadcast_in_dim3A_161 : vector<16xf32> to vector<16xf32>
    tpu.vector_store %arg6[%swap3A_162], %swap3A_165 {strides = array<i32>} : memref<640xf32, #tpu.memory_space<vmem>>, vector<16xf32>,
    %broadcast_in_dim3A_166 = arith.constant 0.000000e+00 : f32
    %broadcast_in_dim3A_167 = vector.broadcast %broadcast_in_dim3A_166 : f32 to vector<16xf32>
    %swap3A_168 = arith.constant 320 : index
    %swap3A_169 = tpu.vector_load %arg6[%swap3A_168] {strides = array<i32>} : memref<640xf32, #tpu.memory_space<vmem>>, vector<16xf32>,
    %swap3A_170 = vector.shape_cast %swap3A_169 : vector<16xf32> to vector<16xf32>
    %swap3A_171 = vector.shape_cast %broadcast_in_dim3A_167 : vector<16xf32> to vector<16xf32>
    tpu.vector_store %arg6[%swap3A_168], %swap3A_171 {strides = array<i32>} : memref<640xf32, #tpu.memory_space<vmem>>, vector<16xf32>,
    %broadcast_in_dim3A_172 = arith.constant 0.000000e+00 : f32
    %broadcast_in_dim3A_173 = vector.broadcast %broadcast_in_dim3A_172 : f32 to vector<16xf32>
    %swap3A_174 = arith.constant 336 : index
    %swap3A_175 = tpu.vector_load %arg6[%swap3A_174] {strides = array<i32>} : memref<640xf32, #tpu.memory_space<vmem>>, vector<16xf32>,
    %swap3A_176 = vector.shape_cast %swap3A_175 : vector<16xf32> to vector<16xf32>
    %swap3A_177 = vector.shape_cast %broadcast_in_dim3A_173 : vector<16xf32> to vector<16xf32>
    tpu.vector_store %arg6[%swap3A_174], %swap3A_177 {strides = array<i32>} : memref<640xf32, #tpu.memory_space<vmem>>, vector<16xf32>,
    %broadcast_in_dim3A_178 = arith.constant 0.000000e+00 : f32
    %broadcast_in_dim3A_179 = vector.broadcast %broadcast_in_dim3A_178 : f32 to vector<16xf32>
    %swap3A_180 = arith.constant 352 : index
    %swap3A_181 = tpu.vector_load %arg6[%swap3A_180] {strides = array<i32>} : memref<640xf32, #tpu.memory_space<vmem>>, vector<16xf32>,
    %swap3A_182 = vector.shape_cast %swap3A_181 : vector<16xf32> to vector<16xf32>
    %swap3A_183 = vector.shape_cast %broadcast_in_dim3A_179 : vector<16xf32> to vector<16xf32>
    tpu.vector_store %arg6[%swap3A_180], %swap3A_183 {strides = array<i32>} : memref<640xf32, #tpu.memory_space<vmem>>, vector<16xf32>,
    %broadcast_in_dim3A_184 = arith.constant 0.000000e+00 : f32
    %broadcast_in_dim3A_185 = vector.broadcast %broadcast_in_dim3A_184 : f32 to vector<16xf32>
    %swap3A_186 = arith.constant 368 : index
    %swap3A_187 = tpu.vector_load %arg6[%swap3A_186] {strides = array<i32>} : memref<640xf32, #tpu.memory_space<vmem>>, vector<16xf32>,
    %swap3A_188 = vector.shape_cast %swap3A_187 : vector<16xf32> to vector<16xf32>
    %swap3A_189 = vector.shape_cast %broadcast_in_dim3A_185 : vector<16xf32> to vector<16xf32>
    tpu.vector_store %arg6[%swap3A_186], %swap3A_189 {strides = array<i32>} : memref<640xf32, #tpu.memory_space<vmem>>, vector<16xf32>,
    %broadcast_in_dim3A_190 = arith.constant 0.000000e+00 : f32
    %broadcast_in_dim3A_191 = vector.broadcast %broadcast_in_dim3A_190 : f32 to vector<16xf32>
    %swap3A_192 = arith.constant 384 : index
    %swap3A_193 = tpu.vector_load %arg6[%swap3A_192] {strides = array<i32>} : memref<640xf32, #tpu.memory_space<vmem>>, vector<16xf32>,
    %swap3A_194 = vector.shape_cast %swap3A_193 : vector<16xf32> to vector<16xf32>
    %swap3A_195 = vector.shape_cast %broadcast_in_dim3A_191 : vector<16xf32> to vector<16xf32>
    tpu.vector_store %arg6[%swap3A_192], %swap3A_195 {strides = array<i32>} : memref<640xf32, #tpu.memory_space<vmem>>, vector<16xf32>,
    %broadcast_in_dim3A_196 = arith.constant 0.000000e+00 : f32
    %broadcast_in_dim3A_197 = vector.broadcast %broadcast_in_dim3A_196 : f32 to vector<16xf32>
    %swap3A_198 = arith.constant 400 : index
    %swap3A_199 = tpu.vector_load %arg6[%swap3A_198] {strides = array<i32>} : memref<640xf32, #tpu.memory_space<vmem>>, vector<16xf32>,
    %swap3A_200 = vector.shape_cast %swap3A_199 : vector<16xf32> to vector<16xf32>
    %swap3A_201 = vector.shape_cast %broadcast_in_dim3A_197 : vector<16xf32> to vector<16xf32>
    tpu.vector_store %arg6[%swap3A_198], %swap3A_201 {strides = array<i32>} : memref<640xf32, #tpu.memory_space<vmem>>, vector<16xf32>,
    %broadcast_in_dim3A_202 = arith.constant 0.000000e+00 : f32
    %broadcast_in_dim3A_203 = vector.broadcast %broadcast_in_dim3A_202 : f32 to vector<16xf32>
    %swap3A_204 = arith.constant 416 : index
    %swap3A_205 = tpu.vector_load %arg6[%swap3A_204] {strides = array<i32>} : memref<640xf32, #tpu.memory_space<vmem>>, vector<16xf32>,
    %swap3A_206 = vector.shape_cast %swap3A_205 : vector<16xf32> to vector<16xf32>
    %swap3A_207 = vector.shape_cast %broadcast_in_dim3A_203 : vector<16xf32> to vector<16xf32>
    tpu.vector_store %arg6[%swap3A_204], %swap3A_207 {strides = array<i32>} : memref<640xf32, #tpu.memory_space<vmem>>, vector<16xf32>,
    %broadcast_in_dim3A_208 = arith.constant 0.000000e+00 : f32
    %broadcast_in_dim3A_209 = vector.broadcast %broadcast_in_dim3A_208 : f32 to vector<16xf32>
    %swap3A_210 = arith.constant 432 : index
    %swap3A_211 = tpu.vector_load %arg6[%swap3A_210] {strides = array<i32>} : memref<640xf32, #tpu.memory_space<vmem>>, vector<16xf32>,
    %swap3A_212 = vector.shape_cast %swap3A_211 : vector<16xf32> to vector<16xf32>
    %swap3A_213 = vector.shape_cast %broadcast_in_dim3A_209 : vector<16xf32> to vector<16xf32>
    tpu.vector_store %arg6[%swap3A_210], %swap3A_213 {strides = array<i32>} : memref<640xf32, #tpu.memory_space<vmem>>, vector<16xf32>,
    %broadcast_in_dim3A_214 = arith.constant 0.000000e+00 : f32
    %broadcast_in_dim3A_215 = vector.broadcast %broadcast_in_dim3A_214 : f32 to vector<16xf32>
    %swap3A_216 = arith.constant 448 : index
    %swap3A_217 = tpu.vector_load %arg6[%swap3A_216] {strides = array<i32>} : memref<640xf32, #tpu.memory_space<vmem>>, vector<16xf32>,
    %swap3A_218 = vector.shape_cast %swap3A_217 : vector<16xf32> to vector<16xf32>
    %swap3A_219 = vector.shape_cast %broadcast_in_dim3A_215 : vector<16xf32> to vector<16xf32>
    tpu.vector_store %arg6[%swap3A_216], %swap3A_219 {strides = array<i32>} : memref<640xf32, #tpu.memory_space<vmem>>, vector<16xf32>,
    %broadcast_in_dim3A_220 = arith.constant 0.000000e+00 : f32
    %broadcast_in_dim3A_221 = vector.broadcast %broadcast_in_dim3A_220 : f32 to vector<16xf32>
    %swap3A_222 = arith.constant 464 : index
    %swap3A_223 = tpu.vector_load %arg6[%swap3A_222] {strides = array<i32>} : memref<640xf32, #tpu.memory_space<vmem>>, vector<16xf32>,
    %swap3A_224 = vector.shape_cast %swap3A_223 : vector<16xf32> to vector<16xf32>
    %swap3A_225 = vector.shape_cast %broadcast_in_dim3A_221 : vector<16xf32> to vector<16xf32>
    tpu.vector_store %arg6[%swap3A_222], %swap3A_225 {strides = array<i32>} : memref<640xf32, #tpu.memory_space<vmem>>, vector<16xf32>,
    %broadcast_in_dim3A_226 = arith.constant 0.000000e+00 : f32
    %broadcast_in_dim3A_227 = vector.broadcast %broadcast_in_dim3A_226 : f32 to vector<16xf32>
    %swap3A_228 = arith.constant 480 : index
    %swap3A_229 = tpu.vector_load %arg6[%swap3A_228] {strides = array<i32>} : memref<640xf32, #tpu.memory_space<vmem>>, vector<16xf32>,
    %swap3A_230 = vector.shape_cast %swap3A_229 : vector<16xf32> to vector<16xf32>
    %swap3A_231 = vector.shape_cast %broadcast_in_dim3A_227 : vector<16xf32> to vector<16xf32>
    tpu.vector_store %arg6[%swap3A_228], %swap3A_231 {strides = array<i32>} : memref<640xf32, #tpu.memory_space<vmem>>, vector<16xf32>,
    %broadcast_in_dim3A_232 = arith.constant 0.000000e+00 : f32
    %broadcast_in_dim3A_233 = vector.broadcast %broadcast_in_dim3A_232 : f32 to vector<16xf32>
    %swap3A_234 = arith.constant 496 : index
    %swap3A_235 = tpu.vector_load %arg6[%swap3A_234] {strides = array<i32>} : memref<640xf32, #tpu.memory_space<vmem>>, vector<16xf32>,
    %swap3A_236 = vector.shape_cast %swap3A_235 : vector<16xf32> to vector<16xf32>
    %swap3A_237 = vector.shape_cast %broadcast_in_dim3A_233 : vector<16xf32> to vector<16xf32>
    tpu.vector_store %arg6[%swap3A_234], %swap3A_237 {strides = array<i32>} : memref<640xf32, #tpu.memory_space<vmem>>, vector<16xf32>,
    %broadcast_in_dim3A_238 = arith.constant 0.000000e+00 : f32
    %broadcast_in_dim3A_239 = vector.broadcast %broadcast_in_dim3A_238 : f32 to vector<16xf32>
    %swap3A_240 = arith.constant 512 : index
    %swap3A_241 = tpu.vector_load %arg6[%swap3A_240] {strides = array<i32>} : memref<640xf32, #tpu.memory_space<vmem>>, vector<16xf32>,
    %swap3A_242 = vector.shape_cast %swap3A_241 : vector<16xf32> to vector<16xf32>
    %swap3A_243 = vector.shape_cast %broadcast_in_dim3A_239 : vector<16xf32> to vector<16xf32>
    tpu.vector_store %arg6[%swap3A_240], %swap3A_243 {strides = array<i32>} : memref<640xf32, #tpu.memory_space<vmem>>, vector<16xf32>,
    %broadcast_in_dim3A_244 = arith.constant 0.000000e+00 : f32
    %broadcast_in_dim3A_245 = vector.broadcast %broadcast_in_dim3A_244 : f32 to vector<16xf32>
    %swap3A_246 = arith.constant 528 : index
    %swap3A_247 = tpu.vector_load %arg6[%swap3A_246] {strides = array<i32>} : memref<640xf32, #tpu.memory_space<vmem>>, vector<16xf32>,
    %swap3A_248 = vector.shape_cast %swap3A_247 : vector<16xf32> to vector<16xf32>
    %swap3A_249 = vector.shape_cast %broadcast_in_dim3A_245 : vector<16xf32> to vector<16xf32>
    tpu.vector_store %arg6[%swap3A_246], %swap3A_249 {strides = array<i32>} : memref<640xf32, #tpu.memory_space<vmem>>, vector<16xf32>,
    %broadcast_in_dim3A_250 = arith.constant 0.000000e+00 : f32
    %broadcast_in_dim3A_251 = vector.broadcast %broadcast_in_dim3A_250 : f32 to vector<16xf32>
    %swap3A_252 = arith.constant 544 : index
    %swap3A_253 = tpu.vector_load %arg6[%swap3A_252] {strides = array<i32>} : memref<640xf32, #tpu.memory_space<vmem>>, vector<16xf32>,
    %swap3A_254 = vector.shape_cast %swap3A_253 : vector<16xf32> to vector<16xf32>
    %swap3A_255 = vector.shape_cast %broadcast_in_dim3A_251 : vector<16xf32> to vector<16xf32>
    tpu.vector_store %arg6[%swap3A_252], %swap3A_255 {strides = array<i32>} : memref<640xf32, #tpu.memory_space<vmem>>, vector<16xf32>,
    %broadcast_in_dim3A_256 = arith.constant 0.000000e+00 : f32
    %broadcast_in_dim3A_257 = vector.broadcast %broadcast_in_dim3A_256 : f32 to vector<16xf32>
    %swap3A_258 = arith.constant 560 : index
    %swap3A_259 = tpu.vector_load %arg6[%swap3A_258] {strides = array<i32>} : memref<640xf32, #tpu.memory_space<vmem>>, vector<16xf32>,
    %swap3A_260 = vector.shape_cast %swap3A_259 : vector<16xf32> to vector<16xf32>
    %swap3A_261 = vector.shape_cast %broadcast_in_dim3A_257 : vector<16xf32> to vector<16xf32>
    tpu.vector_store %arg6[%swap3A_258], %swap3A_261 {strides = array<i32>} : memref<640xf32, #tpu.memory_space<vmem>>, vector<16xf32>,
    %broadcast_in_dim3A_262 = arith.constant 0.000000e+00 : f32
    %broadcast_in_dim3A_263 = vector.broadcast %broadcast_in_dim3A_262 : f32 to vector<16xf32>
    %swap3A_264 = arith.constant 576 : index
    %swap3A_265 = tpu.vector_load %arg6[%swap3A_264] {strides = array<i32>} : memref<640xf32, #tpu.memory_space<vmem>>, vector<16xf32>,
    %swap3A_266 = vector.shape_cast %swap3A_265 : vector<16xf32> to vector<16xf32>
    %swap3A_267 = vector.shape_cast %broadcast_in_dim3A_263 : vector<16xf32> to vector<16xf32>
    tpu.vector_store %arg6[%swap3A_264], %swap3A_267 {strides = array<i32>} : memref<640xf32, #tpu.memory_space<vmem>>, vector<16xf32>,
    %broadcast_in_dim3A_268 = arith.constant 0.000000e+00 : f32
    %broadcast_in_dim3A_269 = vector.broadcast %broadcast_in_dim3A_268 : f32 to vector<16xf32>
    %swap3A_270 = arith.constant 592 : index
    %swap3A_271 = tpu.vector_load %arg6[%swap3A_270] {strides = array<i32>} : memref<640xf32, #tpu.memory_space<vmem>>, vector<16xf32>,
    %swap3A_272 = vector.shape_cast %swap3A_271 : vector<16xf32> to vector<16xf32>
    %swap3A_273 = vector.shape_cast %broadcast_in_dim3A_269 : vector<16xf32> to vector<16xf32>
    tpu.vector_store %arg6[%swap3A_270], %swap3A_273 {strides = array<i32>} : memref<640xf32, #tpu.memory_space<vmem>>, vector<16xf32>,
    %broadcast_in_dim3A_274 = arith.constant 0.000000e+00 : f32
    %broadcast_in_dim3A_275 = vector.broadcast %broadcast_in_dim3A_274 : f32 to vector<16xf32>
    %swap3A_276 = arith.constant 608 : index
    %swap3A_277 = tpu.vector_load %arg6[%swap3A_276] {strides = array<i32>} : memref<640xf32, #tpu.memory_space<vmem>>, vector<16xf32>,
    %swap3A_278 = vector.shape_cast %swap3A_277 : vector<16xf32> to vector<16xf32>
    %swap3A_279 = vector.shape_cast %broadcast_in_dim3A_275 : vector<16xf32> to vector<16xf32>
    tpu.vector_store %arg6[%swap3A_276], %swap3A_279 {strides = array<i32>} : memref<640xf32, #tpu.memory_space<vmem>>, vector<16xf32>,
    %broadcast_in_dim3A_280 = arith.constant 0.000000e+00 : f32
    %broadcast_in_dim3A_281 = vector.broadcast %broadcast_in_dim3A_280 : f32 to vector<16xf32>
    %swap3A_282 = arith.constant 624 : index
    %swap3A_283 = tpu.vector_load %arg6[%swap3A_282] {strides = array<i32>} : memref<640xf32, #tpu.memory_space<vmem>>, vector<16xf32>,
    %swap3A_284 = vector.shape_cast %swap3A_283 : vector<16xf32> to vector<16xf32>
    %swap3A_285 = vector.shape_cast %broadcast_in_dim3A_281 : vector<16xf32> to vector<16xf32>
    tpu.vector_store %arg6[%swap3A_282], %swap3A_285 {strides = array<i32>} : memref<640xf32, #tpu.memory_space<vmem>>, vector<16xf32>,
    %eq3A = arith.constant 0 : i32
    %eq3A_286 = arith.cmpi eq, %arg0, %eq3A : i32
    %convert_element_type3A = arith.extui %eq3A_286 : i1 to i32
    %cond3A = arith.constant 0 : i32
    %cond3A_287 = arith.cmpi ne, %convert_element_type3A, %cond3A : i32
    scf.if %cond3A_287 {
      %mul3A = arith.constant 640 : i32
      %mul3A_288 = arith.muli %arg1, %mul3A : i32
      "tpu.region"() ({
        %run_scoped3A = tpu.sem_alloc : memref<!tpu.dma_semaphore, #tpu.memory_space<semaphore_mem>>
        %dma_start3A = tpu.memref_slice %arg7[%mul3A_288] : memref<10240xf32, #tpu.memory_space<vmem_shared>> -> memref<640xf32, #tpu.memory_space<vmem_shared>>
        %dma_start3A_305 = tpu.memref_slice %arg7[%mul3A_288] : memref<10240xf32, #tpu.memory_space<vmem_shared>> -> memref<640xf32, #tpu.memory_space<vmem_shared>>
        tpu.enqueue_dma source(%arg6 : memref<640xf32, #tpu.memory_space<vmem>>) target(%dma_start3A_305 : memref<640xf32, #tpu.memory_space<vmem_shared>>) target_semaphore(%run_scoped3A : memref<!tpu.dma_semaphore, #tpu.memory_space<semaphore_mem>>)
        %dma_wait3A = tpu.memref_slice %arg7[%mul3A_288] : memref<10240xf32, #tpu.memory_space<vmem_shared>> -> memref<640xf32, #tpu.memory_space<vmem_shared>>
        %dma_wait3A_306 = tpu.memref_slice %arg7[%mul3A_288] : memref<10240xf32, #tpu.memory_space<vmem_shared>> -> memref<640xf32, #tpu.memory_space<vmem_shared>>
        tpu.wait_dma2 semaphore(%run_scoped3A : memref<!tpu.dma_semaphore, #tpu.memory_space<semaphore_mem>>) src(%arg6 : memref<640xf32, #tpu.memory_space<vmem>>) dst(%dma_wait3A_306 : memref<640xf32, #tpu.memory_space<vmem_shared>>)
        tpu.yield
      }) : () -> ()
      %barrier3A = arith.constant 0 : index
      tpu.barrier barrier_id(%barrier3A)
      "tpu.region"() ({
        %run_scoped3A = tpu.sem_alloc : memref<!tpu.dma_semaphore, #tpu.memory_space<semaphore_mem>>
        %dma_start3A = arith.constant 0 : i32
        %dma_start3A_305 = arith.constant 0 : i32
        %dma_start3A_306 = arith.constant 0 : i32
        %dma_start3A_307 = tpu.memref_slice %arg2[%arg1, %dma_start3A, %dma_start3A_305, %dma_start3A_306] : memref<16x2x40x128xi32, #tpu.memory_space<hbm>> -> memref<1x2x40x128xi32, #tpu.memory_space<hbm>>
        %dma_start3A_308 = tpu.memref_squeeze %dma_start3A_307 : memref<1x2x40x128xi32, #tpu.memory_space<hbm>> -> memref<2x40x128xi32, #tpu.memory_space<hbm>>
        %dma_start3A_309 = arith.constant 0 : i32
        %dma_start3A_310 = arith.constant 0 : i32
        %dma_start3A_311 = arith.constant 0 : i32
        %dma_start3A_312 = tpu.memref_slice %arg2[%arg1, %dma_start3A_309, %dma_start3A_310, %dma_start3A_311] : memref<16x2x40x128xi32, #tpu.memory_space<hbm>> -> memref<1x2x40x128xi32, #tpu.memory_space<hbm>>
        %dma_start3A_313 = tpu.memref_squeeze %dma_start3A_312 : memref<1x2x40x128xi32, #tpu.memory_space<hbm>> -> memref<2x40x128xi32, #tpu.memory_space<hbm>>
        tpu.enqueue_dma source(%dma_start3A_313 : memref<2x40x128xi32, #tpu.memory_space<hbm>>) target(%arg4 : memref<2x40x128xi32, #tpu.memory_space<vmem>>) target_semaphore(%run_scoped3A : memref<!tpu.dma_semaphore, #tpu.memory_space<semaphore_mem>>)
        %dma_wait3A = arith.constant 0 : i32
        %dma_wait3A_314 = arith.constant 0 : i32
        %dma_wait3A_315 = arith.constant 0 : i32
        %dma_wait3A_316 = tpu.memref_slice %arg2[%arg1, %dma_wait3A, %dma_wait3A_314, %dma_wait3A_315] : memref<16x2x40x128xi32, #tpu.memory_space<hbm>> -> memref<1x2x40x128xi32, #tpu.memory_space<hbm>>
        %dma_wait3A_317 = tpu.memref_squeeze %dma_wait3A_316 : memref<1x2x40x128xi32, #tpu.memory_space<hbm>> -> memref<2x40x128xi32, #tpu.memory_space<hbm>>
        %dma_wait3A_318 = arith.constant 0 : i32
        %dma_wait3A_319 = arith.constant 0 : i32
        %dma_wait3A_320 = arith.constant 0 : i32
        %dma_wait3A_321 = tpu.memref_slice %arg2[%arg1, %dma_wait3A_318, %dma_wait3A_319, %dma_wait3A_320] : memref<16x2x40x128xi32, #tpu.memory_space<hbm>> -> memref<1x2x40x128xi32, #tpu.memory_space<hbm>>
        %dma_wait3A_322 = tpu.memref_squeeze %dma_wait3A_321 : memref<1x2x40x128xi32, #tpu.memory_space<hbm>> -> memref<2x40x128xi32, #tpu.memory_space<hbm>>
        tpu.wait_dma2 semaphore(%run_scoped3A : memref<!tpu.dma_semaphore, #tpu.memory_space<semaphore_mem>>) src(%dma_wait3A_322 : memref<2x40x128xi32, #tpu.memory_space<hbm>>) dst(%arg4 : memref<2x40x128xi32, #tpu.memory_space<vmem>>)
        tpu.yield
      }) : () -> ()
      %scan3A = arith.constant 0 : i32
      %scan3A_289 = arith.constant 0 : i32
      %scan3A_290 = arith.constant 40 : i32
      %scan3A_291 = arith.addi %scan3A_289, %scan3A_290 : i32
      %scan3A_292 = arith.constant 1 : i32
      scf.for %scan3A_305 = %scan3A_289 to %scan3A_291 step %scan3A_292  : i32 {
        %run_scoped3A = arith.constant 0 : i32
        "tpu.region"() ({
          %run_scoped3A_306 = tpu.sem_alloc : memref<!tpu.dma_semaphore, #tpu.memory_space<semaphore_mem>>
          %dma_start3A = arith.constant 0 : i32
          %dma_start3A_307 = tpu.memref_slice %arg4[%run_scoped3A, %scan3A_305, %dma_start3A] : memref<2x40x128xi32, #tpu.memory_space<vmem>> -> memref<1x1x128xi32, #tpu.memory_space<vmem>>
          %dma_start3A_308 = tpu.memref_squeeze %dma_start3A_307 : memref<1x1x128xi32, #tpu.memory_space<vmem>> -> memref<128xi32, #tpu.memory_space<vmem>>
          %dma_start3A_309 = arith.constant 0 : i32
          %dma_start3A_310 = tpu.memref_slice %arg7[%dma_start3A_309] : memref<10240xf32, #tpu.memory_space<vmem_shared>> -> memref<10240xf32, #tpu.memory_space<vmem_shared>>
          tpu.enqueue_indirect_dma source(%arg5 : memref<128xf32, #tpu.memory_space<vmem>>) target(%dma_start3A_310 : memref<10240xf32, #tpu.memory_space<vmem_shared>>) offsets(%dma_start3A_308 : memref<128xi32, #tpu.memory_space<vmem>>) semaphore(%run_scoped3A_306 : memref<!tpu.dma_semaphore, #tpu.memory_space<semaphore_mem>>) {add = true}
          %dma_wait3A = arith.constant 0 : i32
          %dma_wait3A_311 = tpu.memref_slice %arg4[%run_scoped3A, %scan3A_305, %dma_wait3A] : memref<2x40x128xi32, #tpu.memory_space<vmem>> -> memref<1x1x128xi32, #tpu.memory_space<vmem>>
          %dma_wait3A_312 = tpu.memref_squeeze %dma_wait3A_311 : memref<1x1x128xi32, #tpu.memory_space<vmem>> -> memref<128xi32, #tpu.memory_space<vmem>>
          %dma_wait3A_313 = arith.constant 0 : i32
          %dma_wait3A_314 = tpu.memref_slice %arg7[%dma_wait3A_313] : memref<10240xf32, #tpu.memory_space<vmem_shared>> -> memref<10240xf32, #tpu.memory_space<vmem_shared>>
          tpu.wait_indirect_dma semaphore(%run_scoped3A_306 : memref<!tpu.dma_semaphore, #tpu.memory_space<semaphore_mem>>) src(%arg5 : memref<128xf32, #tpu.memory_space<vmem>>) dst(%dma_wait3A_314 : memref<10240xf32, #tpu.memory_space<vmem_shared>>)
          tpu.yield
        }) : () -> ()
      }
      %scan3A_293 = arith.constant 40 : i32
      %scan3A_294 = arith.constant 0 : i32
      %scan3A_295 = arith.constant 0 : i32
      %scan3A_296 = arith.constant 40 : i32
      %scan3A_297 = arith.addi %scan3A_295, %scan3A_296 : i32
      %scan3A_298 = arith.constant 1 : i32
      scf.for %scan3A_305 = %scan3A_295 to %scan3A_297 step %scan3A_298  : i32 {
        %run_scoped3A = arith.constant 1 : i32
        "tpu.region"() ({
          %run_scoped3A_306 = tpu.sem_alloc : memref<!tpu.dma_semaphore, #tpu.memory_space<semaphore_mem>>
          %dma_start3A = arith.constant 0 : i32
          %dma_start3A_307 = tpu.memref_slice %arg4[%run_scoped3A, %scan3A_305, %dma_start3A] : memref<2x40x128xi32, #tpu.memory_space<vmem>> -> memref<1x1x128xi32, #tpu.memory_space<vmem>>
          %dma_start3A_308 = tpu.memref_squeeze %dma_start3A_307 : memref<1x1x128xi32, #tpu.memory_space<vmem>> -> memref<128xi32, #tpu.memory_space<vmem>>
          %dma_start3A_309 = arith.constant 0 : i32
          %dma_start3A_310 = tpu.memref_slice %arg7[%dma_start3A_309] : memref<10240xf32, #tpu.memory_space<vmem_shared>> -> memref<10240xf32, #tpu.memory_space<vmem_shared>>
          tpu.enqueue_indirect_dma source(%arg5 : memref<128xf32, #tpu.memory_space<vmem>>) target(%dma_start3A_310 : memref<10240xf32, #tpu.memory_space<vmem_shared>>) offsets(%dma_start3A_308 : memref<128xi32, #tpu.memory_space<vmem>>) semaphore(%run_scoped3A_306 : memref<!tpu.dma_semaphore, #tpu.memory_space<semaphore_mem>>) {add = true}
          %dma_wait3A = arith.constant 0 : i32
          %dma_wait3A_311 = tpu.memref_slice %arg4[%run_scoped3A, %scan3A_305, %dma_wait3A] : memref<2x40x128xi32, #tpu.memory_space<vmem>> -> memref<1x1x128xi32, #tpu.memory_space<vmem>>
          %dma_wait3A_312 = tpu.memref_squeeze %dma_wait3A_311 : memref<1x1x128xi32, #tpu.memory_space<vmem>> -> memref<128xi32, #tpu.memory_space<vmem>>
          %dma_wait3A_313 = arith.constant 0 : i32
          %dma_wait3A_314 = tpu.memref_slice %arg7[%dma_wait3A_313] : memref<10240xf32, #tpu.memory_space<vmem_shared>> -> memref<10240xf32, #tpu.memory_space<vmem_shared>>
          tpu.wait_indirect_dma semaphore(%run_scoped3A_306 : memref<!tpu.dma_semaphore, #tpu.memory_space<semaphore_mem>>) src(%arg5 : memref<128xf32, #tpu.memory_space<vmem>>) dst(%dma_wait3A_314 : memref<10240xf32, #tpu.memory_space<vmem_shared>>)
          tpu.yield
        }) : () -> ()
      }
      %scan3A_299 = arith.constant 40 : i32
      %barrier3A_300 = arith.constant 0 : index
      tpu.barrier barrier_id(%barrier3A_300)
      %mul3A_301 = arith.constant 640 : i32
      %mul3A_302 = arith.muli %arg1, %mul3A_301 : i32
      %mul3A_303 = arith.constant 640 : i32
      %mul3A_304 = arith.muli %arg1, %mul3A_303 : i32
      "tpu.region"() ({
        %run_scoped3A = tpu.sem_alloc : memref<!tpu.dma_semaphore, #tpu.memory_space<semaphore_mem>>
        %dma_start3A = tpu.memref_slice %arg3[%mul3A_304] : memref<10240xf32, #tpu.memory_space<hbm>> -> memref<640xf32, #tpu.memory_space<hbm>>
        %dma_start3A_305 = tpu.memref_slice %arg7[%mul3A_302] : memref<10240xf32, #tpu.memory_space<vmem_shared>> -> memref<640xf32, #tpu.memory_space<vmem_shared>>
        tpu.enqueue_dma source(%dma_start3A_305 : memref<640xf32, #tpu.memory_space<vmem_shared>>) target(%dma_start3A : memref<640xf32, #tpu.memory_space<hbm>>) target_semaphore(%run_scoped3A : memref<!tpu.dma_semaphore, #tpu.memory_space<semaphore_mem>>)
        %dma_wait3A = tpu.memref_slice %arg3[%mul3A_304] : memref<10240xf32, #tpu.memory_space<hbm>> -> memref<640xf32, #tpu.memory_space<hbm>>
        %dma_wait3A_306 = tpu.memref_slice %arg7[%mul3A_302] : memref<10240xf32, #tpu.memory_space<vmem_shared>> -> memref<640xf32, #tpu.memory_space<vmem_shared>>
        tpu.wait_dma2 semaphore(%run_scoped3A : memref<!tpu.dma_semaphore, #tpu.memory_space<semaphore_mem>>) src(%dma_wait3A_306 : memref<640xf32, #tpu.memory_space<vmem_shared>>) dst(%dma_wait3A : memref<640xf32, #tpu.memory_space<hbm>>)
        tpu.yield
      }) : () -> ()
    } else {
    }
    return
  }
}

#map = affine_map<(d0, d1) -> (0, 0, 0, 0)>
#map1 = affine_map<(d0, d1) -> (0, 0)>
module attributes {stable_mosaic.version = 14 : i64} {
  func.func @body(%arg0: i32, %arg1: i32, %arg2: memref<16x2x40x128xi32, #tpu.memory_space<hbm>>, %arg3: memref<16x2x40x128xi32, #tpu.memory_space<hbm>>, %arg4: memref<10240x128xf32, #tpu.memory_space<hbm>>, %arg5: memref<10000x128xf32, #tpu.memory_space<hbm>>, %arg6: memref<10000x128xf32, #tpu.memory_space<hbm>>, %arg7: memref<10240x128xf32, #tpu.memory_space<hbm>>, %arg8: memref<10240x128xf32, #tpu.memory_space<hbm>>, %arg9: memref<40x128xi32, #tpu.memory_space<vmem>>, %arg10: memref<40x128xi32, #tpu.memory_space<vmem>>, %arg11: memref<128x128xf32, #tpu.memory_space<vmem>>, %arg12: memref<128x128xf32, #tpu.memory_space<vmem>>, %arg13: memref<10240x128xf32, #tpu.memory_space<vmem_shared>>, %arg14: memref<!tpu.dma_semaphore, #tpu.memory_space<semaphore_mem>>, %arg15: memref<!tpu.dma_semaphore, #tpu.memory_space<semaphore_mem>>) attributes {dimension_semantics = [#tpu.dimension_semantics<core_parallel>, #tpu.dimension_semantics<subcore_parallel>], iteration_bounds = array<i64: 2, 16>, scalar_prefetch = 0 : i64, scratch_operands = 7 : i64, tpu.core_type = #tpu.core_type<sc_vector_subcore>, window_params = [{transform_indices = #map}, {transform_indices = #map}, {transform_indices = #map1}, {transform_indices = #map1}, {transform_indices = #map1}, {transform_indices = #map1}, {transform_indices = #map1}]} {
    %eq3A = arith.constant 0 : i32
    %eq3A_0 = arith.cmpi eq, %arg0, %eq3A : i32
    %convert_element_type3A = arith.extui %eq3A_0 : i1 to i32
    %cond3A = arith.constant 0 : i32
    %cond3A_1 = arith.cmpi ne, %convert_element_type3A, %cond3A : i32
    scf.if %cond3A_1 {
      %mul3A = arith.constant 640 : i32
      %mul3A_7 = arith.muli %arg1, %mul3A : i32
      %mul3A_8 = arith.constant 640 : i32
      %mul3A_9 = arith.muli %arg1, %mul3A_8 : i32
      "tpu.region"() ({
        %run_scoped3A_84 = tpu.sem_alloc : memref<!tpu.dma_semaphore, #tpu.memory_space<semaphore_mem>>
        %dma_start3A_85 = arith.constant 0 : i32
        %dma_start3A_86 = tpu.memref_slice %arg13[%mul3A_9, %dma_start3A_85] : memref<10240x128xf32, #tpu.memory_space<vmem_shared>> -> memref<640x128xf32, #tpu.memory_space<vmem_shared>>
        %dma_start3A_87 = arith.constant 0 : i32
        %dma_start3A_88 = tpu.memref_slice %arg4[%mul3A_7, %dma_start3A_87] : memref<10240x128xf32, #tpu.memory_space<hbm>> -> memref<640x128xf32, #tpu.memory_space<hbm>>
        tpu.enqueue_dma source(%dma_start3A_88 : memref<640x128xf32, #tpu.memory_space<hbm>>) target(%dma_start3A_86 : memref<640x128xf32, #tpu.memory_space<vmem_shared>>) target_semaphore(%run_scoped3A_84 : memref<!tpu.dma_semaphore, #tpu.memory_space<semaphore_mem>>)
        %dma_wait3A_89 = arith.constant 0 : i32
        %dma_wait3A_90 = tpu.memref_slice %arg13[%mul3A_9, %dma_wait3A_89] : memref<10240x128xf32, #tpu.memory_space<vmem_shared>> -> memref<640x128xf32, #tpu.memory_space<vmem_shared>>
        %dma_wait3A_91 = arith.constant 0 : i32
        %dma_wait3A_92 = tpu.memref_slice %arg4[%mul3A_7, %dma_wait3A_91] : memref<10240x128xf32, #tpu.memory_space<hbm>> -> memref<640x128xf32, #tpu.memory_space<hbm>>
        tpu.wait_dma2 semaphore(%run_scoped3A_84 : memref<!tpu.dma_semaphore, #tpu.memory_space<semaphore_mem>>) src(%dma_wait3A_92 : memref<640x128xf32, #tpu.memory_space<hbm>>) dst(%dma_wait3A_90 : memref<640x128xf32, #tpu.memory_space<vmem_shared>>)
        tpu.yield
      }) : () -> ()
      %barrier3A = arith.constant 0 : index
      tpu.barrier barrier_id(%barrier3A)
      %run_scoped3A = arith.constant 0 : i32
      "tpu.region"() ({
        %run_scoped3A_84 = tpu.sem_alloc : memref<!tpu.dma_semaphore, #tpu.memory_space<semaphore_mem>>
        %dma_start3A_85 = arith.constant 0 : i32
        %dma_start3A_86 = arith.constant 0 : i32
        %dma_start3A_87 = tpu.memref_slice %arg2[%arg1, %run_scoped3A, %dma_start3A_85, %dma_start3A_86] : memref<16x2x40x128xi32, #tpu.memory_space<hbm>> -> memref<1x1x40x128xi32, #tpu.memory_space<hbm>>
        %dma_start3A_88 = tpu.memref_squeeze %dma_start3A_87 : memref<1x1x40x128xi32, #tpu.memory_space<hbm>> -> memref<40x128xi32, #tpu.memory_space<hbm>>
        %dma_start3A_89 = arith.constant 0 : i32
        %dma_start3A_90 = arith.constant 0 : i32
        %dma_start3A_91 = tpu.memref_slice %arg2[%arg1, %run_scoped3A, %dma_start3A_89, %dma_start3A_90] : memref<16x2x40x128xi32, #tpu.memory_space<hbm>> -> memref<1x1x40x128xi32, #tpu.memory_space<hbm>>
        %dma_start3A_92 = tpu.memref_squeeze %dma_start3A_91 : memref<1x1x40x128xi32, #tpu.memory_space<hbm>> -> memref<40x128xi32, #tpu.memory_space<hbm>>
        tpu.enqueue_dma source(%dma_start3A_92 : memref<40x128xi32, #tpu.memory_space<hbm>>) target(%arg9 : memref<40x128xi32, #tpu.memory_space<vmem>>) target_semaphore(%run_scoped3A_84 : memref<!tpu.dma_semaphore, #tpu.memory_space<semaphore_mem>>)
        %dma_wait3A_93 = arith.constant 0 : i32
        %dma_wait3A_94 = arith.constant 0 : i32
        %dma_wait3A_95 = tpu.memref_slice %arg2[%arg1, %run_scoped3A, %dma_wait3A_93, %dma_wait3A_94] : memref<16x2x40x128xi32, #tpu.memory_space<hbm>> -> memref<1x1x40x128xi32, #tpu.memory_space<hbm>>
        %dma_wait3A_96 = tpu.memref_squeeze %dma_wait3A_95 : memref<1x1x40x128xi32, #tpu.memory_space<hbm>> -> memref<40x128xi32, #tpu.memory_space<hbm>>
        %dma_wait3A_97 = arith.constant 0 : i32
        %dma_wait3A_98 = arith.constant 0 : i32
        %dma_wait3A_99 = tpu.memref_slice %arg2[%arg1, %run_scoped3A, %dma_wait3A_97, %dma_wait3A_98] : memref<16x2x40x128xi32, #tpu.memory_space<hbm>> -> memref<1x1x40x128xi32, #tpu.memory_space<hbm>>
        %dma_wait3A_100 = tpu.memref_squeeze %dma_wait3A_99 : memref<1x1x40x128xi32, #tpu.memory_space<hbm>> -> memref<40x128xi32, #tpu.memory_space<hbm>>
        tpu.wait_dma2 semaphore(%run_scoped3A_84 : memref<!tpu.dma_semaphore, #tpu.memory_space<semaphore_mem>>) src(%dma_wait3A_100 : memref<40x128xi32, #tpu.memory_space<hbm>>) dst(%arg9 : memref<40x128xi32, #tpu.memory_space<vmem>>)
        tpu.yield
      }) : () -> ()
      %run_scoped3A_10 = arith.constant 0 : i32
      "tpu.region"() ({
        %run_scoped3A_84 = tpu.sem_alloc : memref<!tpu.dma_semaphore, #tpu.memory_space<semaphore_mem>>
        %dma_start3A_85 = arith.constant 0 : i32
        %dma_start3A_86 = arith.constant 0 : i32
        %dma_start3A_87 = tpu.memref_slice %arg3[%arg1, %run_scoped3A_10, %dma_start3A_85, %dma_start3A_86] : memref<16x2x40x128xi32, #tpu.memory_space<hbm>> -> memref<1x1x40x128xi32, #tpu.memory_space<hbm>>
        %dma_start3A_88 = tpu.memref_squeeze %dma_start3A_87 : memref<1x1x40x128xi32, #tpu.memory_space<hbm>> -> memref<40x128xi32, #tpu.memory_space<hbm>>
        %dma_start3A_89 = arith.constant 0 : i32
        %dma_start3A_90 = arith.constant 0 : i32
        %dma_start3A_91 = tpu.memref_slice %arg3[%arg1, %run_scoped3A_10, %dma_start3A_89, %dma_start3A_90] : memref<16x2x40x128xi32, #tpu.memory_space<hbm>> -> memref<1x1x40x128xi32, #tpu.memory_space<hbm>>
        %dma_start3A_92 = tpu.memref_squeeze %dma_start3A_91 : memref<1x1x40x128xi32, #tpu.memory_space<hbm>> -> memref<40x128xi32, #tpu.memory_space<hbm>>
        tpu.enqueue_dma source(%dma_start3A_92 : memref<40x128xi32, #tpu.memory_space<hbm>>) target(%arg10 : memref<40x128xi32, #tpu.memory_space<vmem>>) target_semaphore(%run_scoped3A_84 : memref<!tpu.dma_semaphore, #tpu.memory_space<semaphore_mem>>)
        %dma_wait3A_93 = arith.constant 0 : i32
        %dma_wait3A_94 = arith.constant 0 : i32
        %dma_wait3A_95 = tpu.memref_slice %arg3[%arg1, %run_scoped3A_10, %dma_wait3A_93, %dma_wait3A_94] : memref<16x2x40x128xi32, #tpu.memory_space<hbm>> -> memref<1x1x40x128xi32, #tpu.memory_space<hbm>>
        %dma_wait3A_96 = tpu.memref_squeeze %dma_wait3A_95 : memref<1x1x40x128xi32, #tpu.memory_space<hbm>> -> memref<40x128xi32, #tpu.memory_space<hbm>>
        %dma_wait3A_97 = arith.constant 0 : i32
        %dma_wait3A_98 = arith.constant 0 : i32
        %dma_wait3A_99 = tpu.memref_slice %arg3[%arg1, %run_scoped3A_10, %dma_wait3A_97, %dma_wait3A_98] : memref<16x2x40x128xi32, #tpu.memory_space<hbm>> -> memref<1x1x40x128xi32, #tpu.memory_space<hbm>>
        %dma_wait3A_100 = tpu.memref_squeeze %dma_wait3A_99 : memref<1x1x40x128xi32, #tpu.memory_space<hbm>> -> memref<40x128xi32, #tpu.memory_space<hbm>>
        tpu.wait_dma2 semaphore(%run_scoped3A_84 : memref<!tpu.dma_semaphore, #tpu.memory_space<semaphore_mem>>) src(%dma_wait3A_100 : memref<40x128xi32, #tpu.memory_space<hbm>>) dst(%arg10 : memref<40x128xi32, #tpu.memory_space<vmem>>)
        tpu.yield
      }) : () -> ()
      %dma_start3A = arith.constant 0 : i32
      %dma_start3A_11 = arith.constant 0 : i32
      %dma_start3A_12 = tpu.memref_slice %arg9[%dma_start3A, %dma_start3A_11] : memref<40x128xi32, #tpu.memory_space<vmem>> -> memref<1x128xi32, #tpu.memory_space<vmem>>
      %dma_start3A_13 = tpu.memref_squeeze %dma_start3A_12 : memref<1x128xi32, #tpu.memory_space<vmem>> -> memref<128xi32, #tpu.memory_space<vmem>>
      %dma_start3A_14 = arith.constant 0 : i32
      %dma_start3A_15 = arith.constant 0 : i32
      %dma_start3A_16 = tpu.memref_slice %arg5[%dma_start3A_14, %dma_start3A_15] : memref<10000x128xf32, #tpu.memory_space<hbm>> -> memref<10000x128xf32, #tpu.memory_space<hbm>>
      tpu.enqueue_indirect_dma source(%dma_start3A_16 : memref<10000x128xf32, #tpu.memory_space<hbm>>) target(%arg11 : memref<128x128xf32, #tpu.memory_space<vmem>>) offsets(%dma_start3A_13 : memref<128xi32, #tpu.memory_space<vmem>>) semaphore(%arg14 : memref<!tpu.dma_semaphore, #tpu.memory_space<semaphore_mem>>)
      %scan3A = arith.constant 0 : i32
      %scan3A_17 = arith.constant 0 : i32
      %scan3A_18 = arith.constant 19 : i32
      %scan3A_19 = arith.addi %scan3A_17, %scan3A_18 : i32
      %scan3A_20 = arith.constant 1 : i32
      scf.for %scan3A_84 = %scan3A_17 to %scan3A_19 step %scan3A_20  : i32 {
        %mul3A_85 = arith.constant 2 : i32
        %mul3A_86 = arith.muli %mul3A_85, %scan3A_84 : i32
        %add3A = arith.constant 1 : i32
        %add3A_87 = arith.addi %mul3A_86, %add3A : i32
        %dma_start3A_88 = arith.constant 0 : i32
        %dma_start3A_89 = tpu.memref_slice %arg9[%add3A_87, %dma_start3A_88] : memref<40x128xi32, #tpu.memory_space<vmem>> -> memref<1x128xi32, #tpu.memory_space<vmem>>
        %dma_start3A_90 = tpu.memref_squeeze %dma_start3A_89 : memref<1x128xi32, #tpu.memory_space<vmem>> -> memref<128xi32, #tpu.memory_space<vmem>>
        %dma_start3A_91 = arith.constant 0 : i32
        %dma_start3A_92 = arith.constant 0 : i32
        %dma_start3A_93 = tpu.memref_slice %arg5[%dma_start3A_91, %dma_start3A_92] : memref<10000x128xf32, #tpu.memory_space<hbm>> -> memref<10000x128xf32, #tpu.memory_space<hbm>>
        tpu.enqueue_indirect_dma source(%dma_start3A_93 : memref<10000x128xf32, #tpu.memory_space<hbm>>) target(%arg12 : memref<128x128xf32, #tpu.memory_space<vmem>>) offsets(%dma_start3A_90 : memref<128xi32, #tpu.memory_space<vmem>>) semaphore(%arg15 : memref<!tpu.dma_semaphore, #tpu.memory_space<semaphore_mem>>)
        %dma_wait3A_94 = arith.constant 0 : i32
        %dma_wait3A_95 = arith.constant 0 : i32
        %dma_wait3A_96 = tpu.memref_slice %arg5[%dma_wait3A_94, %dma_wait3A_95] : memref<10000x128xf32, #tpu.memory_space<hbm>> -> memref<128x128xf32, #tpu.memory_space<hbm>>
        %dma_wait3A_97 = arith.constant 0 : i32
        %dma_wait3A_98 = arith.constant 0 : i32
        %dma_wait3A_99 = tpu.memref_slice %arg5[%dma_wait3A_97, %dma_wait3A_98] : memref<10000x128xf32, #tpu.memory_space<hbm>> -> memref<128x128xf32, #tpu.memory_space<hbm>>
        tpu.wait_dma2 semaphore(%arg14 : memref<!tpu.dma_semaphore, #tpu.memory_space<semaphore_mem>>) src(%dma_wait3A_99 : memref<128x128xf32, #tpu.memory_space<hbm>>) dst(%arg11 : memref<128x128xf32, #tpu.memory_space<vmem>>)
        "tpu.region"() ({
          %run_scoped3A_116 = tpu.sem_alloc : memref<!tpu.dma_semaphore, #tpu.memory_space<semaphore_mem>>
          %dma_start3A_117 = arith.constant 0 : i32
          %dma_start3A_118 = tpu.memref_slice %arg10[%mul3A_86, %dma_start3A_117] : memref<40x128xi32, #tpu.memory_space<vmem>> -> memref<1x128xi32, #tpu.memory_space<vmem>>
          %dma_start3A_119 = tpu.memref_squeeze %dma_start3A_118 : memref<1x128xi32, #tpu.memory_space<vmem>> -> memref<128xi32, #tpu.memory_space<vmem>>
          %dma_start3A_120 = arith.constant 0 : i32
          %dma_start3A_121 = arith.constant 0 : i32
          %dma_start3A_122 = tpu.memref_slice %arg13[%dma_start3A_120, %dma_start3A_121] : memref<10240x128xf32, #tpu.memory_space<vmem_shared>> -> memref<10240x128xf32, #tpu.memory_space<vmem_shared>>
          tpu.enqueue_indirect_dma source(%arg11 : memref<128x128xf32, #tpu.memory_space<vmem>>) target(%dma_start3A_122 : memref<10240x128xf32, #tpu.memory_space<vmem_shared>>) offsets(%dma_start3A_119 : memref<128xi32, #tpu.memory_space<vmem>>) semaphore(%run_scoped3A_116 : memref<!tpu.dma_semaphore, #tpu.memory_space<semaphore_mem>>) {add = true}
          %dma_wait3A_123 = arith.constant 0 : i32
          %dma_wait3A_124 = tpu.memref_slice %arg10[%mul3A_86, %dma_wait3A_123] : memref<40x128xi32, #tpu.memory_space<vmem>> -> memref<1x128xi32, #tpu.memory_space<vmem>>
          %dma_wait3A_125 = tpu.memref_squeeze %dma_wait3A_124 : memref<1x128xi32, #tpu.memory_space<vmem>> -> memref<128xi32, #tpu.memory_space<vmem>>
          %dma_wait3A_126 = arith.constant 0 : i32
          %dma_wait3A_127 = arith.constant 0 : i32
          %dma_wait3A_128 = tpu.memref_slice %arg13[%dma_wait3A_126, %dma_wait3A_127] : memref<10240x128xf32, #tpu.memory_space<vmem_shared>> -> memref<10240x128xf32, #tpu.memory_space<vmem_shared>>
          tpu.wait_indirect_dma semaphore(%run_scoped3A_116 : memref<!tpu.dma_semaphore, #tpu.memory_space<semaphore_mem>>) src(%arg11 : memref<128x128xf32, #tpu.memory_space<vmem>>) dst(%dma_wait3A_128 : memref<10240x128xf32, #tpu.memory_space<vmem_shared>>)
          tpu.yield
        }) : () -> ()
        %add3A_100 = arith.constant 2 : i32
        %add3A_101 = arith.addi %mul3A_86, %add3A_100 : i32
        %dma_start3A_102 = arith.constant 0 : i32
        %dma_start3A_103 = tpu.memref_slice %arg9[%add3A_101, %dma_start3A_102] : memref<40x128xi32, #tpu.memory_space<vmem>> -> memref<1x128xi32, #tpu.memory_space<vmem>>
        %dma_start3A_104 = tpu.memref_squeeze %dma_start3A_103 : memref<1x128xi32, #tpu.memory_space<vmem>> -> memref<128xi32, #tpu.memory_space<vmem>>
        %dma_start3A_105 = arith.constant 0 : i32
        %dma_start3A_106 = arith.constant 0 : i32
        %dma_start3A_107 = tpu.memref_slice %arg5[%dma_start3A_105, %dma_start3A_106] : memref<10000x128xf32, #tpu.memory_space<hbm>> -> memref<10000x128xf32, #tpu.memory_space<hbm>>
        tpu.enqueue_indirect_dma source(%dma_start3A_107 : memref<10000x128xf32, #tpu.memory_space<hbm>>) target(%arg11 : memref<128x128xf32, #tpu.memory_space<vmem>>) offsets(%dma_start3A_104 : memref<128xi32, #tpu.memory_space<vmem>>) semaphore(%arg14 : memref<!tpu.dma_semaphore, #tpu.memory_space<semaphore_mem>>)
        %dma_wait3A_108 = arith.constant 0 : i32
        %dma_wait3A_109 = arith.constant 0 : i32
        %dma_wait3A_110 = tpu.memref_slice %arg5[%dma_wait3A_108, %dma_wait3A_109] : memref<10000x128xf32, #tpu.memory_space<hbm>> -> memref<128x128xf32, #tpu.memory_space<hbm>>
        %dma_wait3A_111 = arith.constant 0 : i32
        %dma_wait3A_112 = arith.constant 0 : i32
        %dma_wait3A_113 = tpu.memref_slice %arg5[%dma_wait3A_111, %dma_wait3A_112] : memref<10000x128xf32, #tpu.memory_space<hbm>> -> memref<128x128xf32, #tpu.memory_space<hbm>>
        tpu.wait_dma2 semaphore(%arg15 : memref<!tpu.dma_semaphore, #tpu.memory_space<semaphore_mem>>) src(%dma_wait3A_113 : memref<128x128xf32, #tpu.memory_space<hbm>>) dst(%arg12 : memref<128x128xf32, #tpu.memory_space<vmem>>)
        %add3A_114 = arith.constant 1 : i32
        %add3A_115 = arith.addi %mul3A_86, %add3A_114 : i32
        "tpu.region"() ({
          %run_scoped3A_116 = tpu.sem_alloc : memref<!tpu.dma_semaphore, #tpu.memory_space<semaphore_mem>>
          %dma_start3A_117 = arith.constant 0 : i32
          %dma_start3A_118 = tpu.memref_slice %arg10[%add3A_115, %dma_start3A_117] : memref<40x128xi32, #tpu.memory_space<vmem>> -> memref<1x128xi32, #tpu.memory_space<vmem>>
          %dma_start3A_119 = tpu.memref_squeeze %dma_start3A_118 : memref<1x128xi32, #tpu.memory_space<vmem>> -> memref<128xi32, #tpu.memory_space<vmem>>
          %dma_start3A_120 = arith.constant 0 : i32
          %dma_start3A_121 = arith.constant 0 : i32
          %dma_start3A_122 = tpu.memref_slice %arg13[%dma_start3A_120, %dma_start3A_121] : memref<10240x128xf32, #tpu.memory_space<vmem_shared>> -> memref<10240x128xf32, #tpu.memory_space<vmem_shared>>
          tpu.enqueue_indirect_dma source(%arg12 : memref<128x128xf32, #tpu.memory_space<vmem>>) target(%dma_start3A_122 : memref<10240x128xf32, #tpu.memory_space<vmem_shared>>) offsets(%dma_start3A_119 : memref<128xi32, #tpu.memory_space<vmem>>) semaphore(%run_scoped3A_116 : memref<!tpu.dma_semaphore, #tpu.memory_space<semaphore_mem>>) {add = true}
          %dma_wait3A_123 = arith.constant 0 : i32
          %dma_wait3A_124 = tpu.memref_slice %arg10[%add3A_115, %dma_wait3A_123] : memref<40x128xi32, #tpu.memory_space<vmem>> -> memref<1x128xi32, #tpu.memory_space<vmem>>
          %dma_wait3A_125 = tpu.memref_squeeze %dma_wait3A_124 : memref<1x128xi32, #tpu.memory_space<vmem>> -> memref<128xi32, #tpu.memory_space<vmem>>
          %dma_wait3A_126 = arith.constant 0 : i32
          %dma_wait3A_127 = arith.constant 0 : i32
          %dma_wait3A_128 = tpu.memref_slice %arg13[%dma_wait3A_126, %dma_wait3A_127] : memref<10240x128xf32, #tpu.memory_space<vmem_shared>> -> memref<10240x128xf32, #tpu.memory_space<vmem_shared>>
          tpu.wait_indirect_dma semaphore(%run_scoped3A_116 : memref<!tpu.dma_semaphore, #tpu.memory_space<semaphore_mem>>) src(%arg12 : memref<128x128xf32, #tpu.memory_space<vmem>>) dst(%dma_wait3A_128 : memref<10240x128xf32, #tpu.memory_space<vmem_shared>>)
          tpu.yield
        }) : () -> ()
      }
      %scan3A_21 = arith.constant 19 : i32
      %dma_start3A_22 = arith.constant 39 : i32
      %dma_start3A_23 = arith.constant 0 : i32
      %dma_start3A_24 = tpu.memref_slice %arg9[%dma_start3A_22, %dma_start3A_23] : memref<40x128xi32, #tpu.memory_space<vmem>> -> memref<1x128xi32, #tpu.memory_space<vmem>>
      %dma_start3A_25 = tpu.memref_squeeze %dma_start3A_24 : memref<1x128xi32, #tpu.memory_space<vmem>> -> memref<128xi32, #tpu.memory_space<vmem>>
      %dma_start3A_26 = arith.constant 0 : i32
      %dma_start3A_27 = arith.constant 0 : i32
      %dma_start3A_28 = tpu.memref_slice %arg5[%dma_start3A_26, %dma_start3A_27] : memref<10000x128xf32, #tpu.memory_space<hbm>> -> memref<10000x128xf32, #tpu.memory_space<hbm>>
      tpu.enqueue_indirect_dma source(%dma_start3A_28 : memref<10000x128xf32, #tpu.memory_space<hbm>>) target(%arg12 : memref<128x128xf32, #tpu.memory_space<vmem>>) offsets(%dma_start3A_25 : memref<128xi32, #tpu.memory_space<vmem>>) semaphore(%arg15 : memref<!tpu.dma_semaphore, #tpu.memory_space<semaphore_mem>>)
      %dma_wait3A = arith.constant 0 : i32
      %dma_wait3A_29 = arith.constant 0 : i32
      %dma_wait3A_30 = tpu.memref_slice %arg5[%dma_wait3A, %dma_wait3A_29] : memref<10000x128xf32, #tpu.memory_space<hbm>> -> memref<128x128xf32, #tpu.memory_space<hbm>>
      %dma_wait3A_31 = arith.constant 0 : i32
      %dma_wait3A_32 = arith.constant 0 : i32
      %dma_wait3A_33 = tpu.memref_slice %arg5[%dma_wait3A_31, %dma_wait3A_32] : memref<10000x128xf32, #tpu.memory_space<hbm>> -> memref<128x128xf32, #tpu.memory_space<hbm>>
      tpu.wait_dma2 semaphore(%arg14 : memref<!tpu.dma_semaphore, #tpu.memory_space<semaphore_mem>>) src(%dma_wait3A_33 : memref<128x128xf32, #tpu.memory_space<hbm>>) dst(%arg11 : memref<128x128xf32, #tpu.memory_space<vmem>>)
      %run_scoped3A_34 = arith.constant 38 : i32
      "tpu.region"() ({
        %run_scoped3A_84 = tpu.sem_alloc : memref<!tpu.dma_semaphore, #tpu.memory_space<semaphore_mem>>
        %dma_start3A_85 = arith.constant 0 : i32
        %dma_start3A_86 = tpu.memref_slice %arg10[%run_scoped3A_34, %dma_start3A_85] : memref<40x128xi32, #tpu.memory_space<vmem>> -> memref<1x128xi32, #tpu.memory_space<vmem>>
        %dma_start3A_87 = tpu.memref_squeeze %dma_start3A_86 : memref<1x128xi32, #tpu.memory_space<vmem>> -> memref<128xi32, #tpu.memory_space<vmem>>
        %dma_start3A_88 = arith.constant 0 : i32
        %dma_start3A_89 = arith.constant 0 : i32
        %dma_start3A_90 = tpu.memref_slice %arg13[%dma_start3A_88, %dma_start3A_89] : memref<10240x128xf32, #tpu.memory_space<vmem_shared>> -> memref<10240x128xf32, #tpu.memory_space<vmem_shared>>
        tpu.enqueue_indirect_dma source(%arg11 : memref<128x128xf32, #tpu.memory_space<vmem>>) target(%dma_start3A_90 : memref<10240x128xf32, #tpu.memory_space<vmem_shared>>) offsets(%dma_start3A_87 : memref<128xi32, #tpu.memory_space<vmem>>) semaphore(%run_scoped3A_84 : memref<!tpu.dma_semaphore, #tpu.memory_space<semaphore_mem>>) {add = true}
        %dma_wait3A_91 = arith.constant 0 : i32
        %dma_wait3A_92 = tpu.memref_slice %arg10[%run_scoped3A_34, %dma_wait3A_91] : memref<40x128xi32, #tpu.memory_space<vmem>> -> memref<1x128xi32, #tpu.memory_space<vmem>>
        %dma_wait3A_93 = tpu.memref_squeeze %dma_wait3A_92 : memref<1x128xi32, #tpu.memory_space<vmem>> -> memref<128xi32, #tpu.memory_space<vmem>>
        %dma_wait3A_94 = arith.constant 0 : i32
        %dma_wait3A_95 = arith.constant 0 : i32
        %dma_wait3A_96 = tpu.memref_slice %arg13[%dma_wait3A_94, %dma_wait3A_95] : memref<10240x128xf32, #tpu.memory_space<vmem_shared>> -> memref<10240x128xf32, #tpu.memory_space<vmem_shared>>
        tpu.wait_indirect_dma semaphore(%run_scoped3A_84 : memref<!tpu.dma_semaphore, #tpu.memory_space<semaphore_mem>>) src(%arg11 : memref<128x128xf32, #tpu.memory_space<vmem>>) dst(%dma_wait3A_96 : memref<10240x128xf32, #tpu.memory_space<vmem_shared>>)
        tpu.yield
      }) : () -> ()
      %dma_wait3A_35 = arith.constant 0 : i32
      %dma_wait3A_36 = arith.constant 0 : i32
      %dma_wait3A_37 = tpu.memref_slice %arg5[%dma_wait3A_35, %dma_wait3A_36] : memref<10000x128xf32, #tpu.memory_space<hbm>> -> memref<128x128xf32, #tpu.memory_space<hbm>>
      %dma_wait3A_38 = arith.constant 0 : i32
      %dma_wait3A_39 = arith.constant 0 : i32
      %dma_wait3A_40 = tpu.memref_slice %arg5[%dma_wait3A_38, %dma_wait3A_39] : memref<10000x128xf32, #tpu.memory_space<hbm>> -> memref<128x128xf32, #tpu.memory_space<hbm>>
      tpu.wait_dma2 semaphore(%arg15 : memref<!tpu.dma_semaphore, #tpu.memory_space<semaphore_mem>>) src(%dma_wait3A_40 : memref<128x128xf32, #tpu.memory_space<hbm>>) dst(%arg12 : memref<128x128xf32, #tpu.memory_space<vmem>>)
      %run_scoped3A_41 = arith.constant 39 : i32
      "tpu.region"() ({
        %run_scoped3A_84 = tpu.sem_alloc : memref<!tpu.dma_semaphore, #tpu.memory_space<semaphore_mem>>
        %dma_start3A_85 = arith.constant 0 : i32
        %dma_start3A_86 = tpu.memref_slice %arg10[%run_scoped3A_41, %dma_start3A_85] : memref<40x128xi32, #tpu.memory_space<vmem>> -> memref<1x128xi32, #tpu.memory_space<vmem>>
        %dma_start3A_87 = tpu.memref_squeeze %dma_start3A_86 : memref<1x128xi32, #tpu.memory_space<vmem>> -> memref<128xi32, #tpu.memory_space<vmem>>
        %dma_start3A_88 = arith.constant 0 : i32
        %dma_start3A_89 = arith.constant 0 : i32
        %dma_start3A_90 = tpu.memref_slice %arg13[%dma_start3A_88, %dma_start3A_89] : memref<10240x128xf32, #tpu.memory_space<vmem_shared>> -> memref<10240x128xf32, #tpu.memory_space<vmem_shared>>
        tpu.enqueue_indirect_dma source(%arg12 : memref<128x128xf32, #tpu.memory_space<vmem>>) target(%dma_start3A_90 : memref<10240x128xf32, #tpu.memory_space<vmem_shared>>) offsets(%dma_start3A_87 : memref<128xi32, #tpu.memory_space<vmem>>) semaphore(%run_scoped3A_84 : memref<!tpu.dma_semaphore, #tpu.memory_space<semaphore_mem>>) {add = true}
        %dma_wait3A_91 = arith.constant 0 : i32
        %dma_wait3A_92 = tpu.memref_slice %arg10[%run_scoped3A_41, %dma_wait3A_91] : memref<40x128xi32, #tpu.memory_space<vmem>> -> memref<1x128xi32, #tpu.memory_space<vmem>>
        %dma_wait3A_93 = tpu.memref_squeeze %dma_wait3A_92 : memref<1x128xi32, #tpu.memory_space<vmem>> -> memref<128xi32, #tpu.memory_space<vmem>>
        %dma_wait3A_94 = arith.constant 0 : i32
        %dma_wait3A_95 = arith.constant 0 : i32
        %dma_wait3A_96 = tpu.memref_slice %arg13[%dma_wait3A_94, %dma_wait3A_95] : memref<10240x128xf32, #tpu.memory_space<vmem_shared>> -> memref<10240x128xf32, #tpu.memory_space<vmem_shared>>
        tpu.wait_indirect_dma semaphore(%run_scoped3A_84 : memref<!tpu.dma_semaphore, #tpu.memory_space<semaphore_mem>>) src(%arg12 : memref<128x128xf32, #tpu.memory_space<vmem>>) dst(%dma_wait3A_96 : memref<10240x128xf32, #tpu.memory_space<vmem_shared>>)
        tpu.yield
      }) : () -> ()
      %run_scoped3A_42 = arith.constant 1 : i32
      "tpu.region"() ({
        %run_scoped3A_84 = tpu.sem_alloc : memref<!tpu.dma_semaphore, #tpu.memory_space<semaphore_mem>>
        %dma_start3A_85 = arith.constant 0 : i32
        %dma_start3A_86 = arith.constant 0 : i32
        %dma_start3A_87 = tpu.memref_slice %arg2[%arg1, %run_scoped3A_42, %dma_start3A_85, %dma_start3A_86] : memref<16x2x40x128xi32, #tpu.memory_space<hbm>> -> memref<1x1x40x128xi32, #tpu.memory_space<hbm>>
        %dma_start3A_88 = tpu.memref_squeeze %dma_start3A_87 : memref<1x1x40x128xi32, #tpu.memory_space<hbm>> -> memref<40x128xi32, #tpu.memory_space<hbm>>
        %dma_start3A_89 = arith.constant 0 : i32
        %dma_start3A_90 = arith.constant 0 : i32
        %dma_start3A_91 = tpu.memref_slice %arg2[%arg1, %run_scoped3A_42, %dma_start3A_89, %dma_start3A_90] : memref<16x2x40x128xi32, #tpu.memory_space<hbm>> -> memref<1x1x40x128xi32, #tpu.memory_space<hbm>>
        %dma_start3A_92 = tpu.memref_squeeze %dma_start3A_91 : memref<1x1x40x128xi32, #tpu.memory_space<hbm>> -> memref<40x128xi32, #tpu.memory_space<hbm>>
        tpu.enqueue_dma source(%dma_start3A_92 : memref<40x128xi32, #tpu.memory_space<hbm>>) target(%arg9 : memref<40x128xi32, #tpu.memory_space<vmem>>) target_semaphore(%run_scoped3A_84 : memref<!tpu.dma_semaphore, #tpu.memory_space<semaphore_mem>>)
        %dma_wait3A_93 = arith.constant 0 : i32
        %dma_wait3A_94 = arith.constant 0 : i32
        %dma_wait3A_95 = tpu.memref_slice %arg2[%arg1, %run_scoped3A_42, %dma_wait3A_93, %dma_wait3A_94] : memref<16x2x40x128xi32, #tpu.memory_space<hbm>> -> memref<1x1x40x128xi32, #tpu.memory_space<hbm>>
        %dma_wait3A_96 = tpu.memref_squeeze %dma_wait3A_95 : memref<1x1x40x128xi32, #tpu.memory_space<hbm>> -> memref<40x128xi32, #tpu.memory_space<hbm>>
        %dma_wait3A_97 = arith.constant 0 : i32
        %dma_wait3A_98 = arith.constant 0 : i32
        %dma_wait3A_99 = tpu.memref_slice %arg2[%arg1, %run_scoped3A_42, %dma_wait3A_97, %dma_wait3A_98] : memref<16x2x40x128xi32, #tpu.memory_space<hbm>> -> memref<1x1x40x128xi32, #tpu.memory_space<hbm>>
        %dma_wait3A_100 = tpu.memref_squeeze %dma_wait3A_99 : memref<1x1x40x128xi32, #tpu.memory_space<hbm>> -> memref<40x128xi32, #tpu.memory_space<hbm>>
        tpu.wait_dma2 semaphore(%run_scoped3A_84 : memref<!tpu.dma_semaphore, #tpu.memory_space<semaphore_mem>>) src(%dma_wait3A_100 : memref<40x128xi32, #tpu.memory_space<hbm>>) dst(%arg9 : memref<40x128xi32, #tpu.memory_space<vmem>>)
        tpu.yield
      }) : () -> ()
      %run_scoped3A_43 = arith.constant 1 : i32
      "tpu.region"() ({
        %run_scoped3A_84 = tpu.sem_alloc : memref<!tpu.dma_semaphore, #tpu.memory_space<semaphore_mem>>
        %dma_start3A_85 = arith.constant 0 : i32
        %dma_start3A_86 = arith.constant 0 : i32
        %dma_start3A_87 = tpu.memref_slice %arg3[%arg1, %run_scoped3A_43, %dma_start3A_85, %dma_start3A_86] : memref<16x2x40x128xi32, #tpu.memory_space<hbm>> -> memref<1x1x40x128xi32, #tpu.memory_space<hbm>>
        %dma_start3A_88 = tpu.memref_squeeze %dma_start3A_87 : memref<1x1x40x128xi32, #tpu.memory_space<hbm>> -> memref<40x128xi32, #tpu.memory_space<hbm>>
        %dma_start3A_89 = arith.constant 0 : i32
        %dma_start3A_90 = arith.constant 0 : i32
        %dma_start3A_91 = tpu.memref_slice %arg3[%arg1, %run_scoped3A_43, %dma_start3A_89, %dma_start3A_90] : memref<16x2x40x128xi32, #tpu.memory_space<hbm>> -> memref<1x1x40x128xi32, #tpu.memory_space<hbm>>
        %dma_start3A_92 = tpu.memref_squeeze %dma_start3A_91 : memref<1x1x40x128xi32, #tpu.memory_space<hbm>> -> memref<40x128xi32, #tpu.memory_space<hbm>>
        tpu.enqueue_dma source(%dma_start3A_92 : memref<40x128xi32, #tpu.memory_space<hbm>>) target(%arg10 : memref<40x128xi32, #tpu.memory_space<vmem>>) target_semaphore(%run_scoped3A_84 : memref<!tpu.dma_semaphore, #tpu.memory_space<semaphore_mem>>)
        %dma_wait3A_93 = arith.constant 0 : i32
        %dma_wait3A_94 = arith.constant 0 : i32
        %dma_wait3A_95 = tpu.memref_slice %arg3[%arg1, %run_scoped3A_43, %dma_wait3A_93, %dma_wait3A_94] : memref<16x2x40x128xi32, #tpu.memory_space<hbm>> -> memref<1x1x40x128xi32, #tpu.memory_space<hbm>>
        %dma_wait3A_96 = tpu.memref_squeeze %dma_wait3A_95 : memref<1x1x40x128xi32, #tpu.memory_space<hbm>> -> memref<40x128xi32, #tpu.memory_space<hbm>>
        %dma_wait3A_97 = arith.constant 0 : i32
        %dma_wait3A_98 = arith.constant 0 : i32
        %dma_wait3A_99 = tpu.memref_slice %arg3[%arg1, %run_scoped3A_43, %dma_wait3A_97, %dma_wait3A_98] : memref<16x2x40x128xi32, #tpu.memory_space<hbm>> -> memref<1x1x40x128xi32, #tpu.memory_space<hbm>>
        %dma_wait3A_100 = tpu.memref_squeeze %dma_wait3A_99 : memref<1x1x40x128xi32, #tpu.memory_space<hbm>> -> memref<40x128xi32, #tpu.memory_space<hbm>>
        tpu.wait_dma2 semaphore(%run_scoped3A_84 : memref<!tpu.dma_semaphore, #tpu.memory_space<semaphore_mem>>) src(%dma_wait3A_100 : memref<40x128xi32, #tpu.memory_space<hbm>>) dst(%arg10 : memref<40x128xi32, #tpu.memory_space<vmem>>)
        tpu.yield
      }) : () -> ()
      %dma_start3A_44 = arith.constant 0 : i32
      %dma_start3A_45 = arith.constant 0 : i32
      %dma_start3A_46 = tpu.memref_slice %arg9[%dma_start3A_44, %dma_start3A_45] : memref<40x128xi32, #tpu.memory_space<vmem>> -> memref<1x128xi32, #tpu.memory_space<vmem>>
      %dma_start3A_47 = tpu.memref_squeeze %dma_start3A_46 : memref<1x128xi32, #tpu.memory_space<vmem>> -> memref<128xi32, #tpu.memory_space<vmem>>
      %dma_start3A_48 = arith.constant 0 : i32
      %dma_start3A_49 = arith.constant 0 : i32
      %dma_start3A_50 = tpu.memref_slice %arg5[%dma_start3A_48, %dma_start3A_49] : memref<10000x128xf32, #tpu.memory_space<hbm>> -> memref<10000x128xf32, #tpu.memory_space<hbm>>
      tpu.enqueue_indirect_dma source(%dma_start3A_50 : memref<10000x128xf32, #tpu.memory_space<hbm>>) target(%arg11 : memref<128x128xf32, #tpu.memory_space<vmem>>) offsets(%dma_start3A_47 : memref<128xi32, #tpu.memory_space<vmem>>) semaphore(%arg14 : memref<!tpu.dma_semaphore, #tpu.memory_space<semaphore_mem>>)
      %scan3A_51 = arith.constant 0 : i32
      %scan3A_52 = arith.constant 0 : i32
      %scan3A_53 = arith.constant 19 : i32
      %scan3A_54 = arith.addi %scan3A_52, %scan3A_53 : i32
      %scan3A_55 = arith.constant 1 : i32
      scf.for %scan3A_84 = %scan3A_52 to %scan3A_54 step %scan3A_55  : i32 {
        %mul3A_85 = arith.constant 2 : i32
        %mul3A_86 = arith.muli %mul3A_85, %scan3A_84 : i32
        %add3A = arith.constant 1 : i32
        %add3A_87 = arith.addi %mul3A_86, %add3A : i32
        %dma_start3A_88 = arith.constant 0 : i32
        %dma_start3A_89 = tpu.memref_slice %arg9[%add3A_87, %dma_start3A_88] : memref<40x128xi32, #tpu.memory_space<vmem>> -> memref<1x128xi32, #tpu.memory_space<vmem>>
        %dma_start3A_90 = tpu.memref_squeeze %dma_start3A_89 : memref<1x128xi32, #tpu.memory_space<vmem>> -> memref<128xi32, #tpu.memory_space<vmem>>
        %dma_start3A_91 = arith.constant 0 : i32
        %dma_start3A_92 = arith.constant 0 : i32
        %dma_start3A_93 = tpu.memref_slice %arg5[%dma_start3A_91, %dma_start3A_92] : memref<10000x128xf32, #tpu.memory_space<hbm>> -> memref<10000x128xf32, #tpu.memory_space<hbm>>
        tpu.enqueue_indirect_dma source(%dma_start3A_93 : memref<10000x128xf32, #tpu.memory_space<hbm>>) target(%arg12 : memref<128x128xf32, #tpu.memory_space<vmem>>) offsets(%dma_start3A_90 : memref<128xi32, #tpu.memory_space<vmem>>) semaphore(%arg15 : memref<!tpu.dma_semaphore, #tpu.memory_space<semaphore_mem>>)
        %dma_wait3A_94 = arith.constant 0 : i32
        %dma_wait3A_95 = arith.constant 0 : i32
        %dma_wait3A_96 = tpu.memref_slice %arg5[%dma_wait3A_94, %dma_wait3A_95] : memref<10000x128xf32, #tpu.memory_space<hbm>> -> memref<128x128xf32, #tpu.memory_space<hbm>>
        %dma_wait3A_97 = arith.constant 0 : i32
        %dma_wait3A_98 = arith.constant 0 : i32
        %dma_wait3A_99 = tpu.memref_slice %arg5[%dma_wait3A_97, %dma_wait3A_98] : memref<10000x128xf32, #tpu.memory_space<hbm>> -> memref<128x128xf32, #tpu.memory_space<hbm>>
        tpu.wait_dma2 semaphore(%arg14 : memref<!tpu.dma_semaphore, #tpu.memory_space<semaphore_mem>>) src(%dma_wait3A_99 : memref<128x128xf32, #tpu.memory_space<hbm>>) dst(%arg11 : memref<128x128xf32, #tpu.memory_space<vmem>>)
        "tpu.region"() ({
          %run_scoped3A_116 = tpu.sem_alloc : memref<!tpu.dma_semaphore, #tpu.memory_space<semaphore_mem>>
          %dma_start3A_117 = arith.constant 0 : i32
          %dma_start3A_118 = tpu.memref_slice %arg10[%mul3A_86, %dma_start3A_117] : memref<40x128xi32, #tpu.memory_space<vmem>> -> memref<1x128xi32, #tpu.memory_space<vmem>>
          %dma_start3A_119 = tpu.memref_squeeze %dma_start3A_118 : memref<1x128xi32, #tpu.memory_space<vmem>> -> memref<128xi32, #tpu.memory_space<vmem>>
          %dma_start3A_120 = arith.constant 0 : i32
          %dma_start3A_121 = arith.constant 0 : i32
          %dma_start3A_122 = tpu.memref_slice %arg13[%dma_start3A_120, %dma_start3A_121] : memref<10240x128xf32, #tpu.memory_space<vmem_shared>> -> memref<10240x128xf32, #tpu.memory_space<vmem_shared>>
          tpu.enqueue_indirect_dma source(%arg11 : memref<128x128xf32, #tpu.memory_space<vmem>>) target(%dma_start3A_122 : memref<10240x128xf32, #tpu.memory_space<vmem_shared>>) offsets(%dma_start3A_119 : memref<128xi32, #tpu.memory_space<vmem>>) semaphore(%run_scoped3A_116 : memref<!tpu.dma_semaphore, #tpu.memory_space<semaphore_mem>>) {add = true}
          %dma_wait3A_123 = arith.constant 0 : i32
          %dma_wait3A_124 = tpu.memref_slice %arg10[%mul3A_86, %dma_wait3A_123] : memref<40x128xi32, #tpu.memory_space<vmem>> -> memref<1x128xi32, #tpu.memory_space<vmem>>
          %dma_wait3A_125 = tpu.memref_squeeze %dma_wait3A_124 : memref<1x128xi32, #tpu.memory_space<vmem>> -> memref<128xi32, #tpu.memory_space<vmem>>
          %dma_wait3A_126 = arith.constant 0 : i32
          %dma_wait3A_127 = arith.constant 0 : i32
          %dma_wait3A_128 = tpu.memref_slice %arg13[%dma_wait3A_126, %dma_wait3A_127] : memref<10240x128xf32, #tpu.memory_space<vmem_shared>> -> memref<10240x128xf32, #tpu.memory_space<vmem_shared>>
          tpu.wait_indirect_dma semaphore(%run_scoped3A_116 : memref<!tpu.dma_semaphore, #tpu.memory_space<semaphore_mem>>) src(%arg11 : memref<128x128xf32, #tpu.memory_space<vmem>>) dst(%dma_wait3A_128 : memref<10240x128xf32, #tpu.memory_space<vmem_shared>>)
          tpu.yield
        }) : () -> ()
        %add3A_100 = arith.constant 2 : i32
        %add3A_101 = arith.addi %mul3A_86, %add3A_100 : i32
        %dma_start3A_102 = arith.constant 0 : i32
        %dma_start3A_103 = tpu.memref_slice %arg9[%add3A_101, %dma_start3A_102] : memref<40x128xi32, #tpu.memory_space<vmem>> -> memref<1x128xi32, #tpu.memory_space<vmem>>
        %dma_start3A_104 = tpu.memref_squeeze %dma_start3A_103 : memref<1x128xi32, #tpu.memory_space<vmem>> -> memref<128xi32, #tpu.memory_space<vmem>>
        %dma_start3A_105 = arith.constant 0 : i32
        %dma_start3A_106 = arith.constant 0 : i32
        %dma_start3A_107 = tpu.memref_slice %arg5[%dma_start3A_105, %dma_start3A_106] : memref<10000x128xf32, #tpu.memory_space<hbm>> -> memref<10000x128xf32, #tpu.memory_space<hbm>>
        tpu.enqueue_indirect_dma source(%dma_start3A_107 : memref<10000x128xf32, #tpu.memory_space<hbm>>) target(%arg11 : memref<128x128xf32, #tpu.memory_space<vmem>>) offsets(%dma_start3A_104 : memref<128xi32, #tpu.memory_space<vmem>>) semaphore(%arg14 : memref<!tpu.dma_semaphore, #tpu.memory_space<semaphore_mem>>)
        %dma_wait3A_108 = arith.constant 0 : i32
        %dma_wait3A_109 = arith.constant 0 : i32
        %dma_wait3A_110 = tpu.memref_slice %arg5[%dma_wait3A_108, %dma_wait3A_109] : memref<10000x128xf32, #tpu.memory_space<hbm>> -> memref<128x128xf32, #tpu.memory_space<hbm>>
        %dma_wait3A_111 = arith.constant 0 : i32
        %dma_wait3A_112 = arith.constant 0 : i32
        %dma_wait3A_113 = tpu.memref_slice %arg5[%dma_wait3A_111, %dma_wait3A_112] : memref<10000x128xf32, #tpu.memory_space<hbm>> -> memref<128x128xf32, #tpu.memory_space<hbm>>
        tpu.wait_dma2 semaphore(%arg15 : memref<!tpu.dma_semaphore, #tpu.memory_space<semaphore_mem>>) src(%dma_wait3A_113 : memref<128x128xf32, #tpu.memory_space<hbm>>) dst(%arg12 : memref<128x128xf32, #tpu.memory_space<vmem>>)
        %add3A_114 = arith.constant 1 : i32
        %add3A_115 = arith.addi %mul3A_86, %add3A_114 : i32
        "tpu.region"() ({
          %run_scoped3A_116 = tpu.sem_alloc : memref<!tpu.dma_semaphore, #tpu.memory_space<semaphore_mem>>
          %dma_start3A_117 = arith.constant 0 : i32
          %dma_start3A_118 = tpu.memref_slice %arg10[%add3A_115, %dma_start3A_117] : memref<40x128xi32, #tpu.memory_space<vmem>> -> memref<1x128xi32, #tpu.memory_space<vmem>>
          %dma_start3A_119 = tpu.memref_squeeze %dma_start3A_118 : memref<1x128xi32, #tpu.memory_space<vmem>> -> memref<128xi32, #tpu.memory_space<vmem>>
          %dma_start3A_120 = arith.constant 0 : i32
          %dma_start3A_121 = arith.constant 0 : i32
          %dma_start3A_122 = tpu.memref_slice %arg13[%dma_start3A_120, %dma_start3A_121] : memref<10240x128xf32, #tpu.memory_space<vmem_shared>> -> memref<10240x128xf32, #tpu.memory_space<vmem_shared>>
          tpu.enqueue_indirect_dma source(%arg12 : memref<128x128xf32, #tpu.memory_space<vmem>>) target(%dma_start3A_122 : memref<10240x128xf32, #tpu.memory_space<vmem_shared>>) offsets(%dma_start3A_119 : memref<128xi32, #tpu.memory_space<vmem>>) semaphore(%run_scoped3A_116 : memref<!tpu.dma_semaphore, #tpu.memory_space<semaphore_mem>>) {add = true}
          %dma_wait3A_123 = arith.constant 0 : i32
          %dma_wait3A_124 = tpu.memref_slice %arg10[%add3A_115, %dma_wait3A_123] : memref<40x128xi32, #tpu.memory_space<vmem>> -> memref<1x128xi32, #tpu.memory_space<vmem>>
          %dma_wait3A_125 = tpu.memref_squeeze %dma_wait3A_124 : memref<1x128xi32, #tpu.memory_space<vmem>> -> memref<128xi32, #tpu.memory_space<vmem>>
          %dma_wait3A_126 = arith.constant 0 : i32
          %dma_wait3A_127 = arith.constant 0 : i32
          %dma_wait3A_128 = tpu.memref_slice %arg13[%dma_wait3A_126, %dma_wait3A_127] : memref<10240x128xf32, #tpu.memory_space<vmem_shared>> -> memref<10240x128xf32, #tpu.memory_space<vmem_shared>>
          tpu.wait_indirect_dma semaphore(%run_scoped3A_116 : memref<!tpu.dma_semaphore, #tpu.memory_space<semaphore_mem>>) src(%arg12 : memref<128x128xf32, #tpu.memory_space<vmem>>) dst(%dma_wait3A_128 : memref<10240x128xf32, #tpu.memory_space<vmem_shared>>)
          tpu.yield
        }) : () -> ()
      }
      %scan3A_56 = arith.constant 19 : i32
      %dma_start3A_57 = arith.constant 39 : i32
      %dma_start3A_58 = arith.constant 0 : i32
      %dma_start3A_59 = tpu.memref_slice %arg9[%dma_start3A_57, %dma_start3A_58] : memref<40x128xi32, #tpu.memory_space<vmem>> -> memref<1x128xi32, #tpu.memory_space<vmem>>
      %dma_start3A_60 = tpu.memref_squeeze %dma_start3A_59 : memref<1x128xi32, #tpu.memory_space<vmem>> -> memref<128xi32, #tpu.memory_space<vmem>>
      %dma_start3A_61 = arith.constant 0 : i32
      %dma_start3A_62 = arith.constant 0 : i32
      %dma_start3A_63 = tpu.memref_slice %arg5[%dma_start3A_61, %dma_start3A_62] : memref<10000x128xf32, #tpu.memory_space<hbm>> -> memref<10000x128xf32, #tpu.memory_space<hbm>>
      tpu.enqueue_indirect_dma source(%dma_start3A_63 : memref<10000x128xf32, #tpu.memory_space<hbm>>) target(%arg12 : memref<128x128xf32, #tpu.memory_space<vmem>>) offsets(%dma_start3A_60 : memref<128xi32, #tpu.memory_space<vmem>>) semaphore(%arg15 : memref<!tpu.dma_semaphore, #tpu.memory_space<semaphore_mem>>)
      %dma_wait3A_64 = arith.constant 0 : i32
      %dma_wait3A_65 = arith.constant 0 : i32
      %dma_wait3A_66 = tpu.memref_slice %arg5[%dma_wait3A_64, %dma_wait3A_65] : memref<10000x128xf32, #tpu.memory_space<hbm>> -> memref<128x128xf32, #tpu.memory_space<hbm>>
      %dma_wait3A_67 = arith.constant 0 : i32
      %dma_wait3A_68 = arith.constant 0 : i32
      %dma_wait3A_69 = tpu.memref_slice %arg5[%dma_wait3A_67, %dma_wait3A_68] : memref<10000x128xf32, #tpu.memory_space<hbm>> -> memref<128x128xf32, #tpu.memory_space<hbm>>
      tpu.wait_dma2 semaphore(%arg14 : memref<!tpu.dma_semaphore, #tpu.memory_space<semaphore_mem>>) src(%dma_wait3A_69 : memref<128x128xf32, #tpu.memory_space<hbm>>) dst(%arg11 : memref<128x128xf32, #tpu.memory_space<vmem>>)
      %run_scoped3A_70 = arith.constant 38 : i32
      "tpu.region"() ({
        %run_scoped3A_84 = tpu.sem_alloc : memref<!tpu.dma_semaphore, #tpu.memory_space<semaphore_mem>>
        %dma_start3A_85 = arith.constant 0 : i32
        %dma_start3A_86 = tpu.memref_slice %arg10[%run_scoped3A_70, %dma_start3A_85] : memref<40x128xi32, #tpu.memory_space<vmem>> -> memref<1x128xi32, #tpu.memory_space<vmem>>
        %dma_start3A_87 = tpu.memref_squeeze %dma_start3A_86 : memref<1x128xi32, #tpu.memory_space<vmem>> -> memref<128xi32, #tpu.memory_space<vmem>>
        %dma_start3A_88 = arith.constant 0 : i32
        %dma_start3A_89 = arith.constant 0 : i32
        %dma_start3A_90 = tpu.memref_slice %arg13[%dma_start3A_88, %dma_start3A_89] : memref<10240x128xf32, #tpu.memory_space<vmem_shared>> -> memref<10240x128xf32, #tpu.memory_space<vmem_shared>>
        tpu.enqueue_indirect_dma source(%arg11 : memref<128x128xf32, #tpu.memory_space<vmem>>) target(%dma_start3A_90 : memref<10240x128xf32, #tpu.memory_space<vmem_shared>>) offsets(%dma_start3A_87 : memref<128xi32, #tpu.memory_space<vmem>>) semaphore(%run_scoped3A_84 : memref<!tpu.dma_semaphore, #tpu.memory_space<semaphore_mem>>) {add = true}
        %dma_wait3A_91 = arith.constant 0 : i32
        %dma_wait3A_92 = tpu.memref_slice %arg10[%run_scoped3A_70, %dma_wait3A_91] : memref<40x128xi32, #tpu.memory_space<vmem>> -> memref<1x128xi32, #tpu.memory_space<vmem>>
        %dma_wait3A_93 = tpu.memref_squeeze %dma_wait3A_92 : memref<1x128xi32, #tpu.memory_space<vmem>> -> memref<128xi32, #tpu.memory_space<vmem>>
        %dma_wait3A_94 = arith.constant 0 : i32
        %dma_wait3A_95 = arith.constant 0 : i32
        %dma_wait3A_96 = tpu.memref_slice %arg13[%dma_wait3A_94, %dma_wait3A_95] : memref<10240x128xf32, #tpu.memory_space<vmem_shared>> -> memref<10240x128xf32, #tpu.memory_space<vmem_shared>>
        tpu.wait_indirect_dma semaphore(%run_scoped3A_84 : memref<!tpu.dma_semaphore, #tpu.memory_space<semaphore_mem>>) src(%arg11 : memref<128x128xf32, #tpu.memory_space<vmem>>) dst(%dma_wait3A_96 : memref<10240x128xf32, #tpu.memory_space<vmem_shared>>)
        tpu.yield
      }) : () -> ()
      %dma_wait3A_71 = arith.constant 0 : i32
      %dma_wait3A_72 = arith.constant 0 : i32
      %dma_wait3A_73 = tpu.memref_slice %arg5[%dma_wait3A_71, %dma_wait3A_72] : memref<10000x128xf32, #tpu.memory_space<hbm>> -> memref<128x128xf32, #tpu.memory_space<hbm>>
      %dma_wait3A_74 = arith.constant 0 : i32
      %dma_wait3A_75 = arith.constant 0 : i32
      %dma_wait3A_76 = tpu.memref_slice %arg5[%dma_wait3A_74, %dma_wait3A_75] : memref<10000x128xf32, #tpu.memory_space<hbm>> -> memref<128x128xf32, #tpu.memory_space<hbm>>
      tpu.wait_dma2 semaphore(%arg15 : memref<!tpu.dma_semaphore, #tpu.memory_space<semaphore_mem>>) src(%dma_wait3A_76 : memref<128x128xf32, #tpu.memory_space<hbm>>) dst(%arg12 : memref<128x128xf32, #tpu.memory_space<vmem>>)
      %run_scoped3A_77 = arith.constant 39 : i32
      "tpu.region"() ({
        %run_scoped3A_84 = tpu.sem_alloc : memref<!tpu.dma_semaphore, #tpu.memory_space<semaphore_mem>>
        %dma_start3A_85 = arith.constant 0 : i32
        %dma_start3A_86 = tpu.memref_slice %arg10[%run_scoped3A_77, %dma_start3A_85] : memref<40x128xi32, #tpu.memory_space<vmem>> -> memref<1x128xi32, #tpu.memory_space<vmem>>
        %dma_start3A_87 = tpu.memref_squeeze %dma_start3A_86 : memref<1x128xi32, #tpu.memory_space<vmem>> -> memref<128xi32, #tpu.memory_space<vmem>>
        %dma_start3A_88 = arith.constant 0 : i32
        %dma_start3A_89 = arith.constant 0 : i32
        %dma_start3A_90 = tpu.memref_slice %arg13[%dma_start3A_88, %dma_start3A_89] : memref<10240x128xf32, #tpu.memory_space<vmem_shared>> -> memref<10240x128xf32, #tpu.memory_space<vmem_shared>>
        tpu.enqueue_indirect_dma source(%arg12 : memref<128x128xf32, #tpu.memory_space<vmem>>) target(%dma_start3A_90 : memref<10240x128xf32, #tpu.memory_space<vmem_shared>>) offsets(%dma_start3A_87 : memref<128xi32, #tpu.memory_space<vmem>>) semaphore(%run_scoped3A_84 : memref<!tpu.dma_semaphore, #tpu.memory_space<semaphore_mem>>) {add = true}
        %dma_wait3A_91 = arith.constant 0 : i32
        %dma_wait3A_92 = tpu.memref_slice %arg10[%run_scoped3A_77, %dma_wait3A_91] : memref<40x128xi32, #tpu.memory_space<vmem>> -> memref<1x128xi32, #tpu.memory_space<vmem>>
        %dma_wait3A_93 = tpu.memref_squeeze %dma_wait3A_92 : memref<1x128xi32, #tpu.memory_space<vmem>> -> memref<128xi32, #tpu.memory_space<vmem>>
        %dma_wait3A_94 = arith.constant 0 : i32
        %dma_wait3A_95 = arith.constant 0 : i32
        %dma_wait3A_96 = tpu.memref_slice %arg13[%dma_wait3A_94, %dma_wait3A_95] : memref<10240x128xf32, #tpu.memory_space<vmem_shared>> -> memref<10240x128xf32, #tpu.memory_space<vmem_shared>>
        tpu.wait_indirect_dma semaphore(%run_scoped3A_84 : memref<!tpu.dma_semaphore, #tpu.memory_space<semaphore_mem>>) src(%arg12 : memref<128x128xf32, #tpu.memory_space<vmem>>) dst(%dma_wait3A_96 : memref<10240x128xf32, #tpu.memory_space<vmem_shared>>)
        tpu.yield
      }) : () -> ()
      %barrier3A_78 = arith.constant 0 : index
      tpu.barrier barrier_id(%barrier3A_78)
      %mul3A_79 = arith.constant 640 : i32
      %mul3A_80 = arith.muli %arg1, %mul3A_79 : i32
      %mul3A_81 = arith.constant 640 : i32
      %mul3A_82 = arith.muli %arg1, %mul3A_81 : i32
      "tpu.region"() ({
        %run_scoped3A_84 = tpu.sem_alloc : memref<!tpu.dma_semaphore, #tpu.memory_space<semaphore_mem>>
        %dma_start3A_85 = arith.constant 0 : i32
        %dma_start3A_86 = tpu.memref_slice %arg7[%mul3A_82, %dma_start3A_85] : memref<10240x128xf32, #tpu.memory_space<hbm>> -> memref<640x128xf32, #tpu.memory_space<hbm>>
        %dma_start3A_87 = arith.constant 0 : i32
        %dma_start3A_88 = tpu.memref_slice %arg13[%mul3A_80, %dma_start3A_87] : memref<10240x128xf32, #tpu.memory_space<vmem_shared>> -> memref<640x128xf32, #tpu.memory_space<vmem_shared>>
        tpu.enqueue_dma source(%dma_start3A_88 : memref<640x128xf32, #tpu.memory_space<vmem_shared>>) target(%dma_start3A_86 : memref<640x128xf32, #tpu.memory_space<hbm>>) target_semaphore(%run_scoped3A_84 : memref<!tpu.dma_semaphore, #tpu.memory_space<semaphore_mem>>)
        %dma_wait3A_89 = arith.constant 0 : i32
        %dma_wait3A_90 = tpu.memref_slice %arg7[%mul3A_82, %dma_wait3A_89] : memref<10240x128xf32, #tpu.memory_space<hbm>> -> memref<640x128xf32, #tpu.memory_space<hbm>>
        %dma_wait3A_91 = arith.constant 0 : i32
        %dma_wait3A_92 = tpu.memref_slice %arg13[%mul3A_80, %dma_wait3A_91] : memref<10240x128xf32, #tpu.memory_space<vmem_shared>> -> memref<640x128xf32, #tpu.memory_space<vmem_shared>>
        tpu.wait_dma2 semaphore(%run_scoped3A_84 : memref<!tpu.dma_semaphore, #tpu.memory_space<semaphore_mem>>) src(%dma_wait3A_92 : memref<640x128xf32, #tpu.memory_space<vmem_shared>>) dst(%dma_wait3A_90 : memref<640x128xf32, #tpu.memory_space<hbm>>)
        tpu.yield
      }) : () -> ()
      %barrier3A_83 = arith.constant 0 : index
      tpu.barrier barrier_id(%barrier3A_83)
    } else {
    }
    %eq3A_2 = arith.constant 1 : i32
    %eq3A_3 = arith.cmpi eq, %arg0, %eq3A_2 : i32
    %convert_element_type3A_4 = arith.extui %eq3A_3 : i1 to i32
    %cond3A_5 = arith.constant 0 : i32
    %cond3A_6 = arith.cmpi ne, %convert_element_type3A_4, %cond3A_5 : i32
    scf.if %cond3A_6 {
      %mul3A = arith.constant 640 : i32
      %mul3A_7 = arith.muli %arg1, %mul3A : i32
      %mul3A_8 = arith.constant 640 : i32
      %mul3A_9 = arith.muli %arg1, %mul3A_8 : i32
      "tpu.region"() ({
        %run_scoped3A_84 = tpu.sem_alloc : memref<!tpu.dma_semaphore, #tpu.memory_space<semaphore_mem>>
        %dma_start3A_85 = arith.constant 0 : i32
        %dma_start3A_86 = tpu.memref_slice %arg13[%mul3A_9, %dma_start3A_85] : memref<10240x128xf32, #tpu.memory_space<vmem_shared>> -> memref<640x128xf32, #tpu.memory_space<vmem_shared>>
        %dma_start3A_87 = arith.constant 0 : i32
        %dma_start3A_88 = tpu.memref_slice %arg4[%mul3A_7, %dma_start3A_87] : memref<10240x128xf32, #tpu.memory_space<hbm>> -> memref<640x128xf32, #tpu.memory_space<hbm>>
        tpu.enqueue_dma source(%dma_start3A_88 : memref<640x128xf32, #tpu.memory_space<hbm>>) target(%dma_start3A_86 : memref<640x128xf32, #tpu.memory_space<vmem_shared>>) target_semaphore(%run_scoped3A_84 : memref<!tpu.dma_semaphore, #tpu.memory_space<semaphore_mem>>)
        %dma_wait3A_89 = arith.constant 0 : i32
        %dma_wait3A_90 = tpu.memref_slice %arg13[%mul3A_9, %dma_wait3A_89] : memref<10240x128xf32, #tpu.memory_space<vmem_shared>> -> memref<640x128xf32, #tpu.memory_space<vmem_shared>>
        %dma_wait3A_91 = arith.constant 0 : i32
        %dma_wait3A_92 = tpu.memref_slice %arg4[%mul3A_7, %dma_wait3A_91] : memref<10240x128xf32, #tpu.memory_space<hbm>> -> memref<640x128xf32, #tpu.memory_space<hbm>>
        tpu.wait_dma2 semaphore(%run_scoped3A_84 : memref<!tpu.dma_semaphore, #tpu.memory_space<semaphore_mem>>) src(%dma_wait3A_92 : memref<640x128xf32, #tpu.memory_space<hbm>>) dst(%dma_wait3A_90 : memref<640x128xf32, #tpu.memory_space<vmem_shared>>)
        tpu.yield
      }) : () -> ()
      %barrier3A = arith.constant 0 : index
      tpu.barrier barrier_id(%barrier3A)
      %run_scoped3A = arith.constant 0 : i32
      "tpu.region"() ({
        %run_scoped3A_84 = tpu.sem_alloc : memref<!tpu.dma_semaphore, #tpu.memory_space<semaphore_mem>>
        %dma_start3A_85 = arith.constant 0 : i32
        %dma_start3A_86 = arith.constant 0 : i32
        %dma_start3A_87 = tpu.memref_slice %arg2[%arg1, %run_scoped3A, %dma_start3A_85, %dma_start3A_86] : memref<16x2x40x128xi32, #tpu.memory_space<hbm>> -> memref<1x1x40x128xi32, #tpu.memory_space<hbm>>
        %dma_start3A_88 = tpu.memref_squeeze %dma_start3A_87 : memref<1x1x40x128xi32, #tpu.memory_space<hbm>> -> memref<40x128xi32, #tpu.memory_space<hbm>>
        %dma_start3A_89 = arith.constant 0 : i32
        %dma_start3A_90 = arith.constant 0 : i32
        %dma_start3A_91 = tpu.memref_slice %arg2[%arg1, %run_scoped3A, %dma_start3A_89, %dma_start3A_90] : memref<16x2x40x128xi32, #tpu.memory_space<hbm>> -> memref<1x1x40x128xi32, #tpu.memory_space<hbm>>
        %dma_start3A_92 = tpu.memref_squeeze %dma_start3A_91 : memref<1x1x40x128xi32, #tpu.memory_space<hbm>> -> memref<40x128xi32, #tpu.memory_space<hbm>>
        tpu.enqueue_dma source(%dma_start3A_92 : memref<40x128xi32, #tpu.memory_space<hbm>>) target(%arg9 : memref<40x128xi32, #tpu.memory_space<vmem>>) target_semaphore(%run_scoped3A_84 : memref<!tpu.dma_semaphore, #tpu.memory_space<semaphore_mem>>)
        %dma_wait3A_93 = arith.constant 0 : i32
        %dma_wait3A_94 = arith.constant 0 : i32
        %dma_wait3A_95 = tpu.memref_slice %arg2[%arg1, %run_scoped3A, %dma_wait3A_93, %dma_wait3A_94] : memref<16x2x40x128xi32, #tpu.memory_space<hbm>> -> memref<1x1x40x128xi32, #tpu.memory_space<hbm>>
        %dma_wait3A_96 = tpu.memref_squeeze %dma_wait3A_95 : memref<1x1x40x128xi32, #tpu.memory_space<hbm>> -> memref<40x128xi32, #tpu.memory_space<hbm>>
        %dma_wait3A_97 = arith.constant 0 : i32
        %dma_wait3A_98 = arith.constant 0 : i32
        %dma_wait3A_99 = tpu.memref_slice %arg2[%arg1, %run_scoped3A, %dma_wait3A_97, %dma_wait3A_98] : memref<16x2x40x128xi32, #tpu.memory_space<hbm>> -> memref<1x1x40x128xi32, #tpu.memory_space<hbm>>
        %dma_wait3A_100 = tpu.memref_squeeze %dma_wait3A_99 : memref<1x1x40x128xi32, #tpu.memory_space<hbm>> -> memref<40x128xi32, #tpu.memory_space<hbm>>
        tpu.wait_dma2 semaphore(%run_scoped3A_84 : memref<!tpu.dma_semaphore, #tpu.memory_space<semaphore_mem>>) src(%dma_wait3A_100 : memref<40x128xi32, #tpu.memory_space<hbm>>) dst(%arg9 : memref<40x128xi32, #tpu.memory_space<vmem>>)
        tpu.yield
      }) : () -> ()
      %run_scoped3A_10 = arith.constant 0 : i32
      "tpu.region"() ({
        %run_scoped3A_84 = tpu.sem_alloc : memref<!tpu.dma_semaphore, #tpu.memory_space<semaphore_mem>>
        %dma_start3A_85 = arith.constant 0 : i32
        %dma_start3A_86 = arith.constant 0 : i32
        %dma_start3A_87 = tpu.memref_slice %arg3[%arg1, %run_scoped3A_10, %dma_start3A_85, %dma_start3A_86] : memref<16x2x40x128xi32, #tpu.memory_space<hbm>> -> memref<1x1x40x128xi32, #tpu.memory_space<hbm>>
        %dma_start3A_88 = tpu.memref_squeeze %dma_start3A_87 : memref<1x1x40x128xi32, #tpu.memory_space<hbm>> -> memref<40x128xi32, #tpu.memory_space<hbm>>
        %dma_start3A_89 = arith.constant 0 : i32
        %dma_start3A_90 = arith.constant 0 : i32
        %dma_start3A_91 = tpu.memref_slice %arg3[%arg1, %run_scoped3A_10, %dma_start3A_89, %dma_start3A_90] : memref<16x2x40x128xi32, #tpu.memory_space<hbm>> -> memref<1x1x40x128xi32, #tpu.memory_space<hbm>>
        %dma_start3A_92 = tpu.memref_squeeze %dma_start3A_91 : memref<1x1x40x128xi32, #tpu.memory_space<hbm>> -> memref<40x128xi32, #tpu.memory_space<hbm>>
        tpu.enqueue_dma source(%dma_start3A_92 : memref<40x128xi32, #tpu.memory_space<hbm>>) target(%arg10 : memref<40x128xi32, #tpu.memory_space<vmem>>) target_semaphore(%run_scoped3A_84 : memref<!tpu.dma_semaphore, #tpu.memory_space<semaphore_mem>>)
        %dma_wait3A_93 = arith.constant 0 : i32
        %dma_wait3A_94 = arith.constant 0 : i32
        %dma_wait3A_95 = tpu.memref_slice %arg3[%arg1, %run_scoped3A_10, %dma_wait3A_93, %dma_wait3A_94] : memref<16x2x40x128xi32, #tpu.memory_space<hbm>> -> memref<1x1x40x128xi32, #tpu.memory_space<hbm>>
        %dma_wait3A_96 = tpu.memref_squeeze %dma_wait3A_95 : memref<1x1x40x128xi32, #tpu.memory_space<hbm>> -> memref<40x128xi32, #tpu.memory_space<hbm>>
        %dma_wait3A_97 = arith.constant 0 : i32
        %dma_wait3A_98 = arith.constant 0 : i32
        %dma_wait3A_99 = tpu.memref_slice %arg3[%arg1, %run_scoped3A_10, %dma_wait3A_97, %dma_wait3A_98] : memref<16x2x40x128xi32, #tpu.memory_space<hbm>> -> memref<1x1x40x128xi32, #tpu.memory_space<hbm>>
        %dma_wait3A_100 = tpu.memref_squeeze %dma_wait3A_99 : memref<1x1x40x128xi32, #tpu.memory_space<hbm>> -> memref<40x128xi32, #tpu.memory_space<hbm>>
        tpu.wait_dma2 semaphore(%run_scoped3A_84 : memref<!tpu.dma_semaphore, #tpu.memory_space<semaphore_mem>>) src(%dma_wait3A_100 : memref<40x128xi32, #tpu.memory_space<hbm>>) dst(%arg10 : memref<40x128xi32, #tpu.memory_space<vmem>>)
        tpu.yield
      }) : () -> ()
      %dma_start3A = arith.constant 0 : i32
      %dma_start3A_11 = arith.constant 0 : i32
      %dma_start3A_12 = tpu.memref_slice %arg9[%dma_start3A, %dma_start3A_11] : memref<40x128xi32, #tpu.memory_space<vmem>> -> memref<1x128xi32, #tpu.memory_space<vmem>>
      %dma_start3A_13 = tpu.memref_squeeze %dma_start3A_12 : memref<1x128xi32, #tpu.memory_space<vmem>> -> memref<128xi32, #tpu.memory_space<vmem>>
      %dma_start3A_14 = arith.constant 0 : i32
      %dma_start3A_15 = arith.constant 0 : i32
      %dma_start3A_16 = tpu.memref_slice %arg6[%dma_start3A_14, %dma_start3A_15] : memref<10000x128xf32, #tpu.memory_space<hbm>> -> memref<10000x128xf32, #tpu.memory_space<hbm>>
      tpu.enqueue_indirect_dma source(%dma_start3A_16 : memref<10000x128xf32, #tpu.memory_space<hbm>>) target(%arg11 : memref<128x128xf32, #tpu.memory_space<vmem>>) offsets(%dma_start3A_13 : memref<128xi32, #tpu.memory_space<vmem>>) semaphore(%arg14 : memref<!tpu.dma_semaphore, #tpu.memory_space<semaphore_mem>>)
      %scan3A = arith.constant 0 : i32
      %scan3A_17 = arith.constant 0 : i32
      %scan3A_18 = arith.constant 19 : i32
      %scan3A_19 = arith.addi %scan3A_17, %scan3A_18 : i32
      %scan3A_20 = arith.constant 1 : i32
      scf.for %scan3A_84 = %scan3A_17 to %scan3A_19 step %scan3A_20  : i32 {
        %mul3A_85 = arith.constant 2 : i32
        %mul3A_86 = arith.muli %mul3A_85, %scan3A_84 : i32
        %add3A = arith.constant 1 : i32
        %add3A_87 = arith.addi %mul3A_86, %add3A : i32
        %dma_start3A_88 = arith.constant 0 : i32
        %dma_start3A_89 = tpu.memref_slice %arg9[%add3A_87, %dma_start3A_88] : memref<40x128xi32, #tpu.memory_space<vmem>> -> memref<1x128xi32, #tpu.memory_space<vmem>>
        %dma_start3A_90 = tpu.memref_squeeze %dma_start3A_89 : memref<1x128xi32, #tpu.memory_space<vmem>> -> memref<128xi32, #tpu.memory_space<vmem>>
        %dma_start3A_91 = arith.constant 0 : i32
        %dma_start3A_92 = arith.constant 0 : i32
        %dma_start3A_93 = tpu.memref_slice %arg6[%dma_start3A_91, %dma_start3A_92] : memref<10000x128xf32, #tpu.memory_space<hbm>> -> memref<10000x128xf32, #tpu.memory_space<hbm>>
        tpu.enqueue_indirect_dma source(%dma_start3A_93 : memref<10000x128xf32, #tpu.memory_space<hbm>>) target(%arg12 : memref<128x128xf32, #tpu.memory_space<vmem>>) offsets(%dma_start3A_90 : memref<128xi32, #tpu.memory_space<vmem>>) semaphore(%arg15 : memref<!tpu.dma_semaphore, #tpu.memory_space<semaphore_mem>>)
        %dma_wait3A_94 = arith.constant 0 : i32
        %dma_wait3A_95 = arith.constant 0 : i32
        %dma_wait3A_96 = tpu.memref_slice %arg6[%dma_wait3A_94, %dma_wait3A_95] : memref<10000x128xf32, #tpu.memory_space<hbm>> -> memref<128x128xf32, #tpu.memory_space<hbm>>
        %dma_wait3A_97 = arith.constant 0 : i32
        %dma_wait3A_98 = arith.constant 0 : i32
        %dma_wait3A_99 = tpu.memref_slice %arg6[%dma_wait3A_97, %dma_wait3A_98] : memref<10000x128xf32, #tpu.memory_space<hbm>> -> memref<128x128xf32, #tpu.memory_space<hbm>>
        tpu.wait_dma2 semaphore(%arg14 : memref<!tpu.dma_semaphore, #tpu.memory_space<semaphore_mem>>) src(%dma_wait3A_99 : memref<128x128xf32, #tpu.memory_space<hbm>>) dst(%arg11 : memref<128x128xf32, #tpu.memory_space<vmem>>)
        "tpu.region"() ({
          %run_scoped3A_116 = tpu.sem_alloc : memref<!tpu.dma_semaphore, #tpu.memory_space<semaphore_mem>>
          %dma_start3A_117 = arith.constant 0 : i32
          %dma_start3A_118 = tpu.memref_slice %arg10[%mul3A_86, %dma_start3A_117] : memref<40x128xi32, #tpu.memory_space<vmem>> -> memref<1x128xi32, #tpu.memory_space<vmem>>
          %dma_start3A_119 = tpu.memref_squeeze %dma_start3A_118 : memref<1x128xi32, #tpu.memory_space<vmem>> -> memref<128xi32, #tpu.memory_space<vmem>>
          %dma_start3A_120 = arith.constant 0 : i32
          %dma_start3A_121 = arith.constant 0 : i32
          %dma_start3A_122 = tpu.memref_slice %arg13[%dma_start3A_120, %dma_start3A_121] : memref<10240x128xf32, #tpu.memory_space<vmem_shared>> -> memref<10240x128xf32, #tpu.memory_space<vmem_shared>>
          tpu.enqueue_indirect_dma source(%arg11 : memref<128x128xf32, #tpu.memory_space<vmem>>) target(%dma_start3A_122 : memref<10240x128xf32, #tpu.memory_space<vmem_shared>>) offsets(%dma_start3A_119 : memref<128xi32, #tpu.memory_space<vmem>>) semaphore(%run_scoped3A_116 : memref<!tpu.dma_semaphore, #tpu.memory_space<semaphore_mem>>) {add = true}
          %dma_wait3A_123 = arith.constant 0 : i32
          %dma_wait3A_124 = tpu.memref_slice %arg10[%mul3A_86, %dma_wait3A_123] : memref<40x128xi32, #tpu.memory_space<vmem>> -> memref<1x128xi32, #tpu.memory_space<vmem>>
          %dma_wait3A_125 = tpu.memref_squeeze %dma_wait3A_124 : memref<1x128xi32, #tpu.memory_space<vmem>> -> memref<128xi32, #tpu.memory_space<vmem>>
          %dma_wait3A_126 = arith.constant 0 : i32
          %dma_wait3A_127 = arith.constant 0 : i32
          %dma_wait3A_128 = tpu.memref_slice %arg13[%dma_wait3A_126, %dma_wait3A_127] : memref<10240x128xf32, #tpu.memory_space<vmem_shared>> -> memref<10240x128xf32, #tpu.memory_space<vmem_shared>>
          tpu.wait_indirect_dma semaphore(%run_scoped3A_116 : memref<!tpu.dma_semaphore, #tpu.memory_space<semaphore_mem>>) src(%arg11 : memref<128x128xf32, #tpu.memory_space<vmem>>) dst(%dma_wait3A_128 : memref<10240x128xf32, #tpu.memory_space<vmem_shared>>)
          tpu.yield
        }) : () -> ()
        %add3A_100 = arith.constant 2 : i32
        %add3A_101 = arith.addi %mul3A_86, %add3A_100 : i32
        %dma_start3A_102 = arith.constant 0 : i32
        %dma_start3A_103 = tpu.memref_slice %arg9[%add3A_101, %dma_start3A_102] : memref<40x128xi32, #tpu.memory_space<vmem>> -> memref<1x128xi32, #tpu.memory_space<vmem>>
        %dma_start3A_104 = tpu.memref_squeeze %dma_start3A_103 : memref<1x128xi32, #tpu.memory_space<vmem>> -> memref<128xi32, #tpu.memory_space<vmem>>
        %dma_start3A_105 = arith.constant 0 : i32
        %dma_start3A_106 = arith.constant 0 : i32
        %dma_start3A_107 = tpu.memref_slice %arg6[%dma_start3A_105, %dma_start3A_106] : memref<10000x128xf32, #tpu.memory_space<hbm>> -> memref<10000x128xf32, #tpu.memory_space<hbm>>
        tpu.enqueue_indirect_dma source(%dma_start3A_107 : memref<10000x128xf32, #tpu.memory_space<hbm>>) target(%arg11 : memref<128x128xf32, #tpu.memory_space<vmem>>) offsets(%dma_start3A_104 : memref<128xi32, #tpu.memory_space<vmem>>) semaphore(%arg14 : memref<!tpu.dma_semaphore, #tpu.memory_space<semaphore_mem>>)
        %dma_wait3A_108 = arith.constant 0 : i32
        %dma_wait3A_109 = arith.constant 0 : i32
        %dma_wait3A_110 = tpu.memref_slice %arg6[%dma_wait3A_108, %dma_wait3A_109] : memref<10000x128xf32, #tpu.memory_space<hbm>> -> memref<128x128xf32, #tpu.memory_space<hbm>>
        %dma_wait3A_111 = arith.constant 0 : i32
        %dma_wait3A_112 = arith.constant 0 : i32
        %dma_wait3A_113 = tpu.memref_slice %arg6[%dma_wait3A_111, %dma_wait3A_112] : memref<10000x128xf32, #tpu.memory_space<hbm>> -> memref<128x128xf32, #tpu.memory_space<hbm>>
        tpu.wait_dma2 semaphore(%arg15 : memref<!tpu.dma_semaphore, #tpu.memory_space<semaphore_mem>>) src(%dma_wait3A_113 : memref<128x128xf32, #tpu.memory_space<hbm>>) dst(%arg12 : memref<128x128xf32, #tpu.memory_space<vmem>>)
        %add3A_114 = arith.constant 1 : i32
        %add3A_115 = arith.addi %mul3A_86, %add3A_114 : i32
        "tpu.region"() ({
          %run_scoped3A_116 = tpu.sem_alloc : memref<!tpu.dma_semaphore, #tpu.memory_space<semaphore_mem>>
          %dma_start3A_117 = arith.constant 0 : i32
          %dma_start3A_118 = tpu.memref_slice %arg10[%add3A_115, %dma_start3A_117] : memref<40x128xi32, #tpu.memory_space<vmem>> -> memref<1x128xi32, #tpu.memory_space<vmem>>
          %dma_start3A_119 = tpu.memref_squeeze %dma_start3A_118 : memref<1x128xi32, #tpu.memory_space<vmem>> -> memref<128xi32, #tpu.memory_space<vmem>>
          %dma_start3A_120 = arith.constant 0 : i32
          %dma_start3A_121 = arith.constant 0 : i32
          %dma_start3A_122 = tpu.memref_slice %arg13[%dma_start3A_120, %dma_start3A_121] : memref<10240x128xf32, #tpu.memory_space<vmem_shared>> -> memref<10240x128xf32, #tpu.memory_space<vmem_shared>>
          tpu.enqueue_indirect_dma source(%arg12 : memref<128x128xf32, #tpu.memory_space<vmem>>) target(%dma_start3A_122 : memref<10240x128xf32, #tpu.memory_space<vmem_shared>>) offsets(%dma_start3A_119 : memref<128xi32, #tpu.memory_space<vmem>>) semaphore(%run_scoped3A_116 : memref<!tpu.dma_semaphore, #tpu.memory_space<semaphore_mem>>) {add = true}
          %dma_wait3A_123 = arith.constant 0 : i32
          %dma_wait3A_124 = tpu.memref_slice %arg10[%add3A_115, %dma_wait3A_123] : memref<40x128xi32, #tpu.memory_space<vmem>> -> memref<1x128xi32, #tpu.memory_space<vmem>>
          %dma_wait3A_125 = tpu.memref_squeeze %dma_wait3A_124 : memref<1x128xi32, #tpu.memory_space<vmem>> -> memref<128xi32, #tpu.memory_space<vmem>>
          %dma_wait3A_126 = arith.constant 0 : i32
          %dma_wait3A_127 = arith.constant 0 : i32
          %dma_wait3A_128 = tpu.memref_slice %arg13[%dma_wait3A_126, %dma_wait3A_127] : memref<10240x128xf32, #tpu.memory_space<vmem_shared>> -> memref<10240x128xf32, #tpu.memory_space<vmem_shared>>
          tpu.wait_indirect_dma semaphore(%run_scoped3A_116 : memref<!tpu.dma_semaphore, #tpu.memory_space<semaphore_mem>>) src(%arg12 : memref<128x128xf32, #tpu.memory_space<vmem>>) dst(%dma_wait3A_128 : memref<10240x128xf32, #tpu.memory_space<vmem_shared>>)
          tpu.yield
        }) : () -> ()
      }
      %scan3A_21 = arith.constant 19 : i32
      %dma_start3A_22 = arith.constant 39 : i32
      %dma_start3A_23 = arith.constant 0 : i32
      %dma_start3A_24 = tpu.memref_slice %arg9[%dma_start3A_22, %dma_start3A_23] : memref<40x128xi32, #tpu.memory_space<vmem>> -> memref<1x128xi32, #tpu.memory_space<vmem>>
      %dma_start3A_25 = tpu.memref_squeeze %dma_start3A_24 : memref<1x128xi32, #tpu.memory_space<vmem>> -> memref<128xi32, #tpu.memory_space<vmem>>
      %dma_start3A_26 = arith.constant 0 : i32
      %dma_start3A_27 = arith.constant 0 : i32
      %dma_start3A_28 = tpu.memref_slice %arg6[%dma_start3A_26, %dma_start3A_27] : memref<10000x128xf32, #tpu.memory_space<hbm>> -> memref<10000x128xf32, #tpu.memory_space<hbm>>
      tpu.enqueue_indirect_dma source(%dma_start3A_28 : memref<10000x128xf32, #tpu.memory_space<hbm>>) target(%arg12 : memref<128x128xf32, #tpu.memory_space<vmem>>) offsets(%dma_start3A_25 : memref<128xi32, #tpu.memory_space<vmem>>) semaphore(%arg15 : memref<!tpu.dma_semaphore, #tpu.memory_space<semaphore_mem>>)
      %dma_wait3A = arith.constant 0 : i32
      %dma_wait3A_29 = arith.constant 0 : i32
      %dma_wait3A_30 = tpu.memref_slice %arg6[%dma_wait3A, %dma_wait3A_29] : memref<10000x128xf32, #tpu.memory_space<hbm>> -> memref<128x128xf32, #tpu.memory_space<hbm>>
      %dma_wait3A_31 = arith.constant 0 : i32
      %dma_wait3A_32 = arith.constant 0 : i32
      %dma_wait3A_33 = tpu.memref_slice %arg6[%dma_wait3A_31, %dma_wait3A_32] : memref<10000x128xf32, #tpu.memory_space<hbm>> -> memref<128x128xf32, #tpu.memory_space<hbm>>
      tpu.wait_dma2 semaphore(%arg14 : memref<!tpu.dma_semaphore, #tpu.memory_space<semaphore_mem>>) src(%dma_wait3A_33 : memref<128x128xf32, #tpu.memory_space<hbm>>) dst(%arg11 : memref<128x128xf32, #tpu.memory_space<vmem>>)
      %run_scoped3A_34 = arith.constant 38 : i32
      "tpu.region"() ({
        %run_scoped3A_84 = tpu.sem_alloc : memref<!tpu.dma_semaphore, #tpu.memory_space<semaphore_mem>>
        %dma_start3A_85 = arith.constant 0 : i32
        %dma_start3A_86 = tpu.memref_slice %arg10[%run_scoped3A_34, %dma_start3A_85] : memref<40x128xi32, #tpu.memory_space<vmem>> -> memref<1x128xi32, #tpu.memory_space<vmem>>
        %dma_start3A_87 = tpu.memref_squeeze %dma_start3A_86 : memref<1x128xi32, #tpu.memory_space<vmem>> -> memref<128xi32, #tpu.memory_space<vmem>>
        %dma_start3A_88 = arith.constant 0 : i32
        %dma_start3A_89 = arith.constant 0 : i32
        %dma_start3A_90 = tpu.memref_slice %arg13[%dma_start3A_88, %dma_start3A_89] : memref<10240x128xf32, #tpu.memory_space<vmem_shared>> -> memref<10240x128xf32, #tpu.memory_space<vmem_shared>>
        tpu.enqueue_indirect_dma source(%arg11 : memref<128x128xf32, #tpu.memory_space<vmem>>) target(%dma_start3A_90 : memref<10240x128xf32, #tpu.memory_space<vmem_shared>>) offsets(%dma_start3A_87 : memref<128xi32, #tpu.memory_space<vmem>>) semaphore(%run_scoped3A_84 : memref<!tpu.dma_semaphore, #tpu.memory_space<semaphore_mem>>) {add = true}
        %dma_wait3A_91 = arith.constant 0 : i32
        %dma_wait3A_92 = tpu.memref_slice %arg10[%run_scoped3A_34, %dma_wait3A_91] : memref<40x128xi32, #tpu.memory_space<vmem>> -> memref<1x128xi32, #tpu.memory_space<vmem>>
        %dma_wait3A_93 = tpu.memref_squeeze %dma_wait3A_92 : memref<1x128xi32, #tpu.memory_space<vmem>> -> memref<128xi32, #tpu.memory_space<vmem>>
        %dma_wait3A_94 = arith.constant 0 : i32
        %dma_wait3A_95 = arith.constant 0 : i32
        %dma_wait3A_96 = tpu.memref_slice %arg13[%dma_wait3A_94, %dma_wait3A_95] : memref<10240x128xf32, #tpu.memory_space<vmem_shared>> -> memref<10240x128xf32, #tpu.memory_space<vmem_shared>>
        tpu.wait_indirect_dma semaphore(%run_scoped3A_84 : memref<!tpu.dma_semaphore, #tpu.memory_space<semaphore_mem>>) src(%arg11 : memref<128x128xf32, #tpu.memory_space<vmem>>) dst(%dma_wait3A_96 : memref<10240x128xf32, #tpu.memory_space<vmem_shared>>)
        tpu.yield
      }) : () -> ()
      %dma_wait3A_35 = arith.constant 0 : i32
      %dma_wait3A_36 = arith.constant 0 : i32
      %dma_wait3A_37 = tpu.memref_slice %arg6[%dma_wait3A_35, %dma_wait3A_36] : memref<10000x128xf32, #tpu.memory_space<hbm>> -> memref<128x128xf32, #tpu.memory_space<hbm>>
      %dma_wait3A_38 = arith.constant 0 : i32
      %dma_wait3A_39 = arith.constant 0 : i32
      %dma_wait3A_40 = tpu.memref_slice %arg6[%dma_wait3A_38, %dma_wait3A_39] : memref<10000x128xf32, #tpu.memory_space<hbm>> -> memref<128x128xf32, #tpu.memory_space<hbm>>
      tpu.wait_dma2 semaphore(%arg15 : memref<!tpu.dma_semaphore, #tpu.memory_space<semaphore_mem>>) src(%dma_wait3A_40 : memref<128x128xf32, #tpu.memory_space<hbm>>) dst(%arg12 : memref<128x128xf32, #tpu.memory_space<vmem>>)
      %run_scoped3A_41 = arith.constant 39 : i32
      "tpu.region"() ({
        %run_scoped3A_84 = tpu.sem_alloc : memref<!tpu.dma_semaphore, #tpu.memory_space<semaphore_mem>>
        %dma_start3A_85 = arith.constant 0 : i32
        %dma_start3A_86 = tpu.memref_slice %arg10[%run_scoped3A_41, %dma_start3A_85] : memref<40x128xi32, #tpu.memory_space<vmem>> -> memref<1x128xi32, #tpu.memory_space<vmem>>
        %dma_start3A_87 = tpu.memref_squeeze %dma_start3A_86 : memref<1x128xi32, #tpu.memory_space<vmem>> -> memref<128xi32, #tpu.memory_space<vmem>>
        %dma_start3A_88 = arith.constant 0 : i32
        %dma_start3A_89 = arith.constant 0 : i32
        %dma_start3A_90 = tpu.memref_slice %arg13[%dma_start3A_88, %dma_start3A_89] : memref<10240x128xf32, #tpu.memory_space<vmem_shared>> -> memref<10240x128xf32, #tpu.memory_space<vmem_shared>>
        tpu.enqueue_indirect_dma source(%arg12 : memref<128x128xf32, #tpu.memory_space<vmem>>) target(%dma_start3A_90 : memref<10240x128xf32, #tpu.memory_space<vmem_shared>>) offsets(%dma_start3A_87 : memref<128xi32, #tpu.memory_space<vmem>>) semaphore(%run_scoped3A_84 : memref<!tpu.dma_semaphore, #tpu.memory_space<semaphore_mem>>) {add = true}
        %dma_wait3A_91 = arith.constant 0 : i32
        %dma_wait3A_92 = tpu.memref_slice %arg10[%run_scoped3A_41, %dma_wait3A_91] : memref<40x128xi32, #tpu.memory_space<vmem>> -> memref<1x128xi32, #tpu.memory_space<vmem>>
        %dma_wait3A_93 = tpu.memref_squeeze %dma_wait3A_92 : memref<1x128xi32, #tpu.memory_space<vmem>> -> memref<128xi32, #tpu.memory_space<vmem>>
        %dma_wait3A_94 = arith.constant 0 : i32
        %dma_wait3A_95 = arith.constant 0 : i32
        %dma_wait3A_96 = tpu.memref_slice %arg13[%dma_wait3A_94, %dma_wait3A_95] : memref<10240x128xf32, #tpu.memory_space<vmem_shared>> -> memref<10240x128xf32, #tpu.memory_space<vmem_shared>>
        tpu.wait_indirect_dma semaphore(%run_scoped3A_84 : memref<!tpu.dma_semaphore, #tpu.memory_space<semaphore_mem>>) src(%arg12 : memref<128x128xf32, #tpu.memory_space<vmem>>) dst(%dma_wait3A_96 : memref<10240x128xf32, #tpu.memory_space<vmem_shared>>)
        tpu.yield
      }) : () -> ()
      %run_scoped3A_42 = arith.constant 1 : i32
      "tpu.region"() ({
        %run_scoped3A_84 = tpu.sem_alloc : memref<!tpu.dma_semaphore, #tpu.memory_space<semaphore_mem>>
        %dma_start3A_85 = arith.constant 0 : i32
        %dma_start3A_86 = arith.constant 0 : i32
        %dma_start3A_87 = tpu.memref_slice %arg2[%arg1, %run_scoped3A_42, %dma_start3A_85, %dma_start3A_86] : memref<16x2x40x128xi32, #tpu.memory_space<hbm>> -> memref<1x1x40x128xi32, #tpu.memory_space<hbm>>
        %dma_start3A_88 = tpu.memref_squeeze %dma_start3A_87 : memref<1x1x40x128xi32, #tpu.memory_space<hbm>> -> memref<40x128xi32, #tpu.memory_space<hbm>>
        %dma_start3A_89 = arith.constant 0 : i32
        %dma_start3A_90 = arith.constant 0 : i32
        %dma_start3A_91 = tpu.memref_slice %arg2[%arg1, %run_scoped3A_42, %dma_start3A_89, %dma_start3A_90] : memref<16x2x40x128xi32, #tpu.memory_space<hbm>> -> memref<1x1x40x128xi32, #tpu.memory_space<hbm>>
        %dma_start3A_92 = tpu.memref_squeeze %dma_start3A_91 : memref<1x1x40x128xi32, #tpu.memory_space<hbm>> -> memref<40x128xi32, #tpu.memory_space<hbm>>
        tpu.enqueue_dma source(%dma_start3A_92 : memref<40x128xi32, #tpu.memory_space<hbm>>) target(%arg9 : memref<40x128xi32, #tpu.memory_space<vmem>>) target_semaphore(%run_scoped3A_84 : memref<!tpu.dma_semaphore, #tpu.memory_space<semaphore_mem>>)
        %dma_wait3A_93 = arith.constant 0 : i32
        %dma_wait3A_94 = arith.constant 0 : i32
        %dma_wait3A_95 = tpu.memref_slice %arg2[%arg1, %run_scoped3A_42, %dma_wait3A_93, %dma_wait3A_94] : memref<16x2x40x128xi32, #tpu.memory_space<hbm>> -> memref<1x1x40x128xi32, #tpu.memory_space<hbm>>
        %dma_wait3A_96 = tpu.memref_squeeze %dma_wait3A_95 : memref<1x1x40x128xi32, #tpu.memory_space<hbm>> -> memref<40x128xi32, #tpu.memory_space<hbm>>
        %dma_wait3A_97 = arith.constant 0 : i32
        %dma_wait3A_98 = arith.constant 0 : i32
        %dma_wait3A_99 = tpu.memref_slice %arg2[%arg1, %run_scoped3A_42, %dma_wait3A_97, %dma_wait3A_98] : memref<16x2x40x128xi32, #tpu.memory_space<hbm>> -> memref<1x1x40x128xi32, #tpu.memory_space<hbm>>
        %dma_wait3A_100 = tpu.memref_squeeze %dma_wait3A_99 : memref<1x1x40x128xi32, #tpu.memory_space<hbm>> -> memref<40x128xi32, #tpu.memory_space<hbm>>
        tpu.wait_dma2 semaphore(%run_scoped3A_84 : memref<!tpu.dma_semaphore, #tpu.memory_space<semaphore_mem>>) src(%dma_wait3A_100 : memref<40x128xi32, #tpu.memory_space<hbm>>) dst(%arg9 : memref<40x128xi32, #tpu.memory_space<vmem>>)
        tpu.yield
      }) : () -> ()
      %run_scoped3A_43 = arith.constant 1 : i32
      "tpu.region"() ({
        %run_scoped3A_84 = tpu.sem_alloc : memref<!tpu.dma_semaphore, #tpu.memory_space<semaphore_mem>>
        %dma_start3A_85 = arith.constant 0 : i32
        %dma_start3A_86 = arith.constant 0 : i32
        %dma_start3A_87 = tpu.memref_slice %arg3[%arg1, %run_scoped3A_43, %dma_start3A_85, %dma_start3A_86] : memref<16x2x40x128xi32, #tpu.memory_space<hbm>> -> memref<1x1x40x128xi32, #tpu.memory_space<hbm>>
        %dma_start3A_88 = tpu.memref_squeeze %dma_start3A_87 : memref<1x1x40x128xi32, #tpu.memory_space<hbm>> -> memref<40x128xi32, #tpu.memory_space<hbm>>
        %dma_start3A_89 = arith.constant 0 : i32
        %dma_start3A_90 = arith.constant 0 : i32
        %dma_start3A_91 = tpu.memref_slice %arg3[%arg1, %run_scoped3A_43, %dma_start3A_89, %dma_start3A_90] : memref<16x2x40x128xi32, #tpu.memory_space<hbm>> -> memref<1x1x40x128xi32, #tpu.memory_space<hbm>>
        %dma_start3A_92 = tpu.memref_squeeze %dma_start3A_91 : memref<1x1x40x128xi32, #tpu.memory_space<hbm>> -> memref<40x128xi32, #tpu.memory_space<hbm>>
        tpu.enqueue_dma source(%dma_start3A_92 : memref<40x128xi32, #tpu.memory_space<hbm>>) target(%arg10 : memref<40x128xi32, #tpu.memory_space<vmem>>) target_semaphore(%run_scoped3A_84 : memref<!tpu.dma_semaphore, #tpu.memory_space<semaphore_mem>>)
        %dma_wait3A_93 = arith.constant 0 : i32
        %dma_wait3A_94 = arith.constant 0 : i32
        %dma_wait3A_95 = tpu.memref_slice %arg3[%arg1, %run_scoped3A_43, %dma_wait3A_93, %dma_wait3A_94] : memref<16x2x40x128xi32, #tpu.memory_space<hbm>> -> memref<1x1x40x128xi32, #tpu.memory_space<hbm>>
        %dma_wait3A_96 = tpu.memref_squeeze %dma_wait3A_95 : memref<1x1x40x128xi32, #tpu.memory_space<hbm>> -> memref<40x128xi32, #tpu.memory_space<hbm>>
        %dma_wait3A_97 = arith.constant 0 : i32
        %dma_wait3A_98 = arith.constant 0 : i32
        %dma_wait3A_99 = tpu.memref_slice %arg3[%arg1, %run_scoped3A_43, %dma_wait3A_97, %dma_wait3A_98] : memref<16x2x40x128xi32, #tpu.memory_space<hbm>> -> memref<1x1x40x128xi32, #tpu.memory_space<hbm>>
        %dma_wait3A_100 = tpu.memref_squeeze %dma_wait3A_99 : memref<1x1x40x128xi32, #tpu.memory_space<hbm>> -> memref<40x128xi32, #tpu.memory_space<hbm>>
        tpu.wait_dma2 semaphore(%run_scoped3A_84 : memref<!tpu.dma_semaphore, #tpu.memory_space<semaphore_mem>>) src(%dma_wait3A_100 : memref<40x128xi32, #tpu.memory_space<hbm>>) dst(%arg10 : memref<40x128xi32, #tpu.memory_space<vmem>>)
        tpu.yield
      }) : () -> ()
      %dma_start3A_44 = arith.constant 0 : i32
      %dma_start3A_45 = arith.constant 0 : i32
      %dma_start3A_46 = tpu.memref_slice %arg9[%dma_start3A_44, %dma_start3A_45] : memref<40x128xi32, #tpu.memory_space<vmem>> -> memref<1x128xi32, #tpu.memory_space<vmem>>
      %dma_start3A_47 = tpu.memref_squeeze %dma_start3A_46 : memref<1x128xi32, #tpu.memory_space<vmem>> -> memref<128xi32, #tpu.memory_space<vmem>>
      %dma_start3A_48 = arith.constant 0 : i32
      %dma_start3A_49 = arith.constant 0 : i32
      %dma_start3A_50 = tpu.memref_slice %arg6[%dma_start3A_48, %dma_start3A_49] : memref<10000x128xf32, #tpu.memory_space<hbm>> -> memref<10000x128xf32, #tpu.memory_space<hbm>>
      tpu.enqueue_indirect_dma source(%dma_start3A_50 : memref<10000x128xf32, #tpu.memory_space<hbm>>) target(%arg11 : memref<128x128xf32, #tpu.memory_space<vmem>>) offsets(%dma_start3A_47 : memref<128xi32, #tpu.memory_space<vmem>>) semaphore(%arg14 : memref<!tpu.dma_semaphore, #tpu.memory_space<semaphore_mem>>)
      %scan3A_51 = arith.constant 0 : i32
      %scan3A_52 = arith.constant 0 : i32
      %scan3A_53 = arith.constant 19 : i32
      %scan3A_54 = arith.addi %scan3A_52, %scan3A_53 : i32
      %scan3A_55 = arith.constant 1 : i32
      scf.for %scan3A_84 = %scan3A_52 to %scan3A_54 step %scan3A_55  : i32 {
        %mul3A_85 = arith.constant 2 : i32
        %mul3A_86 = arith.muli %mul3A_85, %scan3A_84 : i32
        %add3A = arith.constant 1 : i32
        %add3A_87 = arith.addi %mul3A_86, %add3A : i32
        %dma_start3A_88 = arith.constant 0 : i32
        %dma_start3A_89 = tpu.memref_slice %arg9[%add3A_87, %dma_start3A_88] : memref<40x128xi32, #tpu.memory_space<vmem>> -> memref<1x128xi32, #tpu.memory_space<vmem>>
        %dma_start3A_90 = tpu.memref_squeeze %dma_start3A_89 : memref<1x128xi32, #tpu.memory_space<vmem>> -> memref<128xi32, #tpu.memory_space<vmem>>
        %dma_start3A_91 = arith.constant 0 : i32
        %dma_start3A_92 = arith.constant 0 : i32
        %dma_start3A_93 = tpu.memref_slice %arg6[%dma_start3A_91, %dma_start3A_92] : memref<10000x128xf32, #tpu.memory_space<hbm>> -> memref<10000x128xf32, #tpu.memory_space<hbm>>
        tpu.enqueue_indirect_dma source(%dma_start3A_93 : memref<10000x128xf32, #tpu.memory_space<hbm>>) target(%arg12 : memref<128x128xf32, #tpu.memory_space<vmem>>) offsets(%dma_start3A_90 : memref<128xi32, #tpu.memory_space<vmem>>) semaphore(%arg15 : memref<!tpu.dma_semaphore, #tpu.memory_space<semaphore_mem>>)
        %dma_wait3A_94 = arith.constant 0 : i32
        %dma_wait3A_95 = arith.constant 0 : i32
        %dma_wait3A_96 = tpu.memref_slice %arg6[%dma_wait3A_94, %dma_wait3A_95] : memref<10000x128xf32, #tpu.memory_space<hbm>> -> memref<128x128xf32, #tpu.memory_space<hbm>>
        %dma_wait3A_97 = arith.constant 0 : i32
        %dma_wait3A_98 = arith.constant 0 : i32
        %dma_wait3A_99 = tpu.memref_slice %arg6[%dma_wait3A_97, %dma_wait3A_98] : memref<10000x128xf32, #tpu.memory_space<hbm>> -> memref<128x128xf32, #tpu.memory_space<hbm>>
        tpu.wait_dma2 semaphore(%arg14 : memref<!tpu.dma_semaphore, #tpu.memory_space<semaphore_mem>>) src(%dma_wait3A_99 : memref<128x128xf32, #tpu.memory_space<hbm>>) dst(%arg11 : memref<128x128xf32, #tpu.memory_space<vmem>>)
        "tpu.region"() ({
          %run_scoped3A_116 = tpu.sem_alloc : memref<!tpu.dma_semaphore, #tpu.memory_space<semaphore_mem>>
          %dma_start3A_117 = arith.constant 0 : i32
          %dma_start3A_118 = tpu.memref_slice %arg10[%mul3A_86, %dma_start3A_117] : memref<40x128xi32, #tpu.memory_space<vmem>> -> memref<1x128xi32, #tpu.memory_space<vmem>>
          %dma_start3A_119 = tpu.memref_squeeze %dma_start3A_118 : memref<1x128xi32, #tpu.memory_space<vmem>> -> memref<128xi32, #tpu.memory_space<vmem>>
          %dma_start3A_120 = arith.constant 0 : i32
          %dma_start3A_121 = arith.constant 0 : i32
          %dma_start3A_122 = tpu.memref_slice %arg13[%dma_start3A_120, %dma_start3A_121] : memref<10240x128xf32, #tpu.memory_space<vmem_shared>> -> memref<10240x128xf32, #tpu.memory_space<vmem_shared>>
          tpu.enqueue_indirect_dma source(%arg11 : memref<128x128xf32, #tpu.memory_space<vmem>>) target(%dma_start3A_122 : memref<10240x128xf32, #tpu.memory_space<vmem_shared>>) offsets(%dma_start3A_119 : memref<128xi32, #tpu.memory_space<vmem>>) semaphore(%run_scoped3A_116 : memref<!tpu.dma_semaphore, #tpu.memory_space<semaphore_mem>>) {add = true}
          %dma_wait3A_123 = arith.constant 0 : i32
          %dma_wait3A_124 = tpu.memref_slice %arg10[%mul3A_86, %dma_wait3A_123] : memref<40x128xi32, #tpu.memory_space<vmem>> -> memref<1x128xi32, #tpu.memory_space<vmem>>
          %dma_wait3A_125 = tpu.memref_squeeze %dma_wait3A_124 : memref<1x128xi32, #tpu.memory_space<vmem>> -> memref<128xi32, #tpu.memory_space<vmem>>
          %dma_wait3A_126 = arith.constant 0 : i32
          %dma_wait3A_127 = arith.constant 0 : i32
          %dma_wait3A_128 = tpu.memref_slice %arg13[%dma_wait3A_126, %dma_wait3A_127] : memref<10240x128xf32, #tpu.memory_space<vmem_shared>> -> memref<10240x128xf32, #tpu.memory_space<vmem_shared>>
          tpu.wait_indirect_dma semaphore(%run_scoped3A_116 : memref<!tpu.dma_semaphore, #tpu.memory_space<semaphore_mem>>) src(%arg11 : memref<128x128xf32, #tpu.memory_space<vmem>>) dst(%dma_wait3A_128 : memref<10240x128xf32, #tpu.memory_space<vmem_shared>>)
          tpu.yield
        }) : () -> ()
        %add3A_100 = arith.constant 2 : i32
        %add3A_101 = arith.addi %mul3A_86, %add3A_100 : i32
        %dma_start3A_102 = arith.constant 0 : i32
        %dma_start3A_103 = tpu.memref_slice %arg9[%add3A_101, %dma_start3A_102] : memref<40x128xi32, #tpu.memory_space<vmem>> -> memref<1x128xi32, #tpu.memory_space<vmem>>
        %dma_start3A_104 = tpu.memref_squeeze %dma_start3A_103 : memref<1x128xi32, #tpu.memory_space<vmem>> -> memref<128xi32, #tpu.memory_space<vmem>>
        %dma_start3A_105 = arith.constant 0 : i32
        %dma_start3A_106 = arith.constant 0 : i32
        %dma_start3A_107 = tpu.memref_slice %arg6[%dma_start3A_105, %dma_start3A_106] : memref<10000x128xf32, #tpu.memory_space<hbm>> -> memref<10000x128xf32, #tpu.memory_space<hbm>>
        tpu.enqueue_indirect_dma source(%dma_start3A_107 : memref<10000x128xf32, #tpu.memory_space<hbm>>) target(%arg11 : memref<128x128xf32, #tpu.memory_space<vmem>>) offsets(%dma_start3A_104 : memref<128xi32, #tpu.memory_space<vmem>>) semaphore(%arg14 : memref<!tpu.dma_semaphore, #tpu.memory_space<semaphore_mem>>)
        %dma_wait3A_108 = arith.constant 0 : i32
        %dma_wait3A_109 = arith.constant 0 : i32
        %dma_wait3A_110 = tpu.memref_slice %arg6[%dma_wait3A_108, %dma_wait3A_109] : memref<10000x128xf32, #tpu.memory_space<hbm>> -> memref<128x128xf32, #tpu.memory_space<hbm>>
        %dma_wait3A_111 = arith.constant 0 : i32
        %dma_wait3A_112 = arith.constant 0 : i32
        %dma_wait3A_113 = tpu.memref_slice %arg6[%dma_wait3A_111, %dma_wait3A_112] : memref<10000x128xf32, #tpu.memory_space<hbm>> -> memref<128x128xf32, #tpu.memory_space<hbm>>
        tpu.wait_dma2 semaphore(%arg15 : memref<!tpu.dma_semaphore, #tpu.memory_space<semaphore_mem>>) src(%dma_wait3A_113 : memref<128x128xf32, #tpu.memory_space<hbm>>) dst(%arg12 : memref<128x128xf32, #tpu.memory_space<vmem>>)
        %add3A_114 = arith.constant 1 : i32
        %add3A_115 = arith.addi %mul3A_86, %add3A_114 : i32
        "tpu.region"() ({
          %run_scoped3A_116 = tpu.sem_alloc : memref<!tpu.dma_semaphore, #tpu.memory_space<semaphore_mem>>
          %dma_start3A_117 = arith.constant 0 : i32
          %dma_start3A_118 = tpu.memref_slice %arg10[%add3A_115, %dma_start3A_117] : memref<40x128xi32, #tpu.memory_space<vmem>> -> memref<1x128xi32, #tpu.memory_space<vmem>>
          %dma_start3A_119 = tpu.memref_squeeze %dma_start3A_118 : memref<1x128xi32, #tpu.memory_space<vmem>> -> memref<128xi32, #tpu.memory_space<vmem>>
          %dma_start3A_120 = arith.constant 0 : i32
          %dma_start3A_121 = arith.constant 0 : i32
          %dma_start3A_122 = tpu.memref_slice %arg13[%dma_start3A_120, %dma_start3A_121] : memref<10240x128xf32, #tpu.memory_space<vmem_shared>> -> memref<10240x128xf32, #tpu.memory_space<vmem_shared>>
          tpu.enqueue_indirect_dma source(%arg12 : memref<128x128xf32, #tpu.memory_space<vmem>>) target(%dma_start3A_122 : memref<10240x128xf32, #tpu.memory_space<vmem_shared>>) offsets(%dma_start3A_119 : memref<128xi32, #tpu.memory_space<vmem>>) semaphore(%run_scoped3A_116 : memref<!tpu.dma_semaphore, #tpu.memory_space<semaphore_mem>>) {add = true}
          %dma_wait3A_123 = arith.constant 0 : i32
          %dma_wait3A_124 = tpu.memref_slice %arg10[%add3A_115, %dma_wait3A_123] : memref<40x128xi32, #tpu.memory_space<vmem>> -> memref<1x128xi32, #tpu.memory_space<vmem>>
          %dma_wait3A_125 = tpu.memref_squeeze %dma_wait3A_124 : memref<1x128xi32, #tpu.memory_space<vmem>> -> memref<128xi32, #tpu.memory_space<vmem>>
          %dma_wait3A_126 = arith.constant 0 : i32
          %dma_wait3A_127 = arith.constant 0 : i32
          %dma_wait3A_128 = tpu.memref_slice %arg13[%dma_wait3A_126, %dma_wait3A_127] : memref<10240x128xf32, #tpu.memory_space<vmem_shared>> -> memref<10240x128xf32, #tpu.memory_space<vmem_shared>>
          tpu.wait_indirect_dma semaphore(%run_scoped3A_116 : memref<!tpu.dma_semaphore, #tpu.memory_space<semaphore_mem>>) src(%arg12 : memref<128x128xf32, #tpu.memory_space<vmem>>) dst(%dma_wait3A_128 : memref<10240x128xf32, #tpu.memory_space<vmem_shared>>)
          tpu.yield
        }) : () -> ()
      }
      %scan3A_56 = arith.constant 19 : i32
      %dma_start3A_57 = arith.constant 39 : i32
      %dma_start3A_58 = arith.constant 0 : i32
      %dma_start3A_59 = tpu.memref_slice %arg9[%dma_start3A_57, %dma_start3A_58] : memref<40x128xi32, #tpu.memory_space<vmem>> -> memref<1x128xi32, #tpu.memory_space<vmem>>
      %dma_start3A_60 = tpu.memref_squeeze %dma_start3A_59 : memref<1x128xi32, #tpu.memory_space<vmem>> -> memref<128xi32, #tpu.memory_space<vmem>>
      %dma_start3A_61 = arith.constant 0 : i32
      %dma_start3A_62 = arith.constant 0 : i32
      %dma_start3A_63 = tpu.memref_slice %arg6[%dma_start3A_61, %dma_start3A_62] : memref<10000x128xf32, #tpu.memory_space<hbm>> -> memref<10000x128xf32, #tpu.memory_space<hbm>>
      tpu.enqueue_indirect_dma source(%dma_start3A_63 : memref<10000x128xf32, #tpu.memory_space<hbm>>) target(%arg12 : memref<128x128xf32, #tpu.memory_space<vmem>>) offsets(%dma_start3A_60 : memref<128xi32, #tpu.memory_space<vmem>>) semaphore(%arg15 : memref<!tpu.dma_semaphore, #tpu.memory_space<semaphore_mem>>)
      %dma_wait3A_64 = arith.constant 0 : i32
      %dma_wait3A_65 = arith.constant 0 : i32
      %dma_wait3A_66 = tpu.memref_slice %arg6[%dma_wait3A_64, %dma_wait3A_65] : memref<10000x128xf32, #tpu.memory_space<hbm>> -> memref<128x128xf32, #tpu.memory_space<hbm>>
      %dma_wait3A_67 = arith.constant 0 : i32
      %dma_wait3A_68 = arith.constant 0 : i32
      %dma_wait3A_69 = tpu.memref_slice %arg6[%dma_wait3A_67, %dma_wait3A_68] : memref<10000x128xf32, #tpu.memory_space<hbm>> -> memref<128x128xf32, #tpu.memory_space<hbm>>
      tpu.wait_dma2 semaphore(%arg14 : memref<!tpu.dma_semaphore, #tpu.memory_space<semaphore_mem>>) src(%dma_wait3A_69 : memref<128x128xf32, #tpu.memory_space<hbm>>) dst(%arg11 : memref<128x128xf32, #tpu.memory_space<vmem>>)
      %run_scoped3A_70 = arith.constant 38 : i32
      "tpu.region"() ({
        %run_scoped3A_84 = tpu.sem_alloc : memref<!tpu.dma_semaphore, #tpu.memory_space<semaphore_mem>>
        %dma_start3A_85 = arith.constant 0 : i32
        %dma_start3A_86 = tpu.memref_slice %arg10[%run_scoped3A_70, %dma_start3A_85] : memref<40x128xi32, #tpu.memory_space<vmem>> -> memref<1x128xi32, #tpu.memory_space<vmem>>
        %dma_start3A_87 = tpu.memref_squeeze %dma_start3A_86 : memref<1x128xi32, #tpu.memory_space<vmem>> -> memref<128xi32, #tpu.memory_space<vmem>>
        %dma_start3A_88 = arith.constant 0 : i32
        %dma_start3A_89 = arith.constant 0 : i32
        %dma_start3A_90 = tpu.memref_slice %arg13[%dma_start3A_88, %dma_start3A_89] : memref<10240x128xf32, #tpu.memory_space<vmem_shared>> -> memref<10240x128xf32, #tpu.memory_space<vmem_shared>>
        tpu.enqueue_indirect_dma source(%arg11 : memref<128x128xf32, #tpu.memory_space<vmem>>) target(%dma_start3A_90 : memref<10240x128xf32, #tpu.memory_space<vmem_shared>>) offsets(%dma_start3A_87 : memref<128xi32, #tpu.memory_space<vmem>>) semaphore(%run_scoped3A_84 : memref<!tpu.dma_semaphore, #tpu.memory_space<semaphore_mem>>) {add = true}
        %dma_wait3A_91 = arith.constant 0 : i32
        %dma_wait3A_92 = tpu.memref_slice %arg10[%run_scoped3A_70, %dma_wait3A_91] : memref<40x128xi32, #tpu.memory_space<vmem>> -> memref<1x128xi32, #tpu.memory_space<vmem>>
        %dma_wait3A_93 = tpu.memref_squeeze %dma_wait3A_92 : memref<1x128xi32, #tpu.memory_space<vmem>> -> memref<128xi32, #tpu.memory_space<vmem>>
        %dma_wait3A_94 = arith.constant 0 : i32
        %dma_wait3A_95 = arith.constant 0 : i32
        %dma_wait3A_96 = tpu.memref_slice %arg13[%dma_wait3A_94, %dma_wait3A_95] : memref<10240x128xf32, #tpu.memory_space<vmem_shared>> -> memref<10240x128xf32, #tpu.memory_space<vmem_shared>>
        tpu.wait_indirect_dma semaphore(%run_scoped3A_84 : memref<!tpu.dma_semaphore, #tpu.memory_space<semaphore_mem>>) src(%arg11 : memref<128x128xf32, #tpu.memory_space<vmem>>) dst(%dma_wait3A_96 : memref<10240x128xf32, #tpu.memory_space<vmem_shared>>)
        tpu.yield
      }) : () -> ()
      %dma_wait3A_71 = arith.constant 0 : i32
      %dma_wait3A_72 = arith.constant 0 : i32
      %dma_wait3A_73 = tpu.memref_slice %arg6[%dma_wait3A_71, %dma_wait3A_72] : memref<10000x128xf32, #tpu.memory_space<hbm>> -> memref<128x128xf32, #tpu.memory_space<hbm>>
      %dma_wait3A_74 = arith.constant 0 : i32
      %dma_wait3A_75 = arith.constant 0 : i32
      %dma_wait3A_76 = tpu.memref_slice %arg6[%dma_wait3A_74, %dma_wait3A_75] : memref<10000x128xf32, #tpu.memory_space<hbm>> -> memref<128x128xf32, #tpu.memory_space<hbm>>
      tpu.wait_dma2 semaphore(%arg15 : memref<!tpu.dma_semaphore, #tpu.memory_space<semaphore_mem>>) src(%dma_wait3A_76 : memref<128x128xf32, #tpu.memory_space<hbm>>) dst(%arg12 : memref<128x128xf32, #tpu.memory_space<vmem>>)
      %run_scoped3A_77 = arith.constant 39 : i32
      "tpu.region"() ({
        %run_scoped3A_84 = tpu.sem_alloc : memref<!tpu.dma_semaphore, #tpu.memory_space<semaphore_mem>>
        %dma_start3A_85 = arith.constant 0 : i32
        %dma_start3A_86 = tpu.memref_slice %arg10[%run_scoped3A_77, %dma_start3A_85] : memref<40x128xi32, #tpu.memory_space<vmem>> -> memref<1x128xi32, #tpu.memory_space<vmem>>
        %dma_start3A_87 = tpu.memref_squeeze %dma_start3A_86 : memref<1x128xi32, #tpu.memory_space<vmem>> -> memref<128xi32, #tpu.memory_space<vmem>>
        %dma_start3A_88 = arith.constant 0 : i32
        %dma_start3A_89 = arith.constant 0 : i32
        %dma_start3A_90 = tpu.memref_slice %arg13[%dma_start3A_88, %dma_start3A_89] : memref<10240x128xf32, #tpu.memory_space<vmem_shared>> -> memref<10240x128xf32, #tpu.memory_space<vmem_shared>>
        tpu.enqueue_indirect_dma source(%arg12 : memref<128x128xf32, #tpu.memory_space<vmem>>) target(%dma_start3A_90 : memref<10240x128xf32, #tpu.memory_space<vmem_shared>>) offsets(%dma_start3A_87 : memref<128xi32, #tpu.memory_space<vmem>>) semaphore(%run_scoped3A_84 : memref<!tpu.dma_semaphore, #tpu.memory_space<semaphore_mem>>) {add = true}
        %dma_wait3A_91 = arith.constant 0 : i32
        %dma_wait3A_92 = tpu.memref_slice %arg10[%run_scoped3A_77, %dma_wait3A_91] : memref<40x128xi32, #tpu.memory_space<vmem>> -> memref<1x128xi32, #tpu.memory_space<vmem>>
        %dma_wait3A_93 = tpu.memref_squeeze %dma_wait3A_92 : memref<1x128xi32, #tpu.memory_space<vmem>> -> memref<128xi32, #tpu.memory_space<vmem>>
        %dma_wait3A_94 = arith.constant 0 : i32
        %dma_wait3A_95 = arith.constant 0 : i32
        %dma_wait3A_96 = tpu.memref_slice %arg13[%dma_wait3A_94, %dma_wait3A_95] : memref<10240x128xf32, #tpu.memory_space<vmem_shared>> -> memref<10240x128xf32, #tpu.memory_space<vmem_shared>>
        tpu.wait_indirect_dma semaphore(%run_scoped3A_84 : memref<!tpu.dma_semaphore, #tpu.memory_space<semaphore_mem>>) src(%arg12 : memref<128x128xf32, #tpu.memory_space<vmem>>) dst(%dma_wait3A_96 : memref<10240x128xf32, #tpu.memory_space<vmem_shared>>)
        tpu.yield
      }) : () -> ()
      %barrier3A_78 = arith.constant 0 : index
      tpu.barrier barrier_id(%barrier3A_78)
      %mul3A_79 = arith.constant 640 : i32
      %mul3A_80 = arith.muli %arg1, %mul3A_79 : i32
      %mul3A_81 = arith.constant 640 : i32
      %mul3A_82 = arith.muli %arg1, %mul3A_81 : i32
      "tpu.region"() ({
        %run_scoped3A_84 = tpu.sem_alloc : memref<!tpu.dma_semaphore, #tpu.memory_space<semaphore_mem>>
        %dma_start3A_85 = arith.constant 0 : i32
        %dma_start3A_86 = tpu.memref_slice %arg8[%mul3A_82, %dma_start3A_85] : memref<10240x128xf32, #tpu.memory_space<hbm>> -> memref<640x128xf32, #tpu.memory_space<hbm>>
        %dma_start3A_87 = arith.constant 0 : i32
        %dma_start3A_88 = tpu.memref_slice %arg13[%mul3A_80, %dma_start3A_87] : memref<10240x128xf32, #tpu.memory_space<vmem_shared>> -> memref<640x128xf32, #tpu.memory_space<vmem_shared>>
        tpu.enqueue_dma source(%dma_start3A_88 : memref<640x128xf32, #tpu.memory_space<vmem_shared>>) target(%dma_start3A_86 : memref<640x128xf32, #tpu.memory_space<hbm>>) target_semaphore(%run_scoped3A_84 : memref<!tpu.dma_semaphore, #tpu.memory_space<semaphore_mem>>)
        %dma_wait3A_89 = arith.constant 0 : i32
        %dma_wait3A_90 = tpu.memref_slice %arg8[%mul3A_82, %dma_wait3A_89] : memref<10240x128xf32, #tpu.memory_space<hbm>> -> memref<640x128xf32, #tpu.memory_space<hbm>>
        %dma_wait3A_91 = arith.constant 0 : i32
        %dma_wait3A_92 = tpu.memref_slice %arg13[%mul3A_80, %dma_wait3A_91] : memref<10240x128xf32, #tpu.memory_space<vmem_shared>> -> memref<640x128xf32, #tpu.memory_space<vmem_shared>>
        tpu.wait_dma2 semaphore(%run_scoped3A_84 : memref<!tpu.dma_semaphore, #tpu.memory_space<semaphore_mem>>) src(%dma_wait3A_92 : memref<640x128xf32, #tpu.memory_space<vmem_shared>>) dst(%dma_wait3A_90 : memref<640x128xf32, #tpu.memory_space<hbm>>)
        tpu.yield
      }) : () -> ()
      %barrier3A_83 = arith.constant 0 : index
      tpu.barrier barrier_id(%barrier3A_83)
    } else {
    }
    return
  }
}

#map = affine_map<(d0, d1) -> (0, 0, 0, 0)>
#map1 = affine_map<(d0, d1) -> (0, 0)>
module attributes {stable_mosaic.version = 14 : i64} {
  func.func @body(%arg0: i32, %arg1: i32, %arg2: memref<16x2x40x128xi32, #tpu.memory_space<hbm>>, %arg3: memref<16x2x40x128xi32, #tpu.memory_space<hbm>>, %arg4: memref<10240x128xf32, #tpu.memory_space<hbm>>, %arg5: memref<10000x128xf32, #tpu.memory_space<hbm>>, %arg6: memref<10000x128xf32, #tpu.memory_space<hbm>>, %arg7: memref<10000x128xf32, #tpu.memory_space<hbm>>, %arg8: memref<10000x128xf32, #tpu.memory_space<hbm>>, %arg9: memref<10240x128xf32, #tpu.memory_space<hbm>>, %arg10: memref<10240x128xf32, #tpu.memory_space<hbm>>, %arg11: memref<10240x128xf32, #tpu.memory_space<hbm>>, %arg12: memref<10240x128xf32, #tpu.memory_space<hbm>>, %arg13: memref<40x128xi32, #tpu.memory_space<vmem>>, %arg14: memref<40x128xi32, #tpu.memory_space<vmem>>, %arg15: memref<128x128xf32, #tpu.memory_space<vmem>>, %arg16: memref<128x128xf32, #tpu.memory_space<vmem>>, %arg17: memref<10240x128xf32, #tpu.memory_space<vmem_shared>>, %arg18: memref<!tpu.dma_semaphore, #tpu.memory_space<semaphore_mem>>, %arg19: memref<!tpu.dma_semaphore, #tpu.memory_space<semaphore_mem>>) attributes {dimension_semantics = [#tpu.dimension_semantics<core_parallel>, #tpu.dimension_semantics<subcore_parallel>], iteration_bounds = array<i64: 2, 16>, scalar_prefetch = 0 : i64, scratch_operands = 7 : i64, tpu.core_type = #tpu.core_type<sc_vector_subcore>, window_params = [{transform_indices = #map}, {transform_indices = #map}, {transform_indices = #map1}, {transform_indices = #map1}, {transform_indices = #map1}, {transform_indices = #map1}, {transform_indices = #map1}, {transform_indices = #map1}, {transform_indices = #map1}, {transform_indices = #map1}, {transform_indices = #map1}]} {
    %eq3A = arith.constant 0 : i32
    %eq3A_0 = arith.cmpi eq, %arg0, %eq3A : i32
    %convert_element_type3A = arith.extui %eq3A_0 : i1 to i32
    %cond3A = arith.constant 0 : i32
    %cond3A_1 = arith.cmpi ne, %convert_element_type3A, %cond3A : i32
    scf.if %cond3A_1 {
      %mul3A = arith.constant 640 : i32
      %mul3A_17 = arith.muli %arg1, %mul3A : i32
      %mul3A_18 = arith.constant 640 : i32
      %mul3A_19 = arith.muli %arg1, %mul3A_18 : i32
      "tpu.region"() ({
        %run_scoped3A_94 = tpu.sem_alloc : memref<!tpu.dma_semaphore, #tpu.memory_space<semaphore_mem>>
        %dma_start3A_95 = arith.constant 0 : i32
        %dma_start3A_96 = tpu.memref_slice %arg17[%mul3A_19, %dma_start3A_95] : memref<10240x128xf32, #tpu.memory_space<vmem_shared>> -> memref<640x128xf32, #tpu.memory_space<vmem_shared>>
        %dma_start3A_97 = arith.constant 0 : i32
        %dma_start3A_98 = tpu.memref_slice %arg4[%mul3A_17, %dma_start3A_97] : memref<10240x128xf32, #tpu.memory_space<hbm>> -> memref<640x128xf32, #tpu.memory_space<hbm>>
        tpu.enqueue_dma source(%dma_start3A_98 : memref<640x128xf32, #tpu.memory_space<hbm>>) target(%dma_start3A_96 : memref<640x128xf32, #tpu.memory_space<vmem_shared>>) target_semaphore(%run_scoped3A_94 : memref<!tpu.dma_semaphore, #tpu.memory_space<semaphore_mem>>)
        %dma_wait3A_99 = arith.constant 0 : i32
        %dma_wait3A_100 = tpu.memref_slice %arg17[%mul3A_19, %dma_wait3A_99] : memref<10240x128xf32, #tpu.memory_space<vmem_shared>> -> memref<640x128xf32, #tpu.memory_space<vmem_shared>>
        %dma_wait3A_101 = arith.constant 0 : i32
        %dma_wait3A_102 = tpu.memref_slice %arg4[%mul3A_17, %dma_wait3A_101] : memref<10240x128xf32, #tpu.memory_space<hbm>> -> memref<640x128xf32, #tpu.memory_space<hbm>>
        tpu.wait_dma2 semaphore(%run_scoped3A_94 : memref<!tpu.dma_semaphore, #tpu.memory_space<semaphore_mem>>) src(%dma_wait3A_102 : memref<640x128xf32, #tpu.memory_space<hbm>>) dst(%dma_wait3A_100 : memref<640x128xf32, #tpu.memory_space<vmem_shared>>)
        tpu.yield
      }) : () -> ()
      %barrier3A = arith.constant 0 : index
      tpu.barrier barrier_id(%barrier3A)
      %run_scoped3A = arith.constant 0 : i32
      "tpu.region"() ({
        %run_scoped3A_94 = tpu.sem_alloc : memref<!tpu.dma_semaphore, #tpu.memory_space<semaphore_mem>>
        %dma_start3A_95 = arith.constant 0 : i32
        %dma_start3A_96 = arith.constant 0 : i32
        %dma_start3A_97 = tpu.memref_slice %arg2[%arg1, %run_scoped3A, %dma_start3A_95, %dma_start3A_96] : memref<16x2x40x128xi32, #tpu.memory_space<hbm>> -> memref<1x1x40x128xi32, #tpu.memory_space<hbm>>
        %dma_start3A_98 = tpu.memref_squeeze %dma_start3A_97 : memref<1x1x40x128xi32, #tpu.memory_space<hbm>> -> memref<40x128xi32, #tpu.memory_space<hbm>>
        %dma_start3A_99 = arith.constant 0 : i32
        %dma_start3A_100 = arith.constant 0 : i32
        %dma_start3A_101 = tpu.memref_slice %arg2[%arg1, %run_scoped3A, %dma_start3A_99, %dma_start3A_100] : memref<16x2x40x128xi32, #tpu.memory_space<hbm>> -> memref<1x1x40x128xi32, #tpu.memory_space<hbm>>
        %dma_start3A_102 = tpu.memref_squeeze %dma_start3A_101 : memref<1x1x40x128xi32, #tpu.memory_space<hbm>> -> memref<40x128xi32, #tpu.memory_space<hbm>>
        tpu.enqueue_dma source(%dma_start3A_102 : memref<40x128xi32, #tpu.memory_space<hbm>>) target(%arg13 : memref<40x128xi32, #tpu.memory_space<vmem>>) target_semaphore(%run_scoped3A_94 : memref<!tpu.dma_semaphore, #tpu.memory_space<semaphore_mem>>)
        %dma_wait3A_103 = arith.constant 0 : i32
        %dma_wait3A_104 = arith.constant 0 : i32
        %dma_wait3A_105 = tpu.memref_slice %arg2[%arg1, %run_scoped3A, %dma_wait3A_103, %dma_wait3A_104] : memref<16x2x40x128xi32, #tpu.memory_space<hbm>> -> memref<1x1x40x128xi32, #tpu.memory_space<hbm>>
        %dma_wait3A_106 = tpu.memref_squeeze %dma_wait3A_105 : memref<1x1x40x128xi32, #tpu.memory_space<hbm>> -> memref<40x128xi32, #tpu.memory_space<hbm>>
        %dma_wait3A_107 = arith.constant 0 : i32
        %dma_wait3A_108 = arith.constant 0 : i32
        %dma_wait3A_109 = tpu.memref_slice %arg2[%arg1, %run_scoped3A, %dma_wait3A_107, %dma_wait3A_108] : memref<16x2x40x128xi32, #tpu.memory_space<hbm>> -> memref<1x1x40x128xi32, #tpu.memory_space<hbm>>
        %dma_wait3A_110 = tpu.memref_squeeze %dma_wait3A_109 : memref<1x1x40x128xi32, #tpu.memory_space<hbm>> -> memref<40x128xi32, #tpu.memory_space<hbm>>
        tpu.wait_dma2 semaphore(%run_scoped3A_94 : memref<!tpu.dma_semaphore, #tpu.memory_space<semaphore_mem>>) src(%dma_wait3A_110 : memref<40x128xi32, #tpu.memory_space<hbm>>) dst(%arg13 : memref<40x128xi32, #tpu.memory_space<vmem>>)
        tpu.yield
      }) : () -> ()
      %run_scoped3A_20 = arith.constant 0 : i32
      "tpu.region"() ({
        %run_scoped3A_94 = tpu.sem_alloc : memref<!tpu.dma_semaphore, #tpu.memory_space<semaphore_mem>>
        %dma_start3A_95 = arith.constant 0 : i32
        %dma_start3A_96 = arith.constant 0 : i32
        %dma_start3A_97 = tpu.memref_slice %arg3[%arg1, %run_scoped3A_20, %dma_start3A_95, %dma_start3A_96] : memref<16x2x40x128xi32, #tpu.memory_space<hbm>> -> memref<1x1x40x128xi32, #tpu.memory_space<hbm>>
        %dma_start3A_98 = tpu.memref_squeeze %dma_start3A_97 : memref<1x1x40x128xi32, #tpu.memory_space<hbm>> -> memref<40x128xi32, #tpu.memory_space<hbm>>
        %dma_start3A_99 = arith.constant 0 : i32
        %dma_start3A_100 = arith.constant 0 : i32
        %dma_start3A_101 = tpu.memref_slice %arg3[%arg1, %run_scoped3A_20, %dma_start3A_99, %dma_start3A_100] : memref<16x2x40x128xi32, #tpu.memory_space<hbm>> -> memref<1x1x40x128xi32, #tpu.memory_space<hbm>>
        %dma_start3A_102 = tpu.memref_squeeze %dma_start3A_101 : memref<1x1x40x128xi32, #tpu.memory_space<hbm>> -> memref<40x128xi32, #tpu.memory_space<hbm>>
        tpu.enqueue_dma source(%dma_start3A_102 : memref<40x128xi32, #tpu.memory_space<hbm>>) target(%arg14 : memref<40x128xi32, #tpu.memory_space<vmem>>) target_semaphore(%run_scoped3A_94 : memref<!tpu.dma_semaphore, #tpu.memory_space<semaphore_mem>>)
        %dma_wait3A_103 = arith.constant 0 : i32
        %dma_wait3A_104 = arith.constant 0 : i32
        %dma_wait3A_105 = tpu.memref_slice %arg3[%arg1, %run_scoped3A_20, %dma_wait3A_103, %dma_wait3A_104] : memref<16x2x40x128xi32, #tpu.memory_space<hbm>> -> memref<1x1x40x128xi32, #tpu.memory_space<hbm>>
        %dma_wait3A_106 = tpu.memref_squeeze %dma_wait3A_105 : memref<1x1x40x128xi32, #tpu.memory_space<hbm>> -> memref<40x128xi32, #tpu.memory_space<hbm>>
        %dma_wait3A_107 = arith.constant 0 : i32
        %dma_wait3A_108 = arith.constant 0 : i32
        %dma_wait3A_109 = tpu.memref_slice %arg3[%arg1, %run_scoped3A_20, %dma_wait3A_107, %dma_wait3A_108] : memref<16x2x40x128xi32, #tpu.memory_space<hbm>> -> memref<1x1x40x128xi32, #tpu.memory_space<hbm>>
        %dma_wait3A_110 = tpu.memref_squeeze %dma_wait3A_109 : memref<1x1x40x128xi32, #tpu.memory_space<hbm>> -> memref<40x128xi32, #tpu.memory_space<hbm>>
        tpu.wait_dma2 semaphore(%run_scoped3A_94 : memref<!tpu.dma_semaphore, #tpu.memory_space<semaphore_mem>>) src(%dma_wait3A_110 : memref<40x128xi32, #tpu.memory_space<hbm>>) dst(%arg14 : memref<40x128xi32, #tpu.memory_space<vmem>>)
        tpu.yield
      }) : () -> ()
      %dma_start3A = arith.constant 0 : i32
      %dma_start3A_21 = arith.constant 0 : i32
      %dma_start3A_22 = tpu.memref_slice %arg13[%dma_start3A, %dma_start3A_21] : memref<40x128xi32, #tpu.memory_space<vmem>> -> memref<1x128xi32, #tpu.memory_space<vmem>>
      %dma_start3A_23 = tpu.memref_squeeze %dma_start3A_22 : memref<1x128xi32, #tpu.memory_space<vmem>> -> memref<128xi32, #tpu.memory_space<vmem>>
      %dma_start3A_24 = arith.constant 0 : i32
      %dma_start3A_25 = arith.constant 0 : i32
      %dma_start3A_26 = tpu.memref_slice %arg5[%dma_start3A_24, %dma_start3A_25] : memref<10000x128xf32, #tpu.memory_space<hbm>> -> memref<10000x128xf32, #tpu.memory_space<hbm>>
      tpu.enqueue_indirect_dma source(%dma_start3A_26 : memref<10000x128xf32, #tpu.memory_space<hbm>>) target(%arg15 : memref<128x128xf32, #tpu.memory_space<vmem>>) offsets(%dma_start3A_23 : memref<128xi32, #tpu.memory_space<vmem>>) semaphore(%arg18 : memref<!tpu.dma_semaphore, #tpu.memory_space<semaphore_mem>>)
      %scan3A = arith.constant 0 : i32
      %scan3A_27 = arith.constant 0 : i32
      %scan3A_28 = arith.constant 19 : i32
      %scan3A_29 = arith.addi %scan3A_27, %scan3A_28 : i32
      %scan3A_30 = arith.constant 1 : i32
      scf.for %scan3A_94 = %scan3A_27 to %scan3A_29 step %scan3A_30  : i32 {
        %mul3A_95 = arith.constant 2 : i32
        %mul3A_96 = arith.muli %mul3A_95, %scan3A_94 : i32
        %add3A = arith.constant 1 : i32
        %add3A_97 = arith.addi %mul3A_96, %add3A : i32
        %dma_start3A_98 = arith.constant 0 : i32
        %dma_start3A_99 = tpu.memref_slice %arg13[%add3A_97, %dma_start3A_98] : memref<40x128xi32, #tpu.memory_space<vmem>> -> memref<1x128xi32, #tpu.memory_space<vmem>>
        %dma_start3A_100 = tpu.memref_squeeze %dma_start3A_99 : memref<1x128xi32, #tpu.memory_space<vmem>> -> memref<128xi32, #tpu.memory_space<vmem>>
        %dma_start3A_101 = arith.constant 0 : i32
        %dma_start3A_102 = arith.constant 0 : i32
        %dma_start3A_103 = tpu.memref_slice %arg5[%dma_start3A_101, %dma_start3A_102] : memref<10000x128xf32, #tpu.memory_space<hbm>> -> memref<10000x128xf32, #tpu.memory_space<hbm>>
        tpu.enqueue_indirect_dma source(%dma_start3A_103 : memref<10000x128xf32, #tpu.memory_space<hbm>>) target(%arg16 : memref<128x128xf32, #tpu.memory_space<vmem>>) offsets(%dma_start3A_100 : memref<128xi32, #tpu.memory_space<vmem>>) semaphore(%arg19 : memref<!tpu.dma_semaphore, #tpu.memory_space<semaphore_mem>>)
        %dma_wait3A_104 = arith.constant 0 : i32
        %dma_wait3A_105 = arith.constant 0 : i32
        %dma_wait3A_106 = tpu.memref_slice %arg5[%dma_wait3A_104, %dma_wait3A_105] : memref<10000x128xf32, #tpu.memory_space<hbm>> -> memref<128x128xf32, #tpu.memory_space<hbm>>
        %dma_wait3A_107 = arith.constant 0 : i32
        %dma_wait3A_108 = arith.constant 0 : i32
        %dma_wait3A_109 = tpu.memref_slice %arg5[%dma_wait3A_107, %dma_wait3A_108] : memref<10000x128xf32, #tpu.memory_space<hbm>> -> memref<128x128xf32, #tpu.memory_space<hbm>>
        tpu.wait_dma2 semaphore(%arg18 : memref<!tpu.dma_semaphore, #tpu.memory_space<semaphore_mem>>) src(%dma_wait3A_109 : memref<128x128xf32, #tpu.memory_space<hbm>>) dst(%arg15 : memref<128x128xf32, #tpu.memory_space<vmem>>)
        "tpu.region"() ({
          %run_scoped3A_126 = tpu.sem_alloc : memref<!tpu.dma_semaphore, #tpu.memory_space<semaphore_mem>>
          %dma_start3A_127 = arith.constant 0 : i32
          %dma_start3A_128 = tpu.memref_slice %arg14[%mul3A_96, %dma_start3A_127] : memref<40x128xi32, #tpu.memory_space<vmem>> -> memref<1x128xi32, #tpu.memory_space<vmem>>
          %dma_start3A_129 = tpu.memref_squeeze %dma_start3A_128 : memref<1x128xi32, #tpu.memory_space<vmem>> -> memref<128xi32, #tpu.memory_space<vmem>>
          %dma_start3A_130 = arith.constant 0 : i32
          %dma_start3A_131 = arith.constant 0 : i32
          %dma_start3A_132 = tpu.memref_slice %arg17[%dma_start3A_130, %dma_start3A_131] : memref<10240x128xf32, #tpu.memory_space<vmem_shared>> -> memref<10240x128xf32, #tpu.memory_space<vmem_shared>>
          tpu.enqueue_indirect_dma source(%arg15 : memref<128x128xf32, #tpu.memory_space<vmem>>) target(%dma_start3A_132 : memref<10240x128xf32, #tpu.memory_space<vmem_shared>>) offsets(%dma_start3A_129 : memref<128xi32, #tpu.memory_space<vmem>>) semaphore(%run_scoped3A_126 : memref<!tpu.dma_semaphore, #tpu.memory_space<semaphore_mem>>) {add = true}
          %dma_wait3A_133 = arith.constant 0 : i32
          %dma_wait3A_134 = tpu.memref_slice %arg14[%mul3A_96, %dma_wait3A_133] : memref<40x128xi32, #tpu.memory_space<vmem>> -> memref<1x128xi32, #tpu.memory_space<vmem>>
          %dma_wait3A_135 = tpu.memref_squeeze %dma_wait3A_134 : memref<1x128xi32, #tpu.memory_space<vmem>> -> memref<128xi32, #tpu.memory_space<vmem>>
          %dma_wait3A_136 = arith.constant 0 : i32
          %dma_wait3A_137 = arith.constant 0 : i32
          %dma_wait3A_138 = tpu.memref_slice %arg17[%dma_wait3A_136, %dma_wait3A_137] : memref<10240x128xf32, #tpu.memory_space<vmem_shared>> -> memref<10240x128xf32, #tpu.memory_space<vmem_shared>>
          tpu.wait_indirect_dma semaphore(%run_scoped3A_126 : memref<!tpu.dma_semaphore, #tpu.memory_space<semaphore_mem>>) src(%arg15 : memref<128x128xf32, #tpu.memory_space<vmem>>) dst(%dma_wait3A_138 : memref<10240x128xf32, #tpu.memory_space<vmem_shared>>)
          tpu.yield
        }) : () -> ()
        %add3A_110 = arith.constant 2 : i32
        %add3A_111 = arith.addi %mul3A_96, %add3A_110 : i32
        %dma_start3A_112 = arith.constant 0 : i32
        %dma_start3A_113 = tpu.memref_slice %arg13[%add3A_111, %dma_start3A_112] : memref<40x128xi32, #tpu.memory_space<vmem>> -> memref<1x128xi32, #tpu.memory_space<vmem>>
        %dma_start3A_114 = tpu.memref_squeeze %dma_start3A_113 : memref<1x128xi32, #tpu.memory_space<vmem>> -> memref<128xi32, #tpu.memory_space<vmem>>
        %dma_start3A_115 = arith.constant 0 : i32
        %dma_start3A_116 = arith.constant 0 : i32
        %dma_start3A_117 = tpu.memref_slice %arg5[%dma_start3A_115, %dma_start3A_116] : memref<10000x128xf32, #tpu.memory_space<hbm>> -> memref<10000x128xf32, #tpu.memory_space<hbm>>
        tpu.enqueue_indirect_dma source(%dma_start3A_117 : memref<10000x128xf32, #tpu.memory_space<hbm>>) target(%arg15 : memref<128x128xf32, #tpu.memory_space<vmem>>) offsets(%dma_start3A_114 : memref<128xi32, #tpu.memory_space<vmem>>) semaphore(%arg18 : memref<!tpu.dma_semaphore, #tpu.memory_space<semaphore_mem>>)
        %dma_wait3A_118 = arith.constant 0 : i32
        %dma_wait3A_119 = arith.constant 0 : i32
        %dma_wait3A_120 = tpu.memref_slice %arg5[%dma_wait3A_118, %dma_wait3A_119] : memref<10000x128xf32, #tpu.memory_space<hbm>> -> memref<128x128xf32, #tpu.memory_space<hbm>>
        %dma_wait3A_121 = arith.constant 0 : i32
        %dma_wait3A_122 = arith.constant 0 : i32
        %dma_wait3A_123 = tpu.memref_slice %arg5[%dma_wait3A_121, %dma_wait3A_122] : memref<10000x128xf32, #tpu.memory_space<hbm>> -> memref<128x128xf32, #tpu.memory_space<hbm>>
        tpu.wait_dma2 semaphore(%arg19 : memref<!tpu.dma_semaphore, #tpu.memory_space<semaphore_mem>>) src(%dma_wait3A_123 : memref<128x128xf32, #tpu.memory_space<hbm>>) dst(%arg16 : memref<128x128xf32, #tpu.memory_space<vmem>>)
        %add3A_124 = arith.constant 1 : i32
        %add3A_125 = arith.addi %mul3A_96, %add3A_124 : i32
        "tpu.region"() ({
          %run_scoped3A_126 = tpu.sem_alloc : memref<!tpu.dma_semaphore, #tpu.memory_space<semaphore_mem>>
          %dma_start3A_127 = arith.constant 0 : i32
          %dma_start3A_128 = tpu.memref_slice %arg14[%add3A_125, %dma_start3A_127] : memref<40x128xi32, #tpu.memory_space<vmem>> -> memref<1x128xi32, #tpu.memory_space<vmem>>
          %dma_start3A_129 = tpu.memref_squeeze %dma_start3A_128 : memref<1x128xi32, #tpu.memory_space<vmem>> -> memref<128xi32, #tpu.memory_space<vmem>>
          %dma_start3A_130 = arith.constant 0 : i32
          %dma_start3A_131 = arith.constant 0 : i32
          %dma_start3A_132 = tpu.memref_slice %arg17[%dma_start3A_130, %dma_start3A_131] : memref<10240x128xf32, #tpu.memory_space<vmem_shared>> -> memref<10240x128xf32, #tpu.memory_space<vmem_shared>>
          tpu.enqueue_indirect_dma source(%arg16 : memref<128x128xf32, #tpu.memory_space<vmem>>) target(%dma_start3A_132 : memref<10240x128xf32, #tpu.memory_space<vmem_shared>>) offsets(%dma_start3A_129 : memref<128xi32, #tpu.memory_space<vmem>>) semaphore(%run_scoped3A_126 : memref<!tpu.dma_semaphore, #tpu.memory_space<semaphore_mem>>) {add = true}
          %dma_wait3A_133 = arith.constant 0 : i32
          %dma_wait3A_134 = tpu.memref_slice %arg14[%add3A_125, %dma_wait3A_133] : memref<40x128xi32, #tpu.memory_space<vmem>> -> memref<1x128xi32, #tpu.memory_space<vmem>>
          %dma_wait3A_135 = tpu.memref_squeeze %dma_wait3A_134 : memref<1x128xi32, #tpu.memory_space<vmem>> -> memref<128xi32, #tpu.memory_space<vmem>>
          %dma_wait3A_136 = arith.constant 0 : i32
          %dma_wait3A_137 = arith.constant 0 : i32
          %dma_wait3A_138 = tpu.memref_slice %arg17[%dma_wait3A_136, %dma_wait3A_137] : memref<10240x128xf32, #tpu.memory_space<vmem_shared>> -> memref<10240x128xf32, #tpu.memory_space<vmem_shared>>
          tpu.wait_indirect_dma semaphore(%run_scoped3A_126 : memref<!tpu.dma_semaphore, #tpu.memory_space<semaphore_mem>>) src(%arg16 : memref<128x128xf32, #tpu.memory_space<vmem>>) dst(%dma_wait3A_138 : memref<10240x128xf32, #tpu.memory_space<vmem_shared>>)
          tpu.yield
        }) : () -> ()
      }
      %scan3A_31 = arith.constant 19 : i32
      %dma_start3A_32 = arith.constant 39 : i32
      %dma_start3A_33 = arith.constant 0 : i32
      %dma_start3A_34 = tpu.memref_slice %arg13[%dma_start3A_32, %dma_start3A_33] : memref<40x128xi32, #tpu.memory_space<vmem>> -> memref<1x128xi32, #tpu.memory_space<vmem>>
      %dma_start3A_35 = tpu.memref_squeeze %dma_start3A_34 : memref<1x128xi32, #tpu.memory_space<vmem>> -> memref<128xi32, #tpu.memory_space<vmem>>
      %dma_start3A_36 = arith.constant 0 : i32
      %dma_start3A_37 = arith.constant 0 : i32
      %dma_start3A_38 = tpu.memref_slice %arg5[%dma_start3A_36, %dma_start3A_37] : memref<10000x128xf32, #tpu.memory_space<hbm>> -> memref<10000x128xf32, #tpu.memory_space<hbm>>
      tpu.enqueue_indirect_dma source(%dma_start3A_38 : memref<10000x128xf32, #tpu.memory_space<hbm>>) target(%arg16 : memref<128x128xf32, #tpu.memory_space<vmem>>) offsets(%dma_start3A_35 : memref<128xi32, #tpu.memory_space<vmem>>) semaphore(%arg19 : memref<!tpu.dma_semaphore, #tpu.memory_space<semaphore_mem>>)
      %dma_wait3A = arith.constant 0 : i32
      %dma_wait3A_39 = arith.constant 0 : i32
      %dma_wait3A_40 = tpu.memref_slice %arg5[%dma_wait3A, %dma_wait3A_39] : memref<10000x128xf32, #tpu.memory_space<hbm>> -> memref<128x128xf32, #tpu.memory_space<hbm>>
      %dma_wait3A_41 = arith.constant 0 : i32
      %dma_wait3A_42 = arith.constant 0 : i32
      %dma_wait3A_43 = tpu.memref_slice %arg5[%dma_wait3A_41, %dma_wait3A_42] : memref<10000x128xf32, #tpu.memory_space<hbm>> -> memref<128x128xf32, #tpu.memory_space<hbm>>
      tpu.wait_dma2 semaphore(%arg18 : memref<!tpu.dma_semaphore, #tpu.memory_space<semaphore_mem>>) src(%dma_wait3A_43 : memref<128x128xf32, #tpu.memory_space<hbm>>) dst(%arg15 : memref<128x128xf32, #tpu.memory_space<vmem>>)
      %run_scoped3A_44 = arith.constant 38 : i32
      "tpu.region"() ({
        %run_scoped3A_94 = tpu.sem_alloc : memref<!tpu.dma_semaphore, #tpu.memory_space<semaphore_mem>>
        %dma_start3A_95 = arith.constant 0 : i32
        %dma_start3A_96 = tpu.memref_slice %arg14[%run_scoped3A_44, %dma_start3A_95] : memref<40x128xi32, #tpu.memory_space<vmem>> -> memref<1x128xi32, #tpu.memory_space<vmem>>
        %dma_start3A_97 = tpu.memref_squeeze %dma_start3A_96 : memref<1x128xi32, #tpu.memory_space<vmem>> -> memref<128xi32, #tpu.memory_space<vmem>>
        %dma_start3A_98 = arith.constant 0 : i32
        %dma_start3A_99 = arith.constant 0 : i32
        %dma_start3A_100 = tpu.memref_slice %arg17[%dma_start3A_98, %dma_start3A_99] : memref<10240x128xf32, #tpu.memory_space<vmem_shared>> -> memref<10240x128xf32, #tpu.memory_space<vmem_shared>>
        tpu.enqueue_indirect_dma source(%arg15 : memref<128x128xf32, #tpu.memory_space<vmem>>) target(%dma_start3A_100 : memref<10240x128xf32, #tpu.memory_space<vmem_shared>>) offsets(%dma_start3A_97 : memref<128xi32, #tpu.memory_space<vmem>>) semaphore(%run_scoped3A_94 : memref<!tpu.dma_semaphore, #tpu.memory_space<semaphore_mem>>) {add = true}
        %dma_wait3A_101 = arith.constant 0 : i32
        %dma_wait3A_102 = tpu.memref_slice %arg14[%run_scoped3A_44, %dma_wait3A_101] : memref<40x128xi32, #tpu.memory_space<vmem>> -> memref<1x128xi32, #tpu.memory_space<vmem>>
        %dma_wait3A_103 = tpu.memref_squeeze %dma_wait3A_102 : memref<1x128xi32, #tpu.memory_space<vmem>> -> memref<128xi32, #tpu.memory_space<vmem>>
        %dma_wait3A_104 = arith.constant 0 : i32
        %dma_wait3A_105 = arith.constant 0 : i32
        %dma_wait3A_106 = tpu.memref_slice %arg17[%dma_wait3A_104, %dma_wait3A_105] : memref<10240x128xf32, #tpu.memory_space<vmem_shared>> -> memref<10240x128xf32, #tpu.memory_space<vmem_shared>>
        tpu.wait_indirect_dma semaphore(%run_scoped3A_94 : memref<!tpu.dma_semaphore, #tpu.memory_space<semaphore_mem>>) src(%arg15 : memref<128x128xf32, #tpu.memory_space<vmem>>) dst(%dma_wait3A_106 : memref<10240x128xf32, #tpu.memory_space<vmem_shared>>)
        tpu.yield
      }) : () -> ()
      %dma_wait3A_45 = arith.constant 0 : i32
      %dma_wait3A_46 = arith.constant 0 : i32
      %dma_wait3A_47 = tpu.memref_slice %arg5[%dma_wait3A_45, %dma_wait3A_46] : memref<10000x128xf32, #tpu.memory_space<hbm>> -> memref<128x128xf32, #tpu.memory_space<hbm>>
      %dma_wait3A_48 = arith.constant 0 : i32
      %dma_wait3A_49 = arith.constant 0 : i32
      %dma_wait3A_50 = tpu.memref_slice %arg5[%dma_wait3A_48, %dma_wait3A_49] : memref<10000x128xf32, #tpu.memory_space<hbm>> -> memref<128x128xf32, #tpu.memory_space<hbm>>
      tpu.wait_dma2 semaphore(%arg19 : memref<!tpu.dma_semaphore, #tpu.memory_space<semaphore_mem>>) src(%dma_wait3A_50 : memref<128x128xf32, #tpu.memory_space<hbm>>) dst(%arg16 : memref<128x128xf32, #tpu.memory_space<vmem>>)
      %run_scoped3A_51 = arith.constant 39 : i32
      "tpu.region"() ({
        %run_scoped3A_94 = tpu.sem_alloc : memref<!tpu.dma_semaphore, #tpu.memory_space<semaphore_mem>>
        %dma_start3A_95 = arith.constant 0 : i32
        %dma_start3A_96 = tpu.memref_slice %arg14[%run_scoped3A_51, %dma_start3A_95] : memref<40x128xi32, #tpu.memory_space<vmem>> -> memref<1x128xi32, #tpu.memory_space<vmem>>
        %dma_start3A_97 = tpu.memref_squeeze %dma_start3A_96 : memref<1x128xi32, #tpu.memory_space<vmem>> -> memref<128xi32, #tpu.memory_space<vmem>>
        %dma_start3A_98 = arith.constant 0 : i32
        %dma_start3A_99 = arith.constant 0 : i32
        %dma_start3A_100 = tpu.memref_slice %arg17[%dma_start3A_98, %dma_start3A_99] : memref<10240x128xf32, #tpu.memory_space<vmem_shared>> -> memref<10240x128xf32, #tpu.memory_space<vmem_shared>>
        tpu.enqueue_indirect_dma source(%arg16 : memref<128x128xf32, #tpu.memory_space<vmem>>) target(%dma_start3A_100 : memref<10240x128xf32, #tpu.memory_space<vmem_shared>>) offsets(%dma_start3A_97 : memref<128xi32, #tpu.memory_space<vmem>>) semaphore(%run_scoped3A_94 : memref<!tpu.dma_semaphore, #tpu.memory_space<semaphore_mem>>) {add = true}
        %dma_wait3A_101 = arith.constant 0 : i32
        %dma_wait3A_102 = tpu.memref_slice %arg14[%run_scoped3A_51, %dma_wait3A_101] : memref<40x128xi32, #tpu.memory_space<vmem>> -> memref<1x128xi32, #tpu.memory_space<vmem>>
        %dma_wait3A_103 = tpu.memref_squeeze %dma_wait3A_102 : memref<1x128xi32, #tpu.memory_space<vmem>> -> memref<128xi32, #tpu.memory_space<vmem>>
        %dma_wait3A_104 = arith.constant 0 : i32
        %dma_wait3A_105 = arith.constant 0 : i32
        %dma_wait3A_106 = tpu.memref_slice %arg17[%dma_wait3A_104, %dma_wait3A_105] : memref<10240x128xf32, #tpu.memory_space<vmem_shared>> -> memref<10240x128xf32, #tpu.memory_space<vmem_shared>>
        tpu.wait_indirect_dma semaphore(%run_scoped3A_94 : memref<!tpu.dma_semaphore, #tpu.memory_space<semaphore_mem>>) src(%arg16 : memref<128x128xf32, #tpu.memory_space<vmem>>) dst(%dma_wait3A_106 : memref<10240x128xf32, #tpu.memory_space<vmem_shared>>)
        tpu.yield
      }) : () -> ()
      %run_scoped3A_52 = arith.constant 1 : i32
      "tpu.region"() ({
        %run_scoped3A_94 = tpu.sem_alloc : memref<!tpu.dma_semaphore, #tpu.memory_space<semaphore_mem>>
        %dma_start3A_95 = arith.constant 0 : i32
        %dma_start3A_96 = arith.constant 0 : i32
        %dma_start3A_97 = tpu.memref_slice %arg2[%arg1, %run_scoped3A_52, %dma_start3A_95, %dma_start3A_96] : memref<16x2x40x128xi32, #tpu.memory_space<hbm>> -> memref<1x1x40x128xi32, #tpu.memory_space<hbm>>
        %dma_start3A_98 = tpu.memref_squeeze %dma_start3A_97 : memref<1x1x40x128xi32, #tpu.memory_space<hbm>> -> memref<40x128xi32, #tpu.memory_space<hbm>>
        %dma_start3A_99 = arith.constant 0 : i32
        %dma_start3A_100 = arith.constant 0 : i32
        %dma_start3A_101 = tpu.memref_slice %arg2[%arg1, %run_scoped3A_52, %dma_start3A_99, %dma_start3A_100] : memref<16x2x40x128xi32, #tpu.memory_space<hbm>> -> memref<1x1x40x128xi32, #tpu.memory_space<hbm>>
        %dma_start3A_102 = tpu.memref_squeeze %dma_start3A_101 : memref<1x1x40x128xi32, #tpu.memory_space<hbm>> -> memref<40x128xi32, #tpu.memory_space<hbm>>
        tpu.enqueue_dma source(%dma_start3A_102 : memref<40x128xi32, #tpu.memory_space<hbm>>) target(%arg13 : memref<40x128xi32, #tpu.memory_space<vmem>>) target_semaphore(%run_scoped3A_94 : memref<!tpu.dma_semaphore, #tpu.memory_space<semaphore_mem>>)
        %dma_wait3A_103 = arith.constant 0 : i32
        %dma_wait3A_104 = arith.constant 0 : i32
        %dma_wait3A_105 = tpu.memref_slice %arg2[%arg1, %run_scoped3A_52, %dma_wait3A_103, %dma_wait3A_104] : memref<16x2x40x128xi32, #tpu.memory_space<hbm>> -> memref<1x1x40x128xi32, #tpu.memory_space<hbm>>
        %dma_wait3A_106 = tpu.memref_squeeze %dma_wait3A_105 : memref<1x1x40x128xi32, #tpu.memory_space<hbm>> -> memref<40x128xi32, #tpu.memory_space<hbm>>
        %dma_wait3A_107 = arith.constant 0 : i32
        %dma_wait3A_108 = arith.constant 0 : i32
        %dma_wait3A_109 = tpu.memref_slice %arg2[%arg1, %run_scoped3A_52, %dma_wait3A_107, %dma_wait3A_108] : memref<16x2x40x128xi32, #tpu.memory_space<hbm>> -> memref<1x1x40x128xi32, #tpu.memory_space<hbm>>
        %dma_wait3A_110 = tpu.memref_squeeze %dma_wait3A_109 : memref<1x1x40x128xi32, #tpu.memory_space<hbm>> -> memref<40x128xi32, #tpu.memory_space<hbm>>
        tpu.wait_dma2 semaphore(%run_scoped3A_94 : memref<!tpu.dma_semaphore, #tpu.memory_space<semaphore_mem>>) src(%dma_wait3A_110 : memref<40x128xi32, #tpu.memory_space<hbm>>) dst(%arg13 : memref<40x128xi32, #tpu.memory_space<vmem>>)
        tpu.yield
      }) : () -> ()
      %run_scoped3A_53 = arith.constant 1 : i32
      "tpu.region"() ({
        %run_scoped3A_94 = tpu.sem_alloc : memref<!tpu.dma_semaphore, #tpu.memory_space<semaphore_mem>>
        %dma_start3A_95 = arith.constant 0 : i32
        %dma_start3A_96 = arith.constant 0 : i32
        %dma_start3A_97 = tpu.memref_slice %arg3[%arg1, %run_scoped3A_53, %dma_start3A_95, %dma_start3A_96] : memref<16x2x40x128xi32, #tpu.memory_space<hbm>> -> memref<1x1x40x128xi32, #tpu.memory_space<hbm>>
        %dma_start3A_98 = tpu.memref_squeeze %dma_start3A_97 : memref<1x1x40x128xi32, #tpu.memory_space<hbm>> -> memref<40x128xi32, #tpu.memory_space<hbm>>
        %dma_start3A_99 = arith.constant 0 : i32
        %dma_start3A_100 = arith.constant 0 : i32
        %dma_start3A_101 = tpu.memref_slice %arg3[%arg1, %run_scoped3A_53, %dma_start3A_99, %dma_start3A_100] : memref<16x2x40x128xi32, #tpu.memory_space<hbm>> -> memref<1x1x40x128xi32, #tpu.memory_space<hbm>>
        %dma_start3A_102 = tpu.memref_squeeze %dma_start3A_101 : memref<1x1x40x128xi32, #tpu.memory_space<hbm>> -> memref<40x128xi32, #tpu.memory_space<hbm>>
        tpu.enqueue_dma source(%dma_start3A_102 : memref<40x128xi32, #tpu.memory_space<hbm>>) target(%arg14 : memref<40x128xi32, #tpu.memory_space<vmem>>) target_semaphore(%run_scoped3A_94 : memref<!tpu.dma_semaphore, #tpu.memory_space<semaphore_mem>>)
        %dma_wait3A_103 = arith.constant 0 : i32
        %dma_wait3A_104 = arith.constant 0 : i32
        %dma_wait3A_105 = tpu.memref_slice %arg3[%arg1, %run_scoped3A_53, %dma_wait3A_103, %dma_wait3A_104] : memref<16x2x40x128xi32, #tpu.memory_space<hbm>> -> memref<1x1x40x128xi32, #tpu.memory_space<hbm>>
        %dma_wait3A_106 = tpu.memref_squeeze %dma_wait3A_105 : memref<1x1x40x128xi32, #tpu.memory_space<hbm>> -> memref<40x128xi32, #tpu.memory_space<hbm>>
        %dma_wait3A_107 = arith.constant 0 : i32
        %dma_wait3A_108 = arith.constant 0 : i32
        %dma_wait3A_109 = tpu.memref_slice %arg3[%arg1, %run_scoped3A_53, %dma_wait3A_107, %dma_wait3A_108] : memref<16x2x40x128xi32, #tpu.memory_space<hbm>> -> memref<1x1x40x128xi32, #tpu.memory_space<hbm>>
        %dma_wait3A_110 = tpu.memref_squeeze %dma_wait3A_109 : memref<1x1x40x128xi32, #tpu.memory_space<hbm>> -> memref<40x128xi32, #tpu.memory_space<hbm>>
        tpu.wait_dma2 semaphore(%run_scoped3A_94 : memref<!tpu.dma_semaphore, #tpu.memory_space<semaphore_mem>>) src(%dma_wait3A_110 : memref<40x128xi32, #tpu.memory_space<hbm>>) dst(%arg14 : memref<40x128xi32, #tpu.memory_space<vmem>>)
        tpu.yield
      }) : () -> ()
      %dma_start3A_54 = arith.constant 0 : i32
      %dma_start3A_55 = arith.constant 0 : i32
      %dma_start3A_56 = tpu.memref_slice %arg13[%dma_start3A_54, %dma_start3A_55] : memref<40x128xi32, #tpu.memory_space<vmem>> -> memref<1x128xi32, #tpu.memory_space<vmem>>
      %dma_start3A_57 = tpu.memref_squeeze %dma_start3A_56 : memref<1x128xi32, #tpu.memory_space<vmem>> -> memref<128xi32, #tpu.memory_space<vmem>>
      %dma_start3A_58 = arith.constant 0 : i32
      %dma_start3A_59 = arith.constant 0 : i32
      %dma_start3A_60 = tpu.memref_slice %arg5[%dma_start3A_58, %dma_start3A_59] : memref<10000x128xf32, #tpu.memory_space<hbm>> -> memref<10000x128xf32, #tpu.memory_space<hbm>>
      tpu.enqueue_indirect_dma source(%dma_start3A_60 : memref<10000x128xf32, #tpu.memory_space<hbm>>) target(%arg15 : memref<128x128xf32, #tpu.memory_space<vmem>>) offsets(%dma_start3A_57 : memref<128xi32, #tpu.memory_space<vmem>>) semaphore(%arg18 : memref<!tpu.dma_semaphore, #tpu.memory_space<semaphore_mem>>)
      %scan3A_61 = arith.constant 0 : i32
      %scan3A_62 = arith.constant 0 : i32
      %scan3A_63 = arith.constant 19 : i32
      %scan3A_64 = arith.addi %scan3A_62, %scan3A_63 : i32
      %scan3A_65 = arith.constant 1 : i32
      scf.for %scan3A_94 = %scan3A_62 to %scan3A_64 step %scan3A_65  : i32 {
        %mul3A_95 = arith.constant 2 : i32
        %mul3A_96 = arith.muli %mul3A_95, %scan3A_94 : i32
        %add3A = arith.constant 1 : i32
        %add3A_97 = arith.addi %mul3A_96, %add3A : i32
        %dma_start3A_98 = arith.constant 0 : i32
        %dma_start3A_99 = tpu.memref_slice %arg13[%add3A_97, %dma_start3A_98] : memref<40x128xi32, #tpu.memory_space<vmem>> -> memref<1x128xi32, #tpu.memory_space<vmem>>
        %dma_start3A_100 = tpu.memref_squeeze %dma_start3A_99 : memref<1x128xi32, #tpu.memory_space<vmem>> -> memref<128xi32, #tpu.memory_space<vmem>>
        %dma_start3A_101 = arith.constant 0 : i32
        %dma_start3A_102 = arith.constant 0 : i32
        %dma_start3A_103 = tpu.memref_slice %arg5[%dma_start3A_101, %dma_start3A_102] : memref<10000x128xf32, #tpu.memory_space<hbm>> -> memref<10000x128xf32, #tpu.memory_space<hbm>>
        tpu.enqueue_indirect_dma source(%dma_start3A_103 : memref<10000x128xf32, #tpu.memory_space<hbm>>) target(%arg16 : memref<128x128xf32, #tpu.memory_space<vmem>>) offsets(%dma_start3A_100 : memref<128xi32, #tpu.memory_space<vmem>>) semaphore(%arg19 : memref<!tpu.dma_semaphore, #tpu.memory_space<semaphore_mem>>)
        %dma_wait3A_104 = arith.constant 0 : i32
        %dma_wait3A_105 = arith.constant 0 : i32
        %dma_wait3A_106 = tpu.memref_slice %arg5[%dma_wait3A_104, %dma_wait3A_105] : memref<10000x128xf32, #tpu.memory_space<hbm>> -> memref<128x128xf32, #tpu.memory_space<hbm>>
        %dma_wait3A_107 = arith.constant 0 : i32
        %dma_wait3A_108 = arith.constant 0 : i32
        %dma_wait3A_109 = tpu.memref_slice %arg5[%dma_wait3A_107, %dma_wait3A_108] : memref<10000x128xf32, #tpu.memory_space<hbm>> -> memref<128x128xf32, #tpu.memory_space<hbm>>
        tpu.wait_dma2 semaphore(%arg18 : memref<!tpu.dma_semaphore, #tpu.memory_space<semaphore_mem>>) src(%dma_wait3A_109 : memref<128x128xf32, #tpu.memory_space<hbm>>) dst(%arg15 : memref<128x128xf32, #tpu.memory_space<vmem>>)
        "tpu.region"() ({
          %run_scoped3A_126 = tpu.sem_alloc : memref<!tpu.dma_semaphore, #tpu.memory_space<semaphore_mem>>
          %dma_start3A_127 = arith.constant 0 : i32
          %dma_start3A_128 = tpu.memref_slice %arg14[%mul3A_96, %dma_start3A_127] : memref<40x128xi32, #tpu.memory_space<vmem>> -> memref<1x128xi32, #tpu.memory_space<vmem>>
          %dma_start3A_129 = tpu.memref_squeeze %dma_start3A_128 : memref<1x128xi32, #tpu.memory_space<vmem>> -> memref<128xi32, #tpu.memory_space<vmem>>
          %dma_start3A_130 = arith.constant 0 : i32
          %dma_start3A_131 = arith.constant 0 : i32
          %dma_start3A_132 = tpu.memref_slice %arg17[%dma_start3A_130, %dma_start3A_131] : memref<10240x128xf32, #tpu.memory_space<vmem_shared>> -> memref<10240x128xf32, #tpu.memory_space<vmem_shared>>
          tpu.enqueue_indirect_dma source(%arg15 : memref<128x128xf32, #tpu.memory_space<vmem>>) target(%dma_start3A_132 : memref<10240x128xf32, #tpu.memory_space<vmem_shared>>) offsets(%dma_start3A_129 : memref<128xi32, #tpu.memory_space<vmem>>) semaphore(%run_scoped3A_126 : memref<!tpu.dma_semaphore, #tpu.memory_space<semaphore_mem>>) {add = true}
          %dma_wait3A_133 = arith.constant 0 : i32
          %dma_wait3A_134 = tpu.memref_slice %arg14[%mul3A_96, %dma_wait3A_133] : memref<40x128xi32, #tpu.memory_space<vmem>> -> memref<1x128xi32, #tpu.memory_space<vmem>>
          %dma_wait3A_135 = tpu.memref_squeeze %dma_wait3A_134 : memref<1x128xi32, #tpu.memory_space<vmem>> -> memref<128xi32, #tpu.memory_space<vmem>>
          %dma_wait3A_136 = arith.constant 0 : i32
          %dma_wait3A_137 = arith.constant 0 : i32
          %dma_wait3A_138 = tpu.memref_slice %arg17[%dma_wait3A_136, %dma_wait3A_137] : memref<10240x128xf32, #tpu.memory_space<vmem_shared>> -> memref<10240x128xf32, #tpu.memory_space<vmem_shared>>
          tpu.wait_indirect_dma semaphore(%run_scoped3A_126 : memref<!tpu.dma_semaphore, #tpu.memory_space<semaphore_mem>>) src(%arg15 : memref<128x128xf32, #tpu.memory_space<vmem>>) dst(%dma_wait3A_138 : memref<10240x128xf32, #tpu.memory_space<vmem_shared>>)
          tpu.yield
        }) : () -> ()
        %add3A_110 = arith.constant 2 : i32
        %add3A_111 = arith.addi %mul3A_96, %add3A_110 : i32
        %dma_start3A_112 = arith.constant 0 : i32
        %dma_start3A_113 = tpu.memref_slice %arg13[%add3A_111, %dma_start3A_112] : memref<40x128xi32, #tpu.memory_space<vmem>> -> memref<1x128xi32, #tpu.memory_space<vmem>>
        %dma_start3A_114 = tpu.memref_squeeze %dma_start3A_113 : memref<1x128xi32, #tpu.memory_space<vmem>> -> memref<128xi32, #tpu.memory_space<vmem>>
        %dma_start3A_115 = arith.constant 0 : i32
        %dma_start3A_116 = arith.constant 0 : i32
        %dma_start3A_117 = tpu.memref_slice %arg5[%dma_start3A_115, %dma_start3A_116] : memref<10000x128xf32, #tpu.memory_space<hbm>> -> memref<10000x128xf32, #tpu.memory_space<hbm>>
        tpu.enqueue_indirect_dma source(%dma_start3A_117 : memref<10000x128xf32, #tpu.memory_space<hbm>>) target(%arg15 : memref<128x128xf32, #tpu.memory_space<vmem>>) offsets(%dma_start3A_114 : memref<128xi32, #tpu.memory_space<vmem>>) semaphore(%arg18 : memref<!tpu.dma_semaphore, #tpu.memory_space<semaphore_mem>>)
        %dma_wait3A_118 = arith.constant 0 : i32
        %dma_wait3A_119 = arith.constant 0 : i32
        %dma_wait3A_120 = tpu.memref_slice %arg5[%dma_wait3A_118, %dma_wait3A_119] : memref<10000x128xf32, #tpu.memory_space<hbm>> -> memref<128x128xf32, #tpu.memory_space<hbm>>
        %dma_wait3A_121 = arith.constant 0 : i32
        %dma_wait3A_122 = arith.constant 0 : i32
        %dma_wait3A_123 = tpu.memref_slice %arg5[%dma_wait3A_121, %dma_wait3A_122] : memref<10000x128xf32, #tpu.memory_space<hbm>> -> memref<128x128xf32, #tpu.memory_space<hbm>>
        tpu.wait_dma2 semaphore(%arg19 : memref<!tpu.dma_semaphore, #tpu.memory_space<semaphore_mem>>) src(%dma_wait3A_123 : memref<128x128xf32, #tpu.memory_space<hbm>>) dst(%arg16 : memref<128x128xf32, #tpu.memory_space<vmem>>)
        %add3A_124 = arith.constant 1 : i32
        %add3A_125 = arith.addi %mul3A_96, %add3A_124 : i32
        "tpu.region"() ({
          %run_scoped3A_126 = tpu.sem_alloc : memref<!tpu.dma_semaphore, #tpu.memory_space<semaphore_mem>>
          %dma_start3A_127 = arith.constant 0 : i32
          %dma_start3A_128 = tpu.memref_slice %arg14[%add3A_125, %dma_start3A_127] : memref<40x128xi32, #tpu.memory_space<vmem>> -> memref<1x128xi32, #tpu.memory_space<vmem>>
          %dma_start3A_129 = tpu.memref_squeeze %dma_start3A_128 : memref<1x128xi32, #tpu.memory_space<vmem>> -> memref<128xi32, #tpu.memory_space<vmem>>
          %dma_start3A_130 = arith.constant 0 : i32
          %dma_start3A_131 = arith.constant 0 : i32
          %dma_start3A_132 = tpu.memref_slice %arg17[%dma_start3A_130, %dma_start3A_131] : memref<10240x128xf32, #tpu.memory_space<vmem_shared>> -> memref<10240x128xf32, #tpu.memory_space<vmem_shared>>
          tpu.enqueue_indirect_dma source(%arg16 : memref<128x128xf32, #tpu.memory_space<vmem>>) target(%dma_start3A_132 : memref<10240x128xf32, #tpu.memory_space<vmem_shared>>) offsets(%dma_start3A_129 : memref<128xi32, #tpu.memory_space<vmem>>) semaphore(%run_scoped3A_126 : memref<!tpu.dma_semaphore, #tpu.memory_space<semaphore_mem>>) {add = true}
          %dma_wait3A_133 = arith.constant 0 : i32
          %dma_wait3A_134 = tpu.memref_slice %arg14[%add3A_125, %dma_wait3A_133] : memref<40x128xi32, #tpu.memory_space<vmem>> -> memref<1x128xi32, #tpu.memory_space<vmem>>
          %dma_wait3A_135 = tpu.memref_squeeze %dma_wait3A_134 : memref<1x128xi32, #tpu.memory_space<vmem>> -> memref<128xi32, #tpu.memory_space<vmem>>
          %dma_wait3A_136 = arith.constant 0 : i32
          %dma_wait3A_137 = arith.constant 0 : i32
          %dma_wait3A_138 = tpu.memref_slice %arg17[%dma_wait3A_136, %dma_wait3A_137] : memref<10240x128xf32, #tpu.memory_space<vmem_shared>> -> memref<10240x128xf32, #tpu.memory_space<vmem_shared>>
          tpu.wait_indirect_dma semaphore(%run_scoped3A_126 : memref<!tpu.dma_semaphore, #tpu.memory_space<semaphore_mem>>) src(%arg16 : memref<128x128xf32, #tpu.memory_space<vmem>>) dst(%dma_wait3A_138 : memref<10240x128xf32, #tpu.memory_space<vmem_shared>>)
          tpu.yield
        }) : () -> ()
      }
      %scan3A_66 = arith.constant 19 : i32
      %dma_start3A_67 = arith.constant 39 : i32
      %dma_start3A_68 = arith.constant 0 : i32
      %dma_start3A_69 = tpu.memref_slice %arg13[%dma_start3A_67, %dma_start3A_68] : memref<40x128xi32, #tpu.memory_space<vmem>> -> memref<1x128xi32, #tpu.memory_space<vmem>>
      %dma_start3A_70 = tpu.memref_squeeze %dma_start3A_69 : memref<1x128xi32, #tpu.memory_space<vmem>> -> memref<128xi32, #tpu.memory_space<vmem>>
      %dma_start3A_71 = arith.constant 0 : i32
      %dma_start3A_72 = arith.constant 0 : i32
      %dma_start3A_73 = tpu.memref_slice %arg5[%dma_start3A_71, %dma_start3A_72] : memref<10000x128xf32, #tpu.memory_space<hbm>> -> memref<10000x128xf32, #tpu.memory_space<hbm>>
      tpu.enqueue_indirect_dma source(%dma_start3A_73 : memref<10000x128xf32, #tpu.memory_space<hbm>>) target(%arg16 : memref<128x128xf32, #tpu.memory_space<vmem>>) offsets(%dma_start3A_70 : memref<128xi32, #tpu.memory_space<vmem>>) semaphore(%arg19 : memref<!tpu.dma_semaphore, #tpu.memory_space<semaphore_mem>>)
      %dma_wait3A_74 = arith.constant 0 : i32
      %dma_wait3A_75 = arith.constant 0 : i32
      %dma_wait3A_76 = tpu.memref_slice %arg5[%dma_wait3A_74, %dma_wait3A_75] : memref<10000x128xf32, #tpu.memory_space<hbm>> -> memref<128x128xf32, #tpu.memory_space<hbm>>
      %dma_wait3A_77 = arith.constant 0 : i32
      %dma_wait3A_78 = arith.constant 0 : i32
      %dma_wait3A_79 = tpu.memref_slice %arg5[%dma_wait3A_77, %dma_wait3A_78] : memref<10000x128xf32, #tpu.memory_space<hbm>> -> memref<128x128xf32, #tpu.memory_space<hbm>>
      tpu.wait_dma2 semaphore(%arg18 : memref<!tpu.dma_semaphore, #tpu.memory_space<semaphore_mem>>) src(%dma_wait3A_79 : memref<128x128xf32, #tpu.memory_space<hbm>>) dst(%arg15 : memref<128x128xf32, #tpu.memory_space<vmem>>)
      %run_scoped3A_80 = arith.constant 38 : i32
      "tpu.region"() ({
        %run_scoped3A_94 = tpu.sem_alloc : memref<!tpu.dma_semaphore, #tpu.memory_space<semaphore_mem>>
        %dma_start3A_95 = arith.constant 0 : i32
        %dma_start3A_96 = tpu.memref_slice %arg14[%run_scoped3A_80, %dma_start3A_95] : memref<40x128xi32, #tpu.memory_space<vmem>> -> memref<1x128xi32, #tpu.memory_space<vmem>>
        %dma_start3A_97 = tpu.memref_squeeze %dma_start3A_96 : memref<1x128xi32, #tpu.memory_space<vmem>> -> memref<128xi32, #tpu.memory_space<vmem>>
        %dma_start3A_98 = arith.constant 0 : i32
        %dma_start3A_99 = arith.constant 0 : i32
        %dma_start3A_100 = tpu.memref_slice %arg17[%dma_start3A_98, %dma_start3A_99] : memref<10240x128xf32, #tpu.memory_space<vmem_shared>> -> memref<10240x128xf32, #tpu.memory_space<vmem_shared>>
        tpu.enqueue_indirect_dma source(%arg15 : memref<128x128xf32, #tpu.memory_space<vmem>>) target(%dma_start3A_100 : memref<10240x128xf32, #tpu.memory_space<vmem_shared>>) offsets(%dma_start3A_97 : memref<128xi32, #tpu.memory_space<vmem>>) semaphore(%run_scoped3A_94 : memref<!tpu.dma_semaphore, #tpu.memory_space<semaphore_mem>>) {add = true}
        %dma_wait3A_101 = arith.constant 0 : i32
        %dma_wait3A_102 = tpu.memref_slice %arg14[%run_scoped3A_80, %dma_wait3A_101] : memref<40x128xi32, #tpu.memory_space<vmem>> -> memref<1x128xi32, #tpu.memory_space<vmem>>
        %dma_wait3A_103 = tpu.memref_squeeze %dma_wait3A_102 : memref<1x128xi32, #tpu.memory_space<vmem>> -> memref<128xi32, #tpu.memory_space<vmem>>
        %dma_wait3A_104 = arith.constant 0 : i32
        %dma_wait3A_105 = arith.constant 0 : i32
        %dma_wait3A_106 = tpu.memref_slice %arg17[%dma_wait3A_104, %dma_wait3A_105] : memref<10240x128xf32, #tpu.memory_space<vmem_shared>> -> memref<10240x128xf32, #tpu.memory_space<vmem_shared>>
        tpu.wait_indirect_dma semaphore(%run_scoped3A_94 : memref<!tpu.dma_semaphore, #tpu.memory_space<semaphore_mem>>) src(%arg15 : memref<128x128xf32, #tpu.memory_space<vmem>>) dst(%dma_wait3A_106 : memref<10240x128xf32, #tpu.memory_space<vmem_shared>>)
        tpu.yield
      }) : () -> ()
      %dma_wait3A_81 = arith.constant 0 : i32
      %dma_wait3A_82 = arith.constant 0 : i32
      %dma_wait3A_83 = tpu.memref_slice %arg5[%dma_wait3A_81, %dma_wait3A_82] : memref<10000x128xf32, #tpu.memory_space<hbm>> -> memref<128x128xf32, #tpu.memory_space<hbm>>
      %dma_wait3A_84 = arith.constant 0 : i32
      %dma_wait3A_85 = arith.constant 0 : i32
      %dma_wait3A_86 = tpu.memref_slice %arg5[%dma_wait3A_84, %dma_wait3A_85] : memref<10000x128xf32, #tpu.memory_space<hbm>> -> memref<128x128xf32, #tpu.memory_space<hbm>>
      tpu.wait_dma2 semaphore(%arg19 : memref<!tpu.dma_semaphore, #tpu.memory_space<semaphore_mem>>) src(%dma_wait3A_86 : memref<128x128xf32, #tpu.memory_space<hbm>>) dst(%arg16 : memref<128x128xf32, #tpu.memory_space<vmem>>)
      %run_scoped3A_87 = arith.constant 39 : i32
      "tpu.region"() ({
        %run_scoped3A_94 = tpu.sem_alloc : memref<!tpu.dma_semaphore, #tpu.memory_space<semaphore_mem>>
        %dma_start3A_95 = arith.constant 0 : i32
        %dma_start3A_96 = tpu.memref_slice %arg14[%run_scoped3A_87, %dma_start3A_95] : memref<40x128xi32, #tpu.memory_space<vmem>> -> memref<1x128xi32, #tpu.memory_space<vmem>>
        %dma_start3A_97 = tpu.memref_squeeze %dma_start3A_96 : memref<1x128xi32, #tpu.memory_space<vmem>> -> memref<128xi32, #tpu.memory_space<vmem>>
        %dma_start3A_98 = arith.constant 0 : i32
        %dma_start3A_99 = arith.constant 0 : i32
        %dma_start3A_100 = tpu.memref_slice %arg17[%dma_start3A_98, %dma_start3A_99] : memref<10240x128xf32, #tpu.memory_space<vmem_shared>> -> memref<10240x128xf32, #tpu.memory_space<vmem_shared>>
        tpu.enqueue_indirect_dma source(%arg16 : memref<128x128xf32, #tpu.memory_space<vmem>>) target(%dma_start3A_100 : memref<10240x128xf32, #tpu.memory_space<vmem_shared>>) offsets(%dma_start3A_97 : memref<128xi32, #tpu.memory_space<vmem>>) semaphore(%run_scoped3A_94 : memref<!tpu.dma_semaphore, #tpu.memory_space<semaphore_mem>>) {add = true}
        %dma_wait3A_101 = arith.constant 0 : i32
        %dma_wait3A_102 = tpu.memref_slice %arg14[%run_scoped3A_87, %dma_wait3A_101] : memref<40x128xi32, #tpu.memory_space<vmem>> -> memref<1x128xi32, #tpu.memory_space<vmem>>
        %dma_wait3A_103 = tpu.memref_squeeze %dma_wait3A_102 : memref<1x128xi32, #tpu.memory_space<vmem>> -> memref<128xi32, #tpu.memory_space<vmem>>
        %dma_wait3A_104 = arith.constant 0 : i32
        %dma_wait3A_105 = arith.constant 0 : i32
        %dma_wait3A_106 = tpu.memref_slice %arg17[%dma_wait3A_104, %dma_wait3A_105] : memref<10240x128xf32, #tpu.memory_space<vmem_shared>> -> memref<10240x128xf32, #tpu.memory_space<vmem_shared>>
        tpu.wait_indirect_dma semaphore(%run_scoped3A_94 : memref<!tpu.dma_semaphore, #tpu.memory_space<semaphore_mem>>) src(%arg16 : memref<128x128xf32, #tpu.memory_space<vmem>>) dst(%dma_wait3A_106 : memref<10240x128xf32, #tpu.memory_space<vmem_shared>>)
        tpu.yield
      }) : () -> ()
      %barrier3A_88 = arith.constant 0 : index
      tpu.barrier barrier_id(%barrier3A_88)
      %mul3A_89 = arith.constant 640 : i32
      %mul3A_90 = arith.muli %arg1, %mul3A_89 : i32
      %mul3A_91 = arith.constant 640 : i32
      %mul3A_92 = arith.muli %arg1, %mul3A_91 : i32
      "tpu.region"() ({
        %run_scoped3A_94 = tpu.sem_alloc : memref<!tpu.dma_semaphore, #tpu.memory_space<semaphore_mem>>
        %dma_start3A_95 = arith.constant 0 : i32
        %dma_start3A_96 = tpu.memref_slice %arg9[%mul3A_92, %dma_start3A_95] : memref<10240x128xf32, #tpu.memory_space<hbm>> -> memref<640x128xf32, #tpu.memory_space<hbm>>
        %dma_start3A_97 = arith.constant 0 : i32
        %dma_start3A_98 = tpu.memref_slice %arg17[%mul3A_90, %dma_start3A_97] : memref<10240x128xf32, #tpu.memory_space<vmem_shared>> -> memref<640x128xf32, #tpu.memory_space<vmem_shared>>
        tpu.enqueue_dma source(%dma_start3A_98 : memref<640x128xf32, #tpu.memory_space<vmem_shared>>) target(%dma_start3A_96 : memref<640x128xf32, #tpu.memory_space<hbm>>) target_semaphore(%run_scoped3A_94 : memref<!tpu.dma_semaphore, #tpu.memory_space<semaphore_mem>>)
        %dma_wait3A_99 = arith.constant 0 : i32
        %dma_wait3A_100 = tpu.memref_slice %arg9[%mul3A_92, %dma_wait3A_99] : memref<10240x128xf32, #tpu.memory_space<hbm>> -> memref<640x128xf32, #tpu.memory_space<hbm>>
        %dma_wait3A_101 = arith.constant 0 : i32
        %dma_wait3A_102 = tpu.memref_slice %arg17[%mul3A_90, %dma_wait3A_101] : memref<10240x128xf32, #tpu.memory_space<vmem_shared>> -> memref<640x128xf32, #tpu.memory_space<vmem_shared>>
        tpu.wait_dma2 semaphore(%run_scoped3A_94 : memref<!tpu.dma_semaphore, #tpu.memory_space<semaphore_mem>>) src(%dma_wait3A_102 : memref<640x128xf32, #tpu.memory_space<vmem_shared>>) dst(%dma_wait3A_100 : memref<640x128xf32, #tpu.memory_space<hbm>>)
        tpu.yield
      }) : () -> ()
      %barrier3A_93 = arith.constant 0 : index
      tpu.barrier barrier_id(%barrier3A_93)
    } else {
    }
    %eq3A_2 = arith.constant 1 : i32
    %eq3A_3 = arith.cmpi eq, %arg0, %eq3A_2 : i32
    %convert_element_type3A_4 = arith.extui %eq3A_3 : i1 to i32
    %cond3A_5 = arith.constant 0 : i32
    %cond3A_6 = arith.cmpi ne, %convert_element_type3A_4, %cond3A_5 : i32
    scf.if %cond3A_6 {
      %mul3A = arith.constant 640 : i32
      %mul3A_17 = arith.muli %arg1, %mul3A : i32
      %mul3A_18 = arith.constant 640 : i32
      %mul3A_19 = arith.muli %arg1, %mul3A_18 : i32
      "tpu.region"() ({
        %run_scoped3A_94 = tpu.sem_alloc : memref<!tpu.dma_semaphore, #tpu.memory_space<semaphore_mem>>
        %dma_start3A_95 = arith.constant 0 : i32
        %dma_start3A_96 = tpu.memref_slice %arg17[%mul3A_19, %dma_start3A_95] : memref<10240x128xf32, #tpu.memory_space<vmem_shared>> -> memref<640x128xf32, #tpu.memory_space<vmem_shared>>
        %dma_start3A_97 = arith.constant 0 : i32
        %dma_start3A_98 = tpu.memref_slice %arg4[%mul3A_17, %dma_start3A_97] : memref<10240x128xf32, #tpu.memory_space<hbm>> -> memref<640x128xf32, #tpu.memory_space<hbm>>
        tpu.enqueue_dma source(%dma_start3A_98 : memref<640x128xf32, #tpu.memory_space<hbm>>) target(%dma_start3A_96 : memref<640x128xf32, #tpu.memory_space<vmem_shared>>) target_semaphore(%run_scoped3A_94 : memref<!tpu.dma_semaphore, #tpu.memory_space<semaphore_mem>>)
        %dma_wait3A_99 = arith.constant 0 : i32
        %dma_wait3A_100 = tpu.memref_slice %arg17[%mul3A_19, %dma_wait3A_99] : memref<10240x128xf32, #tpu.memory_space<vmem_shared>> -> memref<640x128xf32, #tpu.memory_space<vmem_shared>>
        %dma_wait3A_101 = arith.constant 0 : i32
        %dma_wait3A_102 = tpu.memref_slice %arg4[%mul3A_17, %dma_wait3A_101] : memref<10240x128xf32, #tpu.memory_space<hbm>> -> memref<640x128xf32, #tpu.memory_space<hbm>>
        tpu.wait_dma2 semaphore(%run_scoped3A_94 : memref<!tpu.dma_semaphore, #tpu.memory_space<semaphore_mem>>) src(%dma_wait3A_102 : memref<640x128xf32, #tpu.memory_space<hbm>>) dst(%dma_wait3A_100 : memref<640x128xf32, #tpu.memory_space<vmem_shared>>)
        tpu.yield
      }) : () -> ()
      %barrier3A = arith.constant 0 : index
      tpu.barrier barrier_id(%barrier3A)
      %run_scoped3A = arith.constant 0 : i32
      "tpu.region"() ({
        %run_scoped3A_94 = tpu.sem_alloc : memref<!tpu.dma_semaphore, #tpu.memory_space<semaphore_mem>>
        %dma_start3A_95 = arith.constant 0 : i32
        %dma_start3A_96 = arith.constant 0 : i32
        %dma_start3A_97 = tpu.memref_slice %arg2[%arg1, %run_scoped3A, %dma_start3A_95, %dma_start3A_96] : memref<16x2x40x128xi32, #tpu.memory_space<hbm>> -> memref<1x1x40x128xi32, #tpu.memory_space<hbm>>
        %dma_start3A_98 = tpu.memref_squeeze %dma_start3A_97 : memref<1x1x40x128xi32, #tpu.memory_space<hbm>> -> memref<40x128xi32, #tpu.memory_space<hbm>>
        %dma_start3A_99 = arith.constant 0 : i32
        %dma_start3A_100 = arith.constant 0 : i32
        %dma_start3A_101 = tpu.memref_slice %arg2[%arg1, %run_scoped3A, %dma_start3A_99, %dma_start3A_100] : memref<16x2x40x128xi32, #tpu.memory_space<hbm>> -> memref<1x1x40x128xi32, #tpu.memory_space<hbm>>
        %dma_start3A_102 = tpu.memref_squeeze %dma_start3A_101 : memref<1x1x40x128xi32, #tpu.memory_space<hbm>> -> memref<40x128xi32, #tpu.memory_space<hbm>>
        tpu.enqueue_dma source(%dma_start3A_102 : memref<40x128xi32, #tpu.memory_space<hbm>>) target(%arg13 : memref<40x128xi32, #tpu.memory_space<vmem>>) target_semaphore(%run_scoped3A_94 : memref<!tpu.dma_semaphore, #tpu.memory_space<semaphore_mem>>)
        %dma_wait3A_103 = arith.constant 0 : i32
        %dma_wait3A_104 = arith.constant 0 : i32
        %dma_wait3A_105 = tpu.memref_slice %arg2[%arg1, %run_scoped3A, %dma_wait3A_103, %dma_wait3A_104] : memref<16x2x40x128xi32, #tpu.memory_space<hbm>> -> memref<1x1x40x128xi32, #tpu.memory_space<hbm>>
        %dma_wait3A_106 = tpu.memref_squeeze %dma_wait3A_105 : memref<1x1x40x128xi32, #tpu.memory_space<hbm>> -> memref<40x128xi32, #tpu.memory_space<hbm>>
        %dma_wait3A_107 = arith.constant 0 : i32
        %dma_wait3A_108 = arith.constant 0 : i32
        %dma_wait3A_109 = tpu.memref_slice %arg2[%arg1, %run_scoped3A, %dma_wait3A_107, %dma_wait3A_108] : memref<16x2x40x128xi32, #tpu.memory_space<hbm>> -> memref<1x1x40x128xi32, #tpu.memory_space<hbm>>
        %dma_wait3A_110 = tpu.memref_squeeze %dma_wait3A_109 : memref<1x1x40x128xi32, #tpu.memory_space<hbm>> -> memref<40x128xi32, #tpu.memory_space<hbm>>
        tpu.wait_dma2 semaphore(%run_scoped3A_94 : memref<!tpu.dma_semaphore, #tpu.memory_space<semaphore_mem>>) src(%dma_wait3A_110 : memref<40x128xi32, #tpu.memory_space<hbm>>) dst(%arg13 : memref<40x128xi32, #tpu.memory_space<vmem>>)
        tpu.yield
      }) : () -> ()
      %run_scoped3A_20 = arith.constant 0 : i32
      "tpu.region"() ({
        %run_scoped3A_94 = tpu.sem_alloc : memref<!tpu.dma_semaphore, #tpu.memory_space<semaphore_mem>>
        %dma_start3A_95 = arith.constant 0 : i32
        %dma_start3A_96 = arith.constant 0 : i32
        %dma_start3A_97 = tpu.memref_slice %arg3[%arg1, %run_scoped3A_20, %dma_start3A_95, %dma_start3A_96] : memref<16x2x40x128xi32, #tpu.memory_space<hbm>> -> memref<1x1x40x128xi32, #tpu.memory_space<hbm>>
        %dma_start3A_98 = tpu.memref_squeeze %dma_start3A_97 : memref<1x1x40x128xi32, #tpu.memory_space<hbm>> -> memref<40x128xi32, #tpu.memory_space<hbm>>
        %dma_start3A_99 = arith.constant 0 : i32
        %dma_start3A_100 = arith.constant 0 : i32
        %dma_start3A_101 = tpu.memref_slice %arg3[%arg1, %run_scoped3A_20, %dma_start3A_99, %dma_start3A_100] : memref<16x2x40x128xi32, #tpu.memory_space<hbm>> -> memref<1x1x40x128xi32, #tpu.memory_space<hbm>>
        %dma_start3A_102 = tpu.memref_squeeze %dma_start3A_101 : memref<1x1x40x128xi32, #tpu.memory_space<hbm>> -> memref<40x128xi32, #tpu.memory_space<hbm>>
        tpu.enqueue_dma source(%dma_start3A_102 : memref<40x128xi32, #tpu.memory_space<hbm>>) target(%arg14 : memref<40x128xi32, #tpu.memory_space<vmem>>) target_semaphore(%run_scoped3A_94 : memref<!tpu.dma_semaphore, #tpu.memory_space<semaphore_mem>>)
        %dma_wait3A_103 = arith.constant 0 : i32
        %dma_wait3A_104 = arith.constant 0 : i32
        %dma_wait3A_105 = tpu.memref_slice %arg3[%arg1, %run_scoped3A_20, %dma_wait3A_103, %dma_wait3A_104] : memref<16x2x40x128xi32, #tpu.memory_space<hbm>> -> memref<1x1x40x128xi32, #tpu.memory_space<hbm>>
        %dma_wait3A_106 = tpu.memref_squeeze %dma_wait3A_105 : memref<1x1x40x128xi32, #tpu.memory_space<hbm>> -> memref<40x128xi32, #tpu.memory_space<hbm>>
        %dma_wait3A_107 = arith.constant 0 : i32
        %dma_wait3A_108 = arith.constant 0 : i32
        %dma_wait3A_109 = tpu.memref_slice %arg3[%arg1, %run_scoped3A_20, %dma_wait3A_107, %dma_wait3A_108] : memref<16x2x40x128xi32, #tpu.memory_space<hbm>> -> memref<1x1x40x128xi32, #tpu.memory_space<hbm>>
        %dma_wait3A_110 = tpu.memref_squeeze %dma_wait3A_109 : memref<1x1x40x128xi32, #tpu.memory_space<hbm>> -> memref<40x128xi32, #tpu.memory_space<hbm>>
        tpu.wait_dma2 semaphore(%run_scoped3A_94 : memref<!tpu.dma_semaphore, #tpu.memory_space<semaphore_mem>>) src(%dma_wait3A_110 : memref<40x128xi32, #tpu.memory_space<hbm>>) dst(%arg14 : memref<40x128xi32, #tpu.memory_space<vmem>>)
        tpu.yield
      }) : () -> ()
      %dma_start3A = arith.constant 0 : i32
      %dma_start3A_21 = arith.constant 0 : i32
      %dma_start3A_22 = tpu.memref_slice %arg13[%dma_start3A, %dma_start3A_21] : memref<40x128xi32, #tpu.memory_space<vmem>> -> memref<1x128xi32, #tpu.memory_space<vmem>>
      %dma_start3A_23 = tpu.memref_squeeze %dma_start3A_22 : memref<1x128xi32, #tpu.memory_space<vmem>> -> memref<128xi32, #tpu.memory_space<vmem>>
      %dma_start3A_24 = arith.constant 0 : i32
      %dma_start3A_25 = arith.constant 0 : i32
      %dma_start3A_26 = tpu.memref_slice %arg6[%dma_start3A_24, %dma_start3A_25] : memref<10000x128xf32, #tpu.memory_space<hbm>> -> memref<10000x128xf32, #tpu.memory_space<hbm>>
      tpu.enqueue_indirect_dma source(%dma_start3A_26 : memref<10000x128xf32, #tpu.memory_space<hbm>>) target(%arg15 : memref<128x128xf32, #tpu.memory_space<vmem>>) offsets(%dma_start3A_23 : memref<128xi32, #tpu.memory_space<vmem>>) semaphore(%arg18 : memref<!tpu.dma_semaphore, #tpu.memory_space<semaphore_mem>>)
      %scan3A = arith.constant 0 : i32
      %scan3A_27 = arith.constant 0 : i32
      %scan3A_28 = arith.constant 19 : i32
      %scan3A_29 = arith.addi %scan3A_27, %scan3A_28 : i32
      %scan3A_30 = arith.constant 1 : i32
      scf.for %scan3A_94 = %scan3A_27 to %scan3A_29 step %scan3A_30  : i32 {
        %mul3A_95 = arith.constant 2 : i32
        %mul3A_96 = arith.muli %mul3A_95, %scan3A_94 : i32
        %add3A = arith.constant 1 : i32
        %add3A_97 = arith.addi %mul3A_96, %add3A : i32
        %dma_start3A_98 = arith.constant 0 : i32
        %dma_start3A_99 = tpu.memref_slice %arg13[%add3A_97, %dma_start3A_98] : memref<40x128xi32, #tpu.memory_space<vmem>> -> memref<1x128xi32, #tpu.memory_space<vmem>>
        %dma_start3A_100 = tpu.memref_squeeze %dma_start3A_99 : memref<1x128xi32, #tpu.memory_space<vmem>> -> memref<128xi32, #tpu.memory_space<vmem>>
        %dma_start3A_101 = arith.constant 0 : i32
        %dma_start3A_102 = arith.constant 0 : i32
        %dma_start3A_103 = tpu.memref_slice %arg6[%dma_start3A_101, %dma_start3A_102] : memref<10000x128xf32, #tpu.memory_space<hbm>> -> memref<10000x128xf32, #tpu.memory_space<hbm>>
        tpu.enqueue_indirect_dma source(%dma_start3A_103 : memref<10000x128xf32, #tpu.memory_space<hbm>>) target(%arg16 : memref<128x128xf32, #tpu.memory_space<vmem>>) offsets(%dma_start3A_100 : memref<128xi32, #tpu.memory_space<vmem>>) semaphore(%arg19 : memref<!tpu.dma_semaphore, #tpu.memory_space<semaphore_mem>>)
        %dma_wait3A_104 = arith.constant 0 : i32
        %dma_wait3A_105 = arith.constant 0 : i32
        %dma_wait3A_106 = tpu.memref_slice %arg6[%dma_wait3A_104, %dma_wait3A_105] : memref<10000x128xf32, #tpu.memory_space<hbm>> -> memref<128x128xf32, #tpu.memory_space<hbm>>
        %dma_wait3A_107 = arith.constant 0 : i32
        %dma_wait3A_108 = arith.constant 0 : i32
        %dma_wait3A_109 = tpu.memref_slice %arg6[%dma_wait3A_107, %dma_wait3A_108] : memref<10000x128xf32, #tpu.memory_space<hbm>> -> memref<128x128xf32, #tpu.memory_space<hbm>>
        tpu.wait_dma2 semaphore(%arg18 : memref<!tpu.dma_semaphore, #tpu.memory_space<semaphore_mem>>) src(%dma_wait3A_109 : memref<128x128xf32, #tpu.memory_space<hbm>>) dst(%arg15 : memref<128x128xf32, #tpu.memory_space<vmem>>)
        "tpu.region"() ({
          %run_scoped3A_126 = tpu.sem_alloc : memref<!tpu.dma_semaphore, #tpu.memory_space<semaphore_mem>>
          %dma_start3A_127 = arith.constant 0 : i32
          %dma_start3A_128 = tpu.memref_slice %arg14[%mul3A_96, %dma_start3A_127] : memref<40x128xi32, #tpu.memory_space<vmem>> -> memref<1x128xi32, #tpu.memory_space<vmem>>
          %dma_start3A_129 = tpu.memref_squeeze %dma_start3A_128 : memref<1x128xi32, #tpu.memory_space<vmem>> -> memref<128xi32, #tpu.memory_space<vmem>>
          %dma_start3A_130 = arith.constant 0 : i32
          %dma_start3A_131 = arith.constant 0 : i32
          %dma_start3A_132 = tpu.memref_slice %arg17[%dma_start3A_130, %dma_start3A_131] : memref<10240x128xf32, #tpu.memory_space<vmem_shared>> -> memref<10240x128xf32, #tpu.memory_space<vmem_shared>>
          tpu.enqueue_indirect_dma source(%arg15 : memref<128x128xf32, #tpu.memory_space<vmem>>) target(%dma_start3A_132 : memref<10240x128xf32, #tpu.memory_space<vmem_shared>>) offsets(%dma_start3A_129 : memref<128xi32, #tpu.memory_space<vmem>>) semaphore(%run_scoped3A_126 : memref<!tpu.dma_semaphore, #tpu.memory_space<semaphore_mem>>) {add = true}
          %dma_wait3A_133 = arith.constant 0 : i32
          %dma_wait3A_134 = tpu.memref_slice %arg14[%mul3A_96, %dma_wait3A_133] : memref<40x128xi32, #tpu.memory_space<vmem>> -> memref<1x128xi32, #tpu.memory_space<vmem>>
          %dma_wait3A_135 = tpu.memref_squeeze %dma_wait3A_134 : memref<1x128xi32, #tpu.memory_space<vmem>> -> memref<128xi32, #tpu.memory_space<vmem>>
          %dma_wait3A_136 = arith.constant 0 : i32
          %dma_wait3A_137 = arith.constant 0 : i32
          %dma_wait3A_138 = tpu.memref_slice %arg17[%dma_wait3A_136, %dma_wait3A_137] : memref<10240x128xf32, #tpu.memory_space<vmem_shared>> -> memref<10240x128xf32, #tpu.memory_space<vmem_shared>>
          tpu.wait_indirect_dma semaphore(%run_scoped3A_126 : memref<!tpu.dma_semaphore, #tpu.memory_space<semaphore_mem>>) src(%arg15 : memref<128x128xf32, #tpu.memory_space<vmem>>) dst(%dma_wait3A_138 : memref<10240x128xf32, #tpu.memory_space<vmem_shared>>)
          tpu.yield
        }) : () -> ()
        %add3A_110 = arith.constant 2 : i32
        %add3A_111 = arith.addi %mul3A_96, %add3A_110 : i32
        %dma_start3A_112 = arith.constant 0 : i32
        %dma_start3A_113 = tpu.memref_slice %arg13[%add3A_111, %dma_start3A_112] : memref<40x128xi32, #tpu.memory_space<vmem>> -> memref<1x128xi32, #tpu.memory_space<vmem>>
        %dma_start3A_114 = tpu.memref_squeeze %dma_start3A_113 : memref<1x128xi32, #tpu.memory_space<vmem>> -> memref<128xi32, #tpu.memory_space<vmem>>
        %dma_start3A_115 = arith.constant 0 : i32
        %dma_start3A_116 = arith.constant 0 : i32
        %dma_start3A_117 = tpu.memref_slice %arg6[%dma_start3A_115, %dma_start3A_116] : memref<10000x128xf32, #tpu.memory_space<hbm>> -> memref<10000x128xf32, #tpu.memory_space<hbm>>
        tpu.enqueue_indirect_dma source(%dma_start3A_117 : memref<10000x128xf32, #tpu.memory_space<hbm>>) target(%arg15 : memref<128x128xf32, #tpu.memory_space<vmem>>) offsets(%dma_start3A_114 : memref<128xi32, #tpu.memory_space<vmem>>) semaphore(%arg18 : memref<!tpu.dma_semaphore, #tpu.memory_space<semaphore_mem>>)
        %dma_wait3A_118 = arith.constant 0 : i32
        %dma_wait3A_119 = arith.constant 0 : i32
        %dma_wait3A_120 = tpu.memref_slice %arg6[%dma_wait3A_118, %dma_wait3A_119] : memref<10000x128xf32, #tpu.memory_space<hbm>> -> memref<128x128xf32, #tpu.memory_space<hbm>>
        %dma_wait3A_121 = arith.constant 0 : i32
        %dma_wait3A_122 = arith.constant 0 : i32
        %dma_wait3A_123 = tpu.memref_slice %arg6[%dma_wait3A_121, %dma_wait3A_122] : memref<10000x128xf32, #tpu.memory_space<hbm>> -> memref<128x128xf32, #tpu.memory_space<hbm>>
        tpu.wait_dma2 semaphore(%arg19 : memref<!tpu.dma_semaphore, #tpu.memory_space<semaphore_mem>>) src(%dma_wait3A_123 : memref<128x128xf32, #tpu.memory_space<hbm>>) dst(%arg16 : memref<128x128xf32, #tpu.memory_space<vmem>>)
        %add3A_124 = arith.constant 1 : i32
        %add3A_125 = arith.addi %mul3A_96, %add3A_124 : i32
        "tpu.region"() ({
          %run_scoped3A_126 = tpu.sem_alloc : memref<!tpu.dma_semaphore, #tpu.memory_space<semaphore_mem>>
          %dma_start3A_127 = arith.constant 0 : i32
          %dma_start3A_128 = tpu.memref_slice %arg14[%add3A_125, %dma_start3A_127] : memref<40x128xi32, #tpu.memory_space<vmem>> -> memref<1x128xi32, #tpu.memory_space<vmem>>
          %dma_start3A_129 = tpu.memref_squeeze %dma_start3A_128 : memref<1x128xi32, #tpu.memory_space<vmem>> -> memref<128xi32, #tpu.memory_space<vmem>>
          %dma_start3A_130 = arith.constant 0 : i32
          %dma_start3A_131 = arith.constant 0 : i32
          %dma_start3A_132 = tpu.memref_slice %arg17[%dma_start3A_130, %dma_start3A_131] : memref<10240x128xf32, #tpu.memory_space<vmem_shared>> -> memref<10240x128xf32, #tpu.memory_space<vmem_shared>>
          tpu.enqueue_indirect_dma source(%arg16 : memref<128x128xf32, #tpu.memory_space<vmem>>) target(%dma_start3A_132 : memref<10240x128xf32, #tpu.memory_space<vmem_shared>>) offsets(%dma_start3A_129 : memref<128xi32, #tpu.memory_space<vmem>>) semaphore(%run_scoped3A_126 : memref<!tpu.dma_semaphore, #tpu.memory_space<semaphore_mem>>) {add = true}
          %dma_wait3A_133 = arith.constant 0 : i32
          %dma_wait3A_134 = tpu.memref_slice %arg14[%add3A_125, %dma_wait3A_133] : memref<40x128xi32, #tpu.memory_space<vmem>> -> memref<1x128xi32, #tpu.memory_space<vmem>>
          %dma_wait3A_135 = tpu.memref_squeeze %dma_wait3A_134 : memref<1x128xi32, #tpu.memory_space<vmem>> -> memref<128xi32, #tpu.memory_space<vmem>>
          %dma_wait3A_136 = arith.constant 0 : i32
          %dma_wait3A_137 = arith.constant 0 : i32
          %dma_wait3A_138 = tpu.memref_slice %arg17[%dma_wait3A_136, %dma_wait3A_137] : memref<10240x128xf32, #tpu.memory_space<vmem_shared>> -> memref<10240x128xf32, #tpu.memory_space<vmem_shared>>
          tpu.wait_indirect_dma semaphore(%run_scoped3A_126 : memref<!tpu.dma_semaphore, #tpu.memory_space<semaphore_mem>>) src(%arg16 : memref<128x128xf32, #tpu.memory_space<vmem>>) dst(%dma_wait3A_138 : memref<10240x128xf32, #tpu.memory_space<vmem_shared>>)
          tpu.yield
        }) : () -> ()
      }
      %scan3A_31 = arith.constant 19 : i32
      %dma_start3A_32 = arith.constant 39 : i32
      %dma_start3A_33 = arith.constant 0 : i32
      %dma_start3A_34 = tpu.memref_slice %arg13[%dma_start3A_32, %dma_start3A_33] : memref<40x128xi32, #tpu.memory_space<vmem>> -> memref<1x128xi32, #tpu.memory_space<vmem>>
      %dma_start3A_35 = tpu.memref_squeeze %dma_start3A_34 : memref<1x128xi32, #tpu.memory_space<vmem>> -> memref<128xi32, #tpu.memory_space<vmem>>
      %dma_start3A_36 = arith.constant 0 : i32
      %dma_start3A_37 = arith.constant 0 : i32
      %dma_start3A_38 = tpu.memref_slice %arg6[%dma_start3A_36, %dma_start3A_37] : memref<10000x128xf32, #tpu.memory_space<hbm>> -> memref<10000x128xf32, #tpu.memory_space<hbm>>
      tpu.enqueue_indirect_dma source(%dma_start3A_38 : memref<10000x128xf32, #tpu.memory_space<hbm>>) target(%arg16 : memref<128x128xf32, #tpu.memory_space<vmem>>) offsets(%dma_start3A_35 : memref<128xi32, #tpu.memory_space<vmem>>) semaphore(%arg19 : memref<!tpu.dma_semaphore, #tpu.memory_space<semaphore_mem>>)
      %dma_wait3A = arith.constant 0 : i32
      %dma_wait3A_39 = arith.constant 0 : i32
      %dma_wait3A_40 = tpu.memref_slice %arg6[%dma_wait3A, %dma_wait3A_39] : memref<10000x128xf32, #tpu.memory_space<hbm>> -> memref<128x128xf32, #tpu.memory_space<hbm>>
      %dma_wait3A_41 = arith.constant 0 : i32
      %dma_wait3A_42 = arith.constant 0 : i32
      %dma_wait3A_43 = tpu.memref_slice %arg6[%dma_wait3A_41, %dma_wait3A_42] : memref<10000x128xf32, #tpu.memory_space<hbm>> -> memref<128x128xf32, #tpu.memory_space<hbm>>
      tpu.wait_dma2 semaphore(%arg18 : memref<!tpu.dma_semaphore, #tpu.memory_space<semaphore_mem>>) src(%dma_wait3A_43 : memref<128x128xf32, #tpu.memory_space<hbm>>) dst(%arg15 : memref<128x128xf32, #tpu.memory_space<vmem>>)
      %run_scoped3A_44 = arith.constant 38 : i32
      "tpu.region"() ({
        %run_scoped3A_94 = tpu.sem_alloc : memref<!tpu.dma_semaphore, #tpu.memory_space<semaphore_mem>>
        %dma_start3A_95 = arith.constant 0 : i32
        %dma_start3A_96 = tpu.memref_slice %arg14[%run_scoped3A_44, %dma_start3A_95] : memref<40x128xi32, #tpu.memory_space<vmem>> -> memref<1x128xi32, #tpu.memory_space<vmem>>
        %dma_start3A_97 = tpu.memref_squeeze %dma_start3A_96 : memref<1x128xi32, #tpu.memory_space<vmem>> -> memref<128xi32, #tpu.memory_space<vmem>>
        %dma_start3A_98 = arith.constant 0 : i32
        %dma_start3A_99 = arith.constant 0 : i32
        %dma_start3A_100 = tpu.memref_slice %arg17[%dma_start3A_98, %dma_start3A_99] : memref<10240x128xf32, #tpu.memory_space<vmem_shared>> -> memref<10240x128xf32, #tpu.memory_space<vmem_shared>>
        tpu.enqueue_indirect_dma source(%arg15 : memref<128x128xf32, #tpu.memory_space<vmem>>) target(%dma_start3A_100 : memref<10240x128xf32, #tpu.memory_space<vmem_shared>>) offsets(%dma_start3A_97 : memref<128xi32, #tpu.memory_space<vmem>>) semaphore(%run_scoped3A_94 : memref<!tpu.dma_semaphore, #tpu.memory_space<semaphore_mem>>) {add = true}
        %dma_wait3A_101 = arith.constant 0 : i32
        %dma_wait3A_102 = tpu.memref_slice %arg14[%run_scoped3A_44, %dma_wait3A_101] : memref<40x128xi32, #tpu.memory_space<vmem>> -> memref<1x128xi32, #tpu.memory_space<vmem>>
        %dma_wait3A_103 = tpu.memref_squeeze %dma_wait3A_102 : memref<1x128xi32, #tpu.memory_space<vmem>> -> memref<128xi32, #tpu.memory_space<vmem>>
        %dma_wait3A_104 = arith.constant 0 : i32
        %dma_wait3A_105 = arith.constant 0 : i32
        %dma_wait3A_106 = tpu.memref_slice %arg17[%dma_wait3A_104, %dma_wait3A_105] : memref<10240x128xf32, #tpu.memory_space<vmem_shared>> -> memref<10240x128xf32, #tpu.memory_space<vmem_shared>>
        tpu.wait_indirect_dma semaphore(%run_scoped3A_94 : memref<!tpu.dma_semaphore, #tpu.memory_space<semaphore_mem>>) src(%arg15 : memref<128x128xf32, #tpu.memory_space<vmem>>) dst(%dma_wait3A_106 : memref<10240x128xf32, #tpu.memory_space<vmem_shared>>)
        tpu.yield
      }) : () -> ()
      %dma_wait3A_45 = arith.constant 0 : i32
      %dma_wait3A_46 = arith.constant 0 : i32
      %dma_wait3A_47 = tpu.memref_slice %arg6[%dma_wait3A_45, %dma_wait3A_46] : memref<10000x128xf32, #tpu.memory_space<hbm>> -> memref<128x128xf32, #tpu.memory_space<hbm>>
      %dma_wait3A_48 = arith.constant 0 : i32
      %dma_wait3A_49 = arith.constant 0 : i32
      %dma_wait3A_50 = tpu.memref_slice %arg6[%dma_wait3A_48, %dma_wait3A_49] : memref<10000x128xf32, #tpu.memory_space<hbm>> -> memref<128x128xf32, #tpu.memory_space<hbm>>
      tpu.wait_dma2 semaphore(%arg19 : memref<!tpu.dma_semaphore, #tpu.memory_space<semaphore_mem>>) src(%dma_wait3A_50 : memref<128x128xf32, #tpu.memory_space<hbm>>) dst(%arg16 : memref<128x128xf32, #tpu.memory_space<vmem>>)
      %run_scoped3A_51 = arith.constant 39 : i32
      "tpu.region"() ({
        %run_scoped3A_94 = tpu.sem_alloc : memref<!tpu.dma_semaphore, #tpu.memory_space<semaphore_mem>>
        %dma_start3A_95 = arith.constant 0 : i32
        %dma_start3A_96 = tpu.memref_slice %arg14[%run_scoped3A_51, %dma_start3A_95] : memref<40x128xi32, #tpu.memory_space<vmem>> -> memref<1x128xi32, #tpu.memory_space<vmem>>
        %dma_start3A_97 = tpu.memref_squeeze %dma_start3A_96 : memref<1x128xi32, #tpu.memory_space<vmem>> -> memref<128xi32, #tpu.memory_space<vmem>>
        %dma_start3A_98 = arith.constant 0 : i32
        %dma_start3A_99 = arith.constant 0 : i32
        %dma_start3A_100 = tpu.memref_slice %arg17[%dma_start3A_98, %dma_start3A_99] : memref<10240x128xf32, #tpu.memory_space<vmem_shared>> -> memref<10240x128xf32, #tpu.memory_space<vmem_shared>>
        tpu.enqueue_indirect_dma source(%arg16 : memref<128x128xf32, #tpu.memory_space<vmem>>) target(%dma_start3A_100 : memref<10240x128xf32, #tpu.memory_space<vmem_shared>>) offsets(%dma_start3A_97 : memref<128xi32, #tpu.memory_space<vmem>>) semaphore(%run_scoped3A_94 : memref<!tpu.dma_semaphore, #tpu.memory_space<semaphore_mem>>) {add = true}
        %dma_wait3A_101 = arith.constant 0 : i32
        %dma_wait3A_102 = tpu.memref_slice %arg14[%run_scoped3A_51, %dma_wait3A_101] : memref<40x128xi32, #tpu.memory_space<vmem>> -> memref<1x128xi32, #tpu.memory_space<vmem>>
        %dma_wait3A_103 = tpu.memref_squeeze %dma_wait3A_102 : memref<1x128xi32, #tpu.memory_space<vmem>> -> memref<128xi32, #tpu.memory_space<vmem>>
        %dma_wait3A_104 = arith.constant 0 : i32
        %dma_wait3A_105 = arith.constant 0 : i32
        %dma_wait3A_106 = tpu.memref_slice %arg17[%dma_wait3A_104, %dma_wait3A_105] : memref<10240x128xf32, #tpu.memory_space<vmem_shared>> -> memref<10240x128xf32, #tpu.memory_space<vmem_shared>>
        tpu.wait_indirect_dma semaphore(%run_scoped3A_94 : memref<!tpu.dma_semaphore, #tpu.memory_space<semaphore_mem>>) src(%arg16 : memref<128x128xf32, #tpu.memory_space<vmem>>) dst(%dma_wait3A_106 : memref<10240x128xf32, #tpu.memory_space<vmem_shared>>)
        tpu.yield
      }) : () -> ()
      %run_scoped3A_52 = arith.constant 1 : i32
      "tpu.region"() ({
        %run_scoped3A_94 = tpu.sem_alloc : memref<!tpu.dma_semaphore, #tpu.memory_space<semaphore_mem>>
        %dma_start3A_95 = arith.constant 0 : i32
        %dma_start3A_96 = arith.constant 0 : i32
        %dma_start3A_97 = tpu.memref_slice %arg2[%arg1, %run_scoped3A_52, %dma_start3A_95, %dma_start3A_96] : memref<16x2x40x128xi32, #tpu.memory_space<hbm>> -> memref<1x1x40x128xi32, #tpu.memory_space<hbm>>
        %dma_start3A_98 = tpu.memref_squeeze %dma_start3A_97 : memref<1x1x40x128xi32, #tpu.memory_space<hbm>> -> memref<40x128xi32, #tpu.memory_space<hbm>>
        %dma_start3A_99 = arith.constant 0 : i32
        %dma_start3A_100 = arith.constant 0 : i32
        %dma_start3A_101 = tpu.memref_slice %arg2[%arg1, %run_scoped3A_52, %dma_start3A_99, %dma_start3A_100] : memref<16x2x40x128xi32, #tpu.memory_space<hbm>> -> memref<1x1x40x128xi32, #tpu.memory_space<hbm>>
        %dma_start3A_102 = tpu.memref_squeeze %dma_start3A_101 : memref<1x1x40x128xi32, #tpu.memory_space<hbm>> -> memref<40x128xi32, #tpu.memory_space<hbm>>
        tpu.enqueue_dma source(%dma_start3A_102 : memref<40x128xi32, #tpu.memory_space<hbm>>) target(%arg13 : memref<40x128xi32, #tpu.memory_space<vmem>>) target_semaphore(%run_scoped3A_94 : memref<!tpu.dma_semaphore, #tpu.memory_space<semaphore_mem>>)
        %dma_wait3A_103 = arith.constant 0 : i32
        %dma_wait3A_104 = arith.constant 0 : i32
        %dma_wait3A_105 = tpu.memref_slice %arg2[%arg1, %run_scoped3A_52, %dma_wait3A_103, %dma_wait3A_104] : memref<16x2x40x128xi32, #tpu.memory_space<hbm>> -> memref<1x1x40x128xi32, #tpu.memory_space<hbm>>
        %dma_wait3A_106 = tpu.memref_squeeze %dma_wait3A_105 : memref<1x1x40x128xi32, #tpu.memory_space<hbm>> -> memref<40x128xi32, #tpu.memory_space<hbm>>
        %dma_wait3A_107 = arith.constant 0 : i32
        %dma_wait3A_108 = arith.constant 0 : i32
        %dma_wait3A_109 = tpu.memref_slice %arg2[%arg1, %run_scoped3A_52, %dma_wait3A_107, %dma_wait3A_108] : memref<16x2x40x128xi32, #tpu.memory_space<hbm>> -> memref<1x1x40x128xi32, #tpu.memory_space<hbm>>
        %dma_wait3A_110 = tpu.memref_squeeze %dma_wait3A_109 : memref<1x1x40x128xi32, #tpu.memory_space<hbm>> -> memref<40x128xi32, #tpu.memory_space<hbm>>
        tpu.wait_dma2 semaphore(%run_scoped3A_94 : memref<!tpu.dma_semaphore, #tpu.memory_space<semaphore_mem>>) src(%dma_wait3A_110 : memref<40x128xi32, #tpu.memory_space<hbm>>) dst(%arg13 : memref<40x128xi32, #tpu.memory_space<vmem>>)
        tpu.yield
      }) : () -> ()
      %run_scoped3A_53 = arith.constant 1 : i32
      "tpu.region"() ({
        %run_scoped3A_94 = tpu.sem_alloc : memref<!tpu.dma_semaphore, #tpu.memory_space<semaphore_mem>>
        %dma_start3A_95 = arith.constant 0 : i32
        %dma_start3A_96 = arith.constant 0 : i32
        %dma_start3A_97 = tpu.memref_slice %arg3[%arg1, %run_scoped3A_53, %dma_start3A_95, %dma_start3A_96] : memref<16x2x40x128xi32, #tpu.memory_space<hbm>> -> memref<1x1x40x128xi32, #tpu.memory_space<hbm>>
        %dma_start3A_98 = tpu.memref_squeeze %dma_start3A_97 : memref<1x1x40x128xi32, #tpu.memory_space<hbm>> -> memref<40x128xi32, #tpu.memory_space<hbm>>
        %dma_start3A_99 = arith.constant 0 : i32
        %dma_start3A_100 = arith.constant 0 : i32
        %dma_start3A_101 = tpu.memref_slice %arg3[%arg1, %run_scoped3A_53, %dma_start3A_99, %dma_start3A_100] : memref<16x2x40x128xi32, #tpu.memory_space<hbm>> -> memref<1x1x40x128xi32, #tpu.memory_space<hbm>>
        %dma_start3A_102 = tpu.memref_squeeze %dma_start3A_101 : memref<1x1x40x128xi32, #tpu.memory_space<hbm>> -> memref<40x128xi32, #tpu.memory_space<hbm>>
        tpu.enqueue_dma source(%dma_start3A_102 : memref<40x128xi32, #tpu.memory_space<hbm>>) target(%arg14 : memref<40x128xi32, #tpu.memory_space<vmem>>) target_semaphore(%run_scoped3A_94 : memref<!tpu.dma_semaphore, #tpu.memory_space<semaphore_mem>>)
        %dma_wait3A_103 = arith.constant 0 : i32
        %dma_wait3A_104 = arith.constant 0 : i32
        %dma_wait3A_105 = tpu.memref_slice %arg3[%arg1, %run_scoped3A_53, %dma_wait3A_103, %dma_wait3A_104] : memref<16x2x40x128xi32, #tpu.memory_space<hbm>> -> memref<1x1x40x128xi32, #tpu.memory_space<hbm>>
        %dma_wait3A_106 = tpu.memref_squeeze %dma_wait3A_105 : memref<1x1x40x128xi32, #tpu.memory_space<hbm>> -> memref<40x128xi32, #tpu.memory_space<hbm>>
        %dma_wait3A_107 = arith.constant 0 : i32
        %dma_wait3A_108 = arith.constant 0 : i32
        %dma_wait3A_109 = tpu.memref_slice %arg3[%arg1, %run_scoped3A_53, %dma_wait3A_107, %dma_wait3A_108] : memref<16x2x40x128xi32, #tpu.memory_space<hbm>> -> memref<1x1x40x128xi32, #tpu.memory_space<hbm>>
        %dma_wait3A_110 = tpu.memref_squeeze %dma_wait3A_109 : memref<1x1x40x128xi32, #tpu.memory_space<hbm>> -> memref<40x128xi32, #tpu.memory_space<hbm>>
        tpu.wait_dma2 semaphore(%run_scoped3A_94 : memref<!tpu.dma_semaphore, #tpu.memory_space<semaphore_mem>>) src(%dma_wait3A_110 : memref<40x128xi32, #tpu.memory_space<hbm>>) dst(%arg14 : memref<40x128xi32, #tpu.memory_space<vmem>>)
        tpu.yield
      }) : () -> ()
      %dma_start3A_54 = arith.constant 0 : i32
      %dma_start3A_55 = arith.constant 0 : i32
      %dma_start3A_56 = tpu.memref_slice %arg13[%dma_start3A_54, %dma_start3A_55] : memref<40x128xi32, #tpu.memory_space<vmem>> -> memref<1x128xi32, #tpu.memory_space<vmem>>
      %dma_start3A_57 = tpu.memref_squeeze %dma_start3A_56 : memref<1x128xi32, #tpu.memory_space<vmem>> -> memref<128xi32, #tpu.memory_space<vmem>>
      %dma_start3A_58 = arith.constant 0 : i32
      %dma_start3A_59 = arith.constant 0 : i32
      %dma_start3A_60 = tpu.memref_slice %arg6[%dma_start3A_58, %dma_start3A_59] : memref<10000x128xf32, #tpu.memory_space<hbm>> -> memref<10000x128xf32, #tpu.memory_space<hbm>>
      tpu.enqueue_indirect_dma source(%dma_start3A_60 : memref<10000x128xf32, #tpu.memory_space<hbm>>) target(%arg15 : memref<128x128xf32, #tpu.memory_space<vmem>>) offsets(%dma_start3A_57 : memref<128xi32, #tpu.memory_space<vmem>>) semaphore(%arg18 : memref<!tpu.dma_semaphore, #tpu.memory_space<semaphore_mem>>)
      %scan3A_61 = arith.constant 0 : i32
      %scan3A_62 = arith.constant 0 : i32
      %scan3A_63 = arith.constant 19 : i32
      %scan3A_64 = arith.addi %scan3A_62, %scan3A_63 : i32
      %scan3A_65 = arith.constant 1 : i32
      scf.for %scan3A_94 = %scan3A_62 to %scan3A_64 step %scan3A_65  : i32 {
        %mul3A_95 = arith.constant 2 : i32
        %mul3A_96 = arith.muli %mul3A_95, %scan3A_94 : i32
        %add3A = arith.constant 1 : i32
        %add3A_97 = arith.addi %mul3A_96, %add3A : i32
        %dma_start3A_98 = arith.constant 0 : i32
        %dma_start3A_99 = tpu.memref_slice %arg13[%add3A_97, %dma_start3A_98] : memref<40x128xi32, #tpu.memory_space<vmem>> -> memref<1x128xi32, #tpu.memory_space<vmem>>
        %dma_start3A_100 = tpu.memref_squeeze %dma_start3A_99 : memref<1x128xi32, #tpu.memory_space<vmem>> -> memref<128xi32, #tpu.memory_space<vmem>>
        %dma_start3A_101 = arith.constant 0 : i32
        %dma_start3A_102 = arith.constant 0 : i32
        %dma_start3A_103 = tpu.memref_slice %arg6[%dma_start3A_101, %dma_start3A_102] : memref<10000x128xf32, #tpu.memory_space<hbm>> -> memref<10000x128xf32, #tpu.memory_space<hbm>>
        tpu.enqueue_indirect_dma source(%dma_start3A_103 : memref<10000x128xf32, #tpu.memory_space<hbm>>) target(%arg16 : memref<128x128xf32, #tpu.memory_space<vmem>>) offsets(%dma_start3A_100 : memref<128xi32, #tpu.memory_space<vmem>>) semaphore(%arg19 : memref<!tpu.dma_semaphore, #tpu.memory_space<semaphore_mem>>)
        %dma_wait3A_104 = arith.constant 0 : i32
        %dma_wait3A_105 = arith.constant 0 : i32
        %dma_wait3A_106 = tpu.memref_slice %arg6[%dma_wait3A_104, %dma_wait3A_105] : memref<10000x128xf32, #tpu.memory_space<hbm>> -> memref<128x128xf32, #tpu.memory_space<hbm>>
        %dma_wait3A_107 = arith.constant 0 : i32
        %dma_wait3A_108 = arith.constant 0 : i32
        %dma_wait3A_109 = tpu.memref_slice %arg6[%dma_wait3A_107, %dma_wait3A_108] : memref<10000x128xf32, #tpu.memory_space<hbm>> -> memref<128x128xf32, #tpu.memory_space<hbm>>
        tpu.wait_dma2 semaphore(%arg18 : memref<!tpu.dma_semaphore, #tpu.memory_space<semaphore_mem>>) src(%dma_wait3A_109 : memref<128x128xf32, #tpu.memory_space<hbm>>) dst(%arg15 : memref<128x128xf32, #tpu.memory_space<vmem>>)
        "tpu.region"() ({
          %run_scoped3A_126 = tpu.sem_alloc : memref<!tpu.dma_semaphore, #tpu.memory_space<semaphore_mem>>
          %dma_start3A_127 = arith.constant 0 : i32
          %dma_start3A_128 = tpu.memref_slice %arg14[%mul3A_96, %dma_start3A_127] : memref<40x128xi32, #tpu.memory_space<vmem>> -> memref<1x128xi32, #tpu.memory_space<vmem>>
          %dma_start3A_129 = tpu.memref_squeeze %dma_start3A_128 : memref<1x128xi32, #tpu.memory_space<vmem>> -> memref<128xi32, #tpu.memory_space<vmem>>
          %dma_start3A_130 = arith.constant 0 : i32
          %dma_start3A_131 = arith.constant 0 : i32
          %dma_start3A_132 = tpu.memref_slice %arg17[%dma_start3A_130, %dma_start3A_131] : memref<10240x128xf32, #tpu.memory_space<vmem_shared>> -> memref<10240x128xf32, #tpu.memory_space<vmem_shared>>
          tpu.enqueue_indirect_dma source(%arg15 : memref<128x128xf32, #tpu.memory_space<vmem>>) target(%dma_start3A_132 : memref<10240x128xf32, #tpu.memory_space<vmem_shared>>) offsets(%dma_start3A_129 : memref<128xi32, #tpu.memory_space<vmem>>) semaphore(%run_scoped3A_126 : memref<!tpu.dma_semaphore, #tpu.memory_space<semaphore_mem>>) {add = true}
          %dma_wait3A_133 = arith.constant 0 : i32
          %dma_wait3A_134 = tpu.memref_slice %arg14[%mul3A_96, %dma_wait3A_133] : memref<40x128xi32, #tpu.memory_space<vmem>> -> memref<1x128xi32, #tpu.memory_space<vmem>>
          %dma_wait3A_135 = tpu.memref_squeeze %dma_wait3A_134 : memref<1x128xi32, #tpu.memory_space<vmem>> -> memref<128xi32, #tpu.memory_space<vmem>>
          %dma_wait3A_136 = arith.constant 0 : i32
          %dma_wait3A_137 = arith.constant 0 : i32
          %dma_wait3A_138 = tpu.memref_slice %arg17[%dma_wait3A_136, %dma_wait3A_137] : memref<10240x128xf32, #tpu.memory_space<vmem_shared>> -> memref<10240x128xf32, #tpu.memory_space<vmem_shared>>
          tpu.wait_indirect_dma semaphore(%run_scoped3A_126 : memref<!tpu.dma_semaphore, #tpu.memory_space<semaphore_mem>>) src(%arg15 : memref<128x128xf32, #tpu.memory_space<vmem>>) dst(%dma_wait3A_138 : memref<10240x128xf32, #tpu.memory_space<vmem_shared>>)
          tpu.yield
        }) : () -> ()
        %add3A_110 = arith.constant 2 : i32
        %add3A_111 = arith.addi %mul3A_96, %add3A_110 : i32
        %dma_start3A_112 = arith.constant 0 : i32
        %dma_start3A_113 = tpu.memref_slice %arg13[%add3A_111, %dma_start3A_112] : memref<40x128xi32, #tpu.memory_space<vmem>> -> memref<1x128xi32, #tpu.memory_space<vmem>>
        %dma_start3A_114 = tpu.memref_squeeze %dma_start3A_113 : memref<1x128xi32, #tpu.memory_space<vmem>> -> memref<128xi32, #tpu.memory_space<vmem>>
        %dma_start3A_115 = arith.constant 0 : i32
        %dma_start3A_116 = arith.constant 0 : i32
        %dma_start3A_117 = tpu.memref_slice %arg6[%dma_start3A_115, %dma_start3A_116] : memref<10000x128xf32, #tpu.memory_space<hbm>> -> memref<10000x128xf32, #tpu.memory_space<hbm>>
        tpu.enqueue_indirect_dma source(%dma_start3A_117 : memref<10000x128xf32, #tpu.memory_space<hbm>>) target(%arg15 : memref<128x128xf32, #tpu.memory_space<vmem>>) offsets(%dma_start3A_114 : memref<128xi32, #tpu.memory_space<vmem>>) semaphore(%arg18 : memref<!tpu.dma_semaphore, #tpu.memory_space<semaphore_mem>>)
        %dma_wait3A_118 = arith.constant 0 : i32
        %dma_wait3A_119 = arith.constant 0 : i32
        %dma_wait3A_120 = tpu.memref_slice %arg6[%dma_wait3A_118, %dma_wait3A_119] : memref<10000x128xf32, #tpu.memory_space<hbm>> -> memref<128x128xf32, #tpu.memory_space<hbm>>
        %dma_wait3A_121 = arith.constant 0 : i32
        %dma_wait3A_122 = arith.constant 0 : i32
        %dma_wait3A_123 = tpu.memref_slice %arg6[%dma_wait3A_121, %dma_wait3A_122] : memref<10000x128xf32, #tpu.memory_space<hbm>> -> memref<128x128xf32, #tpu.memory_space<hbm>>
        tpu.wait_dma2 semaphore(%arg19 : memref<!tpu.dma_semaphore, #tpu.memory_space<semaphore_mem>>) src(%dma_wait3A_123 : memref<128x128xf32, #tpu.memory_space<hbm>>) dst(%arg16 : memref<128x128xf32, #tpu.memory_space<vmem>>)
        %add3A_124 = arith.constant 1 : i32
        %add3A_125 = arith.addi %mul3A_96, %add3A_124 : i32
        "tpu.region"() ({
          %run_scoped3A_126 = tpu.sem_alloc : memref<!tpu.dma_semaphore, #tpu.memory_space<semaphore_mem>>
          %dma_start3A_127 = arith.constant 0 : i32
          %dma_start3A_128 = tpu.memref_slice %arg14[%add3A_125, %dma_start3A_127] : memref<40x128xi32, #tpu.memory_space<vmem>> -> memref<1x128xi32, #tpu.memory_space<vmem>>
          %dma_start3A_129 = tpu.memref_squeeze %dma_start3A_128 : memref<1x128xi32, #tpu.memory_space<vmem>> -> memref<128xi32, #tpu.memory_space<vmem>>
          %dma_start3A_130 = arith.constant 0 : i32
          %dma_start3A_131 = arith.constant 0 : i32
          %dma_start3A_132 = tpu.memref_slice %arg17[%dma_start3A_130, %dma_start3A_131] : memref<10240x128xf32, #tpu.memory_space<vmem_shared>> -> memref<10240x128xf32, #tpu.memory_space<vmem_shared>>
          tpu.enqueue_indirect_dma source(%arg16 : memref<128x128xf32, #tpu.memory_space<vmem>>) target(%dma_start3A_132 : memref<10240x128xf32, #tpu.memory_space<vmem_shared>>) offsets(%dma_start3A_129 : memref<128xi32, #tpu.memory_space<vmem>>) semaphore(%run_scoped3A_126 : memref<!tpu.dma_semaphore, #tpu.memory_space<semaphore_mem>>) {add = true}
          %dma_wait3A_133 = arith.constant 0 : i32
          %dma_wait3A_134 = tpu.memref_slice %arg14[%add3A_125, %dma_wait3A_133] : memref<40x128xi32, #tpu.memory_space<vmem>> -> memref<1x128xi32, #tpu.memory_space<vmem>>
          %dma_wait3A_135 = tpu.memref_squeeze %dma_wait3A_134 : memref<1x128xi32, #tpu.memory_space<vmem>> -> memref<128xi32, #tpu.memory_space<vmem>>
          %dma_wait3A_136 = arith.constant 0 : i32
          %dma_wait3A_137 = arith.constant 0 : i32
          %dma_wait3A_138 = tpu.memref_slice %arg17[%dma_wait3A_136, %dma_wait3A_137] : memref<10240x128xf32, #tpu.memory_space<vmem_shared>> -> memref<10240x128xf32, #tpu.memory_space<vmem_shared>>
          tpu.wait_indirect_dma semaphore(%run_scoped3A_126 : memref<!tpu.dma_semaphore, #tpu.memory_space<semaphore_mem>>) src(%arg16 : memref<128x128xf32, #tpu.memory_space<vmem>>) dst(%dma_wait3A_138 : memref<10240x128xf32, #tpu.memory_space<vmem_shared>>)
          tpu.yield
        }) : () -> ()
      }
      %scan3A_66 = arith.constant 19 : i32
      %dma_start3A_67 = arith.constant 39 : i32
      %dma_start3A_68 = arith.constant 0 : i32
      %dma_start3A_69 = tpu.memref_slice %arg13[%dma_start3A_67, %dma_start3A_68] : memref<40x128xi32, #tpu.memory_space<vmem>> -> memref<1x128xi32, #tpu.memory_space<vmem>>
      %dma_start3A_70 = tpu.memref_squeeze %dma_start3A_69 : memref<1x128xi32, #tpu.memory_space<vmem>> -> memref<128xi32, #tpu.memory_space<vmem>>
      %dma_start3A_71 = arith.constant 0 : i32
      %dma_start3A_72 = arith.constant 0 : i32
      %dma_start3A_73 = tpu.memref_slice %arg6[%dma_start3A_71, %dma_start3A_72] : memref<10000x128xf32, #tpu.memory_space<hbm>> -> memref<10000x128xf32, #tpu.memory_space<hbm>>
      tpu.enqueue_indirect_dma source(%dma_start3A_73 : memref<10000x128xf32, #tpu.memory_space<hbm>>) target(%arg16 : memref<128x128xf32, #tpu.memory_space<vmem>>) offsets(%dma_start3A_70 : memref<128xi32, #tpu.memory_space<vmem>>) semaphore(%arg19 : memref<!tpu.dma_semaphore, #tpu.memory_space<semaphore_mem>>)
      %dma_wait3A_74 = arith.constant 0 : i32
      %dma_wait3A_75 = arith.constant 0 : i32
      %dma_wait3A_76 = tpu.memref_slice %arg6[%dma_wait3A_74, %dma_wait3A_75] : memref<10000x128xf32, #tpu.memory_space<hbm>> -> memref<128x128xf32, #tpu.memory_space<hbm>>
      %dma_wait3A_77 = arith.constant 0 : i32
      %dma_wait3A_78 = arith.constant 0 : i32
      %dma_wait3A_79 = tpu.memref_slice %arg6[%dma_wait3A_77, %dma_wait3A_78] : memref<10000x128xf32, #tpu.memory_space<hbm>> -> memref<128x128xf32, #tpu.memory_space<hbm>>
      tpu.wait_dma2 semaphore(%arg18 : memref<!tpu.dma_semaphore, #tpu.memory_space<semaphore_mem>>) src(%dma_wait3A_79 : memref<128x128xf32, #tpu.memory_space<hbm>>) dst(%arg15 : memref<128x128xf32, #tpu.memory_space<vmem>>)
      %run_scoped3A_80 = arith.constant 38 : i32
      "tpu.region"() ({
        %run_scoped3A_94 = tpu.sem_alloc : memref<!tpu.dma_semaphore, #tpu.memory_space<semaphore_mem>>
        %dma_start3A_95 = arith.constant 0 : i32
        %dma_start3A_96 = tpu.memref_slice %arg14[%run_scoped3A_80, %dma_start3A_95] : memref<40x128xi32, #tpu.memory_space<vmem>> -> memref<1x128xi32, #tpu.memory_space<vmem>>
        %dma_start3A_97 = tpu.memref_squeeze %dma_start3A_96 : memref<1x128xi32, #tpu.memory_space<vmem>> -> memref<128xi32, #tpu.memory_space<vmem>>
        %dma_start3A_98 = arith.constant 0 : i32
        %dma_start3A_99 = arith.constant 0 : i32
        %dma_start3A_100 = tpu.memref_slice %arg17[%dma_start3A_98, %dma_start3A_99] : memref<10240x128xf32, #tpu.memory_space<vmem_shared>> -> memref<10240x128xf32, #tpu.memory_space<vmem_shared>>
        tpu.enqueue_indirect_dma source(%arg15 : memref<128x128xf32, #tpu.memory_space<vmem>>) target(%dma_start3A_100 : memref<10240x128xf32, #tpu.memory_space<vmem_shared>>) offsets(%dma_start3A_97 : memref<128xi32, #tpu.memory_space<vmem>>) semaphore(%run_scoped3A_94 : memref<!tpu.dma_semaphore, #tpu.memory_space<semaphore_mem>>) {add = true}
        %dma_wait3A_101 = arith.constant 0 : i32
        %dma_wait3A_102 = tpu.memref_slice %arg14[%run_scoped3A_80, %dma_wait3A_101] : memref<40x128xi32, #tpu.memory_space<vmem>> -> memref<1x128xi32, #tpu.memory_space<vmem>>
        %dma_wait3A_103 = tpu.memref_squeeze %dma_wait3A_102 : memref<1x128xi32, #tpu.memory_space<vmem>> -> memref<128xi32, #tpu.memory_space<vmem>>
        %dma_wait3A_104 = arith.constant 0 : i32
        %dma_wait3A_105 = arith.constant 0 : i32
        %dma_wait3A_106 = tpu.memref_slice %arg17[%dma_wait3A_104, %dma_wait3A_105] : memref<10240x128xf32, #tpu.memory_space<vmem_shared>> -> memref<10240x128xf32, #tpu.memory_space<vmem_shared>>
        tpu.wait_indirect_dma semaphore(%run_scoped3A_94 : memref<!tpu.dma_semaphore, #tpu.memory_space<semaphore_mem>>) src(%arg15 : memref<128x128xf32, #tpu.memory_space<vmem>>) dst(%dma_wait3A_106 : memref<10240x128xf32, #tpu.memory_space<vmem_shared>>)
        tpu.yield
      }) : () -> ()
      %dma_wait3A_81 = arith.constant 0 : i32
      %dma_wait3A_82 = arith.constant 0 : i32
      %dma_wait3A_83 = tpu.memref_slice %arg6[%dma_wait3A_81, %dma_wait3A_82] : memref<10000x128xf32, #tpu.memory_space<hbm>> -> memref<128x128xf32, #tpu.memory_space<hbm>>
      %dma_wait3A_84 = arith.constant 0 : i32
      %dma_wait3A_85 = arith.constant 0 : i32
      %dma_wait3A_86 = tpu.memref_slice %arg6[%dma_wait3A_84, %dma_wait3A_85] : memref<10000x128xf32, #tpu.memory_space<hbm>> -> memref<128x128xf32, #tpu.memory_space<hbm>>
      tpu.wait_dma2 semaphore(%arg19 : memref<!tpu.dma_semaphore, #tpu.memory_space<semaphore_mem>>) src(%dma_wait3A_86 : memref<128x128xf32, #tpu.memory_space<hbm>>) dst(%arg16 : memref<128x128xf32, #tpu.memory_space<vmem>>)
      %run_scoped3A_87 = arith.constant 39 : i32
      "tpu.region"() ({
        %run_scoped3A_94 = tpu.sem_alloc : memref<!tpu.dma_semaphore, #tpu.memory_space<semaphore_mem>>
        %dma_start3A_95 = arith.constant 0 : i32
        %dma_start3A_96 = tpu.memref_slice %arg14[%run_scoped3A_87, %dma_start3A_95] : memref<40x128xi32, #tpu.memory_space<vmem>> -> memref<1x128xi32, #tpu.memory_space<vmem>>
        %dma_start3A_97 = tpu.memref_squeeze %dma_start3A_96 : memref<1x128xi32, #tpu.memory_space<vmem>> -> memref<128xi32, #tpu.memory_space<vmem>>
        %dma_start3A_98 = arith.constant 0 : i32
        %dma_start3A_99 = arith.constant 0 : i32
        %dma_start3A_100 = tpu.memref_slice %arg17[%dma_start3A_98, %dma_start3A_99] : memref<10240x128xf32, #tpu.memory_space<vmem_shared>> -> memref<10240x128xf32, #tpu.memory_space<vmem_shared>>
        tpu.enqueue_indirect_dma source(%arg16 : memref<128x128xf32, #tpu.memory_space<vmem>>) target(%dma_start3A_100 : memref<10240x128xf32, #tpu.memory_space<vmem_shared>>) offsets(%dma_start3A_97 : memref<128xi32, #tpu.memory_space<vmem>>) semaphore(%run_scoped3A_94 : memref<!tpu.dma_semaphore, #tpu.memory_space<semaphore_mem>>) {add = true}
        %dma_wait3A_101 = arith.constant 0 : i32
        %dma_wait3A_102 = tpu.memref_slice %arg14[%run_scoped3A_87, %dma_wait3A_101] : memref<40x128xi32, #tpu.memory_space<vmem>> -> memref<1x128xi32, #tpu.memory_space<vmem>>
        %dma_wait3A_103 = tpu.memref_squeeze %dma_wait3A_102 : memref<1x128xi32, #tpu.memory_space<vmem>> -> memref<128xi32, #tpu.memory_space<vmem>>
        %dma_wait3A_104 = arith.constant 0 : i32
        %dma_wait3A_105 = arith.constant 0 : i32
        %dma_wait3A_106 = tpu.memref_slice %arg17[%dma_wait3A_104, %dma_wait3A_105] : memref<10240x128xf32, #tpu.memory_space<vmem_shared>> -> memref<10240x128xf32, #tpu.memory_space<vmem_shared>>
        tpu.wait_indirect_dma semaphore(%run_scoped3A_94 : memref<!tpu.dma_semaphore, #tpu.memory_space<semaphore_mem>>) src(%arg16 : memref<128x128xf32, #tpu.memory_space<vmem>>) dst(%dma_wait3A_106 : memref<10240x128xf32, #tpu.memory_space<vmem_shared>>)
        tpu.yield
      }) : () -> ()
      %barrier3A_88 = arith.constant 0 : index
      tpu.barrier barrier_id(%barrier3A_88)
      %mul3A_89 = arith.constant 640 : i32
      %mul3A_90 = arith.muli %arg1, %mul3A_89 : i32
      %mul3A_91 = arith.constant 640 : i32
      %mul3A_92 = arith.muli %arg1, %mul3A_91 : i32
      "tpu.region"() ({
        %run_scoped3A_94 = tpu.sem_alloc : memref<!tpu.dma_semaphore, #tpu.memory_space<semaphore_mem>>
        %dma_start3A_95 = arith.constant 0 : i32
        %dma_start3A_96 = tpu.memref_slice %arg10[%mul3A_92, %dma_start3A_95] : memref<10240x128xf32, #tpu.memory_space<hbm>> -> memref<640x128xf32, #tpu.memory_space<hbm>>
        %dma_start3A_97 = arith.constant 0 : i32
        %dma_start3A_98 = tpu.memref_slice %arg17[%mul3A_90, %dma_start3A_97] : memref<10240x128xf32, #tpu.memory_space<vmem_shared>> -> memref<640x128xf32, #tpu.memory_space<vmem_shared>>
        tpu.enqueue_dma source(%dma_start3A_98 : memref<640x128xf32, #tpu.memory_space<vmem_shared>>) target(%dma_start3A_96 : memref<640x128xf32, #tpu.memory_space<hbm>>) target_semaphore(%run_scoped3A_94 : memref<!tpu.dma_semaphore, #tpu.memory_space<semaphore_mem>>)
        %dma_wait3A_99 = arith.constant 0 : i32
        %dma_wait3A_100 = tpu.memref_slice %arg10[%mul3A_92, %dma_wait3A_99] : memref<10240x128xf32, #tpu.memory_space<hbm>> -> memref<640x128xf32, #tpu.memory_space<hbm>>
        %dma_wait3A_101 = arith.constant 0 : i32
        %dma_wait3A_102 = tpu.memref_slice %arg17[%mul3A_90, %dma_wait3A_101] : memref<10240x128xf32, #tpu.memory_space<vmem_shared>> -> memref<640x128xf32, #tpu.memory_space<vmem_shared>>
        tpu.wait_dma2 semaphore(%run_scoped3A_94 : memref<!tpu.dma_semaphore, #tpu.memory_space<semaphore_mem>>) src(%dma_wait3A_102 : memref<640x128xf32, #tpu.memory_space<vmem_shared>>) dst(%dma_wait3A_100 : memref<640x128xf32, #tpu.memory_space<hbm>>)
        tpu.yield
      }) : () -> ()
      %barrier3A_93 = arith.constant 0 : index
      tpu.barrier barrier_id(%barrier3A_93)
    } else {
    }
    %eq3A_7 = arith.constant 0 : i32
    %eq3A_8 = arith.cmpi eq, %arg0, %eq3A_7 : i32
    %convert_element_type3A_9 = arith.extui %eq3A_8 : i1 to i32
    %cond3A_10 = arith.constant 0 : i32
    %cond3A_11 = arith.cmpi ne, %convert_element_type3A_9, %cond3A_10 : i32
    scf.if %cond3A_11 {
      %mul3A = arith.constant 640 : i32
      %mul3A_17 = arith.muli %arg1, %mul3A : i32
      %mul3A_18 = arith.constant 640 : i32
      %mul3A_19 = arith.muli %arg1, %mul3A_18 : i32
      "tpu.region"() ({
        %run_scoped3A_94 = tpu.sem_alloc : memref<!tpu.dma_semaphore, #tpu.memory_space<semaphore_mem>>
        %dma_start3A_95 = arith.constant 0 : i32
        %dma_start3A_96 = tpu.memref_slice %arg17[%mul3A_19, %dma_start3A_95] : memref<10240x128xf32, #tpu.memory_space<vmem_shared>> -> memref<640x128xf32, #tpu.memory_space<vmem_shared>>
        %dma_start3A_97 = arith.constant 0 : i32
        %dma_start3A_98 = tpu.memref_slice %arg4[%mul3A_17, %dma_start3A_97] : memref<10240x128xf32, #tpu.memory_space<hbm>> -> memref<640x128xf32, #tpu.memory_space<hbm>>
        tpu.enqueue_dma source(%dma_start3A_98 : memref<640x128xf32, #tpu.memory_space<hbm>>) target(%dma_start3A_96 : memref<640x128xf32, #tpu.memory_space<vmem_shared>>) target_semaphore(%run_scoped3A_94 : memref<!tpu.dma_semaphore, #tpu.memory_space<semaphore_mem>>)
        %dma_wait3A_99 = arith.constant 0 : i32
        %dma_wait3A_100 = tpu.memref_slice %arg17[%mul3A_19, %dma_wait3A_99] : memref<10240x128xf32, #tpu.memory_space<vmem_shared>> -> memref<640x128xf32, #tpu.memory_space<vmem_shared>>
        %dma_wait3A_101 = arith.constant 0 : i32
        %dma_wait3A_102 = tpu.memref_slice %arg4[%mul3A_17, %dma_wait3A_101] : memref<10240x128xf32, #tpu.memory_space<hbm>> -> memref<640x128xf32, #tpu.memory_space<hbm>>
        tpu.wait_dma2 semaphore(%run_scoped3A_94 : memref<!tpu.dma_semaphore, #tpu.memory_space<semaphore_mem>>) src(%dma_wait3A_102 : memref<640x128xf32, #tpu.memory_space<hbm>>) dst(%dma_wait3A_100 : memref<640x128xf32, #tpu.memory_space<vmem_shared>>)
        tpu.yield
      }) : () -> ()
      %barrier3A = arith.constant 0 : index
      tpu.barrier barrier_id(%barrier3A)
      %run_scoped3A = arith.constant 0 : i32
      "tpu.region"() ({
        %run_scoped3A_94 = tpu.sem_alloc : memref<!tpu.dma_semaphore, #tpu.memory_space<semaphore_mem>>
        %dma_start3A_95 = arith.constant 0 : i32
        %dma_start3A_96 = arith.constant 0 : i32
        %dma_start3A_97 = tpu.memref_slice %arg2[%arg1, %run_scoped3A, %dma_start3A_95, %dma_start3A_96] : memref<16x2x40x128xi32, #tpu.memory_space<hbm>> -> memref<1x1x40x128xi32, #tpu.memory_space<hbm>>
        %dma_start3A_98 = tpu.memref_squeeze %dma_start3A_97 : memref<1x1x40x128xi32, #tpu.memory_space<hbm>> -> memref<40x128xi32, #tpu.memory_space<hbm>>
        %dma_start3A_99 = arith.constant 0 : i32
        %dma_start3A_100 = arith.constant 0 : i32
        %dma_start3A_101 = tpu.memref_slice %arg2[%arg1, %run_scoped3A, %dma_start3A_99, %dma_start3A_100] : memref<16x2x40x128xi32, #tpu.memory_space<hbm>> -> memref<1x1x40x128xi32, #tpu.memory_space<hbm>>
        %dma_start3A_102 = tpu.memref_squeeze %dma_start3A_101 : memref<1x1x40x128xi32, #tpu.memory_space<hbm>> -> memref<40x128xi32, #tpu.memory_space<hbm>>
        tpu.enqueue_dma source(%dma_start3A_102 : memref<40x128xi32, #tpu.memory_space<hbm>>) target(%arg13 : memref<40x128xi32, #tpu.memory_space<vmem>>) target_semaphore(%run_scoped3A_94 : memref<!tpu.dma_semaphore, #tpu.memory_space<semaphore_mem>>)
        %dma_wait3A_103 = arith.constant 0 : i32
        %dma_wait3A_104 = arith.constant 0 : i32
        %dma_wait3A_105 = tpu.memref_slice %arg2[%arg1, %run_scoped3A, %dma_wait3A_103, %dma_wait3A_104] : memref<16x2x40x128xi32, #tpu.memory_space<hbm>> -> memref<1x1x40x128xi32, #tpu.memory_space<hbm>>
        %dma_wait3A_106 = tpu.memref_squeeze %dma_wait3A_105 : memref<1x1x40x128xi32, #tpu.memory_space<hbm>> -> memref<40x128xi32, #tpu.memory_space<hbm>>
        %dma_wait3A_107 = arith.constant 0 : i32
        %dma_wait3A_108 = arith.constant 0 : i32
        %dma_wait3A_109 = tpu.memref_slice %arg2[%arg1, %run_scoped3A, %dma_wait3A_107, %dma_wait3A_108] : memref<16x2x40x128xi32, #tpu.memory_space<hbm>> -> memref<1x1x40x128xi32, #tpu.memory_space<hbm>>
        %dma_wait3A_110 = tpu.memref_squeeze %dma_wait3A_109 : memref<1x1x40x128xi32, #tpu.memory_space<hbm>> -> memref<40x128xi32, #tpu.memory_space<hbm>>
        tpu.wait_dma2 semaphore(%run_scoped3A_94 : memref<!tpu.dma_semaphore, #tpu.memory_space<semaphore_mem>>) src(%dma_wait3A_110 : memref<40x128xi32, #tpu.memory_space<hbm>>) dst(%arg13 : memref<40x128xi32, #tpu.memory_space<vmem>>)
        tpu.yield
      }) : () -> ()
      %run_scoped3A_20 = arith.constant 0 : i32
      "tpu.region"() ({
        %run_scoped3A_94 = tpu.sem_alloc : memref<!tpu.dma_semaphore, #tpu.memory_space<semaphore_mem>>
        %dma_start3A_95 = arith.constant 0 : i32
        %dma_start3A_96 = arith.constant 0 : i32
        %dma_start3A_97 = tpu.memref_slice %arg3[%arg1, %run_scoped3A_20, %dma_start3A_95, %dma_start3A_96] : memref<16x2x40x128xi32, #tpu.memory_space<hbm>> -> memref<1x1x40x128xi32, #tpu.memory_space<hbm>>
        %dma_start3A_98 = tpu.memref_squeeze %dma_start3A_97 : memref<1x1x40x128xi32, #tpu.memory_space<hbm>> -> memref<40x128xi32, #tpu.memory_space<hbm>>
        %dma_start3A_99 = arith.constant 0 : i32
        %dma_start3A_100 = arith.constant 0 : i32
        %dma_start3A_101 = tpu.memref_slice %arg3[%arg1, %run_scoped3A_20, %dma_start3A_99, %dma_start3A_100] : memref<16x2x40x128xi32, #tpu.memory_space<hbm>> -> memref<1x1x40x128xi32, #tpu.memory_space<hbm>>
        %dma_start3A_102 = tpu.memref_squeeze %dma_start3A_101 : memref<1x1x40x128xi32, #tpu.memory_space<hbm>> -> memref<40x128xi32, #tpu.memory_space<hbm>>
        tpu.enqueue_dma source(%dma_start3A_102 : memref<40x128xi32, #tpu.memory_space<hbm>>) target(%arg14 : memref<40x128xi32, #tpu.memory_space<vmem>>) target_semaphore(%run_scoped3A_94 : memref<!tpu.dma_semaphore, #tpu.memory_space<semaphore_mem>>)
        %dma_wait3A_103 = arith.constant 0 : i32
        %dma_wait3A_104 = arith.constant 0 : i32
        %dma_wait3A_105 = tpu.memref_slice %arg3[%arg1, %run_scoped3A_20, %dma_wait3A_103, %dma_wait3A_104] : memref<16x2x40x128xi32, #tpu.memory_space<hbm>> -> memref<1x1x40x128xi32, #tpu.memory_space<hbm>>
        %dma_wait3A_106 = tpu.memref_squeeze %dma_wait3A_105 : memref<1x1x40x128xi32, #tpu.memory_space<hbm>> -> memref<40x128xi32, #tpu.memory_space<hbm>>
        %dma_wait3A_107 = arith.constant 0 : i32
        %dma_wait3A_108 = arith.constant 0 : i32
        %dma_wait3A_109 = tpu.memref_slice %arg3[%arg1, %run_scoped3A_20, %dma_wait3A_107, %dma_wait3A_108] : memref<16x2x40x128xi32, #tpu.memory_space<hbm>> -> memref<1x1x40x128xi32, #tpu.memory_space<hbm>>
        %dma_wait3A_110 = tpu.memref_squeeze %dma_wait3A_109 : memref<1x1x40x128xi32, #tpu.memory_space<hbm>> -> memref<40x128xi32, #tpu.memory_space<hbm>>
        tpu.wait_dma2 semaphore(%run_scoped3A_94 : memref<!tpu.dma_semaphore, #tpu.memory_space<semaphore_mem>>) src(%dma_wait3A_110 : memref<40x128xi32, #tpu.memory_space<hbm>>) dst(%arg14 : memref<40x128xi32, #tpu.memory_space<vmem>>)
        tpu.yield
      }) : () -> ()
      %dma_start3A = arith.constant 0 : i32
      %dma_start3A_21 = arith.constant 0 : i32
      %dma_start3A_22 = tpu.memref_slice %arg13[%dma_start3A, %dma_start3A_21] : memref<40x128xi32, #tpu.memory_space<vmem>> -> memref<1x128xi32, #tpu.memory_space<vmem>>
      %dma_start3A_23 = tpu.memref_squeeze %dma_start3A_22 : memref<1x128xi32, #tpu.memory_space<vmem>> -> memref<128xi32, #tpu.memory_space<vmem>>
      %dma_start3A_24 = arith.constant 0 : i32
      %dma_start3A_25 = arith.constant 0 : i32
      %dma_start3A_26 = tpu.memref_slice %arg7[%dma_start3A_24, %dma_start3A_25] : memref<10000x128xf32, #tpu.memory_space<hbm>> -> memref<10000x128xf32, #tpu.memory_space<hbm>>
      tpu.enqueue_indirect_dma source(%dma_start3A_26 : memref<10000x128xf32, #tpu.memory_space<hbm>>) target(%arg15 : memref<128x128xf32, #tpu.memory_space<vmem>>) offsets(%dma_start3A_23 : memref<128xi32, #tpu.memory_space<vmem>>) semaphore(%arg18 : memref<!tpu.dma_semaphore, #tpu.memory_space<semaphore_mem>>)
      %scan3A = arith.constant 0 : i32
      %scan3A_27 = arith.constant 0 : i32
      %scan3A_28 = arith.constant 19 : i32
      %scan3A_29 = arith.addi %scan3A_27, %scan3A_28 : i32
      %scan3A_30 = arith.constant 1 : i32
      scf.for %scan3A_94 = %scan3A_27 to %scan3A_29 step %scan3A_30  : i32 {
        %mul3A_95 = arith.constant 2 : i32
        %mul3A_96 = arith.muli %mul3A_95, %scan3A_94 : i32
        %add3A = arith.constant 1 : i32
        %add3A_97 = arith.addi %mul3A_96, %add3A : i32
        %dma_start3A_98 = arith.constant 0 : i32
        %dma_start3A_99 = tpu.memref_slice %arg13[%add3A_97, %dma_start3A_98] : memref<40x128xi32, #tpu.memory_space<vmem>> -> memref<1x128xi32, #tpu.memory_space<vmem>>
        %dma_start3A_100 = tpu.memref_squeeze %dma_start3A_99 : memref<1x128xi32, #tpu.memory_space<vmem>> -> memref<128xi32, #tpu.memory_space<vmem>>
        %dma_start3A_101 = arith.constant 0 : i32
        %dma_start3A_102 = arith.constant 0 : i32
        %dma_start3A_103 = tpu.memref_slice %arg7[%dma_start3A_101, %dma_start3A_102] : memref<10000x128xf32, #tpu.memory_space<hbm>> -> memref<10000x128xf32, #tpu.memory_space<hbm>>
        tpu.enqueue_indirect_dma source(%dma_start3A_103 : memref<10000x128xf32, #tpu.memory_space<hbm>>) target(%arg16 : memref<128x128xf32, #tpu.memory_space<vmem>>) offsets(%dma_start3A_100 : memref<128xi32, #tpu.memory_space<vmem>>) semaphore(%arg19 : memref<!tpu.dma_semaphore, #tpu.memory_space<semaphore_mem>>)
        %dma_wait3A_104 = arith.constant 0 : i32
        %dma_wait3A_105 = arith.constant 0 : i32
        %dma_wait3A_106 = tpu.memref_slice %arg7[%dma_wait3A_104, %dma_wait3A_105] : memref<10000x128xf32, #tpu.memory_space<hbm>> -> memref<128x128xf32, #tpu.memory_space<hbm>>
        %dma_wait3A_107 = arith.constant 0 : i32
        %dma_wait3A_108 = arith.constant 0 : i32
        %dma_wait3A_109 = tpu.memref_slice %arg7[%dma_wait3A_107, %dma_wait3A_108] : memref<10000x128xf32, #tpu.memory_space<hbm>> -> memref<128x128xf32, #tpu.memory_space<hbm>>
        tpu.wait_dma2 semaphore(%arg18 : memref<!tpu.dma_semaphore, #tpu.memory_space<semaphore_mem>>) src(%dma_wait3A_109 : memref<128x128xf32, #tpu.memory_space<hbm>>) dst(%arg15 : memref<128x128xf32, #tpu.memory_space<vmem>>)
        "tpu.region"() ({
          %run_scoped3A_126 = tpu.sem_alloc : memref<!tpu.dma_semaphore, #tpu.memory_space<semaphore_mem>>
          %dma_start3A_127 = arith.constant 0 : i32
          %dma_start3A_128 = tpu.memref_slice %arg14[%mul3A_96, %dma_start3A_127] : memref<40x128xi32, #tpu.memory_space<vmem>> -> memref<1x128xi32, #tpu.memory_space<vmem>>
          %dma_start3A_129 = tpu.memref_squeeze %dma_start3A_128 : memref<1x128xi32, #tpu.memory_space<vmem>> -> memref<128xi32, #tpu.memory_space<vmem>>
          %dma_start3A_130 = arith.constant 0 : i32
          %dma_start3A_131 = arith.constant 0 : i32
          %dma_start3A_132 = tpu.memref_slice %arg17[%dma_start3A_130, %dma_start3A_131] : memref<10240x128xf32, #tpu.memory_space<vmem_shared>> -> memref<10240x128xf32, #tpu.memory_space<vmem_shared>>
          tpu.enqueue_indirect_dma source(%arg15 : memref<128x128xf32, #tpu.memory_space<vmem>>) target(%dma_start3A_132 : memref<10240x128xf32, #tpu.memory_space<vmem_shared>>) offsets(%dma_start3A_129 : memref<128xi32, #tpu.memory_space<vmem>>) semaphore(%run_scoped3A_126 : memref<!tpu.dma_semaphore, #tpu.memory_space<semaphore_mem>>) {add = true}
          %dma_wait3A_133 = arith.constant 0 : i32
          %dma_wait3A_134 = tpu.memref_slice %arg14[%mul3A_96, %dma_wait3A_133] : memref<40x128xi32, #tpu.memory_space<vmem>> -> memref<1x128xi32, #tpu.memory_space<vmem>>
          %dma_wait3A_135 = tpu.memref_squeeze %dma_wait3A_134 : memref<1x128xi32, #tpu.memory_space<vmem>> -> memref<128xi32, #tpu.memory_space<vmem>>
          %dma_wait3A_136 = arith.constant 0 : i32
          %dma_wait3A_137 = arith.constant 0 : i32
          %dma_wait3A_138 = tpu.memref_slice %arg17[%dma_wait3A_136, %dma_wait3A_137] : memref<10240x128xf32, #tpu.memory_space<vmem_shared>> -> memref<10240x128xf32, #tpu.memory_space<vmem_shared>>
          tpu.wait_indirect_dma semaphore(%run_scoped3A_126 : memref<!tpu.dma_semaphore, #tpu.memory_space<semaphore_mem>>) src(%arg15 : memref<128x128xf32, #tpu.memory_space<vmem>>) dst(%dma_wait3A_138 : memref<10240x128xf32, #tpu.memory_space<vmem_shared>>)
          tpu.yield
        }) : () -> ()
        %add3A_110 = arith.constant 2 : i32
        %add3A_111 = arith.addi %mul3A_96, %add3A_110 : i32
        %dma_start3A_112 = arith.constant 0 : i32
        %dma_start3A_113 = tpu.memref_slice %arg13[%add3A_111, %dma_start3A_112] : memref<40x128xi32, #tpu.memory_space<vmem>> -> memref<1x128xi32, #tpu.memory_space<vmem>>
        %dma_start3A_114 = tpu.memref_squeeze %dma_start3A_113 : memref<1x128xi32, #tpu.memory_space<vmem>> -> memref<128xi32, #tpu.memory_space<vmem>>
        %dma_start3A_115 = arith.constant 0 : i32
        %dma_start3A_116 = arith.constant 0 : i32
        %dma_start3A_117 = tpu.memref_slice %arg7[%dma_start3A_115, %dma_start3A_116] : memref<10000x128xf32, #tpu.memory_space<hbm>> -> memref<10000x128xf32, #tpu.memory_space<hbm>>
        tpu.enqueue_indirect_dma source(%dma_start3A_117 : memref<10000x128xf32, #tpu.memory_space<hbm>>) target(%arg15 : memref<128x128xf32, #tpu.memory_space<vmem>>) offsets(%dma_start3A_114 : memref<128xi32, #tpu.memory_space<vmem>>) semaphore(%arg18 : memref<!tpu.dma_semaphore, #tpu.memory_space<semaphore_mem>>)
        %dma_wait3A_118 = arith.constant 0 : i32
        %dma_wait3A_119 = arith.constant 0 : i32
        %dma_wait3A_120 = tpu.memref_slice %arg7[%dma_wait3A_118, %dma_wait3A_119] : memref<10000x128xf32, #tpu.memory_space<hbm>> -> memref<128x128xf32, #tpu.memory_space<hbm>>
        %dma_wait3A_121 = arith.constant 0 : i32
        %dma_wait3A_122 = arith.constant 0 : i32
        %dma_wait3A_123 = tpu.memref_slice %arg7[%dma_wait3A_121, %dma_wait3A_122] : memref<10000x128xf32, #tpu.memory_space<hbm>> -> memref<128x128xf32, #tpu.memory_space<hbm>>
        tpu.wait_dma2 semaphore(%arg19 : memref<!tpu.dma_semaphore, #tpu.memory_space<semaphore_mem>>) src(%dma_wait3A_123 : memref<128x128xf32, #tpu.memory_space<hbm>>) dst(%arg16 : memref<128x128xf32, #tpu.memory_space<vmem>>)
        %add3A_124 = arith.constant 1 : i32
        %add3A_125 = arith.addi %mul3A_96, %add3A_124 : i32
        "tpu.region"() ({
          %run_scoped3A_126 = tpu.sem_alloc : memref<!tpu.dma_semaphore, #tpu.memory_space<semaphore_mem>>
          %dma_start3A_127 = arith.constant 0 : i32
          %dma_start3A_128 = tpu.memref_slice %arg14[%add3A_125, %dma_start3A_127] : memref<40x128xi32, #tpu.memory_space<vmem>> -> memref<1x128xi32, #tpu.memory_space<vmem>>
          %dma_start3A_129 = tpu.memref_squeeze %dma_start3A_128 : memref<1x128xi32, #tpu.memory_space<vmem>> -> memref<128xi32, #tpu.memory_space<vmem>>
          %dma_start3A_130 = arith.constant 0 : i32
          %dma_start3A_131 = arith.constant 0 : i32
          %dma_start3A_132 = tpu.memref_slice %arg17[%dma_start3A_130, %dma_start3A_131] : memref<10240x128xf32, #tpu.memory_space<vmem_shared>> -> memref<10240x128xf32, #tpu.memory_space<vmem_shared>>
          tpu.enqueue_indirect_dma source(%arg16 : memref<128x128xf32, #tpu.memory_space<vmem>>) target(%dma_start3A_132 : memref<10240x128xf32, #tpu.memory_space<vmem_shared>>) offsets(%dma_start3A_129 : memref<128xi32, #tpu.memory_space<vmem>>) semaphore(%run_scoped3A_126 : memref<!tpu.dma_semaphore, #tpu.memory_space<semaphore_mem>>) {add = true}
          %dma_wait3A_133 = arith.constant 0 : i32
          %dma_wait3A_134 = tpu.memref_slice %arg14[%add3A_125, %dma_wait3A_133] : memref<40x128xi32, #tpu.memory_space<vmem>> -> memref<1x128xi32, #tpu.memory_space<vmem>>
          %dma_wait3A_135 = tpu.memref_squeeze %dma_wait3A_134 : memref<1x128xi32, #tpu.memory_space<vmem>> -> memref<128xi32, #tpu.memory_space<vmem>>
          %dma_wait3A_136 = arith.constant 0 : i32
          %dma_wait3A_137 = arith.constant 0 : i32
          %dma_wait3A_138 = tpu.memref_slice %arg17[%dma_wait3A_136, %dma_wait3A_137] : memref<10240x128xf32, #tpu.memory_space<vmem_shared>> -> memref<10240x128xf32, #tpu.memory_space<vmem_shared>>
          tpu.wait_indirect_dma semaphore(%run_scoped3A_126 : memref<!tpu.dma_semaphore, #tpu.memory_space<semaphore_mem>>) src(%arg16 : memref<128x128xf32, #tpu.memory_space<vmem>>) dst(%dma_wait3A_138 : memref<10240x128xf32, #tpu.memory_space<vmem_shared>>)
          tpu.yield
        }) : () -> ()
      }
      %scan3A_31 = arith.constant 19 : i32
      %dma_start3A_32 = arith.constant 39 : i32
      %dma_start3A_33 = arith.constant 0 : i32
      %dma_start3A_34 = tpu.memref_slice %arg13[%dma_start3A_32, %dma_start3A_33] : memref<40x128xi32, #tpu.memory_space<vmem>> -> memref<1x128xi32, #tpu.memory_space<vmem>>
      %dma_start3A_35 = tpu.memref_squeeze %dma_start3A_34 : memref<1x128xi32, #tpu.memory_space<vmem>> -> memref<128xi32, #tpu.memory_space<vmem>>
      %dma_start3A_36 = arith.constant 0 : i32
      %dma_start3A_37 = arith.constant 0 : i32
      %dma_start3A_38 = tpu.memref_slice %arg7[%dma_start3A_36, %dma_start3A_37] : memref<10000x128xf32, #tpu.memory_space<hbm>> -> memref<10000x128xf32, #tpu.memory_space<hbm>>
      tpu.enqueue_indirect_dma source(%dma_start3A_38 : memref<10000x128xf32, #tpu.memory_space<hbm>>) target(%arg16 : memref<128x128xf32, #tpu.memory_space<vmem>>) offsets(%dma_start3A_35 : memref<128xi32, #tpu.memory_space<vmem>>) semaphore(%arg19 : memref<!tpu.dma_semaphore, #tpu.memory_space<semaphore_mem>>)
      %dma_wait3A = arith.constant 0 : i32
      %dma_wait3A_39 = arith.constant 0 : i32
      %dma_wait3A_40 = tpu.memref_slice %arg7[%dma_wait3A, %dma_wait3A_39] : memref<10000x128xf32, #tpu.memory_space<hbm>> -> memref<128x128xf32, #tpu.memory_space<hbm>>
      %dma_wait3A_41 = arith.constant 0 : i32
      %dma_wait3A_42 = arith.constant 0 : i32
      %dma_wait3A_43 = tpu.memref_slice %arg7[%dma_wait3A_41, %dma_wait3A_42] : memref<10000x128xf32, #tpu.memory_space<hbm>> -> memref<128x128xf32, #tpu.memory_space<hbm>>
      tpu.wait_dma2 semaphore(%arg18 : memref<!tpu.dma_semaphore, #tpu.memory_space<semaphore_mem>>) src(%dma_wait3A_43 : memref<128x128xf32, #tpu.memory_space<hbm>>) dst(%arg15 : memref<128x128xf32, #tpu.memory_space<vmem>>)
      %run_scoped3A_44 = arith.constant 38 : i32
      "tpu.region"() ({
        %run_scoped3A_94 = tpu.sem_alloc : memref<!tpu.dma_semaphore, #tpu.memory_space<semaphore_mem>>
        %dma_start3A_95 = arith.constant 0 : i32
        %dma_start3A_96 = tpu.memref_slice %arg14[%run_scoped3A_44, %dma_start3A_95] : memref<40x128xi32, #tpu.memory_space<vmem>> -> memref<1x128xi32, #tpu.memory_space<vmem>>
        %dma_start3A_97 = tpu.memref_squeeze %dma_start3A_96 : memref<1x128xi32, #tpu.memory_space<vmem>> -> memref<128xi32, #tpu.memory_space<vmem>>
        %dma_start3A_98 = arith.constant 0 : i32
        %dma_start3A_99 = arith.constant 0 : i32
        %dma_start3A_100 = tpu.memref_slice %arg17[%dma_start3A_98, %dma_start3A_99] : memref<10240x128xf32, #tpu.memory_space<vmem_shared>> -> memref<10240x128xf32, #tpu.memory_space<vmem_shared>>
        tpu.enqueue_indirect_dma source(%arg15 : memref<128x128xf32, #tpu.memory_space<vmem>>) target(%dma_start3A_100 : memref<10240x128xf32, #tpu.memory_space<vmem_shared>>) offsets(%dma_start3A_97 : memref<128xi32, #tpu.memory_space<vmem>>) semaphore(%run_scoped3A_94 : memref<!tpu.dma_semaphore, #tpu.memory_space<semaphore_mem>>) {add = true}
        %dma_wait3A_101 = arith.constant 0 : i32
        %dma_wait3A_102 = tpu.memref_slice %arg14[%run_scoped3A_44, %dma_wait3A_101] : memref<40x128xi32, #tpu.memory_space<vmem>> -> memref<1x128xi32, #tpu.memory_space<vmem>>
        %dma_wait3A_103 = tpu.memref_squeeze %dma_wait3A_102 : memref<1x128xi32, #tpu.memory_space<vmem>> -> memref<128xi32, #tpu.memory_space<vmem>>
        %dma_wait3A_104 = arith.constant 0 : i32
        %dma_wait3A_105 = arith.constant 0 : i32
        %dma_wait3A_106 = tpu.memref_slice %arg17[%dma_wait3A_104, %dma_wait3A_105] : memref<10240x128xf32, #tpu.memory_space<vmem_shared>> -> memref<10240x128xf32, #tpu.memory_space<vmem_shared>>
        tpu.wait_indirect_dma semaphore(%run_scoped3A_94 : memref<!tpu.dma_semaphore, #tpu.memory_space<semaphore_mem>>) src(%arg15 : memref<128x128xf32, #tpu.memory_space<vmem>>) dst(%dma_wait3A_106 : memref<10240x128xf32, #tpu.memory_space<vmem_shared>>)
        tpu.yield
      }) : () -> ()
      %dma_wait3A_45 = arith.constant 0 : i32
      %dma_wait3A_46 = arith.constant 0 : i32
      %dma_wait3A_47 = tpu.memref_slice %arg7[%dma_wait3A_45, %dma_wait3A_46] : memref<10000x128xf32, #tpu.memory_space<hbm>> -> memref<128x128xf32, #tpu.memory_space<hbm>>
      %dma_wait3A_48 = arith.constant 0 : i32
      %dma_wait3A_49 = arith.constant 0 : i32
      %dma_wait3A_50 = tpu.memref_slice %arg7[%dma_wait3A_48, %dma_wait3A_49] : memref<10000x128xf32, #tpu.memory_space<hbm>> -> memref<128x128xf32, #tpu.memory_space<hbm>>
      tpu.wait_dma2 semaphore(%arg19 : memref<!tpu.dma_semaphore, #tpu.memory_space<semaphore_mem>>) src(%dma_wait3A_50 : memref<128x128xf32, #tpu.memory_space<hbm>>) dst(%arg16 : memref<128x128xf32, #tpu.memory_space<vmem>>)
      %run_scoped3A_51 = arith.constant 39 : i32
      "tpu.region"() ({
        %run_scoped3A_94 = tpu.sem_alloc : memref<!tpu.dma_semaphore, #tpu.memory_space<semaphore_mem>>
        %dma_start3A_95 = arith.constant 0 : i32
        %dma_start3A_96 = tpu.memref_slice %arg14[%run_scoped3A_51, %dma_start3A_95] : memref<40x128xi32, #tpu.memory_space<vmem>> -> memref<1x128xi32, #tpu.memory_space<vmem>>
        %dma_start3A_97 = tpu.memref_squeeze %dma_start3A_96 : memref<1x128xi32, #tpu.memory_space<vmem>> -> memref<128xi32, #tpu.memory_space<vmem>>
        %dma_start3A_98 = arith.constant 0 : i32
        %dma_start3A_99 = arith.constant 0 : i32
        %dma_start3A_100 = tpu.memref_slice %arg17[%dma_start3A_98, %dma_start3A_99] : memref<10240x128xf32, #tpu.memory_space<vmem_shared>> -> memref<10240x128xf32, #tpu.memory_space<vmem_shared>>
        tpu.enqueue_indirect_dma source(%arg16 : memref<128x128xf32, #tpu.memory_space<vmem>>) target(%dma_start3A_100 : memref<10240x128xf32, #tpu.memory_space<vmem_shared>>) offsets(%dma_start3A_97 : memref<128xi32, #tpu.memory_space<vmem>>) semaphore(%run_scoped3A_94 : memref<!tpu.dma_semaphore, #tpu.memory_space<semaphore_mem>>) {add = true}
        %dma_wait3A_101 = arith.constant 0 : i32
        %dma_wait3A_102 = tpu.memref_slice %arg14[%run_scoped3A_51, %dma_wait3A_101] : memref<40x128xi32, #tpu.memory_space<vmem>> -> memref<1x128xi32, #tpu.memory_space<vmem>>
        %dma_wait3A_103 = tpu.memref_squeeze %dma_wait3A_102 : memref<1x128xi32, #tpu.memory_space<vmem>> -> memref<128xi32, #tpu.memory_space<vmem>>
        %dma_wait3A_104 = arith.constant 0 : i32
        %dma_wait3A_105 = arith.constant 0 : i32
        %dma_wait3A_106 = tpu.memref_slice %arg17[%dma_wait3A_104, %dma_wait3A_105] : memref<10240x128xf32, #tpu.memory_space<vmem_shared>> -> memref<10240x128xf32, #tpu.memory_space<vmem_shared>>
        tpu.wait_indirect_dma semaphore(%run_scoped3A_94 : memref<!tpu.dma_semaphore, #tpu.memory_space<semaphore_mem>>) src(%arg16 : memref<128x128xf32, #tpu.memory_space<vmem>>) dst(%dma_wait3A_106 : memref<10240x128xf32, #tpu.memory_space<vmem_shared>>)
        tpu.yield
      }) : () -> ()
      %run_scoped3A_52 = arith.constant 1 : i32
      "tpu.region"() ({
        %run_scoped3A_94 = tpu.sem_alloc : memref<!tpu.dma_semaphore, #tpu.memory_space<semaphore_mem>>
        %dma_start3A_95 = arith.constant 0 : i32
        %dma_start3A_96 = arith.constant 0 : i32
        %dma_start3A_97 = tpu.memref_slice %arg2[%arg1, %run_scoped3A_52, %dma_start3A_95, %dma_start3A_96] : memref<16x2x40x128xi32, #tpu.memory_space<hbm>> -> memref<1x1x40x128xi32, #tpu.memory_space<hbm>>
        %dma_start3A_98 = tpu.memref_squeeze %dma_start3A_97 : memref<1x1x40x128xi32, #tpu.memory_space<hbm>> -> memref<40x128xi32, #tpu.memory_space<hbm>>
        %dma_start3A_99 = arith.constant 0 : i32
        %dma_start3A_100 = arith.constant 0 : i32
        %dma_start3A_101 = tpu.memref_slice %arg2[%arg1, %run_scoped3A_52, %dma_start3A_99, %dma_start3A_100] : memref<16x2x40x128xi32, #tpu.memory_space<hbm>> -> memref<1x1x40x128xi32, #tpu.memory_space<hbm>>
        %dma_start3A_102 = tpu.memref_squeeze %dma_start3A_101 : memref<1x1x40x128xi32, #tpu.memory_space<hbm>> -> memref<40x128xi32, #tpu.memory_space<hbm>>
        tpu.enqueue_dma source(%dma_start3A_102 : memref<40x128xi32, #tpu.memory_space<hbm>>) target(%arg13 : memref<40x128xi32, #tpu.memory_space<vmem>>) target_semaphore(%run_scoped3A_94 : memref<!tpu.dma_semaphore, #tpu.memory_space<semaphore_mem>>)
        %dma_wait3A_103 = arith.constant 0 : i32
        %dma_wait3A_104 = arith.constant 0 : i32
        %dma_wait3A_105 = tpu.memref_slice %arg2[%arg1, %run_scoped3A_52, %dma_wait3A_103, %dma_wait3A_104] : memref<16x2x40x128xi32, #tpu.memory_space<hbm>> -> memref<1x1x40x128xi32, #tpu.memory_space<hbm>>
        %dma_wait3A_106 = tpu.memref_squeeze %dma_wait3A_105 : memref<1x1x40x128xi32, #tpu.memory_space<hbm>> -> memref<40x128xi32, #tpu.memory_space<hbm>>
        %dma_wait3A_107 = arith.constant 0 : i32
        %dma_wait3A_108 = arith.constant 0 : i32
        %dma_wait3A_109 = tpu.memref_slice %arg2[%arg1, %run_scoped3A_52, %dma_wait3A_107, %dma_wait3A_108] : memref<16x2x40x128xi32, #tpu.memory_space<hbm>> -> memref<1x1x40x128xi32, #tpu.memory_space<hbm>>
        %dma_wait3A_110 = tpu.memref_squeeze %dma_wait3A_109 : memref<1x1x40x128xi32, #tpu.memory_space<hbm>> -> memref<40x128xi32, #tpu.memory_space<hbm>>
        tpu.wait_dma2 semaphore(%run_scoped3A_94 : memref<!tpu.dma_semaphore, #tpu.memory_space<semaphore_mem>>) src(%dma_wait3A_110 : memref<40x128xi32, #tpu.memory_space<hbm>>) dst(%arg13 : memref<40x128xi32, #tpu.memory_space<vmem>>)
        tpu.yield
      }) : () -> ()
      %run_scoped3A_53 = arith.constant 1 : i32
      "tpu.region"() ({
        %run_scoped3A_94 = tpu.sem_alloc : memref<!tpu.dma_semaphore, #tpu.memory_space<semaphore_mem>>
        %dma_start3A_95 = arith.constant 0 : i32
        %dma_start3A_96 = arith.constant 0 : i32
        %dma_start3A_97 = tpu.memref_slice %arg3[%arg1, %run_scoped3A_53, %dma_start3A_95, %dma_start3A_96] : memref<16x2x40x128xi32, #tpu.memory_space<hbm>> -> memref<1x1x40x128xi32, #tpu.memory_space<hbm>>
        %dma_start3A_98 = tpu.memref_squeeze %dma_start3A_97 : memref<1x1x40x128xi32, #tpu.memory_space<hbm>> -> memref<40x128xi32, #tpu.memory_space<hbm>>
        %dma_start3A_99 = arith.constant 0 : i32
        %dma_start3A_100 = arith.constant 0 : i32
        %dma_start3A_101 = tpu.memref_slice %arg3[%arg1, %run_scoped3A_53, %dma_start3A_99, %dma_start3A_100] : memref<16x2x40x128xi32, #tpu.memory_space<hbm>> -> memref<1x1x40x128xi32, #tpu.memory_space<hbm>>
        %dma_start3A_102 = tpu.memref_squeeze %dma_start3A_101 : memref<1x1x40x128xi32, #tpu.memory_space<hbm>> -> memref<40x128xi32, #tpu.memory_space<hbm>>
        tpu.enqueue_dma source(%dma_start3A_102 : memref<40x128xi32, #tpu.memory_space<hbm>>) target(%arg14 : memref<40x128xi32, #tpu.memory_space<vmem>>) target_semaphore(%run_scoped3A_94 : memref<!tpu.dma_semaphore, #tpu.memory_space<semaphore_mem>>)
        %dma_wait3A_103 = arith.constant 0 : i32
        %dma_wait3A_104 = arith.constant 0 : i32
        %dma_wait3A_105 = tpu.memref_slice %arg3[%arg1, %run_scoped3A_53, %dma_wait3A_103, %dma_wait3A_104] : memref<16x2x40x128xi32, #tpu.memory_space<hbm>> -> memref<1x1x40x128xi32, #tpu.memory_space<hbm>>
        %dma_wait3A_106 = tpu.memref_squeeze %dma_wait3A_105 : memref<1x1x40x128xi32, #tpu.memory_space<hbm>> -> memref<40x128xi32, #tpu.memory_space<hbm>>
        %dma_wait3A_107 = arith.constant 0 : i32
        %dma_wait3A_108 = arith.constant 0 : i32
        %dma_wait3A_109 = tpu.memref_slice %arg3[%arg1, %run_scoped3A_53, %dma_wait3A_107, %dma_wait3A_108] : memref<16x2x40x128xi32, #tpu.memory_space<hbm>> -> memref<1x1x40x128xi32, #tpu.memory_space<hbm>>
        %dma_wait3A_110 = tpu.memref_squeeze %dma_wait3A_109 : memref<1x1x40x128xi32, #tpu.memory_space<hbm>> -> memref<40x128xi32, #tpu.memory_space<hbm>>
        tpu.wait_dma2 semaphore(%run_scoped3A_94 : memref<!tpu.dma_semaphore, #tpu.memory_space<semaphore_mem>>) src(%dma_wait3A_110 : memref<40x128xi32, #tpu.memory_space<hbm>>) dst(%arg14 : memref<40x128xi32, #tpu.memory_space<vmem>>)
        tpu.yield
      }) : () -> ()
      %dma_start3A_54 = arith.constant 0 : i32
      %dma_start3A_55 = arith.constant 0 : i32
      %dma_start3A_56 = tpu.memref_slice %arg13[%dma_start3A_54, %dma_start3A_55] : memref<40x128xi32, #tpu.memory_space<vmem>> -> memref<1x128xi32, #tpu.memory_space<vmem>>
      %dma_start3A_57 = tpu.memref_squeeze %dma_start3A_56 : memref<1x128xi32, #tpu.memory_space<vmem>> -> memref<128xi32, #tpu.memory_space<vmem>>
      %dma_start3A_58 = arith.constant 0 : i32
      %dma_start3A_59 = arith.constant 0 : i32
      %dma_start3A_60 = tpu.memref_slice %arg7[%dma_start3A_58, %dma_start3A_59] : memref<10000x128xf32, #tpu.memory_space<hbm>> -> memref<10000x128xf32, #tpu.memory_space<hbm>>
      tpu.enqueue_indirect_dma source(%dma_start3A_60 : memref<10000x128xf32, #tpu.memory_space<hbm>>) target(%arg15 : memref<128x128xf32, #tpu.memory_space<vmem>>) offsets(%dma_start3A_57 : memref<128xi32, #tpu.memory_space<vmem>>) semaphore(%arg18 : memref<!tpu.dma_semaphore, #tpu.memory_space<semaphore_mem>>)
      %scan3A_61 = arith.constant 0 : i32
      %scan3A_62 = arith.constant 0 : i32
      %scan3A_63 = arith.constant 19 : i32
      %scan3A_64 = arith.addi %scan3A_62, %scan3A_63 : i32
      %scan3A_65 = arith.constant 1 : i32
      scf.for %scan3A_94 = %scan3A_62 to %scan3A_64 step %scan3A_65  : i32 {
        %mul3A_95 = arith.constant 2 : i32
        %mul3A_96 = arith.muli %mul3A_95, %scan3A_94 : i32
        %add3A = arith.constant 1 : i32
        %add3A_97 = arith.addi %mul3A_96, %add3A : i32
        %dma_start3A_98 = arith.constant 0 : i32
        %dma_start3A_99 = tpu.memref_slice %arg13[%add3A_97, %dma_start3A_98] : memref<40x128xi32, #tpu.memory_space<vmem>> -> memref<1x128xi32, #tpu.memory_space<vmem>>
        %dma_start3A_100 = tpu.memref_squeeze %dma_start3A_99 : memref<1x128xi32, #tpu.memory_space<vmem>> -> memref<128xi32, #tpu.memory_space<vmem>>
        %dma_start3A_101 = arith.constant 0 : i32
        %dma_start3A_102 = arith.constant 0 : i32
        %dma_start3A_103 = tpu.memref_slice %arg7[%dma_start3A_101, %dma_start3A_102] : memref<10000x128xf32, #tpu.memory_space<hbm>> -> memref<10000x128xf32, #tpu.memory_space<hbm>>
        tpu.enqueue_indirect_dma source(%dma_start3A_103 : memref<10000x128xf32, #tpu.memory_space<hbm>>) target(%arg16 : memref<128x128xf32, #tpu.memory_space<vmem>>) offsets(%dma_start3A_100 : memref<128xi32, #tpu.memory_space<vmem>>) semaphore(%arg19 : memref<!tpu.dma_semaphore, #tpu.memory_space<semaphore_mem>>)
        %dma_wait3A_104 = arith.constant 0 : i32
        %dma_wait3A_105 = arith.constant 0 : i32
        %dma_wait3A_106 = tpu.memref_slice %arg7[%dma_wait3A_104, %dma_wait3A_105] : memref<10000x128xf32, #tpu.memory_space<hbm>> -> memref<128x128xf32, #tpu.memory_space<hbm>>
        %dma_wait3A_107 = arith.constant 0 : i32
        %dma_wait3A_108 = arith.constant 0 : i32
        %dma_wait3A_109 = tpu.memref_slice %arg7[%dma_wait3A_107, %dma_wait3A_108] : memref<10000x128xf32, #tpu.memory_space<hbm>> -> memref<128x128xf32, #tpu.memory_space<hbm>>
        tpu.wait_dma2 semaphore(%arg18 : memref<!tpu.dma_semaphore, #tpu.memory_space<semaphore_mem>>) src(%dma_wait3A_109 : memref<128x128xf32, #tpu.memory_space<hbm>>) dst(%arg15 : memref<128x128xf32, #tpu.memory_space<vmem>>)
        "tpu.region"() ({
          %run_scoped3A_126 = tpu.sem_alloc : memref<!tpu.dma_semaphore, #tpu.memory_space<semaphore_mem>>
          %dma_start3A_127 = arith.constant 0 : i32
          %dma_start3A_128 = tpu.memref_slice %arg14[%mul3A_96, %dma_start3A_127] : memref<40x128xi32, #tpu.memory_space<vmem>> -> memref<1x128xi32, #tpu.memory_space<vmem>>
          %dma_start3A_129 = tpu.memref_squeeze %dma_start3A_128 : memref<1x128xi32, #tpu.memory_space<vmem>> -> memref<128xi32, #tpu.memory_space<vmem>>
          %dma_start3A_130 = arith.constant 0 : i32
          %dma_start3A_131 = arith.constant 0 : i32
          %dma_start3A_132 = tpu.memref_slice %arg17[%dma_start3A_130, %dma_start3A_131] : memref<10240x128xf32, #tpu.memory_space<vmem_shared>> -> memref<10240x128xf32, #tpu.memory_space<vmem_shared>>
          tpu.enqueue_indirect_dma source(%arg15 : memref<128x128xf32, #tpu.memory_space<vmem>>) target(%dma_start3A_132 : memref<10240x128xf32, #tpu.memory_space<vmem_shared>>) offsets(%dma_start3A_129 : memref<128xi32, #tpu.memory_space<vmem>>) semaphore(%run_scoped3A_126 : memref<!tpu.dma_semaphore, #tpu.memory_space<semaphore_mem>>) {add = true}
          %dma_wait3A_133 = arith.constant 0 : i32
          %dma_wait3A_134 = tpu.memref_slice %arg14[%mul3A_96, %dma_wait3A_133] : memref<40x128xi32, #tpu.memory_space<vmem>> -> memref<1x128xi32, #tpu.memory_space<vmem>>
          %dma_wait3A_135 = tpu.memref_squeeze %dma_wait3A_134 : memref<1x128xi32, #tpu.memory_space<vmem>> -> memref<128xi32, #tpu.memory_space<vmem>>
          %dma_wait3A_136 = arith.constant 0 : i32
          %dma_wait3A_137 = arith.constant 0 : i32
          %dma_wait3A_138 = tpu.memref_slice %arg17[%dma_wait3A_136, %dma_wait3A_137] : memref<10240x128xf32, #tpu.memory_space<vmem_shared>> -> memref<10240x128xf32, #tpu.memory_space<vmem_shared>>
          tpu.wait_indirect_dma semaphore(%run_scoped3A_126 : memref<!tpu.dma_semaphore, #tpu.memory_space<semaphore_mem>>) src(%arg15 : memref<128x128xf32, #tpu.memory_space<vmem>>) dst(%dma_wait3A_138 : memref<10240x128xf32, #tpu.memory_space<vmem_shared>>)
          tpu.yield
        }) : () -> ()
        %add3A_110 = arith.constant 2 : i32
        %add3A_111 = arith.addi %mul3A_96, %add3A_110 : i32
        %dma_start3A_112 = arith.constant 0 : i32
        %dma_start3A_113 = tpu.memref_slice %arg13[%add3A_111, %dma_start3A_112] : memref<40x128xi32, #tpu.memory_space<vmem>> -> memref<1x128xi32, #tpu.memory_space<vmem>>
        %dma_start3A_114 = tpu.memref_squeeze %dma_start3A_113 : memref<1x128xi32, #tpu.memory_space<vmem>> -> memref<128xi32, #tpu.memory_space<vmem>>
        %dma_start3A_115 = arith.constant 0 : i32
        %dma_start3A_116 = arith.constant 0 : i32
        %dma_start3A_117 = tpu.memref_slice %arg7[%dma_start3A_115, %dma_start3A_116] : memref<10000x128xf32, #tpu.memory_space<hbm>> -> memref<10000x128xf32, #tpu.memory_space<hbm>>
        tpu.enqueue_indirect_dma source(%dma_start3A_117 : memref<10000x128xf32, #tpu.memory_space<hbm>>) target(%arg15 : memref<128x128xf32, #tpu.memory_space<vmem>>) offsets(%dma_start3A_114 : memref<128xi32, #tpu.memory_space<vmem>>) semaphore(%arg18 : memref<!tpu.dma_semaphore, #tpu.memory_space<semaphore_mem>>)
        %dma_wait3A_118 = arith.constant 0 : i32
        %dma_wait3A_119 = arith.constant 0 : i32
        %dma_wait3A_120 = tpu.memref_slice %arg7[%dma_wait3A_118, %dma_wait3A_119] : memref<10000x128xf32, #tpu.memory_space<hbm>> -> memref<128x128xf32, #tpu.memory_space<hbm>>
        %dma_wait3A_121 = arith.constant 0 : i32
        %dma_wait3A_122 = arith.constant 0 : i32
        %dma_wait3A_123 = tpu.memref_slice %arg7[%dma_wait3A_121, %dma_wait3A_122] : memref<10000x128xf32, #tpu.memory_space<hbm>> -> memref<128x128xf32, #tpu.memory_space<hbm>>
        tpu.wait_dma2 semaphore(%arg19 : memref<!tpu.dma_semaphore, #tpu.memory_space<semaphore_mem>>) src(%dma_wait3A_123 : memref<128x128xf32, #tpu.memory_space<hbm>>) dst(%arg16 : memref<128x128xf32, #tpu.memory_space<vmem>>)
        %add3A_124 = arith.constant 1 : i32
        %add3A_125 = arith.addi %mul3A_96, %add3A_124 : i32
        "tpu.region"() ({
          %run_scoped3A_126 = tpu.sem_alloc : memref<!tpu.dma_semaphore, #tpu.memory_space<semaphore_mem>>
          %dma_start3A_127 = arith.constant 0 : i32
          %dma_start3A_128 = tpu.memref_slice %arg14[%add3A_125, %dma_start3A_127] : memref<40x128xi32, #tpu.memory_space<vmem>> -> memref<1x128xi32, #tpu.memory_space<vmem>>
          %dma_start3A_129 = tpu.memref_squeeze %dma_start3A_128 : memref<1x128xi32, #tpu.memory_space<vmem>> -> memref<128xi32, #tpu.memory_space<vmem>>
          %dma_start3A_130 = arith.constant 0 : i32
          %dma_start3A_131 = arith.constant 0 : i32
          %dma_start3A_132 = tpu.memref_slice %arg17[%dma_start3A_130, %dma_start3A_131] : memref<10240x128xf32, #tpu.memory_space<vmem_shared>> -> memref<10240x128xf32, #tpu.memory_space<vmem_shared>>
          tpu.enqueue_indirect_dma source(%arg16 : memref<128x128xf32, #tpu.memory_space<vmem>>) target(%dma_start3A_132 : memref<10240x128xf32, #tpu.memory_space<vmem_shared>>) offsets(%dma_start3A_129 : memref<128xi32, #tpu.memory_space<vmem>>) semaphore(%run_scoped3A_126 : memref<!tpu.dma_semaphore, #tpu.memory_space<semaphore_mem>>) {add = true}
          %dma_wait3A_133 = arith.constant 0 : i32
          %dma_wait3A_134 = tpu.memref_slice %arg14[%add3A_125, %dma_wait3A_133] : memref<40x128xi32, #tpu.memory_space<vmem>> -> memref<1x128xi32, #tpu.memory_space<vmem>>
          %dma_wait3A_135 = tpu.memref_squeeze %dma_wait3A_134 : memref<1x128xi32, #tpu.memory_space<vmem>> -> memref<128xi32, #tpu.memory_space<vmem>>
          %dma_wait3A_136 = arith.constant 0 : i32
          %dma_wait3A_137 = arith.constant 0 : i32
          %dma_wait3A_138 = tpu.memref_slice %arg17[%dma_wait3A_136, %dma_wait3A_137] : memref<10240x128xf32, #tpu.memory_space<vmem_shared>> -> memref<10240x128xf32, #tpu.memory_space<vmem_shared>>
          tpu.wait_indirect_dma semaphore(%run_scoped3A_126 : memref<!tpu.dma_semaphore, #tpu.memory_space<semaphore_mem>>) src(%arg16 : memref<128x128xf32, #tpu.memory_space<vmem>>) dst(%dma_wait3A_138 : memref<10240x128xf32, #tpu.memory_space<vmem_shared>>)
          tpu.yield
        }) : () -> ()
      }
      %scan3A_66 = arith.constant 19 : i32
      %dma_start3A_67 = arith.constant 39 : i32
      %dma_start3A_68 = arith.constant 0 : i32
      %dma_start3A_69 = tpu.memref_slice %arg13[%dma_start3A_67, %dma_start3A_68] : memref<40x128xi32, #tpu.memory_space<vmem>> -> memref<1x128xi32, #tpu.memory_space<vmem>>
      %dma_start3A_70 = tpu.memref_squeeze %dma_start3A_69 : memref<1x128xi32, #tpu.memory_space<vmem>> -> memref<128xi32, #tpu.memory_space<vmem>>
      %dma_start3A_71 = arith.constant 0 : i32
      %dma_start3A_72 = arith.constant 0 : i32
      %dma_start3A_73 = tpu.memref_slice %arg7[%dma_start3A_71, %dma_start3A_72] : memref<10000x128xf32, #tpu.memory_space<hbm>> -> memref<10000x128xf32, #tpu.memory_space<hbm>>
      tpu.enqueue_indirect_dma source(%dma_start3A_73 : memref<10000x128xf32, #tpu.memory_space<hbm>>) target(%arg16 : memref<128x128xf32, #tpu.memory_space<vmem>>) offsets(%dma_start3A_70 : memref<128xi32, #tpu.memory_space<vmem>>) semaphore(%arg19 : memref<!tpu.dma_semaphore, #tpu.memory_space<semaphore_mem>>)
      %dma_wait3A_74 = arith.constant 0 : i32
      %dma_wait3A_75 = arith.constant 0 : i32
      %dma_wait3A_76 = tpu.memref_slice %arg7[%dma_wait3A_74, %dma_wait3A_75] : memref<10000x128xf32, #tpu.memory_space<hbm>> -> memref<128x128xf32, #tpu.memory_space<hbm>>
      %dma_wait3A_77 = arith.constant 0 : i32
      %dma_wait3A_78 = arith.constant 0 : i32
      %dma_wait3A_79 = tpu.memref_slice %arg7[%dma_wait3A_77, %dma_wait3A_78] : memref<10000x128xf32, #tpu.memory_space<hbm>> -> memref<128x128xf32, #tpu.memory_space<hbm>>
      tpu.wait_dma2 semaphore(%arg18 : memref<!tpu.dma_semaphore, #tpu.memory_space<semaphore_mem>>) src(%dma_wait3A_79 : memref<128x128xf32, #tpu.memory_space<hbm>>) dst(%arg15 : memref<128x128xf32, #tpu.memory_space<vmem>>)
      %run_scoped3A_80 = arith.constant 38 : i32
      "tpu.region"() ({
        %run_scoped3A_94 = tpu.sem_alloc : memref<!tpu.dma_semaphore, #tpu.memory_space<semaphore_mem>>
        %dma_start3A_95 = arith.constant 0 : i32
        %dma_start3A_96 = tpu.memref_slice %arg14[%run_scoped3A_80, %dma_start3A_95] : memref<40x128xi32, #tpu.memory_space<vmem>> -> memref<1x128xi32, #tpu.memory_space<vmem>>
        %dma_start3A_97 = tpu.memref_squeeze %dma_start3A_96 : memref<1x128xi32, #tpu.memory_space<vmem>> -> memref<128xi32, #tpu.memory_space<vmem>>
        %dma_start3A_98 = arith.constant 0 : i32
        %dma_start3A_99 = arith.constant 0 : i32
        %dma_start3A_100 = tpu.memref_slice %arg17[%dma_start3A_98, %dma_start3A_99] : memref<10240x128xf32, #tpu.memory_space<vmem_shared>> -> memref<10240x128xf32, #tpu.memory_space<vmem_shared>>
        tpu.enqueue_indirect_dma source(%arg15 : memref<128x128xf32, #tpu.memory_space<vmem>>) target(%dma_start3A_100 : memref<10240x128xf32, #tpu.memory_space<vmem_shared>>) offsets(%dma_start3A_97 : memref<128xi32, #tpu.memory_space<vmem>>) semaphore(%run_scoped3A_94 : memref<!tpu.dma_semaphore, #tpu.memory_space<semaphore_mem>>) {add = true}
        %dma_wait3A_101 = arith.constant 0 : i32
        %dma_wait3A_102 = tpu.memref_slice %arg14[%run_scoped3A_80, %dma_wait3A_101] : memref<40x128xi32, #tpu.memory_space<vmem>> -> memref<1x128xi32, #tpu.memory_space<vmem>>
        %dma_wait3A_103 = tpu.memref_squeeze %dma_wait3A_102 : memref<1x128xi32, #tpu.memory_space<vmem>> -> memref<128xi32, #tpu.memory_space<vmem>>
        %dma_wait3A_104 = arith.constant 0 : i32
        %dma_wait3A_105 = arith.constant 0 : i32
        %dma_wait3A_106 = tpu.memref_slice %arg17[%dma_wait3A_104, %dma_wait3A_105] : memref<10240x128xf32, #tpu.memory_space<vmem_shared>> -> memref<10240x128xf32, #tpu.memory_space<vmem_shared>>
        tpu.wait_indirect_dma semaphore(%run_scoped3A_94 : memref<!tpu.dma_semaphore, #tpu.memory_space<semaphore_mem>>) src(%arg15 : memref<128x128xf32, #tpu.memory_space<vmem>>) dst(%dma_wait3A_106 : memref<10240x128xf32, #tpu.memory_space<vmem_shared>>)
        tpu.yield
      }) : () -> ()
      %dma_wait3A_81 = arith.constant 0 : i32
      %dma_wait3A_82 = arith.constant 0 : i32
      %dma_wait3A_83 = tpu.memref_slice %arg7[%dma_wait3A_81, %dma_wait3A_82] : memref<10000x128xf32, #tpu.memory_space<hbm>> -> memref<128x128xf32, #tpu.memory_space<hbm>>
      %dma_wait3A_84 = arith.constant 0 : i32
      %dma_wait3A_85 = arith.constant 0 : i32
      %dma_wait3A_86 = tpu.memref_slice %arg7[%dma_wait3A_84, %dma_wait3A_85] : memref<10000x128xf32, #tpu.memory_space<hbm>> -> memref<128x128xf32, #tpu.memory_space<hbm>>
      tpu.wait_dma2 semaphore(%arg19 : memref<!tpu.dma_semaphore, #tpu.memory_space<semaphore_mem>>) src(%dma_wait3A_86 : memref<128x128xf32, #tpu.memory_space<hbm>>) dst(%arg16 : memref<128x128xf32, #tpu.memory_space<vmem>>)
      %run_scoped3A_87 = arith.constant 39 : i32
      "tpu.region"() ({
        %run_scoped3A_94 = tpu.sem_alloc : memref<!tpu.dma_semaphore, #tpu.memory_space<semaphore_mem>>
        %dma_start3A_95 = arith.constant 0 : i32
        %dma_start3A_96 = tpu.memref_slice %arg14[%run_scoped3A_87, %dma_start3A_95] : memref<40x128xi32, #tpu.memory_space<vmem>> -> memref<1x128xi32, #tpu.memory_space<vmem>>
        %dma_start3A_97 = tpu.memref_squeeze %dma_start3A_96 : memref<1x128xi32, #tpu.memory_space<vmem>> -> memref<128xi32, #tpu.memory_space<vmem>>
        %dma_start3A_98 = arith.constant 0 : i32
        %dma_start3A_99 = arith.constant 0 : i32
        %dma_start3A_100 = tpu.memref_slice %arg17[%dma_start3A_98, %dma_start3A_99] : memref<10240x128xf32, #tpu.memory_space<vmem_shared>> -> memref<10240x128xf32, #tpu.memory_space<vmem_shared>>
        tpu.enqueue_indirect_dma source(%arg16 : memref<128x128xf32, #tpu.memory_space<vmem>>) target(%dma_start3A_100 : memref<10240x128xf32, #tpu.memory_space<vmem_shared>>) offsets(%dma_start3A_97 : memref<128xi32, #tpu.memory_space<vmem>>) semaphore(%run_scoped3A_94 : memref<!tpu.dma_semaphore, #tpu.memory_space<semaphore_mem>>) {add = true}
        %dma_wait3A_101 = arith.constant 0 : i32
        %dma_wait3A_102 = tpu.memref_slice %arg14[%run_scoped3A_87, %dma_wait3A_101] : memref<40x128xi32, #tpu.memory_space<vmem>> -> memref<1x128xi32, #tpu.memory_space<vmem>>
        %dma_wait3A_103 = tpu.memref_squeeze %dma_wait3A_102 : memref<1x128xi32, #tpu.memory_space<vmem>> -> memref<128xi32, #tpu.memory_space<vmem>>
        %dma_wait3A_104 = arith.constant 0 : i32
        %dma_wait3A_105 = arith.constant 0 : i32
        %dma_wait3A_106 = tpu.memref_slice %arg17[%dma_wait3A_104, %dma_wait3A_105] : memref<10240x128xf32, #tpu.memory_space<vmem_shared>> -> memref<10240x128xf32, #tpu.memory_space<vmem_shared>>
        tpu.wait_indirect_dma semaphore(%run_scoped3A_94 : memref<!tpu.dma_semaphore, #tpu.memory_space<semaphore_mem>>) src(%arg16 : memref<128x128xf32, #tpu.memory_space<vmem>>) dst(%dma_wait3A_106 : memref<10240x128xf32, #tpu.memory_space<vmem_shared>>)
        tpu.yield
      }) : () -> ()
      %barrier3A_88 = arith.constant 0 : index
      tpu.barrier barrier_id(%barrier3A_88)
      %mul3A_89 = arith.constant 640 : i32
      %mul3A_90 = arith.muli %arg1, %mul3A_89 : i32
      %mul3A_91 = arith.constant 640 : i32
      %mul3A_92 = arith.muli %arg1, %mul3A_91 : i32
      "tpu.region"() ({
        %run_scoped3A_94 = tpu.sem_alloc : memref<!tpu.dma_semaphore, #tpu.memory_space<semaphore_mem>>
        %dma_start3A_95 = arith.constant 0 : i32
        %dma_start3A_96 = tpu.memref_slice %arg11[%mul3A_92, %dma_start3A_95] : memref<10240x128xf32, #tpu.memory_space<hbm>> -> memref<640x128xf32, #tpu.memory_space<hbm>>
        %dma_start3A_97 = arith.constant 0 : i32
        %dma_start3A_98 = tpu.memref_slice %arg17[%mul3A_90, %dma_start3A_97] : memref<10240x128xf32, #tpu.memory_space<vmem_shared>> -> memref<640x128xf32, #tpu.memory_space<vmem_shared>>
        tpu.enqueue_dma source(%dma_start3A_98 : memref<640x128xf32, #tpu.memory_space<vmem_shared>>) target(%dma_start3A_96 : memref<640x128xf32, #tpu.memory_space<hbm>>) target_semaphore(%run_scoped3A_94 : memref<!tpu.dma_semaphore, #tpu.memory_space<semaphore_mem>>)
        %dma_wait3A_99 = arith.constant 0 : i32
        %dma_wait3A_100 = tpu.memref_slice %arg11[%mul3A_92, %dma_wait3A_99] : memref<10240x128xf32, #tpu.memory_space<hbm>> -> memref<640x128xf32, #tpu.memory_space<hbm>>
        %dma_wait3A_101 = arith.constant 0 : i32
        %dma_wait3A_102 = tpu.memref_slice %arg17[%mul3A_90, %dma_wait3A_101] : memref<10240x128xf32, #tpu.memory_space<vmem_shared>> -> memref<640x128xf32, #tpu.memory_space<vmem_shared>>
        tpu.wait_dma2 semaphore(%run_scoped3A_94 : memref<!tpu.dma_semaphore, #tpu.memory_space<semaphore_mem>>) src(%dma_wait3A_102 : memref<640x128xf32, #tpu.memory_space<vmem_shared>>) dst(%dma_wait3A_100 : memref<640x128xf32, #tpu.memory_space<hbm>>)
        tpu.yield
      }) : () -> ()
      %barrier3A_93 = arith.constant 0 : index
      tpu.barrier barrier_id(%barrier3A_93)
    } else {
    }
    %eq3A_12 = arith.constant 1 : i32
    %eq3A_13 = arith.cmpi eq, %arg0, %eq3A_12 : i32
    %convert_element_type3A_14 = arith.extui %eq3A_13 : i1 to i32
    %cond3A_15 = arith.constant 0 : i32
    %cond3A_16 = arith.cmpi ne, %convert_element_type3A_14, %cond3A_15 : i32
    scf.if %cond3A_16 {
      %mul3A = arith.constant 640 : i32
      %mul3A_17 = arith.muli %arg1, %mul3A : i32
      %mul3A_18 = arith.constant 640 : i32
      %mul3A_19 = arith.muli %arg1, %mul3A_18 : i32
      "tpu.region"() ({
        %run_scoped3A_94 = tpu.sem_alloc : memref<!tpu.dma_semaphore, #tpu.memory_space<semaphore_mem>>
        %dma_start3A_95 = arith.constant 0 : i32
        %dma_start3A_96 = tpu.memref_slice %arg17[%mul3A_19, %dma_start3A_95] : memref<10240x128xf32, #tpu.memory_space<vmem_shared>> -> memref<640x128xf32, #tpu.memory_space<vmem_shared>>
        %dma_start3A_97 = arith.constant 0 : i32
        %dma_start3A_98 = tpu.memref_slice %arg4[%mul3A_17, %dma_start3A_97] : memref<10240x128xf32, #tpu.memory_space<hbm>> -> memref<640x128xf32, #tpu.memory_space<hbm>>
        tpu.enqueue_dma source(%dma_start3A_98 : memref<640x128xf32, #tpu.memory_space<hbm>>) target(%dma_start3A_96 : memref<640x128xf32, #tpu.memory_space<vmem_shared>>) target_semaphore(%run_scoped3A_94 : memref<!tpu.dma_semaphore, #tpu.memory_space<semaphore_mem>>)
        %dma_wait3A_99 = arith.constant 0 : i32
        %dma_wait3A_100 = tpu.memref_slice %arg17[%mul3A_19, %dma_wait3A_99] : memref<10240x128xf32, #tpu.memory_space<vmem_shared>> -> memref<640x128xf32, #tpu.memory_space<vmem_shared>>
        %dma_wait3A_101 = arith.constant 0 : i32
        %dma_wait3A_102 = tpu.memref_slice %arg4[%mul3A_17, %dma_wait3A_101] : memref<10240x128xf32, #tpu.memory_space<hbm>> -> memref<640x128xf32, #tpu.memory_space<hbm>>
        tpu.wait_dma2 semaphore(%run_scoped3A_94 : memref<!tpu.dma_semaphore, #tpu.memory_space<semaphore_mem>>) src(%dma_wait3A_102 : memref<640x128xf32, #tpu.memory_space<hbm>>) dst(%dma_wait3A_100 : memref<640x128xf32, #tpu.memory_space<vmem_shared>>)
        tpu.yield
      }) : () -> ()
      %barrier3A = arith.constant 0 : index
      tpu.barrier barrier_id(%barrier3A)
      %run_scoped3A = arith.constant 0 : i32
      "tpu.region"() ({
        %run_scoped3A_94 = tpu.sem_alloc : memref<!tpu.dma_semaphore, #tpu.memory_space<semaphore_mem>>
        %dma_start3A_95 = arith.constant 0 : i32
        %dma_start3A_96 = arith.constant 0 : i32
        %dma_start3A_97 = tpu.memref_slice %arg2[%arg1, %run_scoped3A, %dma_start3A_95, %dma_start3A_96] : memref<16x2x40x128xi32, #tpu.memory_space<hbm>> -> memref<1x1x40x128xi32, #tpu.memory_space<hbm>>
        %dma_start3A_98 = tpu.memref_squeeze %dma_start3A_97 : memref<1x1x40x128xi32, #tpu.memory_space<hbm>> -> memref<40x128xi32, #tpu.memory_space<hbm>>
        %dma_start3A_99 = arith.constant 0 : i32
        %dma_start3A_100 = arith.constant 0 : i32
        %dma_start3A_101 = tpu.memref_slice %arg2[%arg1, %run_scoped3A, %dma_start3A_99, %dma_start3A_100] : memref<16x2x40x128xi32, #tpu.memory_space<hbm>> -> memref<1x1x40x128xi32, #tpu.memory_space<hbm>>
        %dma_start3A_102 = tpu.memref_squeeze %dma_start3A_101 : memref<1x1x40x128xi32, #tpu.memory_space<hbm>> -> memref<40x128xi32, #tpu.memory_space<hbm>>
        tpu.enqueue_dma source(%dma_start3A_102 : memref<40x128xi32, #tpu.memory_space<hbm>>) target(%arg13 : memref<40x128xi32, #tpu.memory_space<vmem>>) target_semaphore(%run_scoped3A_94 : memref<!tpu.dma_semaphore, #tpu.memory_space<semaphore_mem>>)
        %dma_wait3A_103 = arith.constant 0 : i32
        %dma_wait3A_104 = arith.constant 0 : i32
        %dma_wait3A_105 = tpu.memref_slice %arg2[%arg1, %run_scoped3A, %dma_wait3A_103, %dma_wait3A_104] : memref<16x2x40x128xi32, #tpu.memory_space<hbm>> -> memref<1x1x40x128xi32, #tpu.memory_space<hbm>>
        %dma_wait3A_106 = tpu.memref_squeeze %dma_wait3A_105 : memref<1x1x40x128xi32, #tpu.memory_space<hbm>> -> memref<40x128xi32, #tpu.memory_space<hbm>>
        %dma_wait3A_107 = arith.constant 0 : i32
        %dma_wait3A_108 = arith.constant 0 : i32
        %dma_wait3A_109 = tpu.memref_slice %arg2[%arg1, %run_scoped3A, %dma_wait3A_107, %dma_wait3A_108] : memref<16x2x40x128xi32, #tpu.memory_space<hbm>> -> memref<1x1x40x128xi32, #tpu.memory_space<hbm>>
        %dma_wait3A_110 = tpu.memref_squeeze %dma_wait3A_109 : memref<1x1x40x128xi32, #tpu.memory_space<hbm>> -> memref<40x128xi32, #tpu.memory_space<hbm>>
        tpu.wait_dma2 semaphore(%run_scoped3A_94 : memref<!tpu.dma_semaphore, #tpu.memory_space<semaphore_mem>>) src(%dma_wait3A_110 : memref<40x128xi32, #tpu.memory_space<hbm>>) dst(%arg13 : memref<40x128xi32, #tpu.memory_space<vmem>>)
        tpu.yield
      }) : () -> ()
      %run_scoped3A_20 = arith.constant 0 : i32
      "tpu.region"() ({
        %run_scoped3A_94 = tpu.sem_alloc : memref<!tpu.dma_semaphore, #tpu.memory_space<semaphore_mem>>
        %dma_start3A_95 = arith.constant 0 : i32
        %dma_start3A_96 = arith.constant 0 : i32
        %dma_start3A_97 = tpu.memref_slice %arg3[%arg1, %run_scoped3A_20, %dma_start3A_95, %dma_start3A_96] : memref<16x2x40x128xi32, #tpu.memory_space<hbm>> -> memref<1x1x40x128xi32, #tpu.memory_space<hbm>>
        %dma_start3A_98 = tpu.memref_squeeze %dma_start3A_97 : memref<1x1x40x128xi32, #tpu.memory_space<hbm>> -> memref<40x128xi32, #tpu.memory_space<hbm>>
        %dma_start3A_99 = arith.constant 0 : i32
        %dma_start3A_100 = arith.constant 0 : i32
        %dma_start3A_101 = tpu.memref_slice %arg3[%arg1, %run_scoped3A_20, %dma_start3A_99, %dma_start3A_100] : memref<16x2x40x128xi32, #tpu.memory_space<hbm>> -> memref<1x1x40x128xi32, #tpu.memory_space<hbm>>
        %dma_start3A_102 = tpu.memref_squeeze %dma_start3A_101 : memref<1x1x40x128xi32, #tpu.memory_space<hbm>> -> memref<40x128xi32, #tpu.memory_space<hbm>>
        tpu.enqueue_dma source(%dma_start3A_102 : memref<40x128xi32, #tpu.memory_space<hbm>>) target(%arg14 : memref<40x128xi32, #tpu.memory_space<vmem>>) target_semaphore(%run_scoped3A_94 : memref<!tpu.dma_semaphore, #tpu.memory_space<semaphore_mem>>)
        %dma_wait3A_103 = arith.constant 0 : i32
        %dma_wait3A_104 = arith.constant 0 : i32
        %dma_wait3A_105 = tpu.memref_slice %arg3[%arg1, %run_scoped3A_20, %dma_wait3A_103, %dma_wait3A_104] : memref<16x2x40x128xi32, #tpu.memory_space<hbm>> -> memref<1x1x40x128xi32, #tpu.memory_space<hbm>>
        %dma_wait3A_106 = tpu.memref_squeeze %dma_wait3A_105 : memref<1x1x40x128xi32, #tpu.memory_space<hbm>> -> memref<40x128xi32, #tpu.memory_space<hbm>>
        %dma_wait3A_107 = arith.constant 0 : i32
        %dma_wait3A_108 = arith.constant 0 : i32
        %dma_wait3A_109 = tpu.memref_slice %arg3[%arg1, %run_scoped3A_20, %dma_wait3A_107, %dma_wait3A_108] : memref<16x2x40x128xi32, #tpu.memory_space<hbm>> -> memref<1x1x40x128xi32, #tpu.memory_space<hbm>>
        %dma_wait3A_110 = tpu.memref_squeeze %dma_wait3A_109 : memref<1x1x40x128xi32, #tpu.memory_space<hbm>> -> memref<40x128xi32, #tpu.memory_space<hbm>>
        tpu.wait_dma2 semaphore(%run_scoped3A_94 : memref<!tpu.dma_semaphore, #tpu.memory_space<semaphore_mem>>) src(%dma_wait3A_110 : memref<40x128xi32, #tpu.memory_space<hbm>>) dst(%arg14 : memref<40x128xi32, #tpu.memory_space<vmem>>)
        tpu.yield
      }) : () -> ()
      %dma_start3A = arith.constant 0 : i32
      %dma_start3A_21 = arith.constant 0 : i32
      %dma_start3A_22 = tpu.memref_slice %arg13[%dma_start3A, %dma_start3A_21] : memref<40x128xi32, #tpu.memory_space<vmem>> -> memref<1x128xi32, #tpu.memory_space<vmem>>
      %dma_start3A_23 = tpu.memref_squeeze %dma_start3A_22 : memref<1x128xi32, #tpu.memory_space<vmem>> -> memref<128xi32, #tpu.memory_space<vmem>>
      %dma_start3A_24 = arith.constant 0 : i32
      %dma_start3A_25 = arith.constant 0 : i32
      %dma_start3A_26 = tpu.memref_slice %arg8[%dma_start3A_24, %dma_start3A_25] : memref<10000x128xf32, #tpu.memory_space<hbm>> -> memref<10000x128xf32, #tpu.memory_space<hbm>>
      tpu.enqueue_indirect_dma source(%dma_start3A_26 : memref<10000x128xf32, #tpu.memory_space<hbm>>) target(%arg15 : memref<128x128xf32, #tpu.memory_space<vmem>>) offsets(%dma_start3A_23 : memref<128xi32, #tpu.memory_space<vmem>>) semaphore(%arg18 : memref<!tpu.dma_semaphore, #tpu.memory_space<semaphore_mem>>)
      %scan3A = arith.constant 0 : i32
      %scan3A_27 = arith.constant 0 : i32
      %scan3A_28 = arith.constant 19 : i32
      %scan3A_29 = arith.addi %scan3A_27, %scan3A_28 : i32
      %scan3A_30 = arith.constant 1 : i32
      scf.for %scan3A_94 = %scan3A_27 to %scan3A_29 step %scan3A_30  : i32 {
        %mul3A_95 = arith.constant 2 : i32
        %mul3A_96 = arith.muli %mul3A_95, %scan3A_94 : i32
        %add3A = arith.constant 1 : i32
        %add3A_97 = arith.addi %mul3A_96, %add3A : i32
        %dma_start3A_98 = arith.constant 0 : i32
        %dma_start3A_99 = tpu.memref_slice %arg13[%add3A_97, %dma_start3A_98] : memref<40x128xi32, #tpu.memory_space<vmem>> -> memref<1x128xi32, #tpu.memory_space<vmem>>
        %dma_start3A_100 = tpu.memref_squeeze %dma_start3A_99 : memref<1x128xi32, #tpu.memory_space<vmem>> -> memref<128xi32, #tpu.memory_space<vmem>>
        %dma_start3A_101 = arith.constant 0 : i32
        %dma_start3A_102 = arith.constant 0 : i32
        %dma_start3A_103 = tpu.memref_slice %arg8[%dma_start3A_101, %dma_start3A_102] : memref<10000x128xf32, #tpu.memory_space<hbm>> -> memref<10000x128xf32, #tpu.memory_space<hbm>>
        tpu.enqueue_indirect_dma source(%dma_start3A_103 : memref<10000x128xf32, #tpu.memory_space<hbm>>) target(%arg16 : memref<128x128xf32, #tpu.memory_space<vmem>>) offsets(%dma_start3A_100 : memref<128xi32, #tpu.memory_space<vmem>>) semaphore(%arg19 : memref<!tpu.dma_semaphore, #tpu.memory_space<semaphore_mem>>)
        %dma_wait3A_104 = arith.constant 0 : i32
        %dma_wait3A_105 = arith.constant 0 : i32
        %dma_wait3A_106 = tpu.memref_slice %arg8[%dma_wait3A_104, %dma_wait3A_105] : memref<10000x128xf32, #tpu.memory_space<hbm>> -> memref<128x128xf32, #tpu.memory_space<hbm>>
        %dma_wait3A_107 = arith.constant 0 : i32
        %dma_wait3A_108 = arith.constant 0 : i32
        %dma_wait3A_109 = tpu.memref_slice %arg8[%dma_wait3A_107, %dma_wait3A_108] : memref<10000x128xf32, #tpu.memory_space<hbm>> -> memref<128x128xf32, #tpu.memory_space<hbm>>
        tpu.wait_dma2 semaphore(%arg18 : memref<!tpu.dma_semaphore, #tpu.memory_space<semaphore_mem>>) src(%dma_wait3A_109 : memref<128x128xf32, #tpu.memory_space<hbm>>) dst(%arg15 : memref<128x128xf32, #tpu.memory_space<vmem>>)
        "tpu.region"() ({
          %run_scoped3A_126 = tpu.sem_alloc : memref<!tpu.dma_semaphore, #tpu.memory_space<semaphore_mem>>
          %dma_start3A_127 = arith.constant 0 : i32
          %dma_start3A_128 = tpu.memref_slice %arg14[%mul3A_96, %dma_start3A_127] : memref<40x128xi32, #tpu.memory_space<vmem>> -> memref<1x128xi32, #tpu.memory_space<vmem>>
          %dma_start3A_129 = tpu.memref_squeeze %dma_start3A_128 : memref<1x128xi32, #tpu.memory_space<vmem>> -> memref<128xi32, #tpu.memory_space<vmem>>
          %dma_start3A_130 = arith.constant 0 : i32
          %dma_start3A_131 = arith.constant 0 : i32
          %dma_start3A_132 = tpu.memref_slice %arg17[%dma_start3A_130, %dma_start3A_131] : memref<10240x128xf32, #tpu.memory_space<vmem_shared>> -> memref<10240x128xf32, #tpu.memory_space<vmem_shared>>
          tpu.enqueue_indirect_dma source(%arg15 : memref<128x128xf32, #tpu.memory_space<vmem>>) target(%dma_start3A_132 : memref<10240x128xf32, #tpu.memory_space<vmem_shared>>) offsets(%dma_start3A_129 : memref<128xi32, #tpu.memory_space<vmem>>) semaphore(%run_scoped3A_126 : memref<!tpu.dma_semaphore, #tpu.memory_space<semaphore_mem>>) {add = true}
          %dma_wait3A_133 = arith.constant 0 : i32
          %dma_wait3A_134 = tpu.memref_slice %arg14[%mul3A_96, %dma_wait3A_133] : memref<40x128xi32, #tpu.memory_space<vmem>> -> memref<1x128xi32, #tpu.memory_space<vmem>>
          %dma_wait3A_135 = tpu.memref_squeeze %dma_wait3A_134 : memref<1x128xi32, #tpu.memory_space<vmem>> -> memref<128xi32, #tpu.memory_space<vmem>>
          %dma_wait3A_136 = arith.constant 0 : i32
          %dma_wait3A_137 = arith.constant 0 : i32
          %dma_wait3A_138 = tpu.memref_slice %arg17[%dma_wait3A_136, %dma_wait3A_137] : memref<10240x128xf32, #tpu.memory_space<vmem_shared>> -> memref<10240x128xf32, #tpu.memory_space<vmem_shared>>
          tpu.wait_indirect_dma semaphore(%run_scoped3A_126 : memref<!tpu.dma_semaphore, #tpu.memory_space<semaphore_mem>>) src(%arg15 : memref<128x128xf32, #tpu.memory_space<vmem>>) dst(%dma_wait3A_138 : memref<10240x128xf32, #tpu.memory_space<vmem_shared>>)
          tpu.yield
        }) : () -> ()
        %add3A_110 = arith.constant 2 : i32
        %add3A_111 = arith.addi %mul3A_96, %add3A_110 : i32
        %dma_start3A_112 = arith.constant 0 : i32
        %dma_start3A_113 = tpu.memref_slice %arg13[%add3A_111, %dma_start3A_112] : memref<40x128xi32, #tpu.memory_space<vmem>> -> memref<1x128xi32, #tpu.memory_space<vmem>>
        %dma_start3A_114 = tpu.memref_squeeze %dma_start3A_113 : memref<1x128xi32, #tpu.memory_space<vmem>> -> memref<128xi32, #tpu.memory_space<vmem>>
        %dma_start3A_115 = arith.constant 0 : i32
        %dma_start3A_116 = arith.constant 0 : i32
        %dma_start3A_117 = tpu.memref_slice %arg8[%dma_start3A_115, %dma_start3A_116] : memref<10000x128xf32, #tpu.memory_space<hbm>> -> memref<10000x128xf32, #tpu.memory_space<hbm>>
        tpu.enqueue_indirect_dma source(%dma_start3A_117 : memref<10000x128xf32, #tpu.memory_space<hbm>>) target(%arg15 : memref<128x128xf32, #tpu.memory_space<vmem>>) offsets(%dma_start3A_114 : memref<128xi32, #tpu.memory_space<vmem>>) semaphore(%arg18 : memref<!tpu.dma_semaphore, #tpu.memory_space<semaphore_mem>>)
        %dma_wait3A_118 = arith.constant 0 : i32
        %dma_wait3A_119 = arith.constant 0 : i32
        %dma_wait3A_120 = tpu.memref_slice %arg8[%dma_wait3A_118, %dma_wait3A_119] : memref<10000x128xf32, #tpu.memory_space<hbm>> -> memref<128x128xf32, #tpu.memory_space<hbm>>
        %dma_wait3A_121 = arith.constant 0 : i32
        %dma_wait3A_122 = arith.constant 0 : i32
        %dma_wait3A_123 = tpu.memref_slice %arg8[%dma_wait3A_121, %dma_wait3A_122] : memref<10000x128xf32, #tpu.memory_space<hbm>> -> memref<128x128xf32, #tpu.memory_space<hbm>>
        tpu.wait_dma2 semaphore(%arg19 : memref<!tpu.dma_semaphore, #tpu.memory_space<semaphore_mem>>) src(%dma_wait3A_123 : memref<128x128xf32, #tpu.memory_space<hbm>>) dst(%arg16 : memref<128x128xf32, #tpu.memory_space<vmem>>)
        %add3A_124 = arith.constant 1 : i32
        %add3A_125 = arith.addi %mul3A_96, %add3A_124 : i32
        "tpu.region"() ({
          %run_scoped3A_126 = tpu.sem_alloc : memref<!tpu.dma_semaphore, #tpu.memory_space<semaphore_mem>>
          %dma_start3A_127 = arith.constant 0 : i32
          %dma_start3A_128 = tpu.memref_slice %arg14[%add3A_125, %dma_start3A_127] : memref<40x128xi32, #tpu.memory_space<vmem>> -> memref<1x128xi32, #tpu.memory_space<vmem>>
          %dma_start3A_129 = tpu.memref_squeeze %dma_start3A_128 : memref<1x128xi32, #tpu.memory_space<vmem>> -> memref<128xi32, #tpu.memory_space<vmem>>
          %dma_start3A_130 = arith.constant 0 : i32
          %dma_start3A_131 = arith.constant 0 : i32
          %dma_start3A_132 = tpu.memref_slice %arg17[%dma_start3A_130, %dma_start3A_131] : memref<10240x128xf32, #tpu.memory_space<vmem_shared>> -> memref<10240x128xf32, #tpu.memory_space<vmem_shared>>
          tpu.enqueue_indirect_dma source(%arg16 : memref<128x128xf32, #tpu.memory_space<vmem>>) target(%dma_start3A_132 : memref<10240x128xf32, #tpu.memory_space<vmem_shared>>) offsets(%dma_start3A_129 : memref<128xi32, #tpu.memory_space<vmem>>) semaphore(%run_scoped3A_126 : memref<!tpu.dma_semaphore, #tpu.memory_space<semaphore_mem>>) {add = true}
          %dma_wait3A_133 = arith.constant 0 : i32
          %dma_wait3A_134 = tpu.memref_slice %arg14[%add3A_125, %dma_wait3A_133] : memref<40x128xi32, #tpu.memory_space<vmem>> -> memref<1x128xi32, #tpu.memory_space<vmem>>
          %dma_wait3A_135 = tpu.memref_squeeze %dma_wait3A_134 : memref<1x128xi32, #tpu.memory_space<vmem>> -> memref<128xi32, #tpu.memory_space<vmem>>
          %dma_wait3A_136 = arith.constant 0 : i32
          %dma_wait3A_137 = arith.constant 0 : i32
          %dma_wait3A_138 = tpu.memref_slice %arg17[%dma_wait3A_136, %dma_wait3A_137] : memref<10240x128xf32, #tpu.memory_space<vmem_shared>> -> memref<10240x128xf32, #tpu.memory_space<vmem_shared>>
          tpu.wait_indirect_dma semaphore(%run_scoped3A_126 : memref<!tpu.dma_semaphore, #tpu.memory_space<semaphore_mem>>) src(%arg16 : memref<128x128xf32, #tpu.memory_space<vmem>>) dst(%dma_wait3A_138 : memref<10240x128xf32, #tpu.memory_space<vmem_shared>>)
          tpu.yield
        }) : () -> ()
      }
      %scan3A_31 = arith.constant 19 : i32
      %dma_start3A_32 = arith.constant 39 : i32
      %dma_start3A_33 = arith.constant 0 : i32
      %dma_start3A_34 = tpu.memref_slice %arg13[%dma_start3A_32, %dma_start3A_33] : memref<40x128xi32, #tpu.memory_space<vmem>> -> memref<1x128xi32, #tpu.memory_space<vmem>>
      %dma_start3A_35 = tpu.memref_squeeze %dma_start3A_34 : memref<1x128xi32, #tpu.memory_space<vmem>> -> memref<128xi32, #tpu.memory_space<vmem>>
      %dma_start3A_36 = arith.constant 0 : i32
      %dma_start3A_37 = arith.constant 0 : i32
      %dma_start3A_38 = tpu.memref_slice %arg8[%dma_start3A_36, %dma_start3A_37] : memref<10000x128xf32, #tpu.memory_space<hbm>> -> memref<10000x128xf32, #tpu.memory_space<hbm>>
      tpu.enqueue_indirect_dma source(%dma_start3A_38 : memref<10000x128xf32, #tpu.memory_space<hbm>>) target(%arg16 : memref<128x128xf32, #tpu.memory_space<vmem>>) offsets(%dma_start3A_35 : memref<128xi32, #tpu.memory_space<vmem>>) semaphore(%arg19 : memref<!tpu.dma_semaphore, #tpu.memory_space<semaphore_mem>>)
      %dma_wait3A = arith.constant 0 : i32
      %dma_wait3A_39 = arith.constant 0 : i32
      %dma_wait3A_40 = tpu.memref_slice %arg8[%dma_wait3A, %dma_wait3A_39] : memref<10000x128xf32, #tpu.memory_space<hbm>> -> memref<128x128xf32, #tpu.memory_space<hbm>>
      %dma_wait3A_41 = arith.constant 0 : i32
      %dma_wait3A_42 = arith.constant 0 : i32
      %dma_wait3A_43 = tpu.memref_slice %arg8[%dma_wait3A_41, %dma_wait3A_42] : memref<10000x128xf32, #tpu.memory_space<hbm>> -> memref<128x128xf32, #tpu.memory_space<hbm>>
      tpu.wait_dma2 semaphore(%arg18 : memref<!tpu.dma_semaphore, #tpu.memory_space<semaphore_mem>>) src(%dma_wait3A_43 : memref<128x128xf32, #tpu.memory_space<hbm>>) dst(%arg15 : memref<128x128xf32, #tpu.memory_space<vmem>>)
      %run_scoped3A_44 = arith.constant 38 : i32
      "tpu.region"() ({
        %run_scoped3A_94 = tpu.sem_alloc : memref<!tpu.dma_semaphore, #tpu.memory_space<semaphore_mem>>
        %dma_start3A_95 = arith.constant 0 : i32
        %dma_start3A_96 = tpu.memref_slice %arg14[%run_scoped3A_44, %dma_start3A_95] : memref<40x128xi32, #tpu.memory_space<vmem>> -> memref<1x128xi32, #tpu.memory_space<vmem>>
        %dma_start3A_97 = tpu.memref_squeeze %dma_start3A_96 : memref<1x128xi32, #tpu.memory_space<vmem>> -> memref<128xi32, #tpu.memory_space<vmem>>
        %dma_start3A_98 = arith.constant 0 : i32
        %dma_start3A_99 = arith.constant 0 : i32
        %dma_start3A_100 = tpu.memref_slice %arg17[%dma_start3A_98, %dma_start3A_99] : memref<10240x128xf32, #tpu.memory_space<vmem_shared>> -> memref<10240x128xf32, #tpu.memory_space<vmem_shared>>
        tpu.enqueue_indirect_dma source(%arg15 : memref<128x128xf32, #tpu.memory_space<vmem>>) target(%dma_start3A_100 : memref<10240x128xf32, #tpu.memory_space<vmem_shared>>) offsets(%dma_start3A_97 : memref<128xi32, #tpu.memory_space<vmem>>) semaphore(%run_scoped3A_94 : memref<!tpu.dma_semaphore, #tpu.memory_space<semaphore_mem>>) {add = true}
        %dma_wait3A_101 = arith.constant 0 : i32
        %dma_wait3A_102 = tpu.memref_slice %arg14[%run_scoped3A_44, %dma_wait3A_101] : memref<40x128xi32, #tpu.memory_space<vmem>> -> memref<1x128xi32, #tpu.memory_space<vmem>>
        %dma_wait3A_103 = tpu.memref_squeeze %dma_wait3A_102 : memref<1x128xi32, #tpu.memory_space<vmem>> -> memref<128xi32, #tpu.memory_space<vmem>>
        %dma_wait3A_104 = arith.constant 0 : i32
        %dma_wait3A_105 = arith.constant 0 : i32
        %dma_wait3A_106 = tpu.memref_slice %arg17[%dma_wait3A_104, %dma_wait3A_105] : memref<10240x128xf32, #tpu.memory_space<vmem_shared>> -> memref<10240x128xf32, #tpu.memory_space<vmem_shared>>
        tpu.wait_indirect_dma semaphore(%run_scoped3A_94 : memref<!tpu.dma_semaphore, #tpu.memory_space<semaphore_mem>>) src(%arg15 : memref<128x128xf32, #tpu.memory_space<vmem>>) dst(%dma_wait3A_106 : memref<10240x128xf32, #tpu.memory_space<vmem_shared>>)
        tpu.yield
      }) : () -> ()
      %dma_wait3A_45 = arith.constant 0 : i32
      %dma_wait3A_46 = arith.constant 0 : i32
      %dma_wait3A_47 = tpu.memref_slice %arg8[%dma_wait3A_45, %dma_wait3A_46] : memref<10000x128xf32, #tpu.memory_space<hbm>> -> memref<128x128xf32, #tpu.memory_space<hbm>>
      %dma_wait3A_48 = arith.constant 0 : i32
      %dma_wait3A_49 = arith.constant 0 : i32
      %dma_wait3A_50 = tpu.memref_slice %arg8[%dma_wait3A_48, %dma_wait3A_49] : memref<10000x128xf32, #tpu.memory_space<hbm>> -> memref<128x128xf32, #tpu.memory_space<hbm>>
      tpu.wait_dma2 semaphore(%arg19 : memref<!tpu.dma_semaphore, #tpu.memory_space<semaphore_mem>>) src(%dma_wait3A_50 : memref<128x128xf32, #tpu.memory_space<hbm>>) dst(%arg16 : memref<128x128xf32, #tpu.memory_space<vmem>>)
      %run_scoped3A_51 = arith.constant 39 : i32
      "tpu.region"() ({
        %run_scoped3A_94 = tpu.sem_alloc : memref<!tpu.dma_semaphore, #tpu.memory_space<semaphore_mem>>
        %dma_start3A_95 = arith.constant 0 : i32
        %dma_start3A_96 = tpu.memref_slice %arg14[%run_scoped3A_51, %dma_start3A_95] : memref<40x128xi32, #tpu.memory_space<vmem>> -> memref<1x128xi32, #tpu.memory_space<vmem>>
        %dma_start3A_97 = tpu.memref_squeeze %dma_start3A_96 : memref<1x128xi32, #tpu.memory_space<vmem>> -> memref<128xi32, #tpu.memory_space<vmem>>
        %dma_start3A_98 = arith.constant 0 : i32
        %dma_start3A_99 = arith.constant 0 : i32
        %dma_start3A_100 = tpu.memref_slice %arg17[%dma_start3A_98, %dma_start3A_99] : memref<10240x128xf32, #tpu.memory_space<vmem_shared>> -> memref<10240x128xf32, #tpu.memory_space<vmem_shared>>
        tpu.enqueue_indirect_dma source(%arg16 : memref<128x128xf32, #tpu.memory_space<vmem>>) target(%dma_start3A_100 : memref<10240x128xf32, #tpu.memory_space<vmem_shared>>) offsets(%dma_start3A_97 : memref<128xi32, #tpu.memory_space<vmem>>) semaphore(%run_scoped3A_94 : memref<!tpu.dma_semaphore, #tpu.memory_space<semaphore_mem>>) {add = true}
        %dma_wait3A_101 = arith.constant 0 : i32
        %dma_wait3A_102 = tpu.memref_slice %arg14[%run_scoped3A_51, %dma_wait3A_101] : memref<40x128xi32, #tpu.memory_space<vmem>> -> memref<1x128xi32, #tpu.memory_space<vmem>>
        %dma_wait3A_103 = tpu.memref_squeeze %dma_wait3A_102 : memref<1x128xi32, #tpu.memory_space<vmem>> -> memref<128xi32, #tpu.memory_space<vmem>>
        %dma_wait3A_104 = arith.constant 0 : i32
        %dma_wait3A_105 = arith.constant 0 : i32
        %dma_wait3A_106 = tpu.memref_slice %arg17[%dma_wait3A_104, %dma_wait3A_105] : memref<10240x128xf32, #tpu.memory_space<vmem_shared>> -> memref<10240x128xf32, #tpu.memory_space<vmem_shared>>
        tpu.wait_indirect_dma semaphore(%run_scoped3A_94 : memref<!tpu.dma_semaphore, #tpu.memory_space<semaphore_mem>>) src(%arg16 : memref<128x128xf32, #tpu.memory_space<vmem>>) dst(%dma_wait3A_106 : memref<10240x128xf32, #tpu.memory_space<vmem_shared>>)
        tpu.yield
      }) : () -> ()
      %run_scoped3A_52 = arith.constant 1 : i32
      "tpu.region"() ({
        %run_scoped3A_94 = tpu.sem_alloc : memref<!tpu.dma_semaphore, #tpu.memory_space<semaphore_mem>>
        %dma_start3A_95 = arith.constant 0 : i32
        %dma_start3A_96 = arith.constant 0 : i32
        %dma_start3A_97 = tpu.memref_slice %arg2[%arg1, %run_scoped3A_52, %dma_start3A_95, %dma_start3A_96] : memref<16x2x40x128xi32, #tpu.memory_space<hbm>> -> memref<1x1x40x128xi32, #tpu.memory_space<hbm>>
        %dma_start3A_98 = tpu.memref_squeeze %dma_start3A_97 : memref<1x1x40x128xi32, #tpu.memory_space<hbm>> -> memref<40x128xi32, #tpu.memory_space<hbm>>
        %dma_start3A_99 = arith.constant 0 : i32
        %dma_start3A_100 = arith.constant 0 : i32
        %dma_start3A_101 = tpu.memref_slice %arg2[%arg1, %run_scoped3A_52, %dma_start3A_99, %dma_start3A_100] : memref<16x2x40x128xi32, #tpu.memory_space<hbm>> -> memref<1x1x40x128xi32, #tpu.memory_space<hbm>>
        %dma_start3A_102 = tpu.memref_squeeze %dma_start3A_101 : memref<1x1x40x128xi32, #tpu.memory_space<hbm>> -> memref<40x128xi32, #tpu.memory_space<hbm>>
        tpu.enqueue_dma source(%dma_start3A_102 : memref<40x128xi32, #tpu.memory_space<hbm>>) target(%arg13 : memref<40x128xi32, #tpu.memory_space<vmem>>) target_semaphore(%run_scoped3A_94 : memref<!tpu.dma_semaphore, #tpu.memory_space<semaphore_mem>>)
        %dma_wait3A_103 = arith.constant 0 : i32
        %dma_wait3A_104 = arith.constant 0 : i32
        %dma_wait3A_105 = tpu.memref_slice %arg2[%arg1, %run_scoped3A_52, %dma_wait3A_103, %dma_wait3A_104] : memref<16x2x40x128xi32, #tpu.memory_space<hbm>> -> memref<1x1x40x128xi32, #tpu.memory_space<hbm>>
        %dma_wait3A_106 = tpu.memref_squeeze %dma_wait3A_105 : memref<1x1x40x128xi32, #tpu.memory_space<hbm>> -> memref<40x128xi32, #tpu.memory_space<hbm>>
        %dma_wait3A_107 = arith.constant 0 : i32
        %dma_wait3A_108 = arith.constant 0 : i32
        %dma_wait3A_109 = tpu.memref_slice %arg2[%arg1, %run_scoped3A_52, %dma_wait3A_107, %dma_wait3A_108] : memref<16x2x40x128xi32, #tpu.memory_space<hbm>> -> memref<1x1x40x128xi32, #tpu.memory_space<hbm>>
        %dma_wait3A_110 = tpu.memref_squeeze %dma_wait3A_109 : memref<1x1x40x128xi32, #tpu.memory_space<hbm>> -> memref<40x128xi32, #tpu.memory_space<hbm>>
        tpu.wait_dma2 semaphore(%run_scoped3A_94 : memref<!tpu.dma_semaphore, #tpu.memory_space<semaphore_mem>>) src(%dma_wait3A_110 : memref<40x128xi32, #tpu.memory_space<hbm>>) dst(%arg13 : memref<40x128xi32, #tpu.memory_space<vmem>>)
        tpu.yield
      }) : () -> ()
      %run_scoped3A_53 = arith.constant 1 : i32
      "tpu.region"() ({
        %run_scoped3A_94 = tpu.sem_alloc : memref<!tpu.dma_semaphore, #tpu.memory_space<semaphore_mem>>
        %dma_start3A_95 = arith.constant 0 : i32
        %dma_start3A_96 = arith.constant 0 : i32
        %dma_start3A_97 = tpu.memref_slice %arg3[%arg1, %run_scoped3A_53, %dma_start3A_95, %dma_start3A_96] : memref<16x2x40x128xi32, #tpu.memory_space<hbm>> -> memref<1x1x40x128xi32, #tpu.memory_space<hbm>>
        %dma_start3A_98 = tpu.memref_squeeze %dma_start3A_97 : memref<1x1x40x128xi32, #tpu.memory_space<hbm>> -> memref<40x128xi32, #tpu.memory_space<hbm>>
        %dma_start3A_99 = arith.constant 0 : i32
        %dma_start3A_100 = arith.constant 0 : i32
        %dma_start3A_101 = tpu.memref_slice %arg3[%arg1, %run_scoped3A_53, %dma_start3A_99, %dma_start3A_100] : memref<16x2x40x128xi32, #tpu.memory_space<hbm>> -> memref<1x1x40x128xi32, #tpu.memory_space<hbm>>
        %dma_start3A_102 = tpu.memref_squeeze %dma_start3A_101 : memref<1x1x40x128xi32, #tpu.memory_space<hbm>> -> memref<40x128xi32, #tpu.memory_space<hbm>>
        tpu.enqueue_dma source(%dma_start3A_102 : memref<40x128xi32, #tpu.memory_space<hbm>>) target(%arg14 : memref<40x128xi32, #tpu.memory_space<vmem>>) target_semaphore(%run_scoped3A_94 : memref<!tpu.dma_semaphore, #tpu.memory_space<semaphore_mem>>)
        %dma_wait3A_103 = arith.constant 0 : i32
        %dma_wait3A_104 = arith.constant 0 : i32
        %dma_wait3A_105 = tpu.memref_slice %arg3[%arg1, %run_scoped3A_53, %dma_wait3A_103, %dma_wait3A_104] : memref<16x2x40x128xi32, #tpu.memory_space<hbm>> -> memref<1x1x40x128xi32, #tpu.memory_space<hbm>>
        %dma_wait3A_106 = tpu.memref_squeeze %dma_wait3A_105 : memref<1x1x40x128xi32, #tpu.memory_space<hbm>> -> memref<40x128xi32, #tpu.memory_space<hbm>>
        %dma_wait3A_107 = arith.constant 0 : i32
        %dma_wait3A_108 = arith.constant 0 : i32
        %dma_wait3A_109 = tpu.memref_slice %arg3[%arg1, %run_scoped3A_53, %dma_wait3A_107, %dma_wait3A_108] : memref<16x2x40x128xi32, #tpu.memory_space<hbm>> -> memref<1x1x40x128xi32, #tpu.memory_space<hbm>>
        %dma_wait3A_110 = tpu.memref_squeeze %dma_wait3A_109 : memref<1x1x40x128xi32, #tpu.memory_space<hbm>> -> memref<40x128xi32, #tpu.memory_space<hbm>>
        tpu.wait_dma2 semaphore(%run_scoped3A_94 : memref<!tpu.dma_semaphore, #tpu.memory_space<semaphore_mem>>) src(%dma_wait3A_110 : memref<40x128xi32, #tpu.memory_space<hbm>>) dst(%arg14 : memref<40x128xi32, #tpu.memory_space<vmem>>)
        tpu.yield
      }) : () -> ()
      %dma_start3A_54 = arith.constant 0 : i32
      %dma_start3A_55 = arith.constant 0 : i32
      %dma_start3A_56 = tpu.memref_slice %arg13[%dma_start3A_54, %dma_start3A_55] : memref<40x128xi32, #tpu.memory_space<vmem>> -> memref<1x128xi32, #tpu.memory_space<vmem>>
      %dma_start3A_57 = tpu.memref_squeeze %dma_start3A_56 : memref<1x128xi32, #tpu.memory_space<vmem>> -> memref<128xi32, #tpu.memory_space<vmem>>
      %dma_start3A_58 = arith.constant 0 : i32
      %dma_start3A_59 = arith.constant 0 : i32
      %dma_start3A_60 = tpu.memref_slice %arg8[%dma_start3A_58, %dma_start3A_59] : memref<10000x128xf32, #tpu.memory_space<hbm>> -> memref<10000x128xf32, #tpu.memory_space<hbm>>
      tpu.enqueue_indirect_dma source(%dma_start3A_60 : memref<10000x128xf32, #tpu.memory_space<hbm>>) target(%arg15 : memref<128x128xf32, #tpu.memory_space<vmem>>) offsets(%dma_start3A_57 : memref<128xi32, #tpu.memory_space<vmem>>) semaphore(%arg18 : memref<!tpu.dma_semaphore, #tpu.memory_space<semaphore_mem>>)
      %scan3A_61 = arith.constant 0 : i32
      %scan3A_62 = arith.constant 0 : i32
      %scan3A_63 = arith.constant 19 : i32
      %scan3A_64 = arith.addi %scan3A_62, %scan3A_63 : i32
      %scan3A_65 = arith.constant 1 : i32
      scf.for %scan3A_94 = %scan3A_62 to %scan3A_64 step %scan3A_65  : i32 {
        %mul3A_95 = arith.constant 2 : i32
        %mul3A_96 = arith.muli %mul3A_95, %scan3A_94 : i32
        %add3A = arith.constant 1 : i32
        %add3A_97 = arith.addi %mul3A_96, %add3A : i32
        %dma_start3A_98 = arith.constant 0 : i32
        %dma_start3A_99 = tpu.memref_slice %arg13[%add3A_97, %dma_start3A_98] : memref<40x128xi32, #tpu.memory_space<vmem>> -> memref<1x128xi32, #tpu.memory_space<vmem>>
        %dma_start3A_100 = tpu.memref_squeeze %dma_start3A_99 : memref<1x128xi32, #tpu.memory_space<vmem>> -> memref<128xi32, #tpu.memory_space<vmem>>
        %dma_start3A_101 = arith.constant 0 : i32
        %dma_start3A_102 = arith.constant 0 : i32
        %dma_start3A_103 = tpu.memref_slice %arg8[%dma_start3A_101, %dma_start3A_102] : memref<10000x128xf32, #tpu.memory_space<hbm>> -> memref<10000x128xf32, #tpu.memory_space<hbm>>
        tpu.enqueue_indirect_dma source(%dma_start3A_103 : memref<10000x128xf32, #tpu.memory_space<hbm>>) target(%arg16 : memref<128x128xf32, #tpu.memory_space<vmem>>) offsets(%dma_start3A_100 : memref<128xi32, #tpu.memory_space<vmem>>) semaphore(%arg19 : memref<!tpu.dma_semaphore, #tpu.memory_space<semaphore_mem>>)
        %dma_wait3A_104 = arith.constant 0 : i32
        %dma_wait3A_105 = arith.constant 0 : i32
        %dma_wait3A_106 = tpu.memref_slice %arg8[%dma_wait3A_104, %dma_wait3A_105] : memref<10000x128xf32, #tpu.memory_space<hbm>> -> memref<128x128xf32, #tpu.memory_space<hbm>>
        %dma_wait3A_107 = arith.constant 0 : i32
        %dma_wait3A_108 = arith.constant 0 : i32
        %dma_wait3A_109 = tpu.memref_slice %arg8[%dma_wait3A_107, %dma_wait3A_108] : memref<10000x128xf32, #tpu.memory_space<hbm>> -> memref<128x128xf32, #tpu.memory_space<hbm>>
        tpu.wait_dma2 semaphore(%arg18 : memref<!tpu.dma_semaphore, #tpu.memory_space<semaphore_mem>>) src(%dma_wait3A_109 : memref<128x128xf32, #tpu.memory_space<hbm>>) dst(%arg15 : memref<128x128xf32, #tpu.memory_space<vmem>>)
        "tpu.region"() ({
          %run_scoped3A_126 = tpu.sem_alloc : memref<!tpu.dma_semaphore, #tpu.memory_space<semaphore_mem>>
          %dma_start3A_127 = arith.constant 0 : i32
          %dma_start3A_128 = tpu.memref_slice %arg14[%mul3A_96, %dma_start3A_127] : memref<40x128xi32, #tpu.memory_space<vmem>> -> memref<1x128xi32, #tpu.memory_space<vmem>>
          %dma_start3A_129 = tpu.memref_squeeze %dma_start3A_128 : memref<1x128xi32, #tpu.memory_space<vmem>> -> memref<128xi32, #tpu.memory_space<vmem>>
          %dma_start3A_130 = arith.constant 0 : i32
          %dma_start3A_131 = arith.constant 0 : i32
          %dma_start3A_132 = tpu.memref_slice %arg17[%dma_start3A_130, %dma_start3A_131] : memref<10240x128xf32, #tpu.memory_space<vmem_shared>> -> memref<10240x128xf32, #tpu.memory_space<vmem_shared>>
          tpu.enqueue_indirect_dma source(%arg15 : memref<128x128xf32, #tpu.memory_space<vmem>>) target(%dma_start3A_132 : memref<10240x128xf32, #tpu.memory_space<vmem_shared>>) offsets(%dma_start3A_129 : memref<128xi32, #tpu.memory_space<vmem>>) semaphore(%run_scoped3A_126 : memref<!tpu.dma_semaphore, #tpu.memory_space<semaphore_mem>>) {add = true}
          %dma_wait3A_133 = arith.constant 0 : i32
          %dma_wait3A_134 = tpu.memref_slice %arg14[%mul3A_96, %dma_wait3A_133] : memref<40x128xi32, #tpu.memory_space<vmem>> -> memref<1x128xi32, #tpu.memory_space<vmem>>
          %dma_wait3A_135 = tpu.memref_squeeze %dma_wait3A_134 : memref<1x128xi32, #tpu.memory_space<vmem>> -> memref<128xi32, #tpu.memory_space<vmem>>
          %dma_wait3A_136 = arith.constant 0 : i32
          %dma_wait3A_137 = arith.constant 0 : i32
          %dma_wait3A_138 = tpu.memref_slice %arg17[%dma_wait3A_136, %dma_wait3A_137] : memref<10240x128xf32, #tpu.memory_space<vmem_shared>> -> memref<10240x128xf32, #tpu.memory_space<vmem_shared>>
          tpu.wait_indirect_dma semaphore(%run_scoped3A_126 : memref<!tpu.dma_semaphore, #tpu.memory_space<semaphore_mem>>) src(%arg15 : memref<128x128xf32, #tpu.memory_space<vmem>>) dst(%dma_wait3A_138 : memref<10240x128xf32, #tpu.memory_space<vmem_shared>>)
          tpu.yield
        }) : () -> ()
        %add3A_110 = arith.constant 2 : i32
        %add3A_111 = arith.addi %mul3A_96, %add3A_110 : i32
        %dma_start3A_112 = arith.constant 0 : i32
        %dma_start3A_113 = tpu.memref_slice %arg13[%add3A_111, %dma_start3A_112] : memref<40x128xi32, #tpu.memory_space<vmem>> -> memref<1x128xi32, #tpu.memory_space<vmem>>
        %dma_start3A_114 = tpu.memref_squeeze %dma_start3A_113 : memref<1x128xi32, #tpu.memory_space<vmem>> -> memref<128xi32, #tpu.memory_space<vmem>>
        %dma_start3A_115 = arith.constant 0 : i32
        %dma_start3A_116 = arith.constant 0 : i32
        %dma_start3A_117 = tpu.memref_slice %arg8[%dma_start3A_115, %dma_start3A_116] : memref<10000x128xf32, #tpu.memory_space<hbm>> -> memref<10000x128xf32, #tpu.memory_space<hbm>>
        tpu.enqueue_indirect_dma source(%dma_start3A_117 : memref<10000x128xf32, #tpu.memory_space<hbm>>) target(%arg15 : memref<128x128xf32, #tpu.memory_space<vmem>>) offsets(%dma_start3A_114 : memref<128xi32, #tpu.memory_space<vmem>>) semaphore(%arg18 : memref<!tpu.dma_semaphore, #tpu.memory_space<semaphore_mem>>)
        %dma_wait3A_118 = arith.constant 0 : i32
        %dma_wait3A_119 = arith.constant 0 : i32
        %dma_wait3A_120 = tpu.memref_slice %arg8[%dma_wait3A_118, %dma_wait3A_119] : memref<10000x128xf32, #tpu.memory_space<hbm>> -> memref<128x128xf32, #tpu.memory_space<hbm>>
        %dma_wait3A_121 = arith.constant 0 : i32
        %dma_wait3A_122 = arith.constant 0 : i32
        %dma_wait3A_123 = tpu.memref_slice %arg8[%dma_wait3A_121, %dma_wait3A_122] : memref<10000x128xf32, #tpu.memory_space<hbm>> -> memref<128x128xf32, #tpu.memory_space<hbm>>
        tpu.wait_dma2 semaphore(%arg19 : memref<!tpu.dma_semaphore, #tpu.memory_space<semaphore_mem>>) src(%dma_wait3A_123 : memref<128x128xf32, #tpu.memory_space<hbm>>) dst(%arg16 : memref<128x128xf32, #tpu.memory_space<vmem>>)
        %add3A_124 = arith.constant 1 : i32
        %add3A_125 = arith.addi %mul3A_96, %add3A_124 : i32
        "tpu.region"() ({
          %run_scoped3A_126 = tpu.sem_alloc : memref<!tpu.dma_semaphore, #tpu.memory_space<semaphore_mem>>
          %dma_start3A_127 = arith.constant 0 : i32
          %dma_start3A_128 = tpu.memref_slice %arg14[%add3A_125, %dma_start3A_127] : memref<40x128xi32, #tpu.memory_space<vmem>> -> memref<1x128xi32, #tpu.memory_space<vmem>>
          %dma_start3A_129 = tpu.memref_squeeze %dma_start3A_128 : memref<1x128xi32, #tpu.memory_space<vmem>> -> memref<128xi32, #tpu.memory_space<vmem>>
          %dma_start3A_130 = arith.constant 0 : i32
          %dma_start3A_131 = arith.constant 0 : i32
          %dma_start3A_132 = tpu.memref_slice %arg17[%dma_start3A_130, %dma_start3A_131] : memref<10240x128xf32, #tpu.memory_space<vmem_shared>> -> memref<10240x128xf32, #tpu.memory_space<vmem_shared>>
          tpu.enqueue_indirect_dma source(%arg16 : memref<128x128xf32, #tpu.memory_space<vmem>>) target(%dma_start3A_132 : memref<10240x128xf32, #tpu.memory_space<vmem_shared>>) offsets(%dma_start3A_129 : memref<128xi32, #tpu.memory_space<vmem>>) semaphore(%run_scoped3A_126 : memref<!tpu.dma_semaphore, #tpu.memory_space<semaphore_mem>>) {add = true}
          %dma_wait3A_133 = arith.constant 0 : i32
          %dma_wait3A_134 = tpu.memref_slice %arg14[%add3A_125, %dma_wait3A_133] : memref<40x128xi32, #tpu.memory_space<vmem>> -> memref<1x128xi32, #tpu.memory_space<vmem>>
          %dma_wait3A_135 = tpu.memref_squeeze %dma_wait3A_134 : memref<1x128xi32, #tpu.memory_space<vmem>> -> memref<128xi32, #tpu.memory_space<vmem>>
          %dma_wait3A_136 = arith.constant 0 : i32
          %dma_wait3A_137 = arith.constant 0 : i32
          %dma_wait3A_138 = tpu.memref_slice %arg17[%dma_wait3A_136, %dma_wait3A_137] : memref<10240x128xf32, #tpu.memory_space<vmem_shared>> -> memref<10240x128xf32, #tpu.memory_space<vmem_shared>>
          tpu.wait_indirect_dma semaphore(%run_scoped3A_126 : memref<!tpu.dma_semaphore, #tpu.memory_space<semaphore_mem>>) src(%arg16 : memref<128x128xf32, #tpu.memory_space<vmem>>) dst(%dma_wait3A_138 : memref<10240x128xf32, #tpu.memory_space<vmem_shared>>)
          tpu.yield
        }) : () -> ()
      }
      %scan3A_66 = arith.constant 19 : i32
      %dma_start3A_67 = arith.constant 39 : i32
      %dma_start3A_68 = arith.constant 0 : i32
      %dma_start3A_69 = tpu.memref_slice %arg13[%dma_start3A_67, %dma_start3A_68] : memref<40x128xi32, #tpu.memory_space<vmem>> -> memref<1x128xi32, #tpu.memory_space<vmem>>
      %dma_start3A_70 = tpu.memref_squeeze %dma_start3A_69 : memref<1x128xi32, #tpu.memory_space<vmem>> -> memref<128xi32, #tpu.memory_space<vmem>>
      %dma_start3A_71 = arith.constant 0 : i32
      %dma_start3A_72 = arith.constant 0 : i32
      %dma_start3A_73 = tpu.memref_slice %arg8[%dma_start3A_71, %dma_start3A_72] : memref<10000x128xf32, #tpu.memory_space<hbm>> -> memref<10000x128xf32, #tpu.memory_space<hbm>>
      tpu.enqueue_indirect_dma source(%dma_start3A_73 : memref<10000x128xf32, #tpu.memory_space<hbm>>) target(%arg16 : memref<128x128xf32, #tpu.memory_space<vmem>>) offsets(%dma_start3A_70 : memref<128xi32, #tpu.memory_space<vmem>>) semaphore(%arg19 : memref<!tpu.dma_semaphore, #tpu.memory_space<semaphore_mem>>)
      %dma_wait3A_74 = arith.constant 0 : i32
      %dma_wait3A_75 = arith.constant 0 : i32
      %dma_wait3A_76 = tpu.memref_slice %arg8[%dma_wait3A_74, %dma_wait3A_75] : memref<10000x128xf32, #tpu.memory_space<hbm>> -> memref<128x128xf32, #tpu.memory_space<hbm>>
      %dma_wait3A_77 = arith.constant 0 : i32
      %dma_wait3A_78 = arith.constant 0 : i32
      %dma_wait3A_79 = tpu.memref_slice %arg8[%dma_wait3A_77, %dma_wait3A_78] : memref<10000x128xf32, #tpu.memory_space<hbm>> -> memref<128x128xf32, #tpu.memory_space<hbm>>
      tpu.wait_dma2 semaphore(%arg18 : memref<!tpu.dma_semaphore, #tpu.memory_space<semaphore_mem>>) src(%dma_wait3A_79 : memref<128x128xf32, #tpu.memory_space<hbm>>) dst(%arg15 : memref<128x128xf32, #tpu.memory_space<vmem>>)
      %run_scoped3A_80 = arith.constant 38 : i32
      "tpu.region"() ({
        %run_scoped3A_94 = tpu.sem_alloc : memref<!tpu.dma_semaphore, #tpu.memory_space<semaphore_mem>>
        %dma_start3A_95 = arith.constant 0 : i32
        %dma_start3A_96 = tpu.memref_slice %arg14[%run_scoped3A_80, %dma_start3A_95] : memref<40x128xi32, #tpu.memory_space<vmem>> -> memref<1x128xi32, #tpu.memory_space<vmem>>
        %dma_start3A_97 = tpu.memref_squeeze %dma_start3A_96 : memref<1x128xi32, #tpu.memory_space<vmem>> -> memref<128xi32, #tpu.memory_space<vmem>>
        %dma_start3A_98 = arith.constant 0 : i32
        %dma_start3A_99 = arith.constant 0 : i32
        %dma_start3A_100 = tpu.memref_slice %arg17[%dma_start3A_98, %dma_start3A_99] : memref<10240x128xf32, #tpu.memory_space<vmem_shared>> -> memref<10240x128xf32, #tpu.memory_space<vmem_shared>>
        tpu.enqueue_indirect_dma source(%arg15 : memref<128x128xf32, #tpu.memory_space<vmem>>) target(%dma_start3A_100 : memref<10240x128xf32, #tpu.memory_space<vmem_shared>>) offsets(%dma_start3A_97 : memref<128xi32, #tpu.memory_space<vmem>>) semaphore(%run_scoped3A_94 : memref<!tpu.dma_semaphore, #tpu.memory_space<semaphore_mem>>) {add = true}
        %dma_wait3A_101 = arith.constant 0 : i32
        %dma_wait3A_102 = tpu.memref_slice %arg14[%run_scoped3A_80, %dma_wait3A_101] : memref<40x128xi32, #tpu.memory_space<vmem>> -> memref<1x128xi32, #tpu.memory_space<vmem>>
        %dma_wait3A_103 = tpu.memref_squeeze %dma_wait3A_102 : memref<1x128xi32, #tpu.memory_space<vmem>> -> memref<128xi32, #tpu.memory_space<vmem>>
        %dma_wait3A_104 = arith.constant 0 : i32
        %dma_wait3A_105 = arith.constant 0 : i32
        %dma_wait3A_106 = tpu.memref_slice %arg17[%dma_wait3A_104, %dma_wait3A_105] : memref<10240x128xf32, #tpu.memory_space<vmem_shared>> -> memref<10240x128xf32, #tpu.memory_space<vmem_shared>>
        tpu.wait_indirect_dma semaphore(%run_scoped3A_94 : memref<!tpu.dma_semaphore, #tpu.memory_space<semaphore_mem>>) src(%arg15 : memref<128x128xf32, #tpu.memory_space<vmem>>) dst(%dma_wait3A_106 : memref<10240x128xf32, #tpu.memory_space<vmem_shared>>)
        tpu.yield
      }) : () -> ()
      %dma_wait3A_81 = arith.constant 0 : i32
      %dma_wait3A_82 = arith.constant 0 : i32
      %dma_wait3A_83 = tpu.memref_slice %arg8[%dma_wait3A_81, %dma_wait3A_82] : memref<10000x128xf32, #tpu.memory_space<hbm>> -> memref<128x128xf32, #tpu.memory_space<hbm>>
      %dma_wait3A_84 = arith.constant 0 : i32
      %dma_wait3A_85 = arith.constant 0 : i32
      %dma_wait3A_86 = tpu.memref_slice %arg8[%dma_wait3A_84, %dma_wait3A_85] : memref<10000x128xf32, #tpu.memory_space<hbm>> -> memref<128x128xf32, #tpu.memory_space<hbm>>
      tpu.wait_dma2 semaphore(%arg19 : memref<!tpu.dma_semaphore, #tpu.memory_space<semaphore_mem>>) src(%dma_wait3A_86 : memref<128x128xf32, #tpu.memory_space<hbm>>) dst(%arg16 : memref<128x128xf32, #tpu.memory_space<vmem>>)
      %run_scoped3A_87 = arith.constant 39 : i32
      "tpu.region"() ({
        %run_scoped3A_94 = tpu.sem_alloc : memref<!tpu.dma_semaphore, #tpu.memory_space<semaphore_mem>>
        %dma_start3A_95 = arith.constant 0 : i32
        %dma_start3A_96 = tpu.memref_slice %arg14[%run_scoped3A_87, %dma_start3A_95] : memref<40x128xi32, #tpu.memory_space<vmem>> -> memref<1x128xi32, #tpu.memory_space<vmem>>
        %dma_start3A_97 = tpu.memref_squeeze %dma_start3A_96 : memref<1x128xi32, #tpu.memory_space<vmem>> -> memref<128xi32, #tpu.memory_space<vmem>>
        %dma_start3A_98 = arith.constant 0 : i32
        %dma_start3A_99 = arith.constant 0 : i32
        %dma_start3A_100 = tpu.memref_slice %arg17[%dma_start3A_98, %dma_start3A_99] : memref<10240x128xf32, #tpu.memory_space<vmem_shared>> -> memref<10240x128xf32, #tpu.memory_space<vmem_shared>>
        tpu.enqueue_indirect_dma source(%arg16 : memref<128x128xf32, #tpu.memory_space<vmem>>) target(%dma_start3A_100 : memref<10240x128xf32, #tpu.memory_space<vmem_shared>>) offsets(%dma_start3A_97 : memref<128xi32, #tpu.memory_space<vmem>>) semaphore(%run_scoped3A_94 : memref<!tpu.dma_semaphore, #tpu.memory_space<semaphore_mem>>) {add = true}
        %dma_wait3A_101 = arith.constant 0 : i32
        %dma_wait3A_102 = tpu.memref_slice %arg14[%run_scoped3A_87, %dma_wait3A_101] : memref<40x128xi32, #tpu.memory_space<vmem>> -> memref<1x128xi32, #tpu.memory_space<vmem>>
        %dma_wait3A_103 = tpu.memref_squeeze %dma_wait3A_102 : memref<1x128xi32, #tpu.memory_space<vmem>> -> memref<128xi32, #tpu.memory_space<vmem>>
        %dma_wait3A_104 = arith.constant 0 : i32
        %dma_wait3A_105 = arith.constant 0 : i32
        %dma_wait3A_106 = tpu.memref_slice %arg17[%dma_wait3A_104, %dma_wait3A_105] : memref<10240x128xf32, #tpu.memory_space<vmem_shared>> -> memref<10240x128xf32, #tpu.memory_space<vmem_shared>>
        tpu.wait_indirect_dma semaphore(%run_scoped3A_94 : memref<!tpu.dma_semaphore, #tpu.memory_space<semaphore_mem>>) src(%arg16 : memref<128x128xf32, #tpu.memory_space<vmem>>) dst(%dma_wait3A_106 : memref<10240x128xf32, #tpu.memory_space<vmem_shared>>)
        tpu.yield
      }) : () -> ()
      %barrier3A_88 = arith.constant 0 : index
      tpu.barrier barrier_id(%barrier3A_88)
      %mul3A_89 = arith.constant 640 : i32
      %mul3A_90 = arith.muli %arg1, %mul3A_89 : i32
      %mul3A_91 = arith.constant 640 : i32
      %mul3A_92 = arith.muli %arg1, %mul3A_91 : i32
      "tpu.region"() ({
        %run_scoped3A_94 = tpu.sem_alloc : memref<!tpu.dma_semaphore, #tpu.memory_space<semaphore_mem>>
        %dma_start3A_95 = arith.constant 0 : i32
        %dma_start3A_96 = tpu.memref_slice %arg12[%mul3A_92, %dma_start3A_95] : memref<10240x128xf32, #tpu.memory_space<hbm>> -> memref<640x128xf32, #tpu.memory_space<hbm>>
        %dma_start3A_97 = arith.constant 0 : i32
        %dma_start3A_98 = tpu.memref_slice %arg17[%mul3A_90, %dma_start3A_97] : memref<10240x128xf32, #tpu.memory_space<vmem_shared>> -> memref<640x128xf32, #tpu.memory_space<vmem_shared>>
        tpu.enqueue_dma source(%dma_start3A_98 : memref<640x128xf32, #tpu.memory_space<vmem_shared>>) target(%dma_start3A_96 : memref<640x128xf32, #tpu.memory_space<hbm>>) target_semaphore(%run_scoped3A_94 : memref<!tpu.dma_semaphore, #tpu.memory_space<semaphore_mem>>)
        %dma_wait3A_99 = arith.constant 0 : i32
        %dma_wait3A_100 = tpu.memref_slice %arg12[%mul3A_92, %dma_wait3A_99] : memref<10240x128xf32, #tpu.memory_space<hbm>> -> memref<640x128xf32, #tpu.memory_space<hbm>>
        %dma_wait3A_101 = arith.constant 0 : i32
        %dma_wait3A_102 = tpu.memref_slice %arg17[%mul3A_90, %dma_wait3A_101] : memref<10240x128xf32, #tpu.memory_space<vmem_shared>> -> memref<640x128xf32, #tpu.memory_space<vmem_shared>>
        tpu.wait_dma2 semaphore(%run_scoped3A_94 : memref<!tpu.dma_semaphore, #tpu.memory_space<semaphore_mem>>) src(%dma_wait3A_102 : memref<640x128xf32, #tpu.memory_space<vmem_shared>>) dst(%dma_wait3A_100 : memref<640x128xf32, #tpu.memory_space<hbm>>)
        tpu.yield
      }) : () -> ()
      %barrier3A_93 = arith.constant 0 : index
      tpu.barrier barrier_id(%barrier3A_93)
    } else {
    }
    return
  }
}

module attributes {stable_mosaic.version = 14 : i64} {
  func.func @_prep_body(%arg0: i32, %arg1: memref<1000x1xf32, #tpu.memory_space<vmem>>, %arg2: memref<1000x256xf32, #tpu.memory_space<vmem>>, %arg3: memref<1000x1xf32, #tpu.memory_space<vmem>>, %arg4: memref<1000x128xf32, #tpu.memory_space<vmem>>, %arg5: memref<1000x128xf32, #tpu.memory_space<vmem>>) attributes {dimension_semantics = [#tpu.dimension_semantics<arbitrary>], iteration_bounds = array<i64: 10>, scalar_prefetch = 0 : i64, scratch_operands = 0 : i64, tpu.core_type = #tpu.core_type<tc>, window_params = [{transform_indices = @transform_0, window_bounds = array<i64: 1000, 1>}, {transform_indices = @transform_1, window_bounds = array<i64: 1000, 256>}, {transform_indices = @transform_2, window_bounds = array<i64: 1000, 1>}, {transform_indices = @transform_3, window_bounds = array<i64: 1000, 128>}, {transform_indices = @transform_4, window_bounds = array<i64: 1000, 128>}]} {
    %get3A = arith.constant 0 : index
    %get3A_0 = arith.constant 0 : index
    %get3A_1 = vector.load %arg1[%get3A, %get3A_0] : memref<1000x1xf32, #tpu.memory_space<vmem>>, vector<1000x1xf32>
    %add3A = arith.constant 1.000000e+00 : f32
    %add3A_2 = vector.broadcast %add3A : f32 to vector<1000x1xf32>
    %add3A_3 = arith.addf %get3A_1, %add3A_2 : vector<1000x1xf32>
    %rsqrt3A = math.rsqrt %add3A_3 : vector<1000x1xf32>
    %swap3A = arith.constant 0 : index
    %swap3A_4 = arith.constant 0 : index
    %swap3A_5 = vector.load %arg3[%swap3A, %swap3A_4] : memref<1000x1xf32, #tpu.memory_space<vmem>>, vector<1000x1xf32>
    tpu.vector_store %arg3[%swap3A, %swap3A_4], %rsqrt3A {strides = array<i32>} : memref<1000x1xf32, #tpu.memory_space<vmem>>, vector<1000x1xf32>,
    %get3A_6 = arith.constant 0 : index
    %get3A_7 = arith.constant 0 : index
    %get3A_8 = vector.load %arg2[%get3A_6, %get3A_7] : memref<1000x256xf32, #tpu.memory_space<vmem>>, vector<1000x256xf32>
    %mul3A = vector.broadcast %rsqrt3A : vector<1000x1xf32> to vector<1000x256xf32>
    %mul3A_9 = arith.mulf %get3A_8, %mul3A : vector<1000x256xf32>
    %slice3A = vector.extract_strided_slice %mul3A_9 {offsets = [0, 0], sizes = [1000, 128], strides = [1, 1]} : vector<1000x256xf32> to vector<1000x128xf32>
    %swap3A_10 = arith.constant 0 : index
    %swap3A_11 = arith.constant 0 : index
    %swap3A_12 = vector.load %arg4[%swap3A_10, %swap3A_11] : memref<1000x128xf32, #tpu.memory_space<vmem>>, vector<1000x128xf32>
    tpu.vector_store %arg4[%swap3A_10, %swap3A_11], %slice3A {strides = array<i32>} : memref<1000x128xf32, #tpu.memory_space<vmem>>, vector<1000x128xf32>,
    %slice3A_13 = vector.extract_strided_slice %mul3A_9 {offsets = [0, 128], sizes = [1000, 128], strides = [1, 1]} : vector<1000x256xf32> to vector<1000x128xf32>
    %swap3A_14 = arith.constant 0 : index
    %swap3A_15 = arith.constant 0 : index
    %swap3A_16 = vector.load %arg5[%swap3A_14, %swap3A_15] : memref<1000x128xf32, #tpu.memory_space<vmem>>, vector<1000x128xf32>
    tpu.vector_store %arg5[%swap3A_14, %swap3A_15], %slice3A_13 {strides = array<i32>} : memref<1000x128xf32, #tpu.memory_space<vmem>>, vector<1000x128xf32>,
    return
  }
  func.func @transform_0(%arg0: i32) -> (i32, i32) {
    %c0_i32 = arith.constant 0 : i32
    %c0_i32_0 = arith.constant 0 : i32
    return %arg0, %c0_i32 : i32, i32
  }
  func.func @transform_1(%arg0: i32) -> (i32, i32) {
    %c0_i32 = arith.constant 0 : i32
    %c0_i32_0 = arith.constant 0 : i32
    return %arg0, %c0_i32 : i32, i32
  }
  func.func @transform_2(%arg0: i32) -> (i32, i32) {
    %c0_i32 = arith.constant 0 : i32
    %c0_i32_0 = arith.constant 0 : i32
    return %arg0, %c0_i32 : i32, i32
  }
  func.func @transform_3(%arg0: i32) -> (i32, i32) {
    %c0_i32 = arith.constant 0 : i32
    %c0_i32_0 = arith.constant 0 : i32
    return %arg0, %c0_i32 : i32, i32
  }
  func.func @transform_4(%arg0: i32) -> (i32, i32) {
    %c0_i32 = arith.constant 0 : i32
    %c0_i32_0 = arith.constant 0 : i32
    return %arg0, %c0_i32 : i32, i32
  }
}

module attributes {stable_mosaic.version = 14 : i64} {
  func.func @body(%arg0: i32, %arg1: memref<1000x128xf32, #tpu.memory_space<vmem>>, %arg2: memref<1000x128xf32, #tpu.memory_space<vmem>>, %arg3: memref<1000x128xf32, #tpu.memory_space<vmem>>, %arg4: memref<1000x128xf32, #tpu.memory_space<vmem>>, %arg5: memref<1000x1xf32, #tpu.memory_space<vmem>>, %arg6: memref<256x512xf32, #tpu.memory_space<vmem>>, %arg7: memref<1x512xf32, #tpu.memory_space<vmem>>, %arg8: memref<1000x512xf32, #tpu.memory_space<vmem>>, %arg9: memref<2x512xf32, #tpu.memory_space<vmem>>, %arg10: memref<1x512xf32, #tpu.memory_space<vmem>>, %arg11: memref<1x512xf32, #tpu.memory_space<vmem>>) attributes {dimension_semantics = [#tpu.dimension_semantics<arbitrary>], iteration_bounds = array<i64: 10>, scalar_prefetch = 0 : i64, scratch_operands = 2 : i64, tpu.core_type = #tpu.core_type<tc>, window_params = [{transform_indices = @transform_0, window_bounds = array<i64: 1000, 128>}, {transform_indices = @transform_1, window_bounds = array<i64: 1000, 128>}, {transform_indices = @transform_2, window_bounds = array<i64: 1000, 128>}, {transform_indices = @transform_3, window_bounds = array<i64: 1000, 128>}, {transform_indices = @transform_4, window_bounds = array<i64: 1000, 1>}, {pipeline_mode = #tpu.pipeline_mode<synchronous>, transform_indices = @transform_5, window_bounds = array<i64: 256, 512>}, {pipeline_mode = #tpu.pipeline_mode<synchronous>, transform_indices = @transform_6, window_bounds = array<i64: 1, 512>}, {transform_indices = @transform_7, window_bounds = array<i64: 1000, 512>}, {pipeline_mode = #tpu.pipeline_mode<synchronous>, transform_indices = @transform_8, window_bounds = array<i64: 2, 512>}]} {
    %get3A = arith.constant 0 : index
    %get3A_0 = arith.constant 0 : index
    %get3A_1 = vector.load %arg5[%get3A, %get3A_0] : memref<1000x1xf32, #tpu.memory_space<vmem>>, vector<1000x1xf32>
    %get3A_2 = arith.constant 0 : index
    %get3A_3 = arith.constant 0 : index
    %get3A_4 = vector.load %arg7[%get3A_2, %get3A_3] : memref<1x512xf32, #tpu.memory_space<vmem>>, vector<1x512xf32>
    %broadcast_in_dim3A = arith.constant 0.000000e+00 : f32
    %broadcast_in_dim3A_5 = vector.broadcast %broadcast_in_dim3A : f32 to vector<1000x512xf32>
    %add3A = vector.broadcast %get3A_4 : vector<1x512xf32> to vector<1000x512xf32>
    %add3A_6 = arith.addf %add3A, %broadcast_in_dim3A_5 : vector<1000x512xf32>
    %get3A_7 = arith.constant 0 : index
    %get3A_8 = arith.constant 0 : index
    %get3A_9 = vector.load %arg1[%get3A_7, %get3A_8] : memref<1000x128xf32, #tpu.memory_space<vmem>>, vector<1000x128xf32>
    %get3A_10 = arith.constant 0 : index
    %get3A_11 = arith.constant 0 : index
    %get3A_12 = vector.load %arg3[%get3A_10, %get3A_11] : memref<1000x128xf32, #tpu.memory_space<vmem>>, vector<1000x128xf32>
    %add3A_13 = arith.addf %get3A_9, %get3A_12 : vector<1000x128xf32>
    %mul3A = vector.broadcast %get3A_1 : vector<1000x1xf32> to vector<1000x128xf32>
    %mul3A_14 = arith.mulf %add3A_13, %mul3A : vector<1000x128xf32>
    %get3A_15 = arith.constant 0 : index
    %get3A_16 = arith.constant 0 : index
    %get3A_17 = vector.load %arg6[%get3A_15, %get3A_16] : memref<256x512xf32, #tpu.memory_space<vmem>>, vector<128x512xf32>
    %dot_general3A = arith.constant dense<0.000000e+00> : vector<1000x512xf32>
    %dot_general3A_18 = tpu.matmul %mul3A_14, %get3A_17, %dot_general3A {dimension_numbers = #tpu.dot_dimension_numbers<[1], [0], [0], [1], [0, 0, 1, 1], [], []>, transpose_lhs_hint = false} : vector<1000x128xf32>, vector<128x512xf32>, vector<1000x512xf32> -> vector<1000x512xf32>
    %add3A_19 = arith.addf %add3A_6, %dot_general3A_18 : vector<1000x512xf32>
    %get3A_20 = arith.constant 0 : index
    %get3A_21 = arith.constant 0 : index
    %get3A_22 = vector.load %arg2[%get3A_20, %get3A_21] : memref<1000x128xf32, #tpu.memory_space<vmem>>, vector<1000x128xf32>
    %get3A_23 = arith.constant 0 : index
    %get3A_24 = arith.constant 0 : index
    %get3A_25 = vector.load %arg4[%get3A_23, %get3A_24] : memref<1000x128xf32, #tpu.memory_space<vmem>>, vector<1000x128xf32>
    %add3A_26 = arith.addf %get3A_22, %get3A_25 : vector<1000x128xf32>
    %mul3A_27 = vector.broadcast %get3A_1 : vector<1000x1xf32> to vector<1000x128xf32>
    %mul3A_28 = arith.mulf %add3A_26, %mul3A_27 : vector<1000x128xf32>
    %get3A_29 = arith.constant 128 : index
    %get3A_30 = arith.constant 0 : index
    %get3A_31 = vector.load %arg6[%get3A_29, %get3A_30] : memref<256x512xf32, #tpu.memory_space<vmem>>, vector<128x512xf32>
    %dot_general3A_32 = arith.constant dense<0.000000e+00> : vector<1000x512xf32>
    %dot_general3A_33 = tpu.matmul %mul3A_28, %get3A_31, %dot_general3A_32 {dimension_numbers = #tpu.dot_dimension_numbers<[1], [0], [0], [1], [0, 0, 1, 1], [], []>, transpose_lhs_hint = false} : vector<1000x128xf32>, vector<128x512xf32>, vector<1000x512xf32> -> vector<1000x512xf32>
    %add3A_34 = arith.addf %add3A_19, %dot_general3A_33 : vector<1000x512xf32>
    %swap3A = arith.constant 0 : index
    %swap3A_35 = arith.constant 0 : index
    %swap3A_36 = vector.load %arg8[%swap3A, %swap3A_35] : memref<1000x512xf32, #tpu.memory_space<vmem>>, vector<1000x512xf32>
    tpu.vector_store %arg8[%swap3A, %swap3A_35], %add3A_34 {strides = array<i32>} : memref<1000x512xf32, #tpu.memory_space<vmem>>, vector<1000x512xf32>,
    %eq3A = arith.constant 0 : i32
    %eq3A_37 = arith.cmpi eq, %arg0, %eq3A : i32
    %convert_element_type3A = arith.extui %eq3A_37 : i1 to i32
    %cond3A = arith.constant 0 : i32
    %cond3A_38 = arith.cmpi ne, %convert_element_type3A, %cond3A : i32
    scf.if %cond3A_38 {
      %broadcast_in_dim3A_64 = arith.constant 0.000000e+00 : f32
      %broadcast_in_dim3A_65 = vector.broadcast %broadcast_in_dim3A_64 : f32 to vector<1x512xf32>
      %swap3A_66 = arith.constant 0 : index
      %swap3A_67 = arith.constant 0 : index
      %swap3A_68 = vector.load %arg10[%swap3A_66, %swap3A_67] : memref<1x512xf32, #tpu.memory_space<vmem>>, vector<1x512xf32>
      tpu.vector_store %arg10[%swap3A_66, %swap3A_67], %broadcast_in_dim3A_65 {strides = array<i32>} : memref<1x512xf32, #tpu.memory_space<vmem>>, vector<1x512xf32>,
      %broadcast_in_dim3A_69 = arith.constant 0.000000e+00 : f32
      %broadcast_in_dim3A_70 = vector.broadcast %broadcast_in_dim3A_69 : f32 to vector<1x512xf32>
      %swap3A_71 = arith.constant 0 : index
      %swap3A_72 = arith.constant 0 : index
      %swap3A_73 = vector.load %arg11[%swap3A_71, %swap3A_72] : memref<1x512xf32, #tpu.memory_space<vmem>>, vector<1x512xf32>
      tpu.vector_store %arg11[%swap3A_71, %swap3A_72], %broadcast_in_dim3A_70 {strides = array<i32>} : memref<1x512xf32, #tpu.memory_space<vmem>>, vector<1x512xf32>,
    } else {
    }
    %get3A_39 = arith.constant 0 : index
    %get3A_40 = arith.constant 0 : index
    %get3A_41 = vector.load %arg10[%get3A_39, %get3A_40] : memref<1x512xf32, #tpu.memory_space<vmem>>, vector<1x512xf32>
    %reduce_sum3A = arith.constant dense<0.000000e+00> : vector<512xf32>
    %reduce_sum3A_42 = vector.multi_reduction <add>, %add3A_34, %reduce_sum3A [0] : vector<1000x512xf32> to vector<512xf32>
    %broadcast_in_dim3A_43 = vector.shape_cast %reduce_sum3A_42 : vector<512xf32> to vector<1x512xf32>
    %add3A_44 = arith.addf %get3A_41, %broadcast_in_dim3A_43 : vector<1x512xf32>
    %swap3A_45 = arith.constant 0 : index
    %swap3A_46 = arith.constant 0 : index
    %swap3A_47 = vector.load %arg10[%swap3A_45, %swap3A_46] : memref<1x512xf32, #tpu.memory_space<vmem>>, vector<1x512xf32>
    tpu.vector_store %arg10[%swap3A_45, %swap3A_46], %add3A_44 {strides = array<i32>} : memref<1x512xf32, #tpu.memory_space<vmem>>, vector<1x512xf32>,
    %get3A_48 = arith.constant 0 : index
    %get3A_49 = arith.constant 0 : index
    %get3A_50 = vector.load %arg11[%get3A_48, %get3A_49] : memref<1x512xf32, #tpu.memory_space<vmem>>, vector<1x512xf32>
    %mul3A_51 = arith.mulf %add3A_34, %add3A_34 : vector<1000x512xf32>
    %reduce_sum3A_52 = arith.constant dense<0.000000e+00> : vector<512xf32>
    %reduce_sum3A_53 = vector.multi_reduction <add>, %mul3A_51, %reduce_sum3A_52 [0] : vector<1000x512xf32> to vector<512xf32>
    %broadcast_in_dim3A_54 = vector.shape_cast %reduce_sum3A_53 : vector<512xf32> to vector<1x512xf32>
    %add3A_55 = arith.addf %get3A_50, %broadcast_in_dim3A_54 : vector<1x512xf32>
    %swap3A_56 = arith.constant 0 : index
    %swap3A_57 = arith.constant 0 : index
    %swap3A_58 = vector.load %arg11[%swap3A_56, %swap3A_57] : memref<1x512xf32, #tpu.memory_space<vmem>>, vector<1x512xf32>
    tpu.vector_store %arg11[%swap3A_56, %swap3A_57], %add3A_55 {strides = array<i32>} : memref<1x512xf32, #tpu.memory_space<vmem>>, vector<1x512xf32>,
    %eq3A_59 = arith.constant 9 : i32
    %eq3A_60 = arith.cmpi eq, %arg0, %eq3A_59 : i32
    %convert_element_type3A_61 = arith.extui %eq3A_60 : i1 to i32
    %cond3A_62 = arith.constant 0 : i32
    %cond3A_63 = arith.cmpi ne, %convert_element_type3A_61, %cond3A_62 : i32
    scf.if %cond3A_63 {
      %get3A_64 = arith.constant 0 : index
      %get3A_65 = arith.constant 0 : index
      %get3A_66 = vector.load %arg10[%get3A_64, %get3A_65] : memref<1x512xf32, #tpu.memory_space<vmem>>, vector<1x512xf32>
      %get3A_67 = arith.constant 0 : index
      %get3A_68 = arith.constant 0 : index
      %get3A_69 = vector.load %arg11[%get3A_67, %get3A_68] : memref<1x512xf32, #tpu.memory_space<vmem>>, vector<1x512xf32>
      %concatenate3A = tpu.concatenate %get3A_66, %get3A_69 in 0 : vector<1x512xf32>, vector<1x512xf32> -> vector<2x512xf32>
      %swap3A_70 = arith.constant 0 : index
      %swap3A_71 = arith.constant 0 : index
      %swap3A_72 = vector.load %arg9[%swap3A_70, %swap3A_71] : memref<2x512xf32, #tpu.memory_space<vmem>>, vector<2x512xf32>
      tpu.vector_store %arg9[%swap3A_70, %swap3A_71], %concatenate3A {strides = array<i32>} : memref<2x512xf32, #tpu.memory_space<vmem>>, vector<2x512xf32>,
    } else {
    }
    return
  }
  func.func @transform_0(%arg0: i32) -> (i32, i32) {
    %c0_i32 = arith.constant 0 : i32
    %c0_i32_0 = arith.constant 0 : i32
    return %arg0, %c0_i32 : i32, i32
  }
  func.func @transform_1(%arg0: i32) -> (i32, i32) {
    %c0_i32 = arith.constant 0 : i32
    %c0_i32_0 = arith.constant 0 : i32
    return %arg0, %c0_i32 : i32, i32
  }
  func.func @transform_2(%arg0: i32) -> (i32, i32) {
    %c0_i32 = arith.constant 0 : i32
    %c0_i32_0 = arith.constant 0 : i32
    return %arg0, %c0_i32 : i32, i32
  }
  func.func @transform_3(%arg0: i32) -> (i32, i32) {
    %c0_i32 = arith.constant 0 : i32
    %c0_i32_0 = arith.constant 0 : i32
    return %arg0, %c0_i32 : i32, i32
  }
  func.func @transform_4(%arg0: i32) -> (i32, i32) {
    %c0_i32 = arith.constant 0 : i32
    %c0_i32_0 = arith.constant 0 : i32
    return %arg0, %c0_i32 : i32, i32
  }
  func.func @transform_5(%arg0: i32) -> (i32, i32) {
    %c0_i32 = arith.constant 0 : i32
    %c0_i32_0 = arith.constant 0 : i32
    %c0_i32_1 = arith.constant 0 : i32
    return %c0_i32, %c0_i32_0 : i32, i32
  }
  func.func @transform_6(%arg0: i32) -> (i32, i32) {
    %c0_i32 = arith.constant 0 : i32
    %c0_i32_0 = arith.constant 0 : i32
    %c0_i32_1 = arith.constant 0 : i32
    return %c0_i32, %c0_i32_0 : i32, i32
  }
  func.func @transform_7(%arg0: i32) -> (i32, i32) {
    %c0_i32 = arith.constant 0 : i32
    %c0_i32_0 = arith.constant 0 : i32
    return %arg0, %c0_i32 : i32, i32
  }
  func.func @transform_8(%arg0: i32) -> (i32, i32) {
    %c0_i32 = arith.constant 0 : i32
    %c0_i32_0 = arith.constant 0 : i32
    %c0_i32_1 = arith.constant 0 : i32
    return %c0_i32, %c0_i32_0 : i32, i32
  }
}

module attributes {stable_mosaic.version = 14 : i64} {
  func.func @body(%arg0: i32, %arg1: memref<1000x512xf32, #tpu.memory_space<vmem>>, %arg2: memref<2x512xf32, #tpu.memory_space<vmem>>, %arg3: memref<1x512xf32, #tpu.memory_space<vmem>>, %arg4: memref<1x512xf32, #tpu.memory_space<vmem>>, %arg5: memref<1000x1xf32, #tpu.memory_space<vmem>>, %arg6: memref<1000x128xf32, #tpu.memory_space<vmem>>, %arg7: memref<1000x128xf32, #tpu.memory_space<vmem>>, %arg8: memref<1000x128xf32, #tpu.memory_space<vmem>>, %arg9: memref<1000x128xf32, #tpu.memory_space<vmem>>) attributes {dimension_semantics = [#tpu.dimension_semantics<arbitrary>], iteration_bounds = array<i64: 10>, scalar_prefetch = 0 : i64, scratch_operands = 0 : i64, tpu.core_type = #tpu.core_type<tc>, window_params = [{transform_indices = @transform_0, window_bounds = array<i64: 1000, 512>}, {pipeline_mode = #tpu.pipeline_mode<synchronous>, transform_indices = @transform_1, window_bounds = array<i64: 2, 512>}, {pipeline_mode = #tpu.pipeline_mode<synchronous>, transform_indices = @transform_2, window_bounds = array<i64: 1, 512>}, {pipeline_mode = #tpu.pipeline_mode<synchronous>, transform_indices = @transform_3, window_bounds = array<i64: 1, 512>}, {transform_indices = @transform_4, window_bounds = array<i64: 1000, 1>}, {transform_indices = @transform_5, window_bounds = array<i64: 1000, 128>}, {transform_indices = @transform_6, window_bounds = array<i64: 1000, 128>}, {transform_indices = @transform_7, window_bounds = array<i64: 1000, 128>}, {transform_indices = @transform_8, window_bounds = array<i64: 1000, 128>}]} {
    %get3A = arith.constant 0 : index
    %get3A_0 = arith.constant 0 : index
    %get3A_1 = vector.load %arg1[%get3A, %get3A_0] : memref<1000x512xf32, #tpu.memory_space<vmem>>, vector<1000x512xf32>
    %get3A_2 = arith.constant 0 : index
    %get3A_3 = arith.constant 0 : index
    %get3A_4 = vector.load %arg2[%get3A_2, %get3A_3] : memref<2x512xf32, #tpu.memory_space<vmem>>, vector<2x512xf32>
    %get3A_5 = arith.constant 0 : index
    %get3A_6 = arith.constant 0 : index
    %get3A_7 = vector.load %arg3[%get3A_5, %get3A_6] : memref<1x512xf32, #tpu.memory_space<vmem>>, vector<1x512xf32>
    %get3A_8 = arith.constant 0 : index
    %get3A_9 = arith.constant 0 : index
    %get3A_10 = vector.load %arg4[%get3A_8, %get3A_9] : memref<1x512xf32, #tpu.memory_space<vmem>>, vector<1x512xf32>
    %slice3A = vector.extract_strided_slice %get3A_4 {offsets = [0, 0], sizes = [1, 512], strides = [1, 1]} : vector<2x512xf32> to vector<1x512xf32>
    %mul3A = arith.constant 9.99999974E-5 : f32
    %mul3A_11 = vector.broadcast %mul3A : f32 to vector<1x512xf32>
    %mul3A_12 = arith.mulf %slice3A, %mul3A_11 : vector<1x512xf32>
    %slice3A_13 = vector.extract_strided_slice %get3A_4 {offsets = [1, 0], sizes = [1, 512], strides = [1, 1]} : vector<2x512xf32> to vector<1x512xf32>
    %mul3A_14 = arith.constant 9.99999974E-5 : f32
    %mul3A_15 = vector.broadcast %mul3A_14 : f32 to vector<1x512xf32>
    %mul3A_16 = arith.mulf %slice3A_13, %mul3A_15 : vector<1x512xf32>
    %mul3A_17 = arith.mulf %mul3A_12, %mul3A_12 : vector<1x512xf32>
    %sub3A = arith.subf %mul3A_16, %mul3A_17 : vector<1x512xf32>
    %sub3A_18 = vector.broadcast %mul3A_12 : vector<1x512xf32> to vector<1000x512xf32>
    %sub3A_19 = arith.subf %get3A_1, %sub3A_18 : vector<1000x512xf32>
    %add3A = arith.constant 9.99999974E-6 : f32
    %add3A_20 = vector.broadcast %add3A : f32 to vector<1x512xf32>
    %add3A_21 = arith.addf %sub3A, %add3A_20 : vector<1x512xf32>
    %rsqrt3A = math.rsqrt %add3A_21 : vector<1x512xf32>
    %mul3A_22 = vector.broadcast %rsqrt3A : vector<1x512xf32> to vector<1000x512xf32>
    %mul3A_23 = arith.mulf %sub3A_19, %mul3A_22 : vector<1000x512xf32>
    %mul3A_24 = vector.broadcast %get3A_7 : vector<1x512xf32> to vector<1000x512xf32>
    %mul3A_25 = arith.mulf %mul3A_23, %mul3A_24 : vector<1000x512xf32>
    %add3A_26 = vector.broadcast %get3A_10 : vector<1x512xf32> to vector<1000x512xf32>
    %add3A_27 = arith.addf %mul3A_25, %add3A_26 : vector<1000x512xf32>
    %mul3A_28 = arith.constant 5.000000e-01 : f32
    %mul3A_29 = vector.broadcast %mul3A_28 : f32 to vector<1000x512xf32>
    %mul3A_30 = arith.mulf %mul3A_29, %add3A_27 : vector<1000x512xf32>
    %mul3A_31 = arith.constant 0.707106769 : f32
    %mul3A_32 = vector.broadcast %mul3A_31 : f32 to vector<1000x512xf32>
    %mul3A_33 = arith.mulf %add3A_27, %mul3A_32 : vector<1000x512xf32>
    %erf3A = math.erf %mul3A_33 : vector<1000x512xf32>
    %add3A_34 = arith.constant 1.000000e+00 : f32
    %add3A_35 = vector.broadcast %add3A_34 : f32 to vector<1000x512xf32>
    %add3A_36 = arith.addf %add3A_35, %erf3A : vector<1000x512xf32>
    %mul3A_37 = arith.mulf %mul3A_30, %add3A_36 : vector<1000x512xf32>
    %get3A_38 = arith.constant 0 : index
    %get3A_39 = arith.constant 0 : index
    %get3A_40 = vector.load %arg5[%get3A_38, %get3A_39] : memref<1000x1xf32, #tpu.memory_space<vmem>>, vector<1000x1xf32>
    %mul3A_41 = vector.broadcast %get3A_40 : vector<1000x1xf32> to vector<1000x512xf32>
    %mul3A_42 = arith.mulf %mul3A_37, %mul3A_41 : vector<1000x512xf32>
    %slice3A_43 = vector.extract_strided_slice %mul3A_42 {offsets = [0, 0], sizes = [1000, 128], strides = [1, 1]} : vector<1000x512xf32> to vector<1000x128xf32>
    %swap3A = arith.constant 0 : index
    %swap3A_44 = arith.constant 0 : index
    %swap3A_45 = vector.load %arg6[%swap3A, %swap3A_44] : memref<1000x128xf32, #tpu.memory_space<vmem>>, vector<1000x128xf32>
    tpu.vector_store %arg6[%swap3A, %swap3A_44], %slice3A_43 {strides = array<i32>} : memref<1000x128xf32, #tpu.memory_space<vmem>>, vector<1000x128xf32>,
    %slice3A_46 = vector.extract_strided_slice %mul3A_42 {offsets = [0, 128], sizes = [1000, 128], strides = [1, 1]} : vector<1000x512xf32> to vector<1000x128xf32>
    %swap3A_47 = arith.constant 0 : index
    %swap3A_48 = arith.constant 0 : index
    %swap3A_49 = vector.load %arg7[%swap3A_47, %swap3A_48] : memref<1000x128xf32, #tpu.memory_space<vmem>>, vector<1000x128xf32>
    tpu.vector_store %arg7[%swap3A_47, %swap3A_48], %slice3A_46 {strides = array<i32>} : memref<1000x128xf32, #tpu.memory_space<vmem>>, vector<1000x128xf32>,
    %slice3A_50 = vector.extract_strided_slice %mul3A_42 {offsets = [0, 256], sizes = [1000, 128], strides = [1, 1]} : vector<1000x512xf32> to vector<1000x128xf32>
    %swap3A_51 = arith.constant 0 : index
    %swap3A_52 = arith.constant 0 : index
    %swap3A_53 = vector.load %arg8[%swap3A_51, %swap3A_52] : memref<1000x128xf32, #tpu.memory_space<vmem>>, vector<1000x128xf32>
    tpu.vector_store %arg8[%swap3A_51, %swap3A_52], %slice3A_50 {strides = array<i32>} : memref<1000x128xf32, #tpu.memory_space<vmem>>, vector<1000x128xf32>,
    %slice3A_54 = vector.extract_strided_slice %mul3A_42 {offsets = [0, 384], sizes = [1000, 128], strides = [1, 1]} : vector<1000x512xf32> to vector<1000x128xf32>
    %swap3A_55 = arith.constant 0 : index
    %swap3A_56 = arith.constant 0 : index
    %swap3A_57 = vector.load %arg9[%swap3A_55, %swap3A_56] : memref<1000x128xf32, #tpu.memory_space<vmem>>, vector<1000x128xf32>
    tpu.vector_store %arg9[%swap3A_55, %swap3A_56], %slice3A_54 {strides = array<i32>} : memref<1000x128xf32, #tpu.memory_space<vmem>>, vector<1000x128xf32>,
    return
  }
  func.func @transform_0(%arg0: i32) -> (i32, i32) {
    %c0_i32 = arith.constant 0 : i32
    %c0_i32_0 = arith.constant 0 : i32
    return %arg0, %c0_i32 : i32, i32
  }
  func.func @transform_1(%arg0: i32) -> (i32, i32) {
    %c0_i32 = arith.constant 0 : i32
    %c0_i32_0 = arith.constant 0 : i32
    %c0_i32_1 = arith.constant 0 : i32
    return %c0_i32, %c0_i32_0 : i32, i32
  }
  func.func @transform_2(%arg0: i32) -> (i32, i32) {
    %c0_i32 = arith.constant 0 : i32
    %c0_i32_0 = arith.constant 0 : i32
    %c0_i32_1 = arith.constant 0 : i32
    return %c0_i32, %c0_i32_0 : i32, i32
  }
  func.func @transform_3(%arg0: i32) -> (i32, i32) {
    %c0_i32 = arith.constant 0 : i32
    %c0_i32_0 = arith.constant 0 : i32
    %c0_i32_1 = arith.constant 0 : i32
    return %c0_i32, %c0_i32_0 : i32, i32
  }
  func.func @transform_4(%arg0: i32) -> (i32, i32) {
    %c0_i32 = arith.constant 0 : i32
    %c0_i32_0 = arith.constant 0 : i32
    return %arg0, %c0_i32 : i32, i32
  }
  func.func @transform_5(%arg0: i32) -> (i32, i32) {
    %c0_i32 = arith.constant 0 : i32
    %c0_i32_0 = arith.constant 0 : i32
    return %arg0, %c0_i32 : i32, i32
  }
  func.func @transform_6(%arg0: i32) -> (i32, i32) {
    %c0_i32 = arith.constant 0 : i32
    %c0_i32_0 = arith.constant 0 : i32
    return %arg0, %c0_i32 : i32, i32
  }
  func.func @transform_7(%arg0: i32) -> (i32, i32) {
    %c0_i32 = arith.constant 0 : i32
    %c0_i32_0 = arith.constant 0 : i32
    return %arg0, %c0_i32 : i32, i32
  }
  func.func @transform_8(%arg0: i32) -> (i32, i32) {
    %c0_i32 = arith.constant 0 : i32
    %c0_i32_0 = arith.constant 0 : i32
    return %arg0, %c0_i32 : i32, i32
  }
}

module attributes {stable_mosaic.version = 14 : i64} {
  func.func @body(%arg0: i32, %arg1: memref<1000x128xf32, #tpu.memory_space<vmem>>, %arg2: memref<1000x128xf32, #tpu.memory_space<vmem>>, %arg3: memref<1000x128xf32, #tpu.memory_space<vmem>>, %arg4: memref<1000x128xf32, #tpu.memory_space<vmem>>, %arg5: memref<1000x128xf32, #tpu.memory_space<vmem>>, %arg6: memref<1000x128xf32, #tpu.memory_space<vmem>>, %arg7: memref<1000x128xf32, #tpu.memory_space<vmem>>, %arg8: memref<1000x128xf32, #tpu.memory_space<vmem>>, %arg9: memref<1000x1xf32, #tpu.memory_space<vmem>>, %arg10: memref<512x512xf32, #tpu.memory_space<vmem>>, %arg11: memref<1x512xf32, #tpu.memory_space<vmem>>, %arg12: memref<1000x512xf32, #tpu.memory_space<vmem>>, %arg13: memref<2x512xf32, #tpu.memory_space<vmem>>, %arg14: memref<1x512xf32, #tpu.memory_space<vmem>>, %arg15: memref<1x512xf32, #tpu.memory_space<vmem>>) attributes {dimension_semantics = [#tpu.dimension_semantics<arbitrary>], iteration_bounds = array<i64: 10>, scalar_prefetch = 0 : i64, scratch_operands = 2 : i64, tpu.core_type = #tpu.core_type<tc>, window_params = [{transform_indices = @transform_0, window_bounds = array<i64: 1000, 128>}, {transform_indices = @transform_1, window_bounds = array<i64: 1000, 128>}, {transform_indices = @transform_2, window_bounds = array<i64: 1000, 128>}, {transform_indices = @transform_3, window_bounds = array<i64: 1000, 128>}, {transform_indices = @transform_4, window_bounds = array<i64: 1000, 128>}, {transform_indices = @transform_5, window_bounds = array<i64: 1000, 128>}, {transform_indices = @transform_6, window_bounds = array<i64: 1000, 128>}, {transform_indices = @transform_7, window_bounds = array<i64: 1000, 128>}, {transform_indices = @transform_8, window_bounds = array<i64: 1000, 1>}, {pipeline_mode = #tpu.pipeline_mode<synchronous>, transform_indices = @transform_9, window_bounds = array<i64: 512, 512>}, {pipeline_mode = #tpu.pipeline_mode<synchronous>, transform_indices = @transform_10, window_bounds = array<i64: 1, 512>}, {transform_indices = @transform_11, window_bounds = array<i64: 1000, 512>}, {pipeline_mode = #tpu.pipeline_mode<synchronous>, transform_indices = @transform_12, window_bounds = array<i64: 2, 512>}]} {
    %get3A = arith.constant 0 : index
    %get3A_0 = arith.constant 0 : index
    %get3A_1 = vector.load %arg9[%get3A, %get3A_0] : memref<1000x1xf32, #tpu.memory_space<vmem>>, vector<1000x1xf32>
    %get3A_2 = arith.constant 0 : index
    %get3A_3 = arith.constant 0 : index
    %get3A_4 = vector.load %arg11[%get3A_2, %get3A_3] : memref<1x512xf32, #tpu.memory_space<vmem>>, vector<1x512xf32>
    %broadcast_in_dim3A = arith.constant 0.000000e+00 : f32
    %broadcast_in_dim3A_5 = vector.broadcast %broadcast_in_dim3A : f32 to vector<1000x512xf32>
    %add3A = vector.broadcast %get3A_4 : vector<1x512xf32> to vector<1000x512xf32>
    %add3A_6 = arith.addf %add3A, %broadcast_in_dim3A_5 : vector<1000x512xf32>
    %get3A_7 = arith.constant 0 : index
    %get3A_8 = arith.constant 0 : index
    %get3A_9 = vector.load %arg1[%get3A_7, %get3A_8] : memref<1000x128xf32, #tpu.memory_space<vmem>>, vector<1000x128xf32>
    %get3A_10 = arith.constant 0 : index
    %get3A_11 = arith.constant 0 : index
    %get3A_12 = vector.load %arg5[%get3A_10, %get3A_11] : memref<1000x128xf32, #tpu.memory_space<vmem>>, vector<1000x128xf32>
    %add3A_13 = arith.addf %get3A_9, %get3A_12 : vector<1000x128xf32>
    %mul3A = vector.broadcast %get3A_1 : vector<1000x1xf32> to vector<1000x128xf32>
    %mul3A_14 = arith.mulf %add3A_13, %mul3A : vector<1000x128xf32>
    %get3A_15 = arith.constant 0 : index
    %get3A_16 = arith.constant 0 : index
    %get3A_17 = vector.load %arg10[%get3A_15, %get3A_16] : memref<512x512xf32, #tpu.memory_space<vmem>>, vector<128x512xf32>
    %dot_general3A = arith.constant dense<0.000000e+00> : vector<1000x512xf32>
    %dot_general3A_18 = tpu.matmul %mul3A_14, %get3A_17, %dot_general3A {dimension_numbers = #tpu.dot_dimension_numbers<[1], [0], [0], [1], [0, 0, 1, 1], [], []>, transpose_lhs_hint = false} : vector<1000x128xf32>, vector<128x512xf32>, vector<1000x512xf32> -> vector<1000x512xf32>
    %add3A_19 = arith.addf %add3A_6, %dot_general3A_18 : vector<1000x512xf32>
    %get3A_20 = arith.constant 0 : index
    %get3A_21 = arith.constant 0 : index
    %get3A_22 = vector.load %arg2[%get3A_20, %get3A_21] : memref<1000x128xf32, #tpu.memory_space<vmem>>, vector<1000x128xf32>
    %get3A_23 = arith.constant 0 : index
    %get3A_24 = arith.constant 0 : index
    %get3A_25 = vector.load %arg6[%get3A_23, %get3A_24] : memref<1000x128xf32, #tpu.memory_space<vmem>>, vector<1000x128xf32>
    %add3A_26 = arith.addf %get3A_22, %get3A_25 : vector<1000x128xf32>
    %mul3A_27 = vector.broadcast %get3A_1 : vector<1000x1xf32> to vector<1000x128xf32>
    %mul3A_28 = arith.mulf %add3A_26, %mul3A_27 : vector<1000x128xf32>
    %get3A_29 = arith.constant 128 : index
    %get3A_30 = arith.constant 0 : index
    %get3A_31 = vector.load %arg10[%get3A_29, %get3A_30] : memref<512x512xf32, #tpu.memory_space<vmem>>, vector<128x512xf32>
    %dot_general3A_32 = arith.constant dense<0.000000e+00> : vector<1000x512xf32>
    %dot_general3A_33 = tpu.matmul %mul3A_28, %get3A_31, %dot_general3A_32 {dimension_numbers = #tpu.dot_dimension_numbers<[1], [0], [0], [1], [0, 0, 1, 1], [], []>, transpose_lhs_hint = false} : vector<1000x128xf32>, vector<128x512xf32>, vector<1000x512xf32> -> vector<1000x512xf32>
    %add3A_34 = arith.addf %add3A_19, %dot_general3A_33 : vector<1000x512xf32>
    %get3A_35 = arith.constant 0 : index
    %get3A_36 = arith.constant 0 : index
    %get3A_37 = vector.load %arg3[%get3A_35, %get3A_36] : memref<1000x128xf32, #tpu.memory_space<vmem>>, vector<1000x128xf32>
    %get3A_38 = arith.constant 0 : index
    %get3A_39 = arith.constant 0 : index
    %get3A_40 = vector.load %arg7[%get3A_38, %get3A_39] : memref<1000x128xf32, #tpu.memory_space<vmem>>, vector<1000x128xf32>
    %add3A_41 = arith.addf %get3A_37, %get3A_40 : vector<1000x128xf32>
    %mul3A_42 = vector.broadcast %get3A_1 : vector<1000x1xf32> to vector<1000x128xf32>
    %mul3A_43 = arith.mulf %add3A_41, %mul3A_42 : vector<1000x128xf32>
    %get3A_44 = arith.constant 256 : index
    %get3A_45 = arith.constant 0 : index
    %get3A_46 = vector.load %arg10[%get3A_44, %get3A_45] : memref<512x512xf32, #tpu.memory_space<vmem>>, vector<128x512xf32>
    %dot_general3A_47 = arith.constant dense<0.000000e+00> : vector<1000x512xf32>
    %dot_general3A_48 = tpu.matmul %mul3A_43, %get3A_46, %dot_general3A_47 {dimension_numbers = #tpu.dot_dimension_numbers<[1], [0], [0], [1], [0, 0, 1, 1], [], []>, transpose_lhs_hint = false} : vector<1000x128xf32>, vector<128x512xf32>, vector<1000x512xf32> -> vector<1000x512xf32>
    %add3A_49 = arith.addf %add3A_34, %dot_general3A_48 : vector<1000x512xf32>
    %get3A_50 = arith.constant 0 : index
    %get3A_51 = arith.constant 0 : index
    %get3A_52 = vector.load %arg4[%get3A_50, %get3A_51] : memref<1000x128xf32, #tpu.memory_space<vmem>>, vector<1000x128xf32>
    %get3A_53 = arith.constant 0 : index
    %get3A_54 = arith.constant 0 : index
    %get3A_55 = vector.load %arg8[%get3A_53, %get3A_54] : memref<1000x128xf32, #tpu.memory_space<vmem>>, vector<1000x128xf32>
    %add3A_56 = arith.addf %get3A_52, %get3A_55 : vector<1000x128xf32>
    %mul3A_57 = vector.broadcast %get3A_1 : vector<1000x1xf32> to vector<1000x128xf32>
    %mul3A_58 = arith.mulf %add3A_56, %mul3A_57 : vector<1000x128xf32>
    %get3A_59 = arith.constant 384 : index
    %get3A_60 = arith.constant 0 : index
    %get3A_61 = vector.load %arg10[%get3A_59, %get3A_60] : memref<512x512xf32, #tpu.memory_space<vmem>>, vector<128x512xf32>
    %dot_general3A_62 = arith.constant dense<0.000000e+00> : vector<1000x512xf32>
    %dot_general3A_63 = tpu.matmul %mul3A_58, %get3A_61, %dot_general3A_62 {dimension_numbers = #tpu.dot_dimension_numbers<[1], [0], [0], [1], [0, 0, 1, 1], [], []>, transpose_lhs_hint = false} : vector<1000x128xf32>, vector<128x512xf32>, vector<1000x512xf32> -> vector<1000x512xf32>
    %add3A_64 = arith.addf %add3A_49, %dot_general3A_63 : vector<1000x512xf32>
    %swap3A = arith.constant 0 : index
    %swap3A_65 = arith.constant 0 : index
    %swap3A_66 = vector.load %arg12[%swap3A, %swap3A_65] : memref<1000x512xf32, #tpu.memory_space<vmem>>, vector<1000x512xf32>
    tpu.vector_store %arg12[%swap3A, %swap3A_65], %add3A_64 {strides = array<i32>} : memref<1000x512xf32, #tpu.memory_space<vmem>>, vector<1000x512xf32>,
    %eq3A = arith.constant 0 : i32
    %eq3A_67 = arith.cmpi eq, %arg0, %eq3A : i32
    %convert_element_type3A = arith.extui %eq3A_67 : i1 to i32
    %cond3A = arith.constant 0 : i32
    %cond3A_68 = arith.cmpi ne, %convert_element_type3A, %cond3A : i32
    scf.if %cond3A_68 {
      %broadcast_in_dim3A_94 = arith.constant 0.000000e+00 : f32
      %broadcast_in_dim3A_95 = vector.broadcast %broadcast_in_dim3A_94 : f32 to vector<1x512xf32>
      %swap3A_96 = arith.constant 0 : index
      %swap3A_97 = arith.constant 0 : index
      %swap3A_98 = vector.load %arg14[%swap3A_96, %swap3A_97] : memref<1x512xf32, #tpu.memory_space<vmem>>, vector<1x512xf32>
      tpu.vector_store %arg14[%swap3A_96, %swap3A_97], %broadcast_in_dim3A_95 {strides = array<i32>} : memref<1x512xf32, #tpu.memory_space<vmem>>, vector<1x512xf32>,
      %broadcast_in_dim3A_99 = arith.constant 0.000000e+00 : f32
      %broadcast_in_dim3A_100 = vector.broadcast %broadcast_in_dim3A_99 : f32 to vector<1x512xf32>
      %swap3A_101 = arith.constant 0 : index
      %swap3A_102 = arith.constant 0 : index
      %swap3A_103 = vector.load %arg15[%swap3A_101, %swap3A_102] : memref<1x512xf32, #tpu.memory_space<vmem>>, vector<1x512xf32>
      tpu.vector_store %arg15[%swap3A_101, %swap3A_102], %broadcast_in_dim3A_100 {strides = array<i32>} : memref<1x512xf32, #tpu.memory_space<vmem>>, vector<1x512xf32>,
    } else {
    }
    %get3A_69 = arith.constant 0 : index
    %get3A_70 = arith.constant 0 : index
    %get3A_71 = vector.load %arg14[%get3A_69, %get3A_70] : memref<1x512xf32, #tpu.memory_space<vmem>>, vector<1x512xf32>
    %reduce_sum3A = arith.constant dense<0.000000e+00> : vector<512xf32>
    %reduce_sum3A_72 = vector.multi_reduction <add>, %add3A_64, %reduce_sum3A [0] : vector<1000x512xf32> to vector<512xf32>
    %broadcast_in_dim3A_73 = vector.shape_cast %reduce_sum3A_72 : vector<512xf32> to vector<1x512xf32>
    %add3A_74 = arith.addf %get3A_71, %broadcast_in_dim3A_73 : vector<1x512xf32>
    %swap3A_75 = arith.constant 0 : index
    %swap3A_76 = arith.constant 0 : index
    %swap3A_77 = vector.load %arg14[%swap3A_75, %swap3A_76] : memref<1x512xf32, #tpu.memory_space<vmem>>, vector<1x512xf32>
    tpu.vector_store %arg14[%swap3A_75, %swap3A_76], %add3A_74 {strides = array<i32>} : memref<1x512xf32, #tpu.memory_space<vmem>>, vector<1x512xf32>,
    %get3A_78 = arith.constant 0 : index
    %get3A_79 = arith.constant 0 : index
    %get3A_80 = vector.load %arg15[%get3A_78, %get3A_79] : memref<1x512xf32, #tpu.memory_space<vmem>>, vector<1x512xf32>
    %mul3A_81 = arith.mulf %add3A_64, %add3A_64 : vector<1000x512xf32>
    %reduce_sum3A_82 = arith.constant dense<0.000000e+00> : vector<512xf32>
    %reduce_sum3A_83 = vector.multi_reduction <add>, %mul3A_81, %reduce_sum3A_82 [0] : vector<1000x512xf32> to vector<512xf32>
    %broadcast_in_dim3A_84 = vector.shape_cast %reduce_sum3A_83 : vector<512xf32> to vector<1x512xf32>
    %add3A_85 = arith.addf %get3A_80, %broadcast_in_dim3A_84 : vector<1x512xf32>
    %swap3A_86 = arith.constant 0 : index
    %swap3A_87 = arith.constant 0 : index
    %swap3A_88 = vector.load %arg15[%swap3A_86, %swap3A_87] : memref<1x512xf32, #tpu.memory_space<vmem>>, vector<1x512xf32>
    tpu.vector_store %arg15[%swap3A_86, %swap3A_87], %add3A_85 {strides = array<i32>} : memref<1x512xf32, #tpu.memory_space<vmem>>, vector<1x512xf32>,
    %eq3A_89 = arith.constant 9 : i32
    %eq3A_90 = arith.cmpi eq, %arg0, %eq3A_89 : i32
    %convert_element_type3A_91 = arith.extui %eq3A_90 : i1 to i32
    %cond3A_92 = arith.constant 0 : i32
    %cond3A_93 = arith.cmpi ne, %convert_element_type3A_91, %cond3A_92 : i32
    scf.if %cond3A_93 {
      %get3A_94 = arith.constant 0 : index
      %get3A_95 = arith.constant 0 : index
      %get3A_96 = vector.load %arg14[%get3A_94, %get3A_95] : memref<1x512xf32, #tpu.memory_space<vmem>>, vector<1x512xf32>
      %get3A_97 = arith.constant 0 : index
      %get3A_98 = arith.constant 0 : index
      %get3A_99 = vector.load %arg15[%get3A_97, %get3A_98] : memref<1x512xf32, #tpu.memory_space<vmem>>, vector<1x512xf32>
      %concatenate3A = tpu.concatenate %get3A_96, %get3A_99 in 0 : vector<1x512xf32>, vector<1x512xf32> -> vector<2x512xf32>
      %swap3A_100 = arith.constant 0 : index
      %swap3A_101 = arith.constant 0 : index
      %swap3A_102 = vector.load %arg13[%swap3A_100, %swap3A_101] : memref<2x512xf32, #tpu.memory_space<vmem>>, vector<2x512xf32>
      tpu.vector_store %arg13[%swap3A_100, %swap3A_101], %concatenate3A {strides = array<i32>} : memref<2x512xf32, #tpu.memory_space<vmem>>, vector<2x512xf32>,
    } else {
    }
    return
  }
  func.func @transform_0(%arg0: i32) -> (i32, i32) {
    %c0_i32 = arith.constant 0 : i32
    %c0_i32_0 = arith.constant 0 : i32
    return %arg0, %c0_i32 : i32, i32
  }
  func.func @transform_1(%arg0: i32) -> (i32, i32) {
    %c0_i32 = arith.constant 0 : i32
    %c0_i32_0 = arith.constant 0 : i32
    return %arg0, %c0_i32 : i32, i32
  }
  func.func @transform_2(%arg0: i32) -> (i32, i32) {
    %c0_i32 = arith.constant 0 : i32
    %c0_i32_0 = arith.constant 0 : i32
    return %arg0, %c0_i32 : i32, i32
  }
  func.func @transform_3(%arg0: i32) -> (i32, i32) {
    %c0_i32 = arith.constant 0 : i32
    %c0_i32_0 = arith.constant 0 : i32
    return %arg0, %c0_i32 : i32, i32
  }
  func.func @transform_4(%arg0: i32) -> (i32, i32) {
    %c0_i32 = arith.constant 0 : i32
    %c0_i32_0 = arith.constant 0 : i32
    return %arg0, %c0_i32 : i32, i32
  }
  func.func @transform_5(%arg0: i32) -> (i32, i32) {
    %c0_i32 = arith.constant 0 : i32
    %c0_i32_0 = arith.constant 0 : i32
    return %arg0, %c0_i32 : i32, i32
  }
  func.func @transform_6(%arg0: i32) -> (i32, i32) {
    %c0_i32 = arith.constant 0 : i32
    %c0_i32_0 = arith.constant 0 : i32
    return %arg0, %c0_i32 : i32, i32
  }
  func.func @transform_7(%arg0: i32) -> (i32, i32) {
    %c0_i32 = arith.constant 0 : i32
    %c0_i32_0 = arith.constant 0 : i32
    return %arg0, %c0_i32 : i32, i32
  }
  func.func @transform_8(%arg0: i32) -> (i32, i32) {
    %c0_i32 = arith.constant 0 : i32
    %c0_i32_0 = arith.constant 0 : i32
    return %arg0, %c0_i32 : i32, i32
  }
  func.func @transform_9(%arg0: i32) -> (i32, i32) {
    %c0_i32 = arith.constant 0 : i32
    %c0_i32_0 = arith.constant 0 : i32
    %c0_i32_1 = arith.constant 0 : i32
    return %c0_i32, %c0_i32_0 : i32, i32
  }
  func.func @transform_10(%arg0: i32) -> (i32, i32) {
    %c0_i32 = arith.constant 0 : i32
    %c0_i32_0 = arith.constant 0 : i32
    %c0_i32_1 = arith.constant 0 : i32
    return %c0_i32, %c0_i32_0 : i32, i32
  }
  func.func @transform_11(%arg0: i32) -> (i32, i32) {
    %c0_i32 = arith.constant 0 : i32
    %c0_i32_0 = arith.constant 0 : i32
    return %arg0, %c0_i32 : i32, i32
  }
  func.func @transform_12(%arg0: i32) -> (i32, i32) {
    %c0_i32 = arith.constant 0 : i32
    %c0_i32_0 = arith.constant 0 : i32
    %c0_i32_1 = arith.constant 0 : i32
    return %c0_i32, %c0_i32_0 : i32, i32
  }
}

module attributes {stable_mosaic.version = 14 : i64} {
  func.func @_head_body(%arg0: i32, %arg1: memref<1000x512xf32, #tpu.memory_space<vmem>>, %arg2: memref<2x512xf32, #tpu.memory_space<vmem>>, %arg3: memref<1x512xf32, #tpu.memory_space<vmem>>, %arg4: memref<1x512xf32, #tpu.memory_space<vmem>>, %arg5: memref<512x64xf32, #tpu.memory_space<vmem>>, %arg6: memref<1x64xf32, #tpu.memory_space<vmem>>, %arg7: memref<1000x64xf32, #tpu.memory_space<vmem>>) attributes {dimension_semantics = [#tpu.dimension_semantics<arbitrary>], iteration_bounds = array<i64: 10>, scalar_prefetch = 0 : i64, scratch_operands = 0 : i64, tpu.core_type = #tpu.core_type<tc>, window_params = [{transform_indices = @transform_0, window_bounds = array<i64: 1000, 512>}, {pipeline_mode = #tpu.pipeline_mode<synchronous>, transform_indices = @transform_1, window_bounds = array<i64: 2, 512>}, {pipeline_mode = #tpu.pipeline_mode<synchronous>, transform_indices = @transform_2, window_bounds = array<i64: 1, 512>}, {pipeline_mode = #tpu.pipeline_mode<synchronous>, transform_indices = @transform_3, window_bounds = array<i64: 1, 512>}, {pipeline_mode = #tpu.pipeline_mode<synchronous>, transform_indices = @transform_4, window_bounds = array<i64: 512, 64>}, {pipeline_mode = #tpu.pipeline_mode<synchronous>, transform_indices = @transform_5, window_bounds = array<i64: 1, 64>}, {transform_indices = @transform_6, window_bounds = array<i64: 1000, 64>}]} {
    %get3A = arith.constant 0 : index
    %get3A_0 = arith.constant 0 : index
    %get3A_1 = vector.load %arg1[%get3A, %get3A_0] : memref<1000x512xf32, #tpu.memory_space<vmem>>, vector<1000x512xf32>
    %get3A_2 = arith.constant 0 : index
    %get3A_3 = arith.constant 0 : index
    %get3A_4 = vector.load %arg2[%get3A_2, %get3A_3] : memref<2x512xf32, #tpu.memory_space<vmem>>, vector<2x512xf32>
    %get3A_5 = arith.constant 0 : index
    %get3A_6 = arith.constant 0 : index
    %get3A_7 = vector.load %arg3[%get3A_5, %get3A_6] : memref<1x512xf32, #tpu.memory_space<vmem>>, vector<1x512xf32>
    %get3A_8 = arith.constant 0 : index
    %get3A_9 = arith.constant 0 : index
    %get3A_10 = vector.load %arg4[%get3A_8, %get3A_9] : memref<1x512xf32, #tpu.memory_space<vmem>>, vector<1x512xf32>
    %slice3A = vector.extract_strided_slice %get3A_4 {offsets = [0, 0], sizes = [1, 512], strides = [1, 1]} : vector<2x512xf32> to vector<1x512xf32>
    %mul3A = arith.constant 9.99999974E-5 : f32
    %mul3A_11 = vector.broadcast %mul3A : f32 to vector<1x512xf32>
    %mul3A_12 = arith.mulf %slice3A, %mul3A_11 : vector<1x512xf32>
    %slice3A_13 = vector.extract_strided_slice %get3A_4 {offsets = [1, 0], sizes = [1, 512], strides = [1, 1]} : vector<2x512xf32> to vector<1x512xf32>
    %mul3A_14 = arith.constant 9.99999974E-5 : f32
    %mul3A_15 = vector.broadcast %mul3A_14 : f32 to vector<1x512xf32>
    %mul3A_16 = arith.mulf %slice3A_13, %mul3A_15 : vector<1x512xf32>
    %mul3A_17 = arith.mulf %mul3A_12, %mul3A_12 : vector<1x512xf32>
    %sub3A = arith.subf %mul3A_16, %mul3A_17 : vector<1x512xf32>
    %sub3A_18 = vector.broadcast %mul3A_12 : vector<1x512xf32> to vector<1000x512xf32>
    %sub3A_19 = arith.subf %get3A_1, %sub3A_18 : vector<1000x512xf32>
    %add3A = arith.constant 9.99999974E-6 : f32
    %add3A_20 = vector.broadcast %add3A : f32 to vector<1x512xf32>
    %add3A_21 = arith.addf %sub3A, %add3A_20 : vector<1x512xf32>
    %rsqrt3A = math.rsqrt %add3A_21 : vector<1x512xf32>
    %mul3A_22 = vector.broadcast %rsqrt3A : vector<1x512xf32> to vector<1000x512xf32>
    %mul3A_23 = arith.mulf %sub3A_19, %mul3A_22 : vector<1000x512xf32>
    %mul3A_24 = vector.broadcast %get3A_7 : vector<1x512xf32> to vector<1000x512xf32>
    %mul3A_25 = arith.mulf %mul3A_23, %mul3A_24 : vector<1000x512xf32>
    %add3A_26 = vector.broadcast %get3A_10 : vector<1x512xf32> to vector<1000x512xf32>
    %add3A_27 = arith.addf %mul3A_25, %add3A_26 : vector<1000x512xf32>
    %mul3A_28 = arith.constant 5.000000e-01 : f32
    %mul3A_29 = vector.broadcast %mul3A_28 : f32 to vector<1000x512xf32>
    %mul3A_30 = arith.mulf %mul3A_29, %add3A_27 : vector<1000x512xf32>
    %mul3A_31 = arith.constant 0.707106769 : f32
    %mul3A_32 = vector.broadcast %mul3A_31 : f32 to vector<1000x512xf32>
    %mul3A_33 = arith.mulf %add3A_27, %mul3A_32 : vector<1000x512xf32>
    %erf3A = math.erf %mul3A_33 : vector<1000x512xf32>
    %add3A_34 = arith.constant 1.000000e+00 : f32
    %add3A_35 = vector.broadcast %add3A_34 : f32 to vector<1000x512xf32>
    %add3A_36 = arith.addf %add3A_35, %erf3A : vector<1000x512xf32>
    %mul3A_37 = arith.mulf %mul3A_30, %add3A_36 : vector<1000x512xf32>
    %get3A_38 = arith.constant 0 : index
    %get3A_39 = arith.constant 0 : index
    %get3A_40 = vector.load %arg5[%get3A_38, %get3A_39] : memref<512x64xf32, #tpu.memory_space<vmem>>, vector<512x64xf32>
    %dot_general3A = arith.constant dense<0.000000e+00> : vector<1000x64xf32>
    %dot_general3A_41 = tpu.matmul %mul3A_37, %get3A_40, %dot_general3A {dimension_numbers = #tpu.dot_dimension_numbers<[1], [0], [0], [1], [0, 0, 1, 1], [], []>, transpose_lhs_hint = false} : vector<1000x512xf32>, vector<512x64xf32>, vector<1000x64xf32> -> vector<1000x64xf32>
    %get3A_42 = arith.constant 0 : index
    %get3A_43 = arith.constant 0 : index
    %get3A_44 = vector.load %arg6[%get3A_42, %get3A_43] : memref<1x64xf32, #tpu.memory_space<vmem>>, vector<1x64xf32>
    %add3A_45 = vector.broadcast %get3A_44 : vector<1x64xf32> to vector<1000x64xf32>
    %add3A_46 = arith.addf %dot_general3A_41, %add3A_45 : vector<1000x64xf32>
    %reduce_max3A = arith.constant dense<0xFF800000> : vector<1000xf32>
    %reduce_max3A_47 = vector.multi_reduction <maximumf>, %add3A_46, %reduce_max3A [1] : vector<1000x64xf32> to vector<1000xf32>
    %broadcast_in_dim3A = vector.shape_cast %reduce_max3A_47 : vector<1000xf32> to vector<1000x1xf32>
    %sub3A_48 = vector.broadcast %broadcast_in_dim3A : vector<1000x1xf32> to vector<1000x64xf32>
    %sub3A_49 = arith.subf %add3A_46, %sub3A_48 : vector<1000x64xf32>
    %exp3A = math.exp %sub3A_49 : vector<1000x64xf32>
    %reduce_sum3A = arith.constant dense<0.000000e+00> : vector<1000xf32>
    %reduce_sum3A_50 = vector.multi_reduction <add>, %exp3A, %reduce_sum3A [1] : vector<1000x64xf32> to vector<1000xf32>
    %broadcast_in_dim3A_51 = vector.shape_cast %reduce_sum3A_50 : vector<1000xf32> to vector<1000x1xf32>
    %div3A = vector.broadcast %broadcast_in_dim3A_51 : vector<1000x1xf32> to vector<1000x64xf32>
    %div3A_52 = arith.divf %exp3A, %div3A : vector<1000x64xf32>
    %swap3A = arith.constant 0 : index
    %swap3A_53 = arith.constant 0 : index
    %swap3A_54 = vector.load %arg7[%swap3A, %swap3A_53] : memref<1000x64xf32, #tpu.memory_space<vmem>>, vector<1000x64xf32>
    tpu.vector_store %arg7[%swap3A, %swap3A_53], %div3A_52 {strides = array<i32>} : memref<1000x64xf32, #tpu.memory_space<vmem>>, vector<1000x64xf32>,
    return
  }
  func.func @transform_0(%arg0: i32) -> (i32, i32) {
    %c0_i32 = arith.constant 0 : i32
    %c0_i32_0 = arith.constant 0 : i32
    return %arg0, %c0_i32 : i32, i32
  }
  func.func @transform_1(%arg0: i32) -> (i32, i32) {
    %c0_i32 = arith.constant 0 : i32
    %c0_i32_0 = arith.constant 0 : i32
    %c0_i32_1 = arith.constant 0 : i32
    return %c0_i32, %c0_i32_0 : i32, i32
  }
  func.func @transform_2(%arg0: i32) -> (i32, i32) {
    %c0_i32 = arith.constant 0 : i32
    %c0_i32_0 = arith.constant 0 : i32
    %c0_i32_1 = arith.constant 0 : i32
    return %c0_i32, %c0_i32_0 : i32, i32
  }
  func.func @transform_3(%arg0: i32) -> (i32, i32) {
    %c0_i32 = arith.constant 0 : i32
    %c0_i32_0 = arith.constant 0 : i32
    %c0_i32_1 = arith.constant 0 : i32
    return %c0_i32, %c0_i32_0 : i32, i32
  }
  func.func @transform_4(%arg0: i32) -> (i32, i32) {
    %c0_i32 = arith.constant 0 : i32
    %c0_i32_0 = arith.constant 0 : i32
    %c0_i32_1 = arith.constant 0 : i32
    return %c0_i32, %c0_i32_0 : i32, i32
  }
  func.func @transform_5(%arg0: i32) -> (i32, i32) {
    %c0_i32 = arith.constant 0 : i32
    %c0_i32_0 = arith.constant 0 : i32
    %c0_i32_1 = arith.constant 0 : i32
    return %c0_i32, %c0_i32_0 : i32, i32
  }
  func.func @transform_6(%arg0: i32) -> (i32, i32) {
    %c0_i32 = arith.constant 0 : i32
    %c0_i32_0 = arith.constant 0 : i32
    return %arg0, %c0_i32 : i32, i32
  }
}

</mosaic_0001>

<sc_bundles>
// kernel: kernel.10.cloned.1.call-start
scs
__scs_entry_jumppad:
0x0: {  	(pc) =	sbr.rel $0x88, $3  }
0x1: {  	(tag) =	ssettag $0x0;
	lr =	simm.s32 $0x1  }
0x2: {  	[smem:$0x3F95] =	sst lr;
	_ =	strace $0xD0000000  }
0x3: {  	_ = 	snop  }
0x4: {  	_ = 	snop  }
0x5: {  	_ = 	snop  }
0x6: {  	_ = 	snop  }
0x7: {  	_ = 	snop  }
__scs_overlays_trampoline_lowered:
0x8: {  	[smem:$0x3FA4] =	sst s0  }
0x9: {  	[smem:$0x3FA5] =	sst s1  }
0xa: {  	[smem:$0x3FA6] =	sst s2  }
0xb: {  	[smem:$0x3FA7] =	sst s3  }
0xc: {  	[smem:$0x3FA8] =	sst s4  }
0xd: {  	[smem:$0x3FA9] =	sst s5  }
0xe: {  	[smem:$0x3FAA] =	sst s6  }
0xf: {  	[smem:$0x3FAB] =	sst s7  }
0x10: {  	[smem:$0x3FAC] =	sst s8  }
0x11: {  	[smem:$0x3FAD] =	sst s9;
	s0 =	simm.s32 @!p0 $0x0  }
0x12: {  	s1 =	sld [smem:$0x3F93];
	s0 =	simm.s32 @p0 $0x1  }
0x13: {  	[smem:$0x3FAE] =	sst s0;
	s0 =	simm.s32 @!p1 $0x0  }
0x14: {  	s2 =	sld [smem:$0x3F92];
	s0 =	simm.s32 @p1 $0x1  }
0x15: {  	[smem:$0x3FAF] =	sst s0;
	s0 =	simm.s32 @!p2 $0x0  }
0x16: {  	s3 =	sld [smem:$0x3FDB];
	s0 =	simm.s32 @p2 $0x1  }
0x17: {  	s4 =	simm.s32 $0x1BF5;
	[smem:$0x3FB1] =	sst s0  }
0x18: {  	s0 =	sld [smem:$0x3F94];
	_ =	swait.ge [sflag:s4], $0x0  }
0x19: {  	s7 =	sld [smem:$0x3F95]  }
0x1a: {  	s8 =	sadd.s32 $0xFFFFE003, lr  }
0x1b: {  	s9 =	sadd.s32 $0xFFFFFEF7, lr;
	s5 =	simm.s32 $0xFFFFFFFF;
	p2 =	slt.u32 s8, $0xFFFFF086  }
0x1c: {  	p1 =	slt.u32 s9, $0xF7A;
	s5 =	simm.s32 @!p2 $0x0  }
0x1d: {  	s5 =	simm.s32 @p1 $0x1;
	p0 =	seq.s32 s7, s2  }
0x1e: {  	s7 =	smul.u32 @!p0 $0xF7A, s2;
	p2 =	seq.s32 @!p0 s5, $0x0  }
0x1f: {  	s9 =	smul.u32 $0xF7A, s1;
	s8 =	simm.s32 @!p0 $0x1BF5;
	p2 =	por !p2, p0  }
0x20: {  	[sflag:s8] =	ssyncset.s32 @!p0 $0xFFFFF086;
	s6 =	sadd.s32 @!p0 s3, s7;
	s7 =	simm.s32 @!p0 $0x108  }
0x21: {  	s3 =	sadd.s32 s3, s9;
	s6 =	sadd.s32 @!p0 $0x88, s6;
	s7 =	simm.s32 @p2 $0x1082  }
0x22: {  	[simem:s7], [sflag:s8] =	dma.local @!p0 [hbm:s6], $0xF7A  }
0x23: {  	s9 =	sor.u32 $0xD0000000, s2;
	s6 =	simm.s32 $0x108;
	_ =	swait.ge @!p0 [sflag:s8], $0x0  }
0x24: {  	s3 =	sadd.s32 $0x88, s3;
	s6 =	simm.s32 @!p1 $0x1082;
	[sflag:s4] =	ssyncset.s32 $0xFFFFF086  }
0x25: {  	[simem:s6], [sflag:s4] =	dma.local [hbm:s3], $0xF7A  }
0x26: {  	[smem:$0x3F95] =	sst s1;
	(tag) =	ssettag s2;
	_ =	strace s9  }
0x27: {  	s1 =	sld [smem:$0x3FA5]  }
0x28: {  	s2 =	sld [smem:$0x3FA6]  }
0x29: {  	s4 =	sld [smem:$0x3FA8]  }
0x2a: {  	p0 =	seq.s32 s5, $0x0;
	s5 =	sld [smem:$0x3FA9]  }
0x2b: {  	s6 =	sld [smem:$0x3FAA]  }
0x2c: {  	s7 =	sld [smem:$0x3FAB]  }
0x2d: {  	s3 =	simm.s32 $0x108;
	s8 =	sld [smem:$0x3FAC]  }
0x2e: {  	s3 =	simm.s32 @!p0 $0x1082;
	s9 =	sld [smem:$0x3FAD]  }
0x2f: {  	lr =	sadd.s32 s0, s3;
	s0 =	sld [smem:$0x3FA4]  }
0x30: {  	s3 =	sld [smem:$0x3FA7]  }
0x31: {  	[smem:$0x3FB0] =	sst s10  }
0x32: {  	s10 =	sld [smem:$0x3FAE];
	_ =	sdelay $0x3  }
0x33: {  	p0 =	seq.s32 s10, $0x1;
	s10 =	sld [smem:$0x3FB0];
	_ =	sdelay $0x3  }
0x34: {  	[smem:$0x3FB0] =	sst s10  }
0x35: {  	s10 =	sld [smem:$0x3FAF];
	_ =	sdelay $0x3  }
0x36: {  	p1 =	seq.s32 s10, $0x1;
	s10 =	sld [smem:$0x3FB0];
	_ =	sdelay $0x3  }
0x37: {  	[smem:$0x3FB0] =	sst s10  }
0x38: {  	s10 =	sld [smem:$0x3FB1]  }
0x39: {  	_ = 	snop;
	(pc) =	sbr.ind lr, $3  }
0x3a: {  	_ = 	snop  }
0x3b: {  	_ = 	snop  }
0x3c: {  	p2 =	seq.s32 s10, $0x1;
	s10 =	sld [smem:$0x3FB0]  }
0x3d: {  	_ =	shalt  }
0x3e: {  	_ =	shalt  }
0x3f: {  	_ =	shalt  }
0x40: {  	_ =	shalt  }
0x41: {  	_ =	shalt  }
0x42: {  	_ =	shalt  }
0x43: {  	_ =	shalt  }
0x44: {  	_ =	shalt  }
0x45: {  	_ =	shalt  }
0x46: {  	_ =	shalt  }
0x47: {  	_ =	shalt  }
0x48: {  	_ =	shalt  }
0x49: {  	_ =	shalt  }
0x4a: {  	_ =	shalt  }
0x4b: {  	_ =	shalt  }
0x4c: {  	_ =	shalt  }
0x4d: {  	_ =	shalt  }
0x4e: {  	_ =	shalt  }
0x4f: {  	_ =	shalt  }
0x50: {  	_ =	shalt  }
0x51: {  	_ =	shalt  }
0x52: {  	_ =	shalt  }
0x53: {  	_ =	shalt  }
0x54: {  	_ =	shalt  }
0x55: {  	_ =	shalt  }
0x56: {  	_ =	shalt  }
0x57: {  	_ =	shalt  }
0x58: {  	_ =	shalt  }
0x59: {  	_ =	shalt  }
0x5a: {  	_ =	shalt  }
0x5b: {  	_ =	shalt  }
0x5c: {  	_ =	shalt  }
0x5d: {  	_ =	shalt  }
0x5e: {  	_ =	shalt  }
0x5f: {  	_ =	shalt  }
0x60: {  	_ =	shalt  }
0x61: {  	_ =	shalt  }
0x62: {  	_ =	shalt  }
0x63: {  	_ =	shalt  }
0x64: {  	_ =	shalt  }
0x65: {  	_ =	shalt  }
0x66: {  	_ =	shalt  }
0x67: {  	_ =	shalt  }
0x68: {  	_ =	shalt  }
0x69: {  	_ =	shalt  }
0x6a: {  	_ =	shalt  }
0x6b: {  	_ =	shalt  }
0x6c: {  	_ =	shalt  }
0x6d: {  	_ =	shalt  }
0x6e: {  	_ =	shalt  }
0x6f: {  	_ =	shalt  }
0x70: {  	_ =	shalt  }
0x71: {  	_ =	shalt  }
0x72: {  	_ =	shalt  }
0x73: {  	_ =	shalt  }
0x74: {  	_ =	shalt  }
0x75: {  	_ =	shalt  }
0x76: {  	_ =	shalt  }
0x77: {  	_ =	shalt  }
0x78: {  	_ =	shalt  }
0x79: {  	_ =	shalt  }
0x7a: {  	_ =	shalt  }
0x7b: {  	_ =	shalt  }
0x7c: {  	_ =	shalt  }
0x7d: {  	_ =	shalt  }
0x7e: {  	_ =	shalt  }
0x7f: {  	_ =	shalt  }
0x80: {  	_ =	shalt  }
0x81: {  	_ =	shalt  }
0x82: {  	_ =	shalt  }
0x83: {  	_ =	shalt  }
0x84: {  	_ =	shalt  }
0x85: {  	_ =	shalt  }
0x86: {  	_ =	shalt  }
0x87: {  	_ =	shalt  }
.Lfunc_end0:
.L_simem_size_0:
called_computation_lowered:
.L_overlay_start_0:
0x88: {  	s2 =	sld [smem:$0x3FD9]  }
0x89: {  	s3 =	sld [smem:$0x3FFE];
	_ =	sdelay $0x1  }
0x8a: {  	s1 =	srdreg.scid  }
0x8b: {  	s0 =	sand.u32 $0x1, s1  }
0x8c: {  	s16 =	sshll.u32 s0, $0xA;
	s2 =	sadd.s32 s3, s2  }
0x8d: {  	s2 =	sadd.s32 s2, s16  }
0x8e: {  	[smem:$0x3FBC] =	sst s2  }
0x8f: {  	_ = 	snop  }
0x90: {  	(tm) =	ssettm $0x1  }
0x91: {  	s17 =	sld [smem:$0x3FFB];
	_ =	sdelay $0x3  }
0x92: {  	_ =	strace s17  }
0x93: {  	s2 =	sld [smem:$0x3FFC];
	_ =	sdelay $0x3  }
0x94: {  	_ =	strace s2  }
0x95: {  	s2 =	sld [smem:$0x3FFD];
	_ =	sdelay $0x3  }
0x96: {  	_ =	strace s2  }
0x97: {  	_ =	strace $0x8FFFFFFF  }
0x98: {  	s18 =	sld [smem:$0x3FDB];
	_ =	sdelay $0x1  }
0x99: {  	s19 =	simm.s32 $_scs_section_size  }
0x9a: {  	s4 =	simm.s32 $_size__tile_overlayer_lowered;
	s5 =	simm.s32 $_tile_overlayer_lowered  }
0x9b: {  	s22 =	simm.s32 $0x1BFF;
	s21 =	sshll.u32 s5, $0x1;
	s2 =	sadd.s32 s19, s18  }
0x9c: {  	s6 =	simm.s32 $0x0;
	s20 =	sshll.u32 s4, $0x1;
	s4 =	sadd.s32 s21, s2  }
0x9d: {  	[timem:s6], [sflag:s22] =	dma.local [hbm:s4], s20  }
0x9e: {  	_ =	swait.ge [sflag:s22], s20  }
0x9f: {  	s3 =	ssub.s32 $0x0, s20;
	[sflag:s22] =	ssyncset.done $0x0  }
0xa0: {  	[sflag:s22] =	ssyncadd.s32 s3;
	_ =	sdelay $0x1  }
0xa1: {  	s23 =	simm.s32 $0x1B8B  }
0xa2: {  	_ =	swait.ge [sflag:s23], $0x1  }
0xa3: {  	[sflag:s23] =	ssyncset.done $0x0  }
0xa4: {  	s25 =	simm.s32 $0x1B8E;
	s24 =	sld [smem:$0x3FFE];
	[sflag:s23] =	ssyncadd.s32 $0xFFFFFFFF  }
0xa5: {  	s26 =	simm.s32 $execute0_lowered;
	[smem:$0x3FD2] =	sst s25  }
0xa6: {  	s4 =	sshll.u32 s26, $0x1;
	_ =	strace $0x80000046;
	[dreg:$0x1] =	wrdreg $0xFFFFFFFF  }
0xa7: {  	s28 =	simm.s32 $_size_execute0_lowered;
	s2 =	sadd.s32 s2, s4;
	[dreg:$0x0] =	wrdreg $0x0  }
0xa8: {  	s4 =	sshll.u32 s28, $0x1;
	[dreg:$0x2] =	wrdreg s2  }
0xa9: {  	[dreg:$0x3] =	wrdreg s4  }
0xaa: {  	[dreg:$0x4] =	wrdreg $0xC0  }
0xab: {  	_ =	task [dreg:s6], $0x5FFFF  }
0xac: {  	[dreg:$0x1] =	wrdreg $0xFFFFFFFF  }
0xad: {  	[dreg:$0x0] =	wrdreg $0x60  }
0xae: {  	[dreg:$0x2] =	wrdreg s24  }
0xaf: {  	[dreg:$0x3] =	wrdreg $0x2B000  }
0xb0: {  	[dreg:$0x4] =	wrdreg $0x9  }
0xb1: {  	_ =	task.clear_ibuf [dreg:s6], $0x5FFFF;
	_ =	strace $0x90000046  }
0xb2: {  	s29 =	simm.s32 $0x9;
	_ =	strace $0x80000048  }
0xb3: {  	_ =	swait.ge [sflag:s29], $0x1  }
0xb4: {  	[sflag:s29] =	ssyncadd.s32 $0xFFFFFFFF  }
0xb5: {  	_ =	strace $0x90000048  }
0xb6: {  	_ =	sfence  }
0xb7: {  	s30 =	sld [smem:$0x0];
	_ =	sdelay $0x2  }
0xb8: {  	s31 =	sshll.u32 s1, $0xD;
	s1 =	sshrl.u32 s1, $0x2  }
0xb9: {  	s3 =	sand.u32 $0x4000, s31;
	s1 =	sadd.s32 s1, s30  }
0xba: {  	s0 =	sor.u32 s3, s0;
	s1 =	sshll.u32 s1, $0x11  }
0xbb: {  	s0 =	sor.u32 s1, s0  }
0xbc: {  	s0 =	sadd.s32 $0x8F2B, s0  }
0xbd: {  	[sflag:s0] =	ssyncadd.remote.s32 $0x1  }
0xbe: {  	_ =	sfence.sel $0xFFFF  }
0xbf: {  	[dreg:$0x0] =	wrdreg $0xFFFFFFFF;
	(pc) =	sbr.abs _section_cstart, $3  }
0xc0: {  	[dreg:$0x1] =	wrdreg $0xFFFFFFFF  }
0xc1: {  	_ =	task.clear_ibuf [dreg:s6], $0x2FFFF;
	_ =	strace $0x9FFFFFFF  }
0xc2: {  	(tm) =	ssettm $0x7FFFFFFF  }
0xc3: {  	_ =	shalt  }
tec
execute0_lowered:
.L_overlay_start_1:
0x0: {  	(tag) =	ssettag $0x1  }
0x1: {  	s4 =	rddreg [dreg:$0x0]  }
0x2: {  	s2 =	rddreg [dreg:$0x1]  }
0x3: {  	s0 =	rddreg [dreg:$0x2]  }
0x4: {  	s1 =	stileid.u32;
	s5 =	srdreg.scid;
	s3 =	simm.s32 $0x0  }
0x5: {  	s11 =	simm.s32 $0x2800;
	s6 =	smul.u32 $0x280, s1;
	s8 =	sand.u32 $0x1, s5  }
0x6: {  	[smem:$0x7FF] =	sst s3;
	s31 =	smul.u32 $0x500, s1;
	s12 =	sshll.u32 s1, $0x6  }
0x7: {  	s7 =	ssub.s32 $0x2, s8;
	_ =	strace $0x80000047;
	p0 =	sne.s32 s8, $0x0  }
.Ltmp0:
0x8: {  	s8 =	simm.s32 $0x2880;
	s12 =	sor.u32 $0x1C01, s12;
	(pc) =	sbr.rel .LBB2_1-.Ltmp0, $4  }
0x9: {  	s9 =	sshrl.u32 s6, $0x3;
	s10 =	sshrl.u32 s7, $0x1;
	s5 =	sadd.s32 s31, s4  }
0xa: {  	s9 =	sadd.s32 s9, s4;
	s7 =	ssub.s32 s7, s10;
	s4 =	sadd.s32 s6, s2  }
0xb: {  	s5 =	sadd.s32 $0x4C00, s5;
	s10 =	simm.s32 $0x80;
	s6 =	sadd.s32 $0x9C00, s9  }
0xc: {  	v0 =	vimm.f32 $1.000000000e+00;
	v1 =	vimm.f32 $0.0e+00;
	s7 =	smax.u32 s7, $0x1;
	s9 =	simm.s32 $0x1;
	s13 =	sshrl.u32 s4, $0x3  }
.LBB2_6:
0xd: {  	[sflag:s9] =	ssyncset.done $0x0  }
0xe: {  	[sflag:s9] =	ssyncadd.s32 $0xFFFFFF80  }
0xf: {  	[bflag:$0x0] =	sbarrier.arrive $0xFFFF  }
0x10: {  	[hbm:s6], [sflag:s12] =	dma.local [spmem:s13], $0x50  }
0x11: {  	_ =	swait.ge [sflag:s9], $0x50  }
0x12: {  	[sflag:s9] =	ssyncset.done $0x0  }
0x13: {  	[sflag:s9] =	ssyncadd.s32 $0xFFFFFFB0  }
.LBB2_7:
0x14: {  	s3 =	sadd.s32 $0x1, s3  }
0x15: {  	p1 =	sne.s32 s3, s7  }
.Ltmp1:
0x16: {  	_ = 	snop;
	(pc) =	sbr.rel @!p1 .LBB2_8-.Ltmp1, $1  }
0x17: {  	_ =	sdelay $0x3  }
.LBB2_1:
0x18: {  	[tilespmem:$0x2800] =	vst v0  }
0x19: {  	[tilespmem:$0x2810] =	vst v0  }
0x1a: {  	[tilespmem:$0x2820] =	vst v0  }
0x1b: {  	[tilespmem:$0x2830] =	vst v0  }
0x1c: {  	[tilespmem:$0x2840] =	vst v0  }
0x1d: {  	[tilespmem:$0x2850] =	vst v0  }
0x1e: {  	[tilespmem:$0x2860] =	vst v0  }
0x1f: {  	[tilespmem:$0x2870] =	vst v0  }
0x20: {  	[tilespmem:$0x2880] =	vst v1  }
0x21: {  	[tilespmem:$0x2890] =	vst v1  }
0x22: {  	[tilespmem:$0x28A0] =	vst v1  }
0x23: {  	[tilespmem:$0x28B0] =	vst v1  }
0x24: {  	[tilespmem:$0x28C0] =	vst v1  }
0x25: {  	[tilespmem:$0x28D0] =	vst v1  }
0x26: {  	[tilespmem:$0x28E0] =	vst v1  }
0x27: {  	[tilespmem:$0x28F0] =	vst v1  }
0x28: {  	[tilespmem:$0x2900] =	vst v1  }
0x29: {  	[tilespmem:$0x2910] =	vst v1  }
0x2a: {  	[tilespmem:$0x2920] =	vst v1  }
0x2b: {  	[tilespmem:$0x2930] =	vst v1  }
0x2c: {  	[tilespmem:$0x2940] =	vst v1  }
0x2d: {  	[tilespmem:$0x2950] =	vst v1  }
0x2e: {  	[tilespmem:$0x2960] =	vst v1  }
0x2f: {  	[tilespmem:$0x2970] =	vst v1  }
0x30: {  	[tilespmem:$0x2980] =	vst v1  }
0x31: {  	[tilespmem:$0x2990] =	vst v1  }
0x32: {  	[tilespmem:$0x29A0] =	vst v1  }
0x33: {  	[tilespmem:$0x29B0] =	vst v1  }
0x34: {  	[tilespmem:$0x29C0] =	vst v1  }
0x35: {  	[tilespmem:$0x29D0] =	vst v1  }
0x36: {  	[tilespmem:$0x29E0] =	vst v1  }
0x37: {  	[tilespmem:$0x29F0] =	vst v1  }
0x38: {  	[tilespmem:$0x2A00] =	vst v1  }
0x39: {  	[tilespmem:$0x2A10] =	vst v1  }
0x3a: {  	[tilespmem:$0x2A20] =	vst v1  }
0x3b: {  	[tilespmem:$0x2A30] =	vst v1  }
0x3c: {  	[tilespmem:$0x2A40] =	vst v1  }
0x3d: {  	[tilespmem:$0x2A50] =	vst v1  }
0x3e: {  	[tilespmem:$0x2A60] =	vst v1  }
0x3f: {  	[tilespmem:$0x2A70] =	vst v1  }
0x40: {  	[tilespmem:$0x2A80] =	vst v1  }
0x41: {  	[tilespmem:$0x2A90] =	vst v1  }
0x42: {  	[tilespmem:$0x2AA0] =	vst v1  }
.Ltmp2:
0x43: {  	[tilespmem:$0x2AB0] =	vst v1;
	(pc) =	sbr.rel @p0 .LBB2_7-.Ltmp2, $4  }
0x44: {  	[tilespmem:$0x2AC0] =	vst v1  }
0x45: {  	[tilespmem:$0x2AD0] =	vst v1  }
0x46: {  	[tilespmem:$0x2AE0] =	vst v1  }
0x47: {  	[tilespmem:$0x2AF0] =	vst v1  }
0x48: {  	[spmem:s4] =	stream.linear.scatter [tilespmem:s8], [sflag:$0x1], $0x280, $0x38;
	[tilespmem:$0x2D80] =	vst v63  }
0x49: {  	_ =	swait.ge [sflag:s9], $0x280  }
0x4a: {  	[sflag:s9] =	ssyncset.done $0x0  }
0x4b: {  	[sflag:s9] =	ssyncadd.s32 $0xFFFFFD80  }
0x4c: {  	s14 =	simm.s32 $0x0;
	[bflag:$0x0] =	sbarrier.arrive $0xFFFF  }
0x4d: {  	[tilespmem:s14], [sflag:$0x1] =	stream.linear.gather [hbm4b:s5+s14], $0x2800, $0x38;
	[tilespmem:$0x2D80] =	vst v63  }
0x4e: {  	_ =	swait.ge [sflag:s9], $0x2800  }
0x4f: {  	[sflag:s9] =	ssyncset.done $0x0  }
0x50: {  	s31 =	simm.s32 $0x0;
	[sflag:s9] =	ssyncadd.s32 $0xFFFFD800  }
0x51: {  	[spmem:s2] =	stream.indirect.scatter.add.f32 [tilespmem:s11], [sflag:$0x1], $0x1, s31, s10, $0xb8;
	[tilespmem:$0x2D80] =	vst v63  }
0x52: {  	_ =	swait.ge [sflag:s9], $0x80  }
0x53: {  	s14 =	simm.s32 $0x200;
	[sflag:s9] =	ssyncset.done $0x0  }
.LBB2_3:
0x54: {  	s15 =	sshra.s32 s14, $0x2;
	[sflag:s9] =	ssyncadd.s32 $0xFFFFFF80;
	p1 =	sne.s32 s14, $0x4E00  }
0x55: {  	[spmem:s2] =	stream.indirect.scatter.add.f32 [tilespmem:s11], [sflag:$0x1], $0x1, s15, s10, $0xb8;
	[tilespmem:$0x2D80] =	vst v63  }
.Ltmp3:
0x56: {  	_ = 	snop;
	(pc) =	sbr.rel @p1 .LBB2_3-.Ltmp3, $4  }
0x57: {  	_ = 	snop  }
0x58: {  	s14 =	sadd.s32 $0x200, s14  }
0x59: {  	_ =	swait.ge [sflag:s9], $0x80  }
0x5a: {  	[sflag:s9] =	ssyncset.done $0x0  }
0x5b: {  	[sflag:s9] =	ssyncadd.s32 $0xFFFFFF80;
	s14 =	simm.s32 $0x1400  }
0x5c: {  	[spmem:s2] =	stream.indirect.scatter.add.f32 [tilespmem:s11], [sflag:$0x1], $0x1, s14, s10, $0xb8;
	[tilespmem:$0x2D80] =	vst v63  }
0x5d: {  	s14 =	simm.s32 $0x200;
	_ =	swait.ge [sflag:s9], $0x80  }
.LBB2_5:
0x5e: {  	s15 =	sshra.s32 s14, $0x2;
	[sflag:s9] =	ssyncset.done $0x0;
	p1 =	sne.s32 s14, $0x4E00  }
.Ltmp4:
0x5f: {  	s15 =	sadd.s32 $0x1400, s15;
	[sflag:s9] =	ssyncadd.s32 $0xFFFFFF80;
	(pc) =	sbr.rel @p1 .LBB2_5-.Ltmp4, $3  }
0x60: {  	[spmem:s2] =	stream.indirect.scatter.add.f32 [tilespmem:s11], [sflag:$0x1], $0x1, s15, s10, $0xb8;
	[tilespmem:$0x2D80] =	vst v63  }
0x61: {  	s14 =	sadd.s32 $0x200, s14;
	_ =	sdelay $0x1  }
0x62: {  	_ =	swait.ge [sflag:s9], $0x80  }
.Ltmp5:
0x63: {  	_ = 	snop;
	(pc) =	sbr.rel .LBB2_6-.Ltmp5, $1  }
0x64: {  	_ =	sdelay $0x3  }
.LBB2_8:
0x65: {  	_ =	sfence.sel $0x180000  }
0x66: {  	[bflag:$0x0] =	sbarrier.arrive $0xFFFF  }
0x67: {  	p0 =	sne.s32 s1, $0x0;
	_ =	strace $0x90000047  }
0x68: {  	s0 =	sadd.s32 @!p0 $0x100000, s0;
	[bflag:$0x2] =	sbarrier.arrive $0xFFFF  }
0x69: {  	[sflag:s0] =	ssyncadd.tile.s32 @!p0 $0x1;
	_ =	shalt  }
.Lfunc_end2:
_tile_overlayer_lowered:
.L_overlay_start_2:
0x6a: {  	(tag) =	ssettag $0x2  }
0x6b: {  	s0 =	rddreg [dreg:$0x0];
	s2 =	stileid.u32  }
0x6c: {  	s1 =	rddreg [dreg:$0x1];
	p0 =	sne.s32 s2, $0x0  }
0x6d: {  	s3 =	rddreg [dreg:$0x2];
	[bflag:$0x3] =	sbarrier.arrive $0xFFFF;
	s2 =	simm.s32 @!p0 $0x1C01  }
0x6e: {  	[timem:s3], [sflag:s2] =	dma.local @!p0 [hbm:s0], s1  }
0x6f: {  	s0 =	simm.s32 @!p0 $0x1  }
0x70: {  	_ =	swait.ge @!p0 [sflag:s0], s1  }
0x71: {  	s1 =	ssub.s32 @!p0 $0x0, s1;
	[sflag:s0] =	ssyncset.done @!p0 $0x0  }
0x72: {  	[sflag:s0] =	ssyncadd.s32 @!p0 s1  }
0x73: {  	[bflag:$0x3] =	sbarrier.arrive $0xFFFF  }
0x74: {  	_ =	shalt  }

// kernel: kernel.13.cloned.1.call-start
scs
__scs_entry_jumppad:
0x0: {  	(pc) =	sbr.rel $0x88, $3  }
0x1: {  	(tag) =	ssettag $0x0;
	lr =	simm.s32 $0x1  }
0x2: {  	[smem:$0x3F95] =	sst lr;
	_ =	strace $0xD0000000  }
0x3: {  	_ = 	snop  }
0x4: {  	_ = 	snop  }
0x5: {  	_ = 	snop  }
0x6: {  	_ = 	snop  }
0x7: {  	_ = 	snop  }
__scs_overlays_trampoline_lowered:
0x8: {  	[smem:$0x3FA4] =	sst s0  }
0x9: {  	[smem:$0x3FA5] =	sst s1  }
0xa: {  	[smem:$0x3FA6] =	sst s2  }
0xb: {  	[smem:$0x3FA7] =	sst s3  }
0xc: {  	[smem:$0x3FA8] =	sst s4  }
0xd: {  	[smem:$0x3FA9] =	sst s5  }
0xe: {  	[smem:$0x3FAA] =	sst s6  }
0xf: {  	[smem:$0x3FAB] =	sst s7  }
0x10: {  	[smem:$0x3FAC] =	sst s8  }
0x11: {  	[smem:$0x3FAD] =	sst s9;
	s0 =	simm.s32 @!p0 $0x0  }
0x12: {  	s1 =	sld [smem:$0x3F93];
	s0 =	simm.s32 @p0 $0x1  }
0x13: {  	[smem:$0x3FAE] =	sst s0;
	s0 =	simm.s32 @!p1 $0x0  }
0x14: {  	s2 =	sld [smem:$0x3F92];
	s0 =	simm.s32 @p1 $0x1  }
0x15: {  	[smem:$0x3FAF] =	sst s0;
	s0 =	simm.s32 @!p2 $0x0  }
0x16: {  	s3 =	sld [smem:$0x3FDB];
	s0 =	simm.s32 @p2 $0x1  }
0x17: {  	s4 =	simm.s32 $0x1BF5;
	[smem:$0x3FB1] =	sst s0  }
0x18: {  	s0 =	sld [smem:$0x3F94];
	_ =	swait.ge [sflag:s4], $0x0  }
0x19: {  	s7 =	sld [smem:$0x3F95]  }
0x1a: {  	s8 =	sadd.s32 $0xFFFFE003, lr  }
0x1b: {  	s9 =	sadd.s32 $0xFFFFFEF7, lr;
	s5 =	simm.s32 $0xFFFFFFFF;
	p2 =	slt.u32 s8, $0xFFFFF086  }
0x1c: {  	p1 =	slt.u32 s9, $0xF7A;
	s5 =	simm.s32 @!p2 $0x0  }
0x1d: {  	s5 =	simm.s32 @p1 $0x1;
	p0 =	seq.s32 s7, s2  }
0x1e: {  	s7 =	smul.u32 @!p0 $0xF7A, s2;
	p2 =	seq.s32 @!p0 s5, $0x0  }
0x1f: {  	s9 =	smul.u32 $0xF7A, s1;
	s8 =	simm.s32 @!p0 $0x1BF5;
	p2 =	por !p2, p0  }
0x20: {  	[sflag:s8] =	ssyncset.s32 @!p0 $0xFFFFF086;
	s6 =	sadd.s32 @!p0 s3, s7;
	s7 =	simm.s32 @!p0 $0x108  }
0x21: {  	s3 =	sadd.s32 s3, s9;
	s6 =	sadd.s32 @!p0 $0x88, s6;
	s7 =	simm.s32 @p2 $0x1082  }
0x22: {  	[simem:s7], [sflag:s8] =	dma.local @!p0 [hbm:s6], $0xF7A  }
0x23: {  	s9 =	sor.u32 $0xD0000000, s2;
	s6 =	simm.s32 $0x108;
	_ =	swait.ge @!p0 [sflag:s8], $0x0  }
0x24: {  	s3 =	sadd.s32 $0x88, s3;
	s6 =	simm.s32 @!p1 $0x1082;
	[sflag:s4] =	ssyncset.s32 $0xFFFFF086  }
0x25: {  	[simem:s6], [sflag:s4] =	dma.local [hbm:s3], $0xF7A  }
0x26: {  	[smem:$0x3F95] =	sst s1;
	(tag) =	ssettag s2;
	_ =	strace s9  }
0x27: {  	s1 =	sld [smem:$0x3FA5]  }
0x28: {  	s2 =	sld [smem:$0x3FA6]  }
0x29: {  	s4 =	sld [smem:$0x3FA8]  }
0x2a: {  	p0 =	seq.s32 s5, $0x0;
	s5 =	sld [smem:$0x3FA9]  }
0x2b: {  	s6 =	sld [smem:$0x3FAA]  }
0x2c: {  	s7 =	sld [smem:$0x3FAB]  }
0x2d: {  	s3 =	simm.s32 $0x108;
	s8 =	sld [smem:$0x3FAC]  }
0x2e: {  	s3 =	simm.s32 @!p0 $0x1082;
	s9 =	sld [smem:$0x3FAD]  }
0x2f: {  	lr =	sadd.s32 s0, s3;
	s0 =	sld [smem:$0x3FA4]  }
0x30: {  	s3 =	sld [smem:$0x3FA7]  }
0x31: {  	[smem:$0x3FB0] =	sst s10  }
0x32: {  	s10 =	sld [smem:$0x3FAE];
	_ =	sdelay $0x3  }
0x33: {  	p0 =	seq.s32 s10, $0x1;
	s10 =	sld [smem:$0x3FB0];
	_ =	sdelay $0x3  }
0x34: {  	[smem:$0x3FB0] =	sst s10  }
0x35: {  	s10 =	sld [smem:$0x3FAF];
	_ =	sdelay $0x3  }
0x36: {  	p1 =	seq.s32 s10, $0x1;
	s10 =	sld [smem:$0x3FB0];
	_ =	sdelay $0x3  }
0x37: {  	[smem:$0x3FB0] =	sst s10  }
0x38: {  	s10 =	sld [smem:$0x3FB1]  }
0x39: {  	_ = 	snop;
	(pc) =	sbr.ind lr, $3  }
0x3a: {  	_ = 	snop  }
0x3b: {  	_ = 	snop  }
0x3c: {  	p2 =	seq.s32 s10, $0x1;
	s10 =	sld [smem:$0x3FB0]  }
0x3d: {  	_ =	shalt  }
0x3e: {  	_ =	shalt  }
0x3f: {  	_ =	shalt  }
0x40: {  	_ =	shalt  }
0x41: {  	_ =	shalt  }
0x42: {  	_ =	shalt  }
0x43: {  	_ =	shalt  }
0x44: {  	_ =	shalt  }
0x45: {  	_ =	shalt  }
0x46: {  	_ =	shalt  }
0x47: {  	_ =	shalt  }
0x48: {  	_ =	shalt  }
0x49: {  	_ =	shalt  }
0x4a: {  	_ =	shalt  }
0x4b: {  	_ =	shalt  }
0x4c: {  	_ =	shalt  }
0x4d: {  	_ =	shalt  }
0x4e: {  	_ =	shalt  }
0x4f: {  	_ =	shalt  }
0x50: {  	_ =	shalt  }
0x51: {  	_ =	shalt  }
0x52: {  	_ =	shalt  }
0x53: {  	_ =	shalt  }
0x54: {  	_ =	shalt  }
0x55: {  	_ =	shalt  }
0x56: {  	_ =	shalt  }
0x57: {  	_ =	shalt  }
0x58: {  	_ =	shalt  }
0x59: {  	_ =	shalt  }
0x5a: {  	_ =	shalt  }
0x5b: {  	_ =	shalt  }
0x5c: {  	_ =	shalt  }
0x5d: {  	_ =	shalt  }
0x5e: {  	_ =	shalt  }
0x5f: {  	_ =	shalt  }
0x60: {  	_ =	shalt  }
0x61: {  	_ =	shalt  }
0x62: {  	_ =	shalt  }
0x63: {  	_ =	shalt  }
0x64: {  	_ =	shalt  }
0x65: {  	_ =	shalt  }
0x66: {  	_ =	shalt  }
0x67: {  	_ =	shalt  }
0x68: {  	_ =	shalt  }
0x69: {  	_ =	shalt  }
0x6a: {  	_ =	shalt  }
0x6b: {  	_ =	shalt  }
0x6c: {  	_ =	shalt  }
0x6d: {  	_ =	shalt  }
0x6e: {  	_ =	shalt  }
0x6f: {  	_ =	shalt  }
0x70: {  	_ =	shalt  }
0x71: {  	_ =	shalt  }
0x72: {  	_ =	shalt  }
0x73: {  	_ =	shalt  }
0x74: {  	_ =	shalt  }
0x75: {  	_ =	shalt  }
0x76: {  	_ =	shalt  }
0x77: {  	_ =	shalt  }
0x78: {  	_ =	shalt  }
0x79: {  	_ =	shalt  }
0x7a: {  	_ =	shalt  }
0x7b: {  	_ =	shalt  }
0x7c: {  	_ =	shalt  }
0x7d: {  	_ =	shalt  }
0x7e: {  	_ =	shalt  }
0x7f: {  	_ =	shalt  }
0x80: {  	_ =	shalt  }
0x81: {  	_ =	shalt  }
0x82: {  	_ =	shalt  }
0x83: {  	_ =	shalt  }
0x84: {  	_ =	shalt  }
0x85: {  	_ =	shalt  }
0x86: {  	_ =	shalt  }
0x87: {  	_ =	shalt  }
.Lfunc_end0:
.L_simem_size_0:
called_computation.1_lowered:
.L_overlay_start_0:
0x88: {  	s2 =	sld [smem:$0x3FD9]  }
0x89: {  	s3 =	sld [smem:$0x3FFE];
	_ =	sdelay $0x1  }
0x8a: {  	s1 =	srdreg.scid  }
0x8b: {  	s0 =	sand.u32 $0x1, s1  }
0x8c: {  	s17 =	sshll.u32 s0, $0xA;
	s2 =	sadd.s32 s3, s2  }
0x8d: {  	s2 =	sadd.s32 s2, s17  }
0x8e: {  	[smem:$0x3FBC] =	sst s2  }
0x8f: {  	_ = 	snop  }
0x90: {  	s2 =	sld [smem:$0x3FD0];
	(tm) =	ssettm $0x1  }
0x91: {  	s18 =	sld [smem:$0x3FFB];
	_ =	sdelay $0x3  }
0x92: {  	_ =	strace s18  }
0x93: {  	s3 =	sld [smem:$0x3FFC];
	_ =	sdelay $0x3  }
0x94: {  	_ =	strace s3  }
0x95: {  	s3 =	sld [smem:$0x3FFD];
	_ =	sdelay $0x3  }
0x96: {  	_ =	strace s3  }
0x97: {  	_ =	strace $0x8FFFFFFF  }
0x98: {  	s19 =	sld [smem:$0x3FDB];
	_ =	sdelay $0x1  }
0x99: {  	s4 =	simm.s32 $_scs_section_size  }
0x9a: {  	s5 =	simm.s32 $_size__tile_overlayer_lowered;
	s6 =	simm.s32 $_tile_overlayer_lowered  }
0x9b: {  	s22 =	simm.s32 $0x1BFF;
	s21 =	sshll.u32 s6, $0x1;
	s3 =	sadd.s32 s4, s19  }
0x9c: {  	s7 =	simm.s32 $0x0;
	s20 =	sshll.u32 s5, $0x1;
	s5 =	sadd.s32 s21, s3  }
0x9d: {  	[timem:s7], [sflag:s22] =	dma.local [hbm:s5], s20  }
0x9e: {  	_ =	swait.ge [sflag:s22], s20  }
0x9f: {  	s4 =	ssub.s32 $0x0, s20;
	[sflag:s22] =	ssyncset.done $0x0  }
0xa0: {  	[sflag:s22] =	ssyncadd.s32 s4;
	_ =	sdelay $0x1  }
0xa1: {  	s23 =	simm.s32 $0x1B8B  }
0xa2: {  	_ =	swait.ge [sflag:s23], $0x1  }
0xa3: {  	[sflag:s23] =	ssyncset.done $0x0  }
0xa4: {  	s25 =	simm.s32 $0x1B8E;
	s24 =	sld [smem:$0x3FFE];
	[sflag:s23] =	ssyncadd.s32 $0xFFFFFFFF  }
0xa5: {  	s26 =	simm.s32 $execute0_lowered;
	[smem:$0x3FD2] =	sst s25  }
0xa6: {  	s5 =	sshll.u32 s26, $0x1;
	_ =	strace $0x80000049;
	[dreg:$0x1] =	wrdreg $0xFFFFFFFF  }
0xa7: {  	s28 =	simm.s32 $_size_execute0_lowered;
	s3 =	sadd.s32 s3, s5;
	[dreg:$0x0] =	wrdreg $0x0  }
0xa8: {  	s5 =	sshll.u32 s28, $0x1;
	[dreg:$0x2] =	wrdreg s3  }
0xa9: {  	[dreg:$0x3] =	wrdreg s5  }
0xaa: {  	[dreg:$0x4] =	wrdreg $0xC0  }
0xab: {  	_ =	task [dreg:s7], $0x5FFFF  }
0xac: {  	[dreg:$0x1] =	wrdreg $0xFFFFFFFF  }
0xad: {  	[dreg:$0x0] =	wrdreg $0x60  }
0xae: {  	[dreg:$0x2] =	wrdreg s2  }
0xaf: {  	[dreg:$0x3] =	wrdreg s24  }
0xb0: {  	[dreg:$0x4] =	wrdreg $0xA8000  }
0xb1: {  	[dreg:$0x5] =	wrdreg $0x9  }
0xb2: {  	_ =	task.clear_ibuf [dreg:s7], $0x6FFFF;
	_ =	strace $0x90000049  }
0xb3: {  	s29 =	simm.s32 $0x9;
	_ =	strace $0x8000004B  }
0xb4: {  	_ =	swait.ge [sflag:s29], $0x1  }
0xb5: {  	[sflag:s29] =	ssyncadd.s32 $0xFFFFFFFF  }
0xb6: {  	_ =	strace $0x9000004B  }
0xb7: {  	_ =	sfence  }
0xb8: {  	s30 =	sld [smem:$0x0];
	_ =	sdelay $0x2  }
0xb9: {  	s31 =	sshll.u32 s1, $0xD;
	s1 =	sshrl.u32 s1, $0x2  }
0xba: {  	s3 =	sand.u32 $0x4000, s31;
	s1 =	sadd.s32 s1, s30  }
0xbb: {  	s0 =	sor.u32 s3, s0;
	s1 =	sshll.u32 s1, $0x11  }
0xbc: {  	s0 =	sor.u32 s1, s0  }
0xbd: {  	s0 =	sadd.s32 $0x8F2B, s0  }
0xbe: {  	[sflag:s0] =	ssyncadd.remote.s32 $0x1  }
0xbf: {  	_ =	sfence.sel $0xFFFF  }
0xc0: {  	[dreg:$0x0] =	wrdreg $0xFFFFFFFF;
	(pc) =	sbr.abs _section_cstart, $3  }
0xc1: {  	[dreg:$0x1] =	wrdreg $0xFFFFFFFF  }
0xc2: {  	_ =	task.clear_ibuf [dreg:s7], $0x2FFFF;
	_ =	strace $0x9FFFFFFF  }
0xc3: {  	(tm) =	ssettm $0x7FFFFFFF  }
tec
execute0_lowered:
.L_overlay_start_1:
0x0: {  	(tag) =	ssettag $0x1  }
0x1: {  	s12 =	rddreg [dreg:$0x0]  }
0x2: {  	s8 =	rddreg [dreg:$0x1]  }
0x3: {  	s2 =	rddreg [dreg:$0x2];
	s3 =	simm.s32 $0x0  }
0x4: {  	s0 =	stileid.u32;
	s5 =	srdreg.scid;
	s18 =	simm.s32 $0x1400  }
0x5: {  	s19 =	simm.s32 $0x80;
	s20 =	simm.s32 $0x2800;
	s21 =	simm.s32 $0x6800  }
0x6: {  	s22 =	simm.s32 $0x1;
	s23 =	simm.s32 $0x2;
	s24 =	simm.s32 $0x1380  }
0x7: {  	s25 =	simm.s32 $0x2700;
	s26 =	simm.s32 $0x2780;
	s28 =	simm.s32 $0x0  }
0x8: {  	[smem:$0x7FF] =	sst s3;
	s4 =	smul.u32 $0x2800, s0;
	s13 =	sadd.s32 $0x4C00, s8  }
0x9: {  	s10 =	sand.u32 $0x1, s5;
	s5 =	sadd.s32 $0x30E00, s8;
	s14 =	smul.u32 $0x50000, s0  }
0xa: {  	s6 =	sadd.s32 $0x9C00, s8;
	s7 =	sadd.s32 $0xA7200, s8;
	s17 =	sshll.u32 s0, $0x6  }
0xb: {  	_ =	strace $0x8000004A;
	s11 =	ssub.s32 $0x2, s10;
	p0 =	seq.s32 s10, $0x1  }
0xc: {  	s9 =	sadd.s32 s4, s8;
	s15 =	sshrl.u32 s11, $0x1;
	s8 =	sadd.s32 $0xCF200, s8  }
.Ltmp0:
0xd: {  	s29 =	sshrl.u32 s14, $0x2;
	s30 =	sshrl.u32 s4, $0x3;
	(pc) =	sbr.rel .LBB2_1-.Ltmp0, $4  }
0xe: {  	s15 =	ssub.s32 s11, s15;
	s16 =	sadd.s32 s29, s2;
	s9 =	sadd.s32 $0x7F200, s9  }
0xf: {  	s10 =	sadd.s32 s12, s30;
	s31 =	sadd.s32 $0x280, s30;
	s11 =	sadd.s32 s13, s30  }
0x10: {  	s12 =	sadd.s32 s12, s31;
	s13 =	sadd.s32 s13, s31;
	s14 =	smax.u32 s15, $0x1  }
0x11: {  	s15 =	sor.u32 $0x1C03, s17;
	s16 =	sshrl.u32 s16, $0x3;
	s17 =	simm.s32 $0x3  }
.LBB2_11:
0x12: {  	s0 =	sadd.s32 $0x80, s29;
	[sflag:s17] =	ssyncadd.s32 $0xFFFFC000  }
0x13: {  	[tilespmem:s21], [sflag:$0x2] =	stream.indirect.gather [hbm4b:s6+s19], $0x80, s0, s19, $0xb8;
	[tilespmem:$0x1E800] =	vst v63  }
0x14: {  	_ =	swait.ge [sflag:s22], $0x4000  }
0x15: {  	[sflag:s22] =	ssyncset.done $0x0  }
0x16: {  	s31 =	sadd.s32 $0x1400, s29;
	[sflag:s22] =	ssyncadd.s32 $0xFFFFC000  }
0x17: {  	[spmem:s2] =	stream.indirect.scatter.add.f32 [tilespmem:s20], [sflag:$0x3], $0x80, s31, s19, $0xb8;
	[tilespmem:$0x1E800] =	vst v63  }
0x18: {  	_ =	swait.ge [sflag:s17], $0x4000  }
0x19: {  	[sflag:s17] =	ssyncset.done $0x0  }
0x1a: {  	s1 =	sadd.s32 $0x100, s29;
	[sflag:s17] =	ssyncadd.s32 $0xFFFFC000  }
0x1b: {  	[tilespmem:s20], [sflag:$0x1] =	stream.indirect.gather [hbm4b:s6+s19], $0x80, s1, s19, $0xb8;
	[tilespmem:$0x1E800] =	vst v63  }
0x1c: {  	_ =	swait.ge [sflag:s23], $0x4000  }
0x1d: {  	[sflag:s23] =	ssyncset.done $0x0  }
0x1e: {  	s31 =	sadd.s32 $0x1480, s29;
	[sflag:s23] =	ssyncadd.s32 $0xFFFFC000  }
0x1f: {  	[spmem:s2] =	stream.indirect.scatter.add.f32 [tilespmem:s21], [sflag:$0x3], $0x80, s31, s19, $0xb8;
	[tilespmem:$0x1E800] =	vst v63  }
0x20: {  	_ =	swait.ge [sflag:s17], $0x4000  }
0x21: {  	[sflag:s17] =	ssyncset.done $0x0  }
0x22: {  	s30 =	smov.u32 s6;
	s29 =	smov.u32 s8;
	[sflag:s17] =	ssyncadd.s32 $0xFFFFC000  }
.LBB2_12:
0x23: {  	[tilespmem:s21], [sflag:$0x2] =	stream.indirect.gather [hbm4b:s30+s19], $0x80, s24, s19, $0xb8;
	[tilespmem:$0x1E800] =	vst v63  }
0x24: {  	_ =	swait.ge [sflag:s22], $0x4000  }
0x25: {  	[sflag:s22] =	ssyncset.done $0x0  }
0x26: {  	[sflag:s22] =	ssyncadd.s32 $0xFFFFC000  }
0x27: {  	[spmem:s2] =	stream.indirect.scatter.add.f32 [tilespmem:s20], [sflag:$0x3], $0x80, s25, s19, $0xb8;
	[tilespmem:$0x1E800] =	vst v63  }
0x28: {  	_ =	swait.ge [sflag:s17], $0x4000  }
0x29: {  	[sflag:s17] =	ssyncset.done $0x0  }
0x2a: {  	[sflag:s17] =	ssyncadd.s32 $0xFFFFC000  }
0x2b: {  	_ =	swait.ge [sflag:s23], $0x4000  }
0x2c: {  	[sflag:s23] =	ssyncset.done $0x0  }
0x2d: {  	[sflag:s23] =	ssyncadd.s32 $0xFFFFC000  }
0x2e: {  	[spmem:s2] =	stream.indirect.scatter.add.f32 [tilespmem:s21], [sflag:$0x3], $0x80, s26, s19, $0xb8;
	[tilespmem:$0x1E800] =	vst v63  }
0x2f: {  	_ =	swait.ge [sflag:s17], $0x4000  }
0x30: {  	[sflag:s17] =	ssyncset.done $0x0  }
0x31: {  	s28 =	sadd.s32 $0x1, s28;
	[sflag:s17] =	ssyncadd.s32 $0xFFFFC000  }
0x32: {  	s0 =	sadd.s32 s29, s4;
	p1 =	sne.s32 s28, s14;
	[bflag:$0x0] =	sbarrier.arrive $0xFFFF  }
0x33: {  	[hbm:s0], [sflag:s15] =	dma.local [spmem:s16], $0x2800  }
.Ltmp1:
0x34: {  	_ =	swait.ge [sflag:s17], $0x2800;
	(pc) =	sbr.rel @!p1 .LBB2_13-.Ltmp1, $3  }
0x35: {  	[sflag:s17] =	ssyncset.done $0x0  }
0x36: {  	[sflag:s17] =	ssyncadd.s32 $0xFFFFD800  }
0x37: {  	[bflag:$0x0] =	sbarrier.arrive $0xFFFF;
	_ =	sdelay $0x1  }
.LBB2_1:
0x38: {  	[spmem:s16], [sflag:s15] =	dma.local [hbm:s9], $0x2800  }
0x39: {  	_ =	swait.ge [sflag:s17], $0x2800  }
0x3a: {  	[sflag:s17] =	ssyncset.done $0x0  }
0x3b: {  	[sflag:s17] =	ssyncadd.s32 $0xFFFFD800  }
0x3c: {  	[bflag:$0x0] =	sbarrier.arrive $0xFFFF  }
0x3d: {  	[tilespmem:s3], [sflag:$0x3] =	stream.linear.gather [hbm4b:s10+s3], $0x1400, $0x38;
	[tilespmem:$0x1E800] =	vst v63  }
0x3e: {  	_ =	swait.ge [sflag:s17], $0x1400  }
0x3f: {  	[sflag:s17] =	ssyncset.done $0x0  }
.Ltmp2:
0x40: {  	[sflag:s17] =	ssyncadd.s32 $0xFFFFEC00;
	(pc) =	sbr.rel @!p0 .LBB2_2-.Ltmp2, $4  }
0x41: {  	[tilespmem:s18], [sflag:$0x3] =	stream.linear.gather [hbm4b:s11+s3], $0x1400, $0x38;
	[tilespmem:$0x1E800] =	vst v63  }
0x42: {  	_ =	swait.ge [sflag:s17], $0x1400  }
0x43: {  	[sflag:s17] =	ssyncset.done $0x0  }
0x44: {  	[sflag:s17] =	ssyncadd.s32 $0xFFFFEC00  }
0x45: {  	s0 =	simm.s32 $0x0  }
0x46: {  	[tilespmem:s20], [sflag:$0x1] =	stream.indirect.gather [hbm4b:s6+s19], $0x80, s0, s19, $0xb8;
	[tilespmem:$0x1E800] =	vst v63  }
0x47: {  	s1 =	simm.s32 $0x80  }
0x48: {  	[tilespmem:s21], [sflag:$0x2] =	stream.indirect.gather [hbm4b:s6+s19], $0x80, s1, s19, $0xb8;
	[tilespmem:$0x1E800] =	vst v63  }
0x49: {  	_ =	swait.ge [sflag:s22], $0x4000  }
0x4a: {  	[sflag:s22] =	ssyncset.done $0x0  }
0x4b: {  	s31 =	simm.s32 $0x1400;
	[sflag:s22] =	ssyncadd.s32 $0xFFFFC000  }
0x4c: {  	[spmem:s2] =	stream.indirect.scatter.add.f32 [tilespmem:s20], [sflag:$0x3], $0x80, s31, s19, $0xb8;
	[tilespmem:$0x1E800] =	vst v63  }
0x4d: {  	_ =	swait.ge [sflag:s17], $0x4000  }
0x4e: {  	[sflag:s17] =	ssyncset.done $0x0  }
0x4f: {  	s1 =	simm.s32 $0x100;
	[sflag:s17] =	ssyncadd.s32 $0xFFFFC000  }
0x50: {  	[tilespmem:s20], [sflag:$0x1] =	stream.indirect.gather [hbm4b:s6+s19], $0x80, s1, s19, $0xb8;
	[tilespmem:$0x1E800] =	vst v63  }
0x51: {  	_ =	swait.ge [sflag:s23], $0x4000  }
0x52: {  	[sflag:s23] =	ssyncset.done $0x0  }
0x53: {  	s31 =	simm.s32 $0x1480;
	[sflag:s23] =	ssyncadd.s32 $0xFFFFC000  }
0x54: {  	[spmem:s2] =	stream.indirect.scatter.add.f32 [tilespmem:s21], [sflag:$0x3], $0x80, s31, s19, $0xb8;
	[tilespmem:$0x1E800] =	vst v63  }
0x55: {  	_ =	swait.ge [sflag:s17], $0x4000  }
0x56: {  	s30 =	simm.s32 $0x800;
	s29 =	simm.s32 $0x100;
	[sflag:s17] =	ssyncset.done $0x0  }
.LBB2_8:
0x57: {  	s0 =	sadd.s32 $0x80, s29  }
0x58: {  	[sflag:s17] =	ssyncadd.s32 $0xFFFFC000;
	s1 =	smov.u32 s30;
	s31 =	sadd.s32 $0x400, s30  }
0x59: {  	[tilespmem:s21], [sflag:$0x2] =	stream.indirect.gather [hbm4b:s6+s19], $0x80, s0, s19, $0xb8;
	[tilespmem:$0x1E800] =	vst v63  }
0x5a: {  	p1 =	sne.s32 s30, $0x4800;
	_ =	swait.ge [sflag:s22], $0x4000  }
0x5b: {  	[sflag:s22] =	ssyncset.done $0x0  }
0x5c: {  	s0 =	sadd.s32 $0x1400, s29;
	[sflag:s22] =	ssyncadd.s32 $0xFFFFC000  }
0x5d: {  	[spmem:s2] =	stream.indirect.scatter.add.f32 [tilespmem:s20], [sflag:$0x3], $0x80, s0, s19, $0xb8;
	[tilespmem:$0x1E800] =	vst v63  }
0x5e: {  	_ =	swait.ge [sflag:s17], $0x4000  }
0x5f: {  	[sflag:s17] =	ssyncset.done $0x0  }
0x60: {  	s0 =	sadd.s32 $0x100, s29;
	[sflag:s17] =	ssyncadd.s32 $0xFFFFC000  }
0x61: {  	[tilespmem:s20], [sflag:$0x1] =	stream.indirect.gather [hbm4b:s6+s19], $0x80, s0, s19, $0xb8;
	[tilespmem:$0x1E800] =	vst v63  }
0x62: {  	_ =	swait.ge [sflag:s23], $0x4000  }
.Ltmp3:
0x63: {  	[sflag:s23] =	ssyncset.done $0x0;
	(pc) =	sbr.rel @p1 .LBB2_8-.Ltmp3, $4  }
0x64: {  	s0 =	sadd.s32 $0x1480, s29;
	[sflag:s23] =	ssyncadd.s32 $0xFFFFC000  }
0x65: {  	[spmem:s2] =	stream.indirect.scatter.add.f32 [tilespmem:s21], [sflag:$0x3], $0x80, s0, s19, $0xb8;
	[tilespmem:$0x1E800] =	vst v63  }
0x66: {  	_ =	swait.ge [sflag:s17], $0x4000  }
0x67: {  	s30 =	smov.u32 s31;
	s29 =	sshra.s32 s1, $0x2;
	[sflag:s17] =	ssyncset.done $0x0  }
0x68: {  	s0 =	sadd.s32 $0x80, s29;
	[sflag:s17] =	ssyncadd.s32 $0xFFFFC000  }
0x69: {  	[tilespmem:s21], [sflag:$0x2] =	stream.indirect.gather [hbm4b:s6+s19], $0x80, s0, s19, $0xb8;
	[tilespmem:$0x1E800] =	vst v63  }
0x6a: {  	_ =	swait.ge [sflag:s22], $0x4000  }
0x6b: {  	[sflag:s22] =	ssyncset.done $0x0  }
0x6c: {  	s1 =	sadd.s32 $0x1400, s29;
	[sflag:s22] =	ssyncadd.s32 $0xFFFFC000  }
0x6d: {  	[spmem:s2] =	stream.indirect.scatter.add.f32 [tilespmem:s20], [sflag:$0x3], $0x80, s1, s19, $0xb8;
	[tilespmem:$0x1E800] =	vst v63  }
0x6e: {  	_ =	swait.ge [sflag:s17], $0x4000  }
0x6f: {  	[sflag:s17] =	ssyncset.done $0x0  }
0x70: {  	s31 =	sadd.s32 $0x100, s29;
	[sflag:s17] =	ssyncadd.s32 $0xFFFFC000  }
0x71: {  	[tilespmem:s20], [sflag:$0x1] =	stream.indirect.gather [hbm4b:s6+s19], $0x80, s31, s19, $0xb8;
	[tilespmem:$0x1E800] =	vst v63  }
0x72: {  	_ =	swait.ge [sflag:s23], $0x4000  }
0x73: {  	[sflag:s23] =	ssyncset.done $0x0  }
0x74: {  	s1 =	sadd.s32 $0x1480, s29;
	[sflag:s23] =	ssyncadd.s32 $0xFFFFC000  }
0x75: {  	[spmem:s2] =	stream.indirect.scatter.add.f32 [tilespmem:s21], [sflag:$0x3], $0x80, s1, s19, $0xb8;
	[tilespmem:$0x1E800] =	vst v63  }
0x76: {  	_ =	swait.ge [sflag:s17], $0x4000  }
0x77: {  	[sflag:s17] =	ssyncset.done $0x0  }
0x78: {  	[sflag:s17] =	ssyncadd.s32 $0xFFFFC000  }
0x79: {  	[tilespmem:s21], [sflag:$0x2] =	stream.indirect.gather [hbm4b:s6+s19], $0x80, s24, s19, $0xb8;
	[tilespmem:$0x1E800] =	vst v63  }
0x7a: {  	_ =	swait.ge [sflag:s22], $0x4000  }
0x7b: {  	[sflag:s22] =	ssyncset.done $0x0  }
0x7c: {  	[sflag:s22] =	ssyncadd.s32 $0xFFFFC000  }
0x7d: {  	[spmem:s2] =	stream.indirect.scatter.add.f32 [tilespmem:s20], [sflag:$0x3], $0x80, s25, s19, $0xb8;
	[tilespmem:$0x1E800] =	vst v63  }
0x7e: {  	_ =	swait.ge [sflag:s17], $0x4000  }
0x7f: {  	[sflag:s17] =	ssyncset.done $0x0  }
0x80: {  	[sflag:s17] =	ssyncadd.s32 $0xFFFFC000  }
0x81: {  	_ =	swait.ge [sflag:s23], $0x4000  }
0x82: {  	[sflag:s23] =	ssyncset.done $0x0  }
0x83: {  	[sflag:s23] =	ssyncadd.s32 $0xFFFFC000  }
0x84: {  	[spmem:s2] =	stream.indirect.scatter.add.f32 [tilespmem:s21], [sflag:$0x3], $0x80, s26, s19, $0xb8;
	[tilespmem:$0x1E800] =	vst v63  }
0x85: {  	_ =	swait.ge [sflag:s17], $0x4000  }
0x86: {  	[sflag:s17] =	ssyncset.done $0x0  }
0x87: {  	s31 =	simm.s32 $0x0;
	[sflag:s17] =	ssyncadd.s32 $0xFFFFC000  }
0x88: {  	[tilespmem:s31], [sflag:$0x3] =	stream.linear.gather [hbm4b:s12+s31], $0x1400, $0x38;
	[tilespmem:$0x1E800] =	vst v63  }
0x89: {  	_ =	swait.ge [sflag:s17], $0x1400  }
0x8a: {  	[sflag:s17] =	ssyncset.done $0x0  }
0x8b: {  	[sflag:s17] =	ssyncadd.s32 $0xFFFFEC00  }
0x8c: {  	[tilespmem:s18], [sflag:$0x3] =	stream.linear.gather [hbm4b:s13+s31], $0x1400, $0x38;
	[tilespmem:$0x1E800] =	vst v63  }
0x8d: {  	_ =	swait.ge [sflag:s17], $0x1400  }
0x8e: {  	[sflag:s17] =	ssyncset.done $0x0  }
0x8f: {  	[sflag:s17] =	ssyncadd.s32 $0xFFFFEC00  }
0x90: {  	[tilespmem:s20], [sflag:$0x1] =	stream.indirect.gather [hbm4b:s6+s19], $0x80, s31, s19, $0xb8;
	[tilespmem:$0x1E800] =	vst v63  }
0x91: {  	s1 =	simm.s32 $0x80  }
0x92: {  	[tilespmem:s21], [sflag:$0x2] =	stream.indirect.gather [hbm4b:s6+s19], $0x80, s1, s19, $0xb8;
	[tilespmem:$0x1E800] =	vst v63  }
0x93: {  	_ =	swait.ge [sflag:s22], $0x4000  }
0x94: {  	[sflag:s22] =	ssyncset.done $0x0  }
0x95: {  	s31 =	simm.s32 $0x1400;
	[sflag:s22] =	ssyncadd.s32 $0xFFFFC000  }
0x96: {  	[spmem:s2] =	stream.indirect.scatter.add.f32 [tilespmem:s20], [sflag:$0x3], $0x80, s31, s19, $0xb8;
	[tilespmem:$0x1E800] =	vst v63  }
0x97: {  	_ =	swait.ge [sflag:s17], $0x4000  }
0x98: {  	[sflag:s17] =	ssyncset.done $0x0  }
0x99: {  	s1 =	simm.s32 $0x100;
	[sflag:s17] =	ssyncadd.s32 $0xFFFFC000  }
0x9a: {  	[tilespmem:s20], [sflag:$0x1] =	stream.indirect.gather [hbm4b:s6+s19], $0x80, s1, s19, $0xb8;
	[tilespmem:$0x1E800] =	vst v63  }
0x9b: {  	_ =	swait.ge [sflag:s23], $0x4000  }
0x9c: {  	[sflag:s23] =	ssyncset.done $0x0  }
0x9d: {  	s31 =	simm.s32 $0x1480;
	[sflag:s23] =	ssyncadd.s32 $0xFFFFC000  }
0x9e: {  	[spmem:s2] =	stream.indirect.scatter.add.f32 [tilespmem:s21], [sflag:$0x3], $0x80, s31, s19, $0xb8;
	[tilespmem:$0x1E800] =	vst v63  }
0x9f: {  	_ =	swait.ge [sflag:s17], $0x4000  }
0xa0: {  	s30 =	simm.s32 $0x800;
	s29 =	simm.s32 $0x100;
	[sflag:s17] =	ssyncset.done $0x0  }
.LBB2_10:
0xa1: {  	s0 =	sadd.s32 $0x80, s29  }
0xa2: {  	[sflag:s17] =	ssyncadd.s32 $0xFFFFC000;
	s1 =	smov.u32 s30;
	s31 =	sadd.s32 $0x400, s30  }
0xa3: {  	[tilespmem:s21], [sflag:$0x2] =	stream.indirect.gather [hbm4b:s6+s19], $0x80, s0, s19, $0xb8;
	[tilespmem:$0x1E800] =	vst v63  }
0xa4: {  	p1 =	sne.s32 s30, $0x4800;
	_ =	swait.ge [sflag:s22], $0x4000  }
0xa5: {  	[sflag:s22] =	ssyncset.done $0x0  }
0xa6: {  	s0 =	sadd.s32 $0x1400, s29;
	[sflag:s22] =	ssyncadd.s32 $0xFFFFC000  }
0xa7: {  	[spmem:s2] =	stream.indirect.scatter.add.f32 [tilespmem:s20], [sflag:$0x3], $0x80, s0, s19, $0xb8;
	[tilespmem:$0x1E800] =	vst v63  }
0xa8: {  	_ =	swait.ge [sflag:s17], $0x4000  }
0xa9: {  	[sflag:s17] =	ssyncset.done $0x0  }
0xaa: {  	s0 =	sadd.s32 $0x100, s29;
	[sflag:s17] =	ssyncadd.s32 $0xFFFFC000  }
0xab: {  	[tilespmem:s20], [sflag:$0x1] =	stream.indirect.gather [hbm4b:s6+s19], $0x80, s0, s19, $0xb8;
	[tilespmem:$0x1E800] =	vst v63  }
0xac: {  	_ =	swait.ge [sflag:s23], $0x4000  }
.Ltmp4:
0xad: {  	[sflag:s23] =	ssyncset.done $0x0;
	(pc) =	sbr.rel @p1 .LBB2_10-.Ltmp4, $4  }
0xae: {  	s0 =	sadd.s32 $0x1480, s29;
	[sflag:s23] =	ssyncadd.s32 $0xFFFFC000  }
0xaf: {  	[spmem:s2] =	stream.indirect.scatter.add.f32 [tilespmem:s21], [sflag:$0x3], $0x80, s0, s19, $0xb8;
	[tilespmem:$0x1E800] =	vst v63  }
0xb0: {  	_ =	swait.ge [sflag:s17], $0x4000  }
0xb1: {  	s30 =	smov.u32 s31;
	s29 =	sshra.s32 s1, $0x2;
	[sflag:s17] =	ssyncset.done $0x0  }
.Ltmp5:
0xb2: {  	_ = 	snop;
	(pc) =	sbr.rel .LBB2_11-.Ltmp5, $1  }
0xb3: {  	_ =	sdelay $0x3  }
.LBB2_2:
0xb4: {  	s29 =	simm.s32 $0x0  }
0xb5: {  	[tilespmem:s20], [sflag:$0x1] =	stream.indirect.gather [hbm4b:s5+s19], $0x80, s29, s19, $0xb8;
	[tilespmem:$0x1E800] =	vst v63  }
0xb6: {  	s29 =	simm.s32 $0x80  }
0xb7: {  	[tilespmem:s21], [sflag:$0x2] =	stream.indirect.gather [hbm4b:s5+s19], $0x80, s29, s19, $0xb8;
	[tilespmem:$0x1E800] =	vst v63  }
0xb8: {  	_ =	swait.ge [sflag:s22], $0x4000  }
0xb9: {  	[sflag:s22] =	ssyncset.done $0x0  }
0xba: {  	s29 =	simm.s32 $0x1400;
	[sflag:s22] =	ssyncadd.s32 $0xFFFFC000  }
0xbb: {  	[spmem:s2] =	stream.indirect.scatter.add.f32 [tilespmem:s20], [sflag:$0x3], $0x80, s29, s19, $0xb8;
	[tilespmem:$0x1E800] =	vst v63  }
0xbc: {  	_ =	swait.ge [sflag:s17], $0x4000  }
0xbd: {  	[sflag:s17] =	ssyncset.done $0x0  }
0xbe: {  	s29 =	simm.s32 $0x100;
	[sflag:s17] =	ssyncadd.s32 $0xFFFFC000  }
0xbf: {  	[tilespmem:s20], [sflag:$0x1] =	stream.indirect.gather [hbm4b:s5+s19], $0x80, s29, s19, $0xb8;
	[tilespmem:$0x1E800] =	vst v63  }
0xc0: {  	_ =	swait.ge [sflag:s23], $0x4000  }
0xc1: {  	[sflag:s23] =	ssyncset.done $0x0  }
0xc2: {  	s29 =	simm.s32 $0x1480;
	[sflag:s23] =	ssyncadd.s32 $0xFFFFC000  }
0xc3: {  	[spmem:s2] =	stream.indirect.scatter.add.f32 [tilespmem:s21], [sflag:$0x3], $0x80, s29, s19, $0xb8;
	[tilespmem:$0x1E800] =	vst v63  }
0xc4: {  	_ =	swait.ge [sflag:s17], $0x4000  }
0xc5: {  	s30 =	simm.s32 $0x800;
	s29 =	simm.s32 $0x100;
	[sflag:s17] =	ssyncset.done $0x0  }
.LBB2_3:
0xc6: {  	s31 =	sadd.s32 $0x80, s29  }
0xc7: {  	[sflag:s17] =	ssyncadd.s32 $0xFFFFC000;
	s0 =	smov.u32 s30;
	s1 =	sadd.s32 $0x400, s30  }
0xc8: {  	[tilespmem:s21], [sflag:$0x2] =	stream.indirect.gather [hbm4b:s5+s19], $0x80, s31, s19, $0xb8;
	[tilespmem:$0x1E800] =	vst v63  }
0xc9: {  	p1 =	sne.s32 s30, $0x4800;
	_ =	swait.ge [sflag:s22], $0x4000  }
0xca: {  	[sflag:s22] =	ssyncset.done $0x0  }
0xcb: {  	s30 =	sadd.s32 $0x1400, s29;
	[sflag:s22] =	ssyncadd.s32 $0xFFFFC000  }
0xcc: {  	[spmem:s2] =	stream.indirect.scatter.add.f32 [tilespmem:s20], [sflag:$0x3], $0x80, s30, s19, $0xb8;
	[tilespmem:$0x1E800] =	vst v63  }
0xcd: {  	_ =	swait.ge [sflag:s17], $0x4000  }
0xce: {  	[sflag:s17] =	ssyncset.done $0x0  }
0xcf: {  	s30 =	sadd.s32 $0x100, s29;
	[sflag:s17] =	ssyncadd.s32 $0xFFFFC000  }
0xd0: {  	[tilespmem:s20], [sflag:$0x1] =	stream.indirect.gather [hbm4b:s5+s19], $0x80, s30, s19, $0xb8;
	[tilespmem:$0x1E800] =	vst v63  }
0xd1: {  	_ =	swait.ge [sflag:s23], $0x4000  }
.Ltmp6:
0xd2: {  	[sflag:s23] =	ssyncset.done $0x0;
	(pc) =	sbr.rel @p1 .LBB2_3-.Ltmp6, $4  }
0xd3: {  	s29 =	sadd.s32 $0x1480, s29;
	[sflag:s23] =	ssyncadd.s32 $0xFFFFC000  }
0xd4: {  	[spmem:s2] =	stream.indirect.scatter.add.f32 [tilespmem:s21], [sflag:$0x3], $0x80, s29, s19, $0xb8;
	[tilespmem:$0x1E800] =	vst v63  }
0xd5: {  	_ =	swait.ge [sflag:s17], $0x4000  }
0xd6: {  	s30 =	smov.u32 s1;
	s29 =	sshra.s32 s0, $0x2;
	[sflag:s17] =	ssyncset.done $0x0  }
0xd7: {  	s0 =	sadd.s32 $0x80, s29;
	[sflag:s17] =	ssyncadd.s32 $0xFFFFC000  }
0xd8: {  	[tilespmem:s21], [sflag:$0x2] =	stream.indirect.gather [hbm4b:s5+s19], $0x80, s0, s19, $0xb8;
	[tilespmem:$0x1E800] =	vst v63  }
0xd9: {  	_ =	swait.ge [sflag:s22], $0x4000  }
0xda: {  	[sflag:s22] =	ssyncset.done $0x0  }
0xdb: {  	s1 =	sadd.s32 $0x1400, s29;
	[sflag:s22] =	ssyncadd.s32 $0xFFFFC000  }
0xdc: {  	[spmem:s2] =	stream.indirect.scatter.add.f32 [tilespmem:s20], [sflag:$0x3], $0x80, s1, s19, $0xb8;
	[tilespmem:$0x1E800] =	vst v63  }
0xdd: {  	_ =	swait.ge [sflag:s17], $0x4000  }
0xde: {  	[sflag:s17] =	ssyncset.done $0x0  }
0xdf: {  	s31 =	sadd.s32 $0x100, s29;
	[sflag:s17] =	ssyncadd.s32 $0xFFFFC000  }
0xe0: {  	[tilespmem:s20], [sflag:$0x1] =	stream.indirect.gather [hbm4b:s5+s19], $0x80, s31, s19, $0xb8;
	[tilespmem:$0x1E800] =	vst v63  }
0xe1: {  	_ =	swait.ge [sflag:s23], $0x4000  }
0xe2: {  	[sflag:s23] =	ssyncset.done $0x0  }
0xe3: {  	s1 =	sadd.s32 $0x1480, s29;
	[sflag:s23] =	ssyncadd.s32 $0xFFFFC000  }
0xe4: {  	[spmem:s2] =	stream.indirect.scatter.add.f32 [tilespmem:s21], [sflag:$0x3], $0x80, s1, s19, $0xb8;
	[tilespmem:$0x1E800] =	vst v63  }
0xe5: {  	_ =	swait.ge [sflag:s17], $0x4000  }
0xe6: {  	[sflag:s17] =	ssyncset.done $0x0  }
0xe7: {  	[sflag:s17] =	ssyncadd.s32 $0xFFFFC000  }
0xe8: {  	[tilespmem:s21], [sflag:$0x2] =	stream.indirect.gather [hbm4b:s5+s19], $0x80, s24, s19, $0xb8;
	[tilespmem:$0x1E800] =	vst v63  }
0xe9: {  	_ =	swait.ge [sflag:s22], $0x4000  }
0xea: {  	[sflag:s22] =	ssyncset.done $0x0  }
0xeb: {  	[sflag:s22] =	ssyncadd.s32 $0xFFFFC000  }
0xec: {  	[spmem:s2] =	stream.indirect.scatter.add.f32 [tilespmem:s20], [sflag:$0x3], $0x80, s25, s19, $0xb8;
	[tilespmem:$0x1E800] =	vst v63  }
0xed: {  	_ =	swait.ge [sflag:s17], $0x4000  }
0xee: {  	[sflag:s17] =	ssyncset.done $0x0  }
0xef: {  	[sflag:s17] =	ssyncadd.s32 $0xFFFFC000  }
0xf0: {  	_ =	swait.ge [sflag:s23], $0x4000  }
0xf1: {  	[sflag:s23] =	ssyncset.done $0x0  }
0xf2: {  	[sflag:s23] =	ssyncadd.s32 $0xFFFFC000  }
0xf3: {  	[spmem:s2] =	stream.indirect.scatter.add.f32 [tilespmem:s21], [sflag:$0x3], $0x80, s26, s19, $0xb8;
	[tilespmem:$0x1E800] =	vst v63  }
0xf4: {  	_ =	swait.ge [sflag:s17], $0x4000  }
0xf5: {  	[sflag:s17] =	ssyncset.done $0x0  }
0xf6: {  	s31 =	simm.s32 $0x0;
	[sflag:s17] =	ssyncadd.s32 $0xFFFFC000  }
0xf7: {  	[tilespmem:s31], [sflag:$0x3] =	stream.linear.gather [hbm4b:s12+s31], $0x1400, $0x38;
	[tilespmem:$0x1E800] =	vst v63  }
0xf8: {  	_ =	swait.ge [sflag:s17], $0x1400  }
0xf9: {  	[sflag:s17] =	ssyncset.done $0x0  }
0xfa: {  	[sflag:s17] =	ssyncadd.s32 $0xFFFFEC00  }
0xfb: {  	[tilespmem:s18], [sflag:$0x3] =	stream.linear.gather [hbm4b:s13+s31], $0x1400, $0x38;
	[tilespmem:$0x1E800] =	vst v63  }
0xfc: {  	_ =	swait.ge [sflag:s17], $0x1400  }
0xfd: {  	[sflag:s17] =	ssyncset.done $0x0  }
0xfe: {  	[sflag:s17] =	ssyncadd.s32 $0xFFFFEC00  }
0xff: {  	[tilespmem:s20], [sflag:$0x1] =	stream.indirect.gather [hbm4b:s5+s19], $0x80, s31, s19, $0xb8;
	[tilespmem:$0x1E800] =	vst v63  }
0x100: {  	s1 =	simm.s32 $0x80  }
0x101: {  	[tilespmem:s21], [sflag:$0x2] =	stream.indirect.gather [hbm4b:s5+s19], $0x80, s1, s19, $0xb8;
	[tilespmem:$0x1E800] =	vst v63  }
0x102: {  	_ =	swait.ge [sflag:s22], $0x4000  }
0x103: {  	[sflag:s22] =	ssyncset.done $0x0  }
0x104: {  	s31 =	simm.s32 $0x1400;
	[sflag:s22] =	ssyncadd.s32 $0xFFFFC000  }
0x105: {  	[spmem:s2] =	stream.indirect.scatter.add.f32 [tilespmem:s20], [sflag:$0x3], $0x80, s31, s19, $0xb8;
	[tilespmem:$0x1E800] =	vst v63  }
0x106: {  	_ =	swait.ge [sflag:s17], $0x4000  }
0x107: {  	[sflag:s17] =	ssyncset.done $0x0  }
0x108: {  	s1 =	simm.s32 $0x100;
	[sflag:s17] =	ssyncadd.s32 $0xFFFFC000  }
0x109: {  	[tilespmem:s20], [sflag:$0x1] =	stream.indirect.gather [hbm4b:s5+s19], $0x80, s1, s19, $0xb8;
	[tilespmem:$0x1E800] =	vst v63  }
0x10a: {  	_ =	swait.ge [sflag:s23], $0x4000  }
0x10b: {  	[sflag:s23] =	ssyncset.done $0x0  }
0x10c: {  	s31 =	simm.s32 $0x1480;
	[sflag:s23] =	ssyncadd.s32 $0xFFFFC000  }
0x10d: {  	[spmem:s2] =	stream.indirect.scatter.add.f32 [tilespmem:s21], [sflag:$0x3], $0x80, s31, s19, $0xb8;
	[tilespmem:$0x1E800] =	vst v63  }
0x10e: {  	_ =	swait.ge [sflag:s17], $0x4000  }
0x10f: {  	s30 =	simm.s32 $0x800;
	s29 =	simm.s32 $0x100;
	[sflag:s17] =	ssyncset.done $0x0  }
.LBB2_5:
0x110: {  	s0 =	sadd.s32 $0x80, s29  }
0x111: {  	[sflag:s17] =	ssyncadd.s32 $0xFFFFC000;
	s1 =	smov.u32 s30;
	s31 =	sadd.s32 $0x400, s30  }
0x112: {  	[tilespmem:s21], [sflag:$0x2] =	stream.indirect.gather [hbm4b:s5+s19], $0x80, s0, s19, $0xb8;
	[tilespmem:$0x1E800] =	vst v63  }
0x113: {  	p1 =	seq.s32 s30, $0x4800;
	_ =	swait.ge [sflag:s22], $0x4000  }
0x114: {  	[sflag:s22] =	ssyncset.done $0x0  }
0x115: {  	s0 =	sadd.s32 $0x1400, s29;
	[sflag:s22] =	ssyncadd.s32 $0xFFFFC000  }
0x116: {  	[spmem:s2] =	stream.indirect.scatter.add.f32 [tilespmem:s20], [sflag:$0x3], $0x80, s0, s19, $0xb8;
	[tilespmem:$0x1E800] =	vst v63  }
0x117: {  	_ =	swait.ge [sflag:s17], $0x4000  }
0x118: {  	[sflag:s17] =	ssyncset.done $0x0  }
0x119: {  	s0 =	sadd.s32 $0x100, s29;
	[sflag:s17] =	ssyncadd.s32 $0xFFFFC000  }
0x11a: {  	[tilespmem:s20], [sflag:$0x1] =	stream.indirect.gather [hbm4b:s5+s19], $0x80, s0, s19, $0xb8;
	[tilespmem:$0x1E800] =	vst v63  }
0x11b: {  	_ =	swait.ge [sflag:s23], $0x4000  }
.Ltmp7:
0x11c: {  	[sflag:s23] =	ssyncset.done $0x0;
	(pc) =	sbr.rel @!p1 .LBB2_5-.Ltmp7, $4  }
0x11d: {  	s0 =	sadd.s32 $0x1480, s29;
	[sflag:s23] =	ssyncadd.s32 $0xFFFFC000  }
0x11e: {  	[spmem:s2] =	stream.indirect.scatter.add.f32 [tilespmem:s21], [sflag:$0x3], $0x80, s0, s19, $0xb8;
	[tilespmem:$0x1E800] =	vst v63  }
0x11f: {  	_ =	swait.ge [sflag:s17], $0x4000  }
0x120: {  	s30 =	smov.u32 s31;
	s29 =	sshra.s32 s1, $0x2;
	[sflag:s17] =	ssyncset.done $0x0  }
0x121: {  	s0 =	sadd.s32 $0x80, s29;
	[sflag:s17] =	ssyncadd.s32 $0xFFFFC000  }
0x122: {  	[tilespmem:s21], [sflag:$0x2] =	stream.indirect.gather [hbm4b:s5+s19], $0x80, s0, s19, $0xb8;
	[tilespmem:$0x1E800] =	vst v63  }
0x123: {  	_ =	swait.ge [sflag:s22], $0x4000  }
0x124: {  	[sflag:s22] =	ssyncset.done $0x0  }
0x125: {  	s31 =	sadd.s32 $0x1400, s29;
	[sflag:s22] =	ssyncadd.s32 $0xFFFFC000  }
0x126: {  	[spmem:s2] =	stream.indirect.scatter.add.f32 [tilespmem:s20], [sflag:$0x3], $0x80, s31, s19, $0xb8;
	[tilespmem:$0x1E800] =	vst v63  }
0x127: {  	_ =	swait.ge [sflag:s17], $0x4000  }
0x128: {  	[sflag:s17] =	ssyncset.done $0x0  }
0x129: {  	s1 =	sadd.s32 $0x100, s29;
	[sflag:s17] =	ssyncadd.s32 $0xFFFFC000  }
0x12a: {  	[tilespmem:s20], [sflag:$0x1] =	stream.indirect.gather [hbm4b:s5+s19], $0x80, s1, s19, $0xb8;
	[tilespmem:$0x1E800] =	vst v63  }
0x12b: {  	_ =	swait.ge [sflag:s23], $0x4000  }
0x12c: {  	[sflag:s23] =	ssyncset.done $0x0  }
.Ltmp8:
0x12d: {  	s31 =	sadd.s32 $0x1480, s29;
	[sflag:s23] =	ssyncadd.s32 $0xFFFFC000;
	(pc) =	sbr.rel .LBB2_12-.Ltmp8, $4  }
0x12e: {  	[spmem:s2] =	stream.indirect.scatter.add.f32 [tilespmem:s21], [sflag:$0x3], $0x80, s31, s19, $0xb8;
	[tilespmem:$0x1E800] =	vst v63  }
0x12f: {  	_ =	swait.ge [sflag:s17], $0x4000  }
0x130: {  	[sflag:s17] =	ssyncset.done $0x0  }
0x131: {  	s30 =	smov.u32 s5;
	s29 =	smov.u32 s7;
	[sflag:s17] =	ssyncadd.s32 $0xFFFFC000  }
.LBB2_13:
0x132: {  	_ =	sfence.sel $0x180000  }
0x133: {  	[bflag:$0x0] =	sbarrier.arrive $0xFFFF  }
0x134: {  	_ =	strace $0x9000004A  }
0x135: {  	s0 =	stileid.u32;
	[bflag:$0x2] =	sbarrier.arrive $0xFFFF  }
0x136: {  	p0 =	sne.s32 s0, $0x0;
	s0 =	rddreg [dreg:$0x3]  }
0x137: {  	s0 =	sadd.s32 @!p0 $0x100000, s0  }
0x138: {  	[sflag:s0] =	ssyncadd.tile.s32 @!p0 $0x1;
	_ =	shalt  }
.Lfunc_end2:
_tile_overlayer_lowered:
.L_overlay_start_2:
0x139: {  	(tag) =	ssettag $0x2  }
0x13a: {  	s0 =	rddreg [dreg:$0x0];
	s2 =	stileid.u32  }
0x13b: {  	s1 =	rddreg [dreg:$0x1];
	p0 =	sne.s32 s2, $0x0  }
0x13c: {  	s3 =	rddreg [dreg:$0x2];
	[bflag:$0x3] =	sbarrier.arrive $0xFFFF;
	s2 =	simm.s32 @!p0 $0x1C03  }
0x13d: {  	[timem:s3], [sflag:s2] =	dma.local @!p0 [hbm:s0], s1  }
0x13e: {  	s0 =	simm.s32 @!p0 $0x3  }
0x13f: {  	_ =	swait.ge @!p0 [sflag:s0], s1  }
0x140: {  	s1 =	ssub.s32 @!p0 $0x0, s1;
	[sflag:s0] =	ssyncset.done @!p0 $0x0  }
0x141: {  	[sflag:s0] =	ssyncadd.s32 @!p0 s1  }
0x142: {  	[bflag:$0x3] =	sbarrier.arrive $0xFFFF  }
0x143: {  	_ =	shalt  }

// kernel: kernel.16.cloned.1.call-start
scs
__scs_entry_jumppad:
0x0: {  	(pc) =	sbr.rel $0x88, $3  }
0x1: {  	(tag) =	ssettag $0x0;
	lr =	simm.s32 $0x1  }
0x2: {  	[smem:$0x3F95] =	sst lr;
	_ =	strace $0xD0000000  }
0x3: {  	_ = 	snop  }
0x4: {  	_ = 	snop  }
0x5: {  	_ = 	snop  }
0x6: {  	_ = 	snop  }
0x7: {  	_ = 	snop  }
__scs_overlays_trampoline_lowered:
0x8: {  	[smem:$0x3FA4] =	sst s0  }
0x9: {  	[smem:$0x3FA5] =	sst s1  }
0xa: {  	[smem:$0x3FA6] =	sst s2  }
0xb: {  	[smem:$0x3FA7] =	sst s3  }
0xc: {  	[smem:$0x3FA8] =	sst s4  }
0xd: {  	[smem:$0x3FA9] =	sst s5  }
0xe: {  	[smem:$0x3FAA] =	sst s6  }
0xf: {  	[smem:$0x3FAB] =	sst s7  }
0x10: {  	[smem:$0x3FAC] =	sst s8  }
0x11: {  	[smem:$0x3FAD] =	sst s9;
	s0 =	simm.s32 @!p0 $0x0  }
0x12: {  	s1 =	sld [smem:$0x3F93];
	s0 =	simm.s32 @p0 $0x1  }
0x13: {  	[smem:$0x3FAE] =	sst s0;
	s0 =	simm.s32 @!p1 $0x0  }
0x14: {  	s2 =	sld [smem:$0x3F92];
	s0 =	simm.s32 @p1 $0x1  }
0x15: {  	[smem:$0x3FAF] =	sst s0;
	s0 =	simm.s32 @!p2 $0x0  }
0x16: {  	s3 =	sld [smem:$0x3FDB];
	s0 =	simm.s32 @p2 $0x1  }
0x17: {  	s4 =	simm.s32 $0x1BF5;
	[smem:$0x3FB1] =	sst s0  }
0x18: {  	s0 =	sld [smem:$0x3F94];
	_ =	swait.ge [sflag:s4], $0x0  }
0x19: {  	s7 =	sld [smem:$0x3F95]  }
0x1a: {  	s8 =	sadd.s32 $0xFFFFE003, lr  }
0x1b: {  	s9 =	sadd.s32 $0xFFFFFEF7, lr;
	s5 =	simm.s32 $0xFFFFFFFF;
	p2 =	slt.u32 s8, $0xFFFFF086  }
0x1c: {  	p1 =	slt.u32 s9, $0xF7A;
	s5 =	simm.s32 @!p2 $0x0  }
0x1d: {  	s5 =	simm.s32 @p1 $0x1;
	p0 =	seq.s32 s7, s2  }
0x1e: {  	s7 =	smul.u32 @!p0 $0xF7A, s2;
	p2 =	seq.s32 @!p0 s5, $0x0  }
0x1f: {  	s9 =	smul.u32 $0xF7A, s1;
	s8 =	simm.s32 @!p0 $0x1BF5;
	p2 =	por !p2, p0  }
0x20: {  	[sflag:s8] =	ssyncset.s32 @!p0 $0xFFFFF086;
	s6 =	sadd.s32 @!p0 s3, s7;
	s7 =	simm.s32 @!p0 $0x108  }
0x21: {  	s3 =	sadd.s32 s3, s9;
	s6 =	sadd.s32 @!p0 $0x88, s6;
	s7 =	simm.s32 @p2 $0x1082  }
0x22: {  	[simem:s7], [sflag:s8] =	dma.local @!p0 [hbm:s6], $0xF7A  }
0x23: {  	s9 =	sor.u32 $0xD0000000, s2;
	s6 =	simm.s32 $0x108;
	_ =	swait.ge @!p0 [sflag:s8], $0x0  }
0x24: {  	s3 =	sadd.s32 $0x88, s3;
	s6 =	simm.s32 @!p1 $0x1082;
	[sflag:s4] =	ssyncset.s32 $0xFFFFF086  }
0x25: {  	[simem:s6], [sflag:s4] =	dma.local [hbm:s3], $0xF7A  }
0x26: {  	[smem:$0x3F95] =	sst s1;
	(tag) =	ssettag s2;
	_ =	strace s9  }
0x27: {  	s1 =	sld [smem:$0x3FA5]  }
0x28: {  	s2 =	sld [smem:$0x3FA6]  }
0x29: {  	s4 =	sld [smem:$0x3FA8]  }
0x2a: {  	p0 =	seq.s32 s5, $0x0;
	s5 =	sld [smem:$0x3FA9]  }
0x2b: {  	s6 =	sld [smem:$0x3FAA]  }
0x2c: {  	s7 =	sld [smem:$0x3FAB]  }
0x2d: {  	s3 =	simm.s32 $0x108;
	s8 =	sld [smem:$0x3FAC]  }
0x2e: {  	s3 =	simm.s32 @!p0 $0x1082;
	s9 =	sld [smem:$0x3FAD]  }
0x2f: {  	lr =	sadd.s32 s0, s3;
	s0 =	sld [smem:$0x3FA4]  }
0x30: {  	s3 =	sld [smem:$0x3FA7]  }
0x31: {  	[smem:$0x3FB0] =	sst s10  }
0x32: {  	s10 =	sld [smem:$0x3FAE];
	_ =	sdelay $0x3  }
0x33: {  	p0 =	seq.s32 s10, $0x1;
	s10 =	sld [smem:$0x3FB0];
	_ =	sdelay $0x3  }
0x34: {  	[smem:$0x3FB0] =	sst s10  }
0x35: {  	s10 =	sld [smem:$0x3FAF];
	_ =	sdelay $0x3  }
0x36: {  	p1 =	seq.s32 s10, $0x1;
	s10 =	sld [smem:$0x3FB0];
	_ =	sdelay $0x3  }
0x37: {  	[smem:$0x3FB0] =	sst s10  }
0x38: {  	s10 =	sld [smem:$0x3FB1]  }
0x39: {  	_ = 	snop;
	(pc) =	sbr.ind lr, $3  }
0x3a: {  	_ = 	snop  }
0x3b: {  	_ = 	snop  }
0x3c: {  	p2 =	seq.s32 s10, $0x1;
	s10 =	sld [smem:$0x3FB0]  }
0x3d: {  	_ =	shalt  }
0x3e: {  	_ =	shalt  }
0x3f: {  	_ =	shalt  }
0x40: {  	_ =	shalt  }
0x41: {  	_ =	shalt  }
0x42: {  	_ =	shalt  }
0x43: {  	_ =	shalt  }
0x44: {  	_ =	shalt  }
0x45: {  	_ =	shalt  }
0x46: {  	_ =	shalt  }
0x47: {  	_ =	shalt  }
0x48: {  	_ =	shalt  }
0x49: {  	_ =	shalt  }
0x4a: {  	_ =	shalt  }
0x4b: {  	_ =	shalt  }
0x4c: {  	_ =	shalt  }
0x4d: {  	_ =	shalt  }
0x4e: {  	_ =	shalt  }
0x4f: {  	_ =	shalt  }
0x50: {  	_ =	shalt  }
0x51: {  	_ =	shalt  }
0x52: {  	_ =	shalt  }
0x53: {  	_ =	shalt  }
0x54: {  	_ =	shalt  }
0x55: {  	_ =	shalt  }
0x56: {  	_ =	shalt  }
0x57: {  	_ =	shalt  }
0x58: {  	_ =	shalt  }
0x59: {  	_ =	shalt  }
0x5a: {  	_ =	shalt  }
0x5b: {  	_ =	shalt  }
0x5c: {  	_ =	shalt  }
0x5d: {  	_ =	shalt  }
0x5e: {  	_ =	shalt  }
0x5f: {  	_ =	shalt  }
0x60: {  	_ =	shalt  }
0x61: {  	_ =	shalt  }
0x62: {  	_ =	shalt  }
0x63: {  	_ =	shalt  }
0x64: {  	_ =	shalt  }
0x65: {  	_ =	shalt  }
0x66: {  	_ =	shalt  }
0x67: {  	_ =	shalt  }
0x68: {  	_ =	shalt  }
0x69: {  	_ =	shalt  }
0x6a: {  	_ =	shalt  }
0x6b: {  	_ =	shalt  }
0x6c: {  	_ =	shalt  }
0x6d: {  	_ =	shalt  }
0x6e: {  	_ =	shalt  }
0x6f: {  	_ =	shalt  }
0x70: {  	_ =	shalt  }
0x71: {  	_ =	shalt  }
0x72: {  	_ =	shalt  }
0x73: {  	_ =	shalt  }
0x74: {  	_ =	shalt  }
0x75: {  	_ =	shalt  }
0x76: {  	_ =	shalt  }
0x77: {  	_ =	shalt  }
0x78: {  	_ =	shalt  }
0x79: {  	_ =	shalt  }
0x7a: {  	_ =	shalt  }
0x7b: {  	_ =	shalt  }
0x7c: {  	_ =	shalt  }
0x7d: {  	_ =	shalt  }
0x7e: {  	_ =	shalt  }
0x7f: {  	_ =	shalt  }
0x80: {  	_ =	shalt  }
0x81: {  	_ =	shalt  }
0x82: {  	_ =	shalt  }
0x83: {  	_ =	shalt  }
0x84: {  	_ =	shalt  }
0x85: {  	_ =	shalt  }
0x86: {  	_ =	shalt  }
0x87: {  	_ =	shalt  }
.Lfunc_end0:
.L_simem_size_0:
called_computation.2_lowered:
.L_overlay_start_0:
0x88: {  	s2 =	sld [smem:$0x3FD9]  }
0x89: {  	s3 =	sld [smem:$0x3FFE];
	_ =	sdelay $0x1  }
0x8a: {  	s1 =	srdreg.scid  }
0x8b: {  	s0 =	sand.u32 $0x1, s1  }
0x8c: {  	s17 =	sshll.u32 s0, $0xA;
	s2 =	sadd.s32 s3, s2  }
0x8d: {  	s2 =	sadd.s32 s2, s17  }
0x8e: {  	[smem:$0x3FBC] =	sst s2  }
0x8f: {  	_ = 	snop  }
0x90: {  	s2 =	sld [smem:$0x3FD0];
	(tm) =	ssettm $0x1  }
0x91: {  	s18 =	sld [smem:$0x3FFB];
	_ =	sdelay $0x3  }
0x92: {  	_ =	strace s18  }
0x93: {  	s3 =	sld [smem:$0x3FFC];
	_ =	sdelay $0x3  }
0x94: {  	_ =	strace s3  }
0x95: {  	s3 =	sld [smem:$0x3FFD];
	_ =	sdelay $0x3  }
0x96: {  	_ =	strace s3  }
0x97: {  	_ =	strace $0x8FFFFFFF  }
0x98: {  	s19 =	sld [smem:$0x3FDB];
	_ =	sdelay $0x1  }
0x99: {  	s4 =	simm.s32 $_scs_section_size  }
0x9a: {  	s5 =	simm.s32 $_size__tile_overlayer_lowered;
	s6 =	simm.s32 $_tile_overlayer_lowered  }
0x9b: {  	s22 =	simm.s32 $0x1BFF;
	s21 =	sshll.u32 s6, $0x1;
	s3 =	sadd.s32 s4, s19  }
0x9c: {  	s7 =	simm.s32 $0x0;
	s20 =	sshll.u32 s5, $0x1;
	s5 =	sadd.s32 s21, s3  }
0x9d: {  	[timem:s7], [sflag:s22] =	dma.local [hbm:s5], s20  }
0x9e: {  	_ =	swait.ge [sflag:s22], s20  }
0x9f: {  	s4 =	ssub.s32 $0x0, s20;
	[sflag:s22] =	ssyncset.done $0x0  }
0xa0: {  	[sflag:s22] =	ssyncadd.s32 s4;
	_ =	sdelay $0x1  }
0xa1: {  	s23 =	simm.s32 $0x1B8B  }
0xa2: {  	_ =	swait.ge [sflag:s23], $0x1  }
0xa3: {  	[sflag:s23] =	ssyncset.done $0x0  }
0xa4: {  	s25 =	simm.s32 $0x1B8E;
	s24 =	sld [smem:$0x3FFE];
	[sflag:s23] =	ssyncadd.s32 $0xFFFFFFFF  }
0xa5: {  	s26 =	simm.s32 $execute0_lowered;
	[smem:$0x3FD2] =	sst s25  }
0xa6: {  	s5 =	sshll.u32 s26, $0x1;
	_ =	strace $0x8000004C;
	[dreg:$0x1] =	wrdreg $0xFFFFFFFF  }
0xa7: {  	s28 =	simm.s32 $_size_execute0_lowered;
	s3 =	sadd.s32 s3, s5;
	[dreg:$0x0] =	wrdreg $0x0  }
0xa8: {  	s5 =	sshll.u32 s28, $0x1;
	[dreg:$0x2] =	wrdreg s3  }
0xa9: {  	[dreg:$0x3] =	wrdreg s5  }
0xaa: {  	[dreg:$0x4] =	wrdreg $0xC0  }
0xab: {  	_ =	task [dreg:s7], $0x5FFFF  }
0xac: {  	[dreg:$0x1] =	wrdreg $0xFFFFFFFF  }
0xad: {  	[dreg:$0x0] =	wrdreg $0x60  }
0xae: {  	[dreg:$0x2] =	wrdreg s2  }
0xaf: {  	[dreg:$0x3] =	wrdreg s24  }
0xb0: {  	[dreg:$0x4] =	wrdreg $0xA8000  }
0xb1: {  	[dreg:$0x5] =	wrdreg $0x9  }
0xb2: {  	_ =	task.clear_ibuf [dreg:s7], $0x6FFFF;
	_ =	strace $0x9000004C  }
0xb3: {  	s29 =	simm.s32 $0x9;
	_ =	strace $0x8000004E  }
0xb4: {  	_ =	swait.ge [sflag:s29], $0x1  }
0xb5: {  	[sflag:s29] =	ssyncadd.s32 $0xFFFFFFFF  }
0xb6: {  	_ =	strace $0x9000004E  }
0xb7: {  	_ =	sfence  }
0xb8: {  	s30 =	sld [smem:$0x0];
	_ =	sdelay $0x2  }
0xb9: {  	s31 =	sshll.u32 s1, $0xD;
	s1 =	sshrl.u32 s1, $0x2  }
0xba: {  	s3 =	sand.u32 $0x4000, s31;
	s1 =	sadd.s32 s1, s30  }
0xbb: {  	s0 =	sor.u32 s3, s0;
	s1 =	sshll.u32 s1, $0x11  }
0xbc: {  	s0 =	sor.u32 s1, s0  }
0xbd: {  	s0 =	sadd.s32 $0x8F2B, s0  }
0xbe: {  	[sflag:s0] =	ssyncadd.remote.s32 $0x1  }
0xbf: {  	_ =	sfence.sel $0xFFFF  }
0xc0: {  	[dreg:$0x0] =	wrdreg $0xFFFFFFFF;
	(pc) =	sbr.abs _section_cstart, $3  }
0xc1: {  	[dreg:$0x1] =	wrdreg $0xFFFFFFFF  }
0xc2: {  	_ =	task.clear_ibuf [dreg:s7], $0x2FFFF;
	_ =	strace $0x9FFFFFFF  }
0xc3: {  	(tm) =	ssettm $0x7FFFFFFF  }
tec
execute0_lowered:
.L_overlay_start_1:
0x0: {  	(tag) =	ssettag $0x1  }
0x1: {  	s0 =	rddreg [dreg:$0x0]  }
0x2: {  	s3 =	rddreg [dreg:$0x1]  }
0x3: {  	s1 =	rddreg [dreg:$0x2]  }
0x4: {  	s2 =	simm.s32 $0x0;
	s16 =	stileid.u32;
	s10 =	srdreg.scid  }
0x5: {  	s28 =	simm.s32 $0x2;
	s29 =	simm.s32 $0x1380;
	s30 =	simm.s32 $0x2700  }
0x6: {  	s31 =	simm.s32 $0x2780;
	[smem:$0x7FF] =	sst s2;
	s9 =	sadd.s32 $0x4C00, s3  }
0x7: {  	s4 =	sadd.s32 $0x9C00, s3;
	s5 =	sadd.s32 $0x30E00, s3;
	s6 =	sadd.s32 $0xA7200, s3  }
0x8: {  	s7 =	smul.u32 $0x2800, s16;
	s8 =	sadd.s32 $0xCE400, s3;
	s20 =	sand.u32 $0x1, s10  }
0x9: {  	s11 =	smul.u32 $0x50000, s16;
	s22 =	sadd.s32 $0x145600, s3;
	s26 =	sshll.u32 s16, $0x6  }
0xa: {  	_ =	strace $0x8000004D;
	[dreg:$0x4] =	wrdreg s22;
	s12 =	ssub.s32 $0x2, s20  }
0xb: {  	s19 =	sor.u32 $0x1C03, s26;
	p0 =	sne.s32 s20, $0x0;
	s22 =	simm.s32 $0x1400  }
0xc: {  	s26 =	simm.s32 $0x1;
	s17 =	sadd.s32 s7, s3;
	s3 =	sadd.s32 $0x16D600, s3  }
0xd: {  	s23 =	sshrl.u32 s12, $0x1;
	s11 =	sshrl.u32 s11, $0x2;
	s13 =	sshrl.u32 s7, $0x3  }
0xe: {  	[dreg:$0x5] =	wrdreg s3;
	s3 =	ssub.s32 s12, s23;
	s21 =	sadd.s32 s11, s1  }
0xf: {  	s11 =	sadd.s32 $0x7F200, s17;
	s12 =	sadd.s32 s0, s13;
	s15 =	sadd.s32 $0x280, s13  }
.Ltmp0:
0x10: {  	s13 =	sadd.s32 s9, s13;
	s24 =	sadd.s32 $0x11D600, s17;
	(pc) =	sbr.rel .LBB2_1-.Ltmp0, $4  }
0x11: {  	s25 =	sadd.s32 $0xF5600, s17;
	s23 =	simm.s32 $0x80;
	[dreg:$0x6] =	wrdreg s24  }
0x12: {  	s14 =	sadd.s32 s0, s15;
	s15 =	sadd.s32 s9, s15;
	[dreg:$0x7] =	wrdreg s25  }
0x13: {  	s18 =	smax.u32 s3, $0x1;
	s20 =	sshrl.u32 s21, $0x3;
	s21 =	simm.s32 $0x3  }
0x14: {  	s24 =	simm.s32 $0x2800;
	s25 =	simm.s32 $0x6800;
	s0 =	simm.s32 $0x0  }
.LBB2_19:
0x15: {  	s9 =	sadd.s32 $0x80, s3;
	[sflag:s21] =	ssyncadd.s32 $0xFFFFC000  }
0x16: {  	[tilespmem:s25], [sflag:$0x2] =	stream.indirect.gather [hbm4b:s8+s23], $0x80, s9, s23, $0xb8;
	[tilespmem:$0x1E800] =	vst v63  }
0x17: {  	_ =	swait.ge [sflag:s26], $0x4000  }
0x18: {  	[sflag:s26] =	ssyncset.done $0x0  }
0x19: {  	s10 =	sadd.s32 $0x1400, s3;
	[sflag:s26] =	ssyncadd.s32 $0xFFFFC000  }
0x1a: {  	[spmem:s1] =	stream.indirect.scatter.add.f32 [tilespmem:s24], [sflag:$0x3], $0x80, s10, s23, $0xb8;
	[tilespmem:$0x1E800] =	vst v63  }
0x1b: {  	_ =	swait.ge [sflag:s21], $0x4000  }
0x1c: {  	[sflag:s21] =	ssyncset.done $0x0  }
0x1d: {  	s16 =	sadd.s32 $0x100, s3;
	[sflag:s21] =	ssyncadd.s32 $0xFFFFC000  }
0x1e: {  	[tilespmem:s24], [sflag:$0x1] =	stream.indirect.gather [hbm4b:s8+s23], $0x80, s16, s23, $0xb8;
	[tilespmem:$0x1E800] =	vst v63  }
0x1f: {  	_ =	swait.ge [sflag:s28], $0x4000  }
0x20: {  	[sflag:s28] =	ssyncset.done $0x0  }
0x21: {  	s17 =	sadd.s32 $0x1480, s3;
	[sflag:s28] =	ssyncadd.s32 $0xFFFFC000  }
0x22: {  	[spmem:s1] =	stream.indirect.scatter.add.f32 [tilespmem:s25], [sflag:$0x3], $0x80, s17, s23, $0xb8;
	[tilespmem:$0x1E800] =	vst v63  }
0x23: {  	_ =	swait.ge [sflag:s21], $0x4000  }
0x24: {  	[sflag:s21] =	ssyncset.done $0x0  }
0x25: {  	s9 =	smov.u32 s8;
	s3 =	rddreg [dreg:$0x5];
	[sflag:s21] =	ssyncadd.s32 $0xFFFFC000  }
.LBB2_20:
0x26: {  	[tilespmem:s25], [sflag:$0x2] =	stream.indirect.gather [hbm4b:s9+s23], $0x80, s29, s23, $0xb8;
	[tilespmem:$0x1E800] =	vst v63  }
0x27: {  	_ =	swait.ge [sflag:s26], $0x4000  }
0x28: {  	[sflag:s26] =	ssyncset.done $0x0  }
0x29: {  	[sflag:s26] =	ssyncadd.s32 $0xFFFFC000  }
0x2a: {  	[spmem:s1] =	stream.indirect.scatter.add.f32 [tilespmem:s24], [sflag:$0x3], $0x80, s30, s23, $0xb8;
	[tilespmem:$0x1E800] =	vst v63  }
0x2b: {  	_ =	swait.ge [sflag:s21], $0x4000  }
0x2c: {  	[sflag:s21] =	ssyncset.done $0x0  }
0x2d: {  	[sflag:s21] =	ssyncadd.s32 $0xFFFFC000  }
0x2e: {  	_ =	swait.ge [sflag:s28], $0x4000  }
0x2f: {  	[sflag:s28] =	ssyncset.done $0x0  }
0x30: {  	[sflag:s28] =	ssyncadd.s32 $0xFFFFC000  }
0x31: {  	[spmem:s1] =	stream.indirect.scatter.add.f32 [tilespmem:s25], [sflag:$0x3], $0x80, s31, s23, $0xb8;
	[tilespmem:$0x1E800] =	vst v63  }
0x32: {  	_ =	swait.ge [sflag:s21], $0x4000  }
0x33: {  	[sflag:s21] =	ssyncset.done $0x0  }
0x34: {  	s0 =	sadd.s32 $0x1, s0;
	[sflag:s21] =	ssyncadd.s32 $0xFFFFC000  }
0x35: {  	s3 =	sadd.s32 s3, s7;
	p1 =	sne.s32 s0, s18;
	[bflag:$0x0] =	sbarrier.arrive $0xFFFF  }
0x36: {  	[hbm:s3], [sflag:s19] =	dma.local [spmem:s20], $0x2800  }
.Ltmp1:
0x37: {  	_ =	swait.ge [sflag:s21], $0x2800;
	(pc) =	sbr.rel @!p1 .LBB2_21-.Ltmp1, $3  }
0x38: {  	[sflag:s21] =	ssyncset.done $0x0  }
0x39: {  	[sflag:s21] =	ssyncadd.s32 $0xFFFFD800  }
0x3a: {  	[bflag:$0x0] =	sbarrier.arrive $0xFFFF;
	_ =	sdelay $0x1  }
.LBB2_1:
0x3b: {  	[spmem:s20], [sflag:s19] =	dma.local [hbm:s11], $0x2800  }
0x3c: {  	_ =	swait.ge [sflag:s21], $0x2800  }
0x3d: {  	[sflag:s21] =	ssyncset.done $0x0  }
0x3e: {  	[sflag:s21] =	ssyncadd.s32 $0xFFFFD800  }
0x3f: {  	[bflag:$0x0] =	sbarrier.arrive $0xFFFF  }
0x40: {  	[tilespmem:s2], [sflag:$0x3] =	stream.linear.gather [hbm4b:s12+s2], $0x1400, $0x38;
	[tilespmem:$0x1E800] =	vst v63  }
0x41: {  	_ =	swait.ge [sflag:s21], $0x1400  }
0x42: {  	[sflag:s21] =	ssyncset.done $0x0  }
.Ltmp2:
0x43: {  	[sflag:s21] =	ssyncadd.s32 $0xFFFFEC00;
	(pc) =	sbr.rel @p0 .LBB2_11-.Ltmp2, $4  }
0x44: {  	[tilespmem:s22], [sflag:$0x3] =	stream.linear.gather [hbm4b:s13+s2], $0x1400, $0x38;
	[tilespmem:$0x1E800] =	vst v63  }
0x45: {  	_ =	swait.ge [sflag:s21], $0x1400  }
0x46: {  	[sflag:s21] =	ssyncset.done $0x0  }
0x47: {  	s3 =	simm.s32 $0x0;
	[sflag:s21] =	ssyncadd.s32 $0xFFFFEC00  }
0x48: {  	[tilespmem:s24], [sflag:$0x1] =	stream.indirect.gather [hbm4b:s4+s23], $0x80, s3, s23, $0xb8;
	[tilespmem:$0x1E800] =	vst v63  }
0x49: {  	s9 =	simm.s32 $0x80  }
0x4a: {  	[tilespmem:s25], [sflag:$0x2] =	stream.indirect.gather [hbm4b:s4+s23], $0x80, s9, s23, $0xb8;
	[tilespmem:$0x1E800] =	vst v63  }
0x4b: {  	_ =	swait.ge [sflag:s26], $0x4000  }
0x4c: {  	[sflag:s26] =	ssyncset.done $0x0  }
0x4d: {  	s10 =	simm.s32 $0x1400;
	[sflag:s26] =	ssyncadd.s32 $0xFFFFC000  }
0x4e: {  	[spmem:s1] =	stream.indirect.scatter.add.f32 [tilespmem:s24], [sflag:$0x3], $0x80, s10, s23, $0xb8;
	[tilespmem:$0x1E800] =	vst v63  }
0x4f: {  	_ =	swait.ge [sflag:s21], $0x4000  }
0x50: {  	[sflag:s21] =	ssyncset.done $0x0  }
0x51: {  	s16 =	simm.s32 $0x100;
	[sflag:s21] =	ssyncadd.s32 $0xFFFFC000  }
0x52: {  	[tilespmem:s24], [sflag:$0x1] =	stream.indirect.gather [hbm4b:s4+s23], $0x80, s16, s23, $0xb8;
	[tilespmem:$0x1E800] =	vst v63  }
0x53: {  	_ =	swait.ge [sflag:s28], $0x4000  }
0x54: {  	[sflag:s28] =	ssyncset.done $0x0  }
0x55: {  	s17 =	simm.s32 $0x1480;
	[sflag:s28] =	ssyncadd.s32 $0xFFFFC000  }
0x56: {  	[spmem:s1] =	stream.indirect.scatter.add.f32 [tilespmem:s25], [sflag:$0x3], $0x80, s17, s23, $0xb8;
	[tilespmem:$0x1E800] =	vst v63  }
0x57: {  	_ =	swait.ge [sflag:s21], $0x4000  }
0x58: {  	s3 =	simm.s32 $0x100;
	s9 =	simm.s32 $0x800;
	[sflag:s21] =	ssyncset.done $0x0  }
.LBB2_3:
0x59: {  	s10 =	sadd.s32 $0x80, s3  }
0x5a: {  	[sflag:s21] =	ssyncadd.s32 $0xFFFFC000;
	s16 =	smov.u32 s9;
	s17 =	sadd.s32 $0x400, s9  }
0x5b: {  	[tilespmem:s25], [sflag:$0x2] =	stream.indirect.gather [hbm4b:s4+s23], $0x80, s10, s23, $0xb8;
	[tilespmem:$0x1E800] =	vst v63  }
0x5c: {  	p1 =	sne.s32 s9, $0x4800;
	_ =	swait.ge [sflag:s26], $0x4000  }
0x5d: {  	[sflag:s26] =	ssyncset.done $0x0  }
0x5e: {  	s9 =	sadd.s32 $0x1400, s3;
	[sflag:s26] =	ssyncadd.s32 $0xFFFFC000  }
0x5f: {  	[spmem:s1] =	stream.indirect.scatter.add.f32 [tilespmem:s24], [sflag:$0x3], $0x80, s9, s23, $0xb8;
	[tilespmem:$0x1E800] =	vst v63  }
0x60: {  	_ =	swait.ge [sflag:s21], $0x4000  }
0x61: {  	[sflag:s21] =	ssyncset.done $0x0  }
0x62: {  	s9 =	sadd.s32 $0x100, s3;
	[sflag:s21] =	ssyncadd.s32 $0xFFFFC000  }
0x63: {  	[tilespmem:s24], [sflag:$0x1] =	stream.indirect.gather [hbm4b:s4+s23], $0x80, s9, s23, $0xb8;
	[tilespmem:$0x1E800] =	vst v63  }
0x64: {  	_ =	swait.ge [sflag:s28], $0x4000  }
.Ltmp3:
0x65: {  	[sflag:s28] =	ssyncset.done $0x0;
	(pc) =	sbr.rel @p1 .LBB2_3-.Ltmp3, $4  }
0x66: {  	s3 =	sadd.s32 $0x1480, s3;
	[sflag:s28] =	ssyncadd.s32 $0xFFFFC000  }
0x67: {  	[spmem:s1] =	stream.indirect.scatter.add.f32 [tilespmem:s25], [sflag:$0x3], $0x80, s3, s23, $0xb8;
	[tilespmem:$0x1E800] =	vst v63  }
0x68: {  	_ =	swait.ge [sflag:s21], $0x4000  }
0x69: {  	s9 =	smov.u32 s17;
	s3 =	sshra.s32 s16, $0x2;
	[sflag:s21] =	ssyncset.done $0x0  }
0x6a: {  	s9 =	sadd.s32 $0x80, s3;
	[sflag:s21] =	ssyncadd.s32 $0xFFFFC000  }
0x6b: {  	[tilespmem:s25], [sflag:$0x2] =	stream.indirect.gather [hbm4b:s4+s23], $0x80, s9, s23, $0xb8;
	[tilespmem:$0x1E800] =	vst v63  }
0x6c: {  	_ =	swait.ge [sflag:s26], $0x4000  }
0x6d: {  	[sflag:s26] =	ssyncset.done $0x0  }
0x6e: {  	s17 =	sadd.s32 $0x1400, s3;
	[sflag:s26] =	ssyncadd.s32 $0xFFFFC000  }
0x6f: {  	[spmem:s1] =	stream.indirect.scatter.add.f32 [tilespmem:s24], [sflag:$0x3], $0x80, s17, s23, $0xb8;
	[tilespmem:$0x1E800] =	vst v63  }
0x70: {  	_ =	swait.ge [sflag:s21], $0x4000  }
0x71: {  	[sflag:s21] =	ssyncset.done $0x0  }
0x72: {  	s10 =	sadd.s32 $0x100, s3;
	[sflag:s21] =	ssyncadd.s32 $0xFFFFC000  }
0x73: {  	[tilespmem:s24], [sflag:$0x1] =	stream.indirect.gather [hbm4b:s4+s23], $0x80, s10, s23, $0xb8;
	[tilespmem:$0x1E800] =	vst v63  }
0x74: {  	_ =	swait.ge [sflag:s28], $0x4000  }
0x75: {  	[sflag:s28] =	ssyncset.done $0x0  }
0x76: {  	s16 =	sadd.s32 $0x1480, s3;
	[sflag:s28] =	ssyncadd.s32 $0xFFFFC000  }
0x77: {  	[spmem:s1] =	stream.indirect.scatter.add.f32 [tilespmem:s25], [sflag:$0x3], $0x80, s16, s23, $0xb8;
	[tilespmem:$0x1E800] =	vst v63  }
0x78: {  	_ =	swait.ge [sflag:s21], $0x4000  }
0x79: {  	[sflag:s21] =	ssyncset.done $0x0  }
0x7a: {  	[sflag:s21] =	ssyncadd.s32 $0xFFFFC000  }
0x7b: {  	[tilespmem:s25], [sflag:$0x2] =	stream.indirect.gather [hbm4b:s4+s23], $0x80, s29, s23, $0xb8;
	[tilespmem:$0x1E800] =	vst v63  }
0x7c: {  	_ =	swait.ge [sflag:s26], $0x4000  }
0x7d: {  	[sflag:s26] =	ssyncset.done $0x0  }
0x7e: {  	[sflag:s26] =	ssyncadd.s32 $0xFFFFC000  }
0x7f: {  	[spmem:s1] =	stream.indirect.scatter.add.f32 [tilespmem:s24], [sflag:$0x3], $0x80, s30, s23, $0xb8;
	[tilespmem:$0x1E800] =	vst v63  }
0x80: {  	_ =	swait.ge [sflag:s21], $0x4000  }
0x81: {  	[sflag:s21] =	ssyncset.done $0x0  }
0x82: {  	[sflag:s21] =	ssyncadd.s32 $0xFFFFC000  }
0x83: {  	_ =	swait.ge [sflag:s28], $0x4000  }
0x84: {  	[sflag:s28] =	ssyncset.done $0x0  }
0x85: {  	[sflag:s28] =	ssyncadd.s32 $0xFFFFC000  }
0x86: {  	[spmem:s1] =	stream.indirect.scatter.add.f32 [tilespmem:s25], [sflag:$0x3], $0x80, s31, s23, $0xb8;
	[tilespmem:$0x1E800] =	vst v63  }
0x87: {  	_ =	swait.ge [sflag:s21], $0x4000  }
0x88: {  	[sflag:s21] =	ssyncset.done $0x0  }
0x89: {  	s17 =	simm.s32 $0x0;
	[sflag:s21] =	ssyncadd.s32 $0xFFFFC000  }
0x8a: {  	[tilespmem:s17], [sflag:$0x3] =	stream.linear.gather [hbm4b:s14+s17], $0x1400, $0x38;
	[tilespmem:$0x1E800] =	vst v63  }
0x8b: {  	_ =	swait.ge [sflag:s21], $0x1400  }
0x8c: {  	[sflag:s21] =	ssyncset.done $0x0  }
0x8d: {  	[sflag:s21] =	ssyncadd.s32 $0xFFFFEC00  }
0x8e: {  	[tilespmem:s22], [sflag:$0x3] =	stream.linear.gather [hbm4b:s15+s17], $0x1400, $0x38;
	[tilespmem:$0x1E800] =	vst v63  }
0x8f: {  	_ =	swait.ge [sflag:s21], $0x1400  }
0x90: {  	[sflag:s21] =	ssyncset.done $0x0  }
0x91: {  	[sflag:s21] =	ssyncadd.s32 $0xFFFFEC00  }
0x92: {  	[tilespmem:s24], [sflag:$0x1] =	stream.indirect.gather [hbm4b:s4+s23], $0x80, s17, s23, $0xb8;
	[tilespmem:$0x1E800] =	vst v63  }
0x93: {  	s9 =	simm.s32 $0x80  }
0x94: {  	[tilespmem:s25], [sflag:$0x2] =	stream.indirect.gather [hbm4b:s4+s23], $0x80, s9, s23, $0xb8;
	[tilespmem:$0x1E800] =	vst v63  }
0x95: {  	_ =	swait.ge [sflag:s26], $0x4000  }
0x96: {  	[sflag:s26] =	ssyncset.done $0x0  }
0x97: {  	s10 =	simm.s32 $0x1400;
	[sflag:s26] =	ssyncadd.s32 $0xFFFFC000  }
0x98: {  	[spmem:s1] =	stream.indirect.scatter.add.f32 [tilespmem:s24], [sflag:$0x3], $0x80, s10, s23, $0xb8;
	[tilespmem:$0x1E800] =	vst v63  }
0x99: {  	_ =	swait.ge [sflag:s21], $0x4000  }
0x9a: {  	[sflag:s21] =	ssyncset.done $0x0  }
0x9b: {  	s16 =	simm.s32 $0x100;
	[sflag:s21] =	ssyncadd.s32 $0xFFFFC000  }
0x9c: {  	[tilespmem:s24], [sflag:$0x1] =	stream.indirect.gather [hbm4b:s4+s23], $0x80, s16, s23, $0xb8;
	[tilespmem:$0x1E800] =	vst v63  }
0x9d: {  	_ =	swait.ge [sflag:s28], $0x4000  }
0x9e: {  	[sflag:s28] =	ssyncset.done $0x0  }
0x9f: {  	s17 =	simm.s32 $0x1480;
	[sflag:s28] =	ssyncadd.s32 $0xFFFFC000  }
0xa0: {  	[spmem:s1] =	stream.indirect.scatter.add.f32 [tilespmem:s25], [sflag:$0x3], $0x80, s17, s23, $0xb8;
	[tilespmem:$0x1E800] =	vst v63  }
0xa1: {  	_ =	swait.ge [sflag:s21], $0x4000  }
0xa2: {  	s3 =	simm.s32 $0x100;
	s9 =	simm.s32 $0x800;
	[sflag:s21] =	ssyncset.done $0x0  }
.LBB2_5:
0xa3: {  	s10 =	sadd.s32 $0x80, s3  }
0xa4: {  	[sflag:s21] =	ssyncadd.s32 $0xFFFFC000;
	s16 =	smov.u32 s9;
	s17 =	sadd.s32 $0x400, s9  }
0xa5: {  	[tilespmem:s25], [sflag:$0x2] =	stream.indirect.gather [hbm4b:s4+s23], $0x80, s10, s23, $0xb8;
	[tilespmem:$0x1E800] =	vst v63  }
0xa6: {  	p1 =	sne.s32 s9, $0x4800;
	_ =	swait.ge [sflag:s26], $0x4000  }
0xa7: {  	[sflag:s26] =	ssyncset.done $0x0  }
0xa8: {  	s9 =	sadd.s32 $0x1400, s3;
	[sflag:s26] =	ssyncadd.s32 $0xFFFFC000  }
0xa9: {  	[spmem:s1] =	stream.indirect.scatter.add.f32 [tilespmem:s24], [sflag:$0x3], $0x80, s9, s23, $0xb8;
	[tilespmem:$0x1E800] =	vst v63  }
0xaa: {  	_ =	swait.ge [sflag:s21], $0x4000  }
0xab: {  	[sflag:s21] =	ssyncset.done $0x0  }
0xac: {  	s9 =	sadd.s32 $0x100, s3;
	[sflag:s21] =	ssyncadd.s32 $0xFFFFC000  }
0xad: {  	[tilespmem:s24], [sflag:$0x1] =	stream.indirect.gather [hbm4b:s4+s23], $0x80, s9, s23, $0xb8;
	[tilespmem:$0x1E800] =	vst v63  }
0xae: {  	_ =	swait.ge [sflag:s28], $0x4000  }
.Ltmp4:
0xaf: {  	[sflag:s28] =	ssyncset.done $0x0;
	(pc) =	sbr.rel @p1 .LBB2_5-.Ltmp4, $4  }
0xb0: {  	s3 =	sadd.s32 $0x1480, s3;
	[sflag:s28] =	ssyncadd.s32 $0xFFFFC000  }
0xb1: {  	[spmem:s1] =	stream.indirect.scatter.add.f32 [tilespmem:s25], [sflag:$0x3], $0x80, s3, s23, $0xb8;
	[tilespmem:$0x1E800] =	vst v63  }
0xb2: {  	_ =	swait.ge [sflag:s21], $0x4000  }
0xb3: {  	s9 =	smov.u32 s17;
	s3 =	sshra.s32 s16, $0x2;
	[sflag:s21] =	ssyncset.done $0x0  }
0xb4: {  	s9 =	sadd.s32 $0x80, s3;
	[sflag:s21] =	ssyncadd.s32 $0xFFFFC000  }
0xb5: {  	[tilespmem:s25], [sflag:$0x2] =	stream.indirect.gather [hbm4b:s4+s23], $0x80, s9, s23, $0xb8;
	[tilespmem:$0x1E800] =	vst v63  }
0xb6: {  	_ =	swait.ge [sflag:s26], $0x4000  }
0xb7: {  	[sflag:s26] =	ssyncset.done $0x0  }
0xb8: {  	s16 =	sadd.s32 $0x1400, s3;
	[sflag:s26] =	ssyncadd.s32 $0xFFFFC000  }
0xb9: {  	[spmem:s1] =	stream.indirect.scatter.add.f32 [tilespmem:s24], [sflag:$0x3], $0x80, s16, s23, $0xb8;
	[tilespmem:$0x1E800] =	vst v63  }
0xba: {  	_ =	swait.ge [sflag:s21], $0x4000  }
0xbb: {  	[sflag:s21] =	ssyncset.done $0x0  }
0xbc: {  	s17 =	sadd.s32 $0x100, s3;
	[sflag:s21] =	ssyncadd.s32 $0xFFFFC000  }
0xbd: {  	[tilespmem:s24], [sflag:$0x1] =	stream.indirect.gather [hbm4b:s4+s23], $0x80, s17, s23, $0xb8;
	[tilespmem:$0x1E800] =	vst v63  }
0xbe: {  	_ =	swait.ge [sflag:s28], $0x4000  }
0xbf: {  	[sflag:s28] =	ssyncset.done $0x0  }
0xc0: {  	s10 =	sadd.s32 $0x1480, s3;
	[sflag:s28] =	ssyncadd.s32 $0xFFFFC000  }
0xc1: {  	[spmem:s1] =	stream.indirect.scatter.add.f32 [tilespmem:s25], [sflag:$0x3], $0x80, s10, s23, $0xb8;
	[tilespmem:$0x1E800] =	vst v63  }
0xc2: {  	_ =	swait.ge [sflag:s21], $0x4000  }
0xc3: {  	[sflag:s21] =	ssyncset.done $0x0  }
0xc4: {  	[sflag:s21] =	ssyncadd.s32 $0xFFFFC000  }
0xc5: {  	[tilespmem:s25], [sflag:$0x2] =	stream.indirect.gather [hbm4b:s4+s23], $0x80, s29, s23, $0xb8;
	[tilespmem:$0x1E800] =	vst v63  }
0xc6: {  	_ =	swait.ge [sflag:s26], $0x4000  }
0xc7: {  	[sflag:s26] =	ssyncset.done $0x0  }
0xc8: {  	[sflag:s26] =	ssyncadd.s32 $0xFFFFC000  }
0xc9: {  	[spmem:s1] =	stream.indirect.scatter.add.f32 [tilespmem:s24], [sflag:$0x3], $0x80, s30, s23, $0xb8;
	[tilespmem:$0x1E800] =	vst v63  }
0xca: {  	_ =	swait.ge [sflag:s21], $0x4000  }
0xcb: {  	[sflag:s21] =	ssyncset.done $0x0  }
0xcc: {  	[sflag:s21] =	ssyncadd.s32 $0xFFFFC000  }
0xcd: {  	_ =	swait.ge [sflag:s28], $0x4000  }
0xce: {  	[sflag:s28] =	ssyncset.done $0x0  }
0xcf: {  	[sflag:s28] =	ssyncadd.s32 $0xFFFFC000  }
0xd0: {  	[spmem:s1] =	stream.indirect.scatter.add.f32 [tilespmem:s25], [sflag:$0x3], $0x80, s31, s23, $0xb8;
	[tilespmem:$0x1E800] =	vst v63  }
0xd1: {  	_ =	swait.ge [sflag:s21], $0x4000  }
0xd2: {  	[sflag:s21] =	ssyncset.done $0x0  }
0xd3: {  	[sflag:s21] =	ssyncadd.s32 $0xFFFFC000  }
0xd4: {  	[bflag:$0x0] =	sbarrier.arrive $0xFFFF  }
0xd5: {  	s16 =	rddreg [dreg:$0x7]  }
0xd6: {  	[hbm:s16], [sflag:s19] =	dma.local [spmem:s20], $0x2800  }
0xd7: {  	_ =	swait.ge [sflag:s21], $0x2800  }
0xd8: {  	[sflag:s21] =	ssyncset.done $0x0  }
0xd9: {  	[sflag:s21] =	ssyncadd.s32 $0xFFFFD800  }
0xda: {  	[bflag:$0x0] =	sbarrier.arrive $0xFFFF  }
0xdb: {  	[spmem:s20], [sflag:s19] =	dma.local [hbm:s11], $0x2800  }
0xdc: {  	_ =	swait.ge [sflag:s21], $0x2800  }
0xdd: {  	[sflag:s21] =	ssyncset.done $0x0  }
0xde: {  	[sflag:s21] =	ssyncadd.s32 $0xFFFFD800  }
0xdf: {  	s17 =	simm.s32 $0x0;
	[bflag:$0x0] =	sbarrier.arrive $0xFFFF  }
0xe0: {  	[tilespmem:s17], [sflag:$0x3] =	stream.linear.gather [hbm4b:s12+s17], $0x1400, $0x38;
	[tilespmem:$0x1E800] =	vst v63  }
0xe1: {  	_ =	swait.ge [sflag:s21], $0x1400  }
0xe2: {  	[sflag:s21] =	ssyncset.done $0x0  }
0xe3: {  	[sflag:s21] =	ssyncadd.s32 $0xFFFFEC00  }
0xe4: {  	[tilespmem:s22], [sflag:$0x3] =	stream.linear.gather [hbm4b:s13+s17], $0x1400, $0x38;
	[tilespmem:$0x1E800] =	vst v63  }
0xe5: {  	_ =	swait.ge [sflag:s21], $0x1400  }
0xe6: {  	[sflag:s21] =	ssyncset.done $0x0  }
0xe7: {  	[sflag:s21] =	ssyncadd.s32 $0xFFFFEC00  }
0xe8: {  	[tilespmem:s24], [sflag:$0x1] =	stream.indirect.gather [hbm4b:s6+s23], $0x80, s17, s23, $0xb8;
	[tilespmem:$0x1E800] =	vst v63  }
0xe9: {  	s9 =	simm.s32 $0x80  }
0xea: {  	[tilespmem:s25], [sflag:$0x2] =	stream.indirect.gather [hbm4b:s6+s23], $0x80, s9, s23, $0xb8;
	[tilespmem:$0x1E800] =	vst v63  }
0xeb: {  	_ =	swait.ge [sflag:s26], $0x4000  }
0xec: {  	[sflag:s26] =	ssyncset.done $0x0  }
0xed: {  	s10 =	simm.s32 $0x1400;
	[sflag:s26] =	ssyncadd.s32 $0xFFFFC000  }
0xee: {  	[spmem:s1] =	stream.indirect.scatter.add.f32 [tilespmem:s24], [sflag:$0x3], $0x80, s10, s23, $0xb8;
	[tilespmem:$0x1E800] =	vst v63  }
0xef: {  	_ =	swait.ge [sflag:s21], $0x4000  }
0xf0: {  	[sflag:s21] =	ssyncset.done $0x0  }
0xf1: {  	s16 =	simm.s32 $0x100;
	[sflag:s21] =	ssyncadd.s32 $0xFFFFC000  }
0xf2: {  	[tilespmem:s24], [sflag:$0x1] =	stream.indirect.gather [hbm4b:s6+s23], $0x80, s16, s23, $0xb8;
	[tilespmem:$0x1E800] =	vst v63  }
0xf3: {  	_ =	swait.ge [sflag:s28], $0x4000  }
0xf4: {  	[sflag:s28] =	ssyncset.done $0x0  }
0xf5: {  	s17 =	simm.s32 $0x1480;
	[sflag:s28] =	ssyncadd.s32 $0xFFFFC000  }
0xf6: {  	[spmem:s1] =	stream.indirect.scatter.add.f32 [tilespmem:s25], [sflag:$0x3], $0x80, s17, s23, $0xb8;
	[tilespmem:$0x1E800] =	vst v63  }
0xf7: {  	_ =	swait.ge [sflag:s21], $0x4000  }
0xf8: {  	s3 =	simm.s32 $0x100;
	s9 =	simm.s32 $0x800;
	[sflag:s21] =	ssyncset.done $0x0  }
.LBB2_7:
0xf9: {  	s10 =	sadd.s32 $0x80, s3  }
0xfa: {  	[sflag:s21] =	ssyncadd.s32 $0xFFFFC000;
	s16 =	smov.u32 s9;
	s17 =	sadd.s32 $0x400, s9  }
0xfb: {  	[tilespmem:s25], [sflag:$0x2] =	stream.indirect.gather [hbm4b:s6+s23], $0x80, s10, s23, $0xb8;
	[tilespmem:$0x1E800] =	vst v63  }
0xfc: {  	p1 =	sne.s32 s9, $0x4800;
	_ =	swait.ge [sflag:s26], $0x4000  }
0xfd: {  	[sflag:s26] =	ssyncset.done $0x0  }
0xfe: {  	s9 =	sadd.s32 $0x1400, s3;
	[sflag:s26] =	ssyncadd.s32 $0xFFFFC000  }
0xff: {  	[spmem:s1] =	stream.indirect.scatter.add.f32 [tilespmem:s24], [sflag:$0x3], $0x80, s9, s23, $0xb8;
	[tilespmem:$0x1E800] =	vst v63  }
0x100: {  	_ =	swait.ge [sflag:s21], $0x4000  }
0x101: {  	[sflag:s21] =	ssyncset.done $0x0  }
0x102: {  	s9 =	sadd.s32 $0x100, s3;
	[sflag:s21] =	ssyncadd.s32 $0xFFFFC000  }
0x103: {  	[tilespmem:s24], [sflag:$0x1] =	stream.indirect.gather [hbm4b:s6+s23], $0x80, s9, s23, $0xb8;
	[tilespmem:$0x1E800] =	vst v63  }
0x104: {  	_ =	swait.ge [sflag:s28], $0x4000  }
.Ltmp5:
0x105: {  	[sflag:s28] =	ssyncset.done $0x0;
	(pc) =	sbr.rel @p1 .LBB2_7-.Ltmp5, $4  }
0x106: {  	s3 =	sadd.s32 $0x1480, s3;
	[sflag:s28] =	ssyncadd.s32 $0xFFFFC000  }
0x107: {  	[spmem:s1] =	stream.indirect.scatter.add.f32 [tilespmem:s25], [sflag:$0x3], $0x80, s3, s23, $0xb8;
	[tilespmem:$0x1E800] =	vst v63  }
0x108: {  	_ =	swait.ge [sflag:s21], $0x4000  }
0x109: {  	s9 =	smov.u32 s17;
	s3 =	sshra.s32 s16, $0x2;
	[sflag:s21] =	ssyncset.done $0x0  }
0x10a: {  	s9 =	sadd.s32 $0x80, s3;
	[sflag:s21] =	ssyncadd.s32 $0xFFFFC000  }
0x10b: {  	[tilespmem:s25], [sflag:$0x2] =	stream.indirect.gather [hbm4b:s6+s23], $0x80, s9, s23, $0xb8;
	[tilespmem:$0x1E800] =	vst v63  }
0x10c: {  	_ =	swait.ge [sflag:s26], $0x4000  }
0x10d: {  	[sflag:s26] =	ssyncset.done $0x0  }
0x10e: {  	s17 =	sadd.s32 $0x1400, s3;
	[sflag:s26] =	ssyncadd.s32 $0xFFFFC000  }
0x10f: {  	[spmem:s1] =	stream.indirect.scatter.add.f32 [tilespmem:s24], [sflag:$0x3], $0x80, s17, s23, $0xb8;
	[tilespmem:$0x1E800] =	vst v63  }
0x110: {  	_ =	swait.ge [sflag:s21], $0x4000  }
0x111: {  	[sflag:s21] =	ssyncset.done $0x0  }
0x112: {  	s10 =	sadd.s32 $0x100, s3;
	[sflag:s21] =	ssyncadd.s32 $0xFFFFC000  }
0x113: {  	[tilespmem:s24], [sflag:$0x1] =	stream.indirect.gather [hbm4b:s6+s23], $0x80, s10, s23, $0xb8;
	[tilespmem:$0x1E800] =	vst v63  }
0x114: {  	_ =	swait.ge [sflag:s28], $0x4000  }
0x115: {  	[sflag:s28] =	ssyncset.done $0x0  }
0x116: {  	s16 =	sadd.s32 $0x1480, s3;
	[sflag:s28] =	ssyncadd.s32 $0xFFFFC000  }
0x117: {  	[spmem:s1] =	stream.indirect.scatter.add.f32 [tilespmem:s25], [sflag:$0x3], $0x80, s16, s23, $0xb8;
	[tilespmem:$0x1E800] =	vst v63  }
0x118: {  	_ =	swait.ge [sflag:s21], $0x4000  }
0x119: {  	[sflag:s21] =	ssyncset.done $0x0  }
0x11a: {  	[sflag:s21] =	ssyncadd.s32 $0xFFFFC000  }
0x11b: {  	[tilespmem:s25], [sflag:$0x2] =	stream.indirect.gather [hbm4b:s6+s23], $0x80, s29, s23, $0xb8;
	[tilespmem:$0x1E800] =	vst v63  }
0x11c: {  	_ =	swait.ge [sflag:s26], $0x4000  }
0x11d: {  	[sflag:s26] =	ssyncset.done $0x0  }
0x11e: {  	[sflag:s26] =	ssyncadd.s32 $0xFFFFC000  }
0x11f: {  	[spmem:s1] =	stream.indirect.scatter.add.f32 [tilespmem:s24], [sflag:$0x3], $0x80, s30, s23, $0xb8;
	[tilespmem:$0x1E800] =	vst v63  }
0x120: {  	_ =	swait.ge [sflag:s21], $0x4000  }
0x121: {  	[sflag:s21] =	ssyncset.done $0x0  }
0x122: {  	[sflag:s21] =	ssyncadd.s32 $0xFFFFC000  }
0x123: {  	_ =	swait.ge [sflag:s28], $0x4000  }
0x124: {  	[sflag:s28] =	ssyncset.done $0x0  }
0x125: {  	[sflag:s28] =	ssyncadd.s32 $0xFFFFC000  }
0x126: {  	[spmem:s1] =	stream.indirect.scatter.add.f32 [tilespmem:s25], [sflag:$0x3], $0x80, s31, s23, $0xb8;
	[tilespmem:$0x1E800] =	vst v63  }
0x127: {  	_ =	swait.ge [sflag:s21], $0x4000  }
0x128: {  	[sflag:s21] =	ssyncset.done $0x0  }
0x129: {  	s17 =	simm.s32 $0x0;
	[sflag:s21] =	ssyncadd.s32 $0xFFFFC000  }
0x12a: {  	[tilespmem:s17], [sflag:$0x3] =	stream.linear.gather [hbm4b:s14+s17], $0x1400, $0x38;
	[tilespmem:$0x1E800] =	vst v63  }
0x12b: {  	_ =	swait.ge [sflag:s21], $0x1400  }
0x12c: {  	[sflag:s21] =	ssyncset.done $0x0  }
0x12d: {  	[sflag:s21] =	ssyncadd.s32 $0xFFFFEC00  }
0x12e: {  	[tilespmem:s22], [sflag:$0x3] =	stream.linear.gather [hbm4b:s15+s17], $0x1400, $0x38;
	[tilespmem:$0x1E800] =	vst v63  }
0x12f: {  	_ =	swait.ge [sflag:s21], $0x1400  }
0x130: {  	[sflag:s21] =	ssyncset.done $0x0  }
0x131: {  	[sflag:s21] =	ssyncadd.s32 $0xFFFFEC00  }
0x132: {  	[tilespmem:s24], [sflag:$0x1] =	stream.indirect.gather [hbm4b:s6+s23], $0x80, s17, s23, $0xb8;
	[tilespmem:$0x1E800] =	vst v63  }
0x133: {  	s9 =	simm.s32 $0x80  }
0x134: {  	[tilespmem:s25], [sflag:$0x2] =	stream.indirect.gather [hbm4b:s6+s23], $0x80, s9, s23, $0xb8;
	[tilespmem:$0x1E800] =	vst v63  }
0x135: {  	_ =	swait.ge [sflag:s26], $0x4000  }
0x136: {  	[sflag:s26] =	ssyncset.done $0x0  }
0x137: {  	s10 =	simm.s32 $0x1400;
	[sflag:s26] =	ssyncadd.s32 $0xFFFFC000  }
0x138: {  	[spmem:s1] =	stream.indirect.scatter.add.f32 [tilespmem:s24], [sflag:$0x3], $0x80, s10, s23, $0xb8;
	[tilespmem:$0x1E800] =	vst v63  }
0x139: {  	_ =	swait.ge [sflag:s21], $0x4000  }
0x13a: {  	[sflag:s21] =	ssyncset.done $0x0  }
0x13b: {  	s16 =	simm.s32 $0x100;
	[sflag:s21] =	ssyncadd.s32 $0xFFFFC000  }
0x13c: {  	[tilespmem:s24], [sflag:$0x1] =	stream.indirect.gather [hbm4b:s6+s23], $0x80, s16, s23, $0xb8;
	[tilespmem:$0x1E800] =	vst v63  }
0x13d: {  	_ =	swait.ge [sflag:s28], $0x4000  }
0x13e: {  	[sflag:s28] =	ssyncset.done $0x0  }
0x13f: {  	s17 =	simm.s32 $0x1480;
	[sflag:s28] =	ssyncadd.s32 $0xFFFFC000  }
0x140: {  	[spmem:s1] =	stream.indirect.scatter.add.f32 [tilespmem:s25], [sflag:$0x3], $0x80, s17, s23, $0xb8;
	[tilespmem:$0x1E800] =	vst v63  }
0x141: {  	_ =	swait.ge [sflag:s21], $0x4000  }
0x142: {  	s3 =	simm.s32 $0x100;
	s9 =	simm.s32 $0x800;
	[sflag:s21] =	ssyncset.done $0x0  }
.LBB2_9:
0x143: {  	s10 =	sadd.s32 $0x80, s3  }
0x144: {  	[sflag:s21] =	ssyncadd.s32 $0xFFFFC000;
	s16 =	smov.u32 s9;
	s17 =	sadd.s32 $0x400, s9  }
0x145: {  	[tilespmem:s25], [sflag:$0x2] =	stream.indirect.gather [hbm4b:s6+s23], $0x80, s10, s23, $0xb8;
	[tilespmem:$0x1E800] =	vst v63  }
0x146: {  	p1 =	seq.s32 s9, $0x4800;
	_ =	swait.ge [sflag:s26], $0x4000  }
0x147: {  	[sflag:s26] =	ssyncset.done $0x0  }
0x148: {  	s9 =	sadd.s32 $0x1400, s3;
	[sflag:s26] =	ssyncadd.s32 $0xFFFFC000  }
0x149: {  	[spmem:s1] =	stream.indirect.scatter.add.f32 [tilespmem:s24], [sflag:$0x3], $0x80, s9, s23, $0xb8;
	[tilespmem:$0x1E800] =	vst v63  }
0x14a: {  	_ =	swait.ge [sflag:s21], $0x4000  }
0x14b: {  	[sflag:s21] =	ssyncset.done $0x0  }
0x14c: {  	s9 =	sadd.s32 $0x100, s3;
	[sflag:s21] =	ssyncadd.s32 $0xFFFFC000  }
0x14d: {  	[tilespmem:s24], [sflag:$0x1] =	stream.indirect.gather [hbm4b:s6+s23], $0x80, s9, s23, $0xb8;
	[tilespmem:$0x1E800] =	vst v63  }
0x14e: {  	_ =	swait.ge [sflag:s28], $0x4000  }
.Ltmp6:
0x14f: {  	[sflag:s28] =	ssyncset.done $0x0;
	(pc) =	sbr.rel @!p1 .LBB2_9-.Ltmp6, $4  }
0x150: {  	s3 =	sadd.s32 $0x1480, s3;
	[sflag:s28] =	ssyncadd.s32 $0xFFFFC000  }
0x151: {  	[spmem:s1] =	stream.indirect.scatter.add.f32 [tilespmem:s25], [sflag:$0x3], $0x80, s3, s23, $0xb8;
	[tilespmem:$0x1E800] =	vst v63  }
0x152: {  	_ =	swait.ge [sflag:s21], $0x4000  }
0x153: {  	s9 =	smov.u32 s17;
	s3 =	sshra.s32 s16, $0x2;
	[sflag:s21] =	ssyncset.done $0x0  }
0x154: {  	s9 =	sadd.s32 $0x80, s3;
	[sflag:s21] =	ssyncadd.s32 $0xFFFFC000  }
0x155: {  	[tilespmem:s25], [sflag:$0x2] =	stream.indirect.gather [hbm4b:s6+s23], $0x80, s9, s23, $0xb8;
	[tilespmem:$0x1E800] =	vst v63  }
0x156: {  	_ =	swait.ge [sflag:s26], $0x4000  }
0x157: {  	[sflag:s26] =	ssyncset.done $0x0  }
0x158: {  	s10 =	sadd.s32 $0x1400, s3;
	[sflag:s26] =	ssyncadd.s32 $0xFFFFC000  }
0x159: {  	[spmem:s1] =	stream.indirect.scatter.add.f32 [tilespmem:s24], [sflag:$0x3], $0x80, s10, s23, $0xb8;
	[tilespmem:$0x1E800] =	vst v63  }
0x15a: {  	_ =	swait.ge [sflag:s21], $0x4000  }
0x15b: {  	[sflag:s21] =	ssyncset.done $0x0  }
0x15c: {  	s16 =	sadd.s32 $0x100, s3;
	[sflag:s21] =	ssyncadd.s32 $0xFFFFC000  }
0x15d: {  	[tilespmem:s24], [sflag:$0x1] =	stream.indirect.gather [hbm4b:s6+s23], $0x80, s16, s23, $0xb8;
	[tilespmem:$0x1E800] =	vst v63  }
0x15e: {  	_ =	swait.ge [sflag:s28], $0x4000  }
0x15f: {  	[sflag:s28] =	ssyncset.done $0x0  }
.Ltmp7:
0x160: {  	s17 =	sadd.s32 $0x1480, s3;
	[sflag:s28] =	ssyncadd.s32 $0xFFFFC000;
	(pc) =	sbr.rel .LBB2_20-.Ltmp7, $4  }
0x161: {  	[spmem:s1] =	stream.indirect.scatter.add.f32 [tilespmem:s25], [sflag:$0x3], $0x80, s17, s23, $0xb8;
	[tilespmem:$0x1E800] =	vst v63  }
0x162: {  	_ =	swait.ge [sflag:s21], $0x4000  }
0x163: {  	[sflag:s21] =	ssyncset.done $0x0  }
0x164: {  	s9 =	smov.u32 s6;
	s3 =	rddreg [dreg:$0x4];
	[sflag:s21] =	ssyncadd.s32 $0xFFFFC000  }
.LBB2_11:
0x165: {  	[tilespmem:s24], [sflag:$0x1] =	stream.indirect.gather [hbm4b:s5+s23], $0x80, s3, s23, $0xb8;
	[tilespmem:$0x1E800] =	vst v63  }
0x166: {  	s9 =	simm.s32 $0x80  }
0x167: {  	[tilespmem:s25], [sflag:$0x2] =	stream.indirect.gather [hbm4b:s5+s23], $0x80, s9, s23, $0xb8;
	[tilespmem:$0x1E800] =	vst v63  }
0x168: {  	_ =	swait.ge [sflag:s26], $0x4000  }
0x169: {  	[sflag:s26] =	ssyncset.done $0x0  }
0x16a: {  	s10 =	simm.s32 $0x1400;
	[sflag:s26] =	ssyncadd.s32 $0xFFFFC000  }
0x16b: {  	[spmem:s1] =	stream.indirect.scatter.add.f32 [tilespmem:s24], [sflag:$0x3], $0x80, s10, s23, $0xb8;
	[tilespmem:$0x1E800] =	vst v63  }
0x16c: {  	_ =	swait.ge [sflag:s21], $0x4000  }
0x16d: {  	[sflag:s21] =	ssyncset.done $0x0  }
0x16e: {  	s16 =	simm.s32 $0x100;
	[sflag:s21] =	ssyncadd.s32 $0xFFFFC000  }
0x16f: {  	[tilespmem:s24], [sflag:$0x1] =	stream.indirect.gather [hbm4b:s5+s23], $0x80, s16, s23, $0xb8;
	[tilespmem:$0x1E800] =	vst v63  }
0x170: {  	_ =	swait.ge [sflag:s28], $0x4000  }
0x171: {  	[sflag:s28] =	ssyncset.done $0x0  }
0x172: {  	s17 =	simm.s32 $0x1480;
	[sflag:s28] =	ssyncadd.s32 $0xFFFFC000  }
0x173: {  	[spmem:s1] =	stream.indirect.scatter.add.f32 [tilespmem:s25], [sflag:$0x3], $0x80, s17, s23, $0xb8;
	[tilespmem:$0x1E800] =	vst v63  }
0x174: {  	_ =	swait.ge [sflag:s21], $0x4000  }
0x175: {  	s3 =	simm.s32 $0x100;
	s9 =	simm.s32 $0x800;
	[sflag:s21] =	ssyncset.done $0x0  }
.LBB2_12:
0x176: {  	s10 =	sadd.s32 $0x80, s3  }
0x177: {  	[sflag:s21] =	ssyncadd.s32 $0xFFFFC000;
	s16 =	smov.u32 s9;
	s17 =	sadd.s32 $0x400, s9  }
0x178: {  	[tilespmem:s25], [sflag:$0x2] =	stream.indirect.gather [hbm4b:s5+s23], $0x80, s10, s23, $0xb8;
	[tilespmem:$0x1E800] =	vst v63  }
0x179: {  	p1 =	sne.s32 s9, $0x4800;
	_ =	swait.ge [sflag:s26], $0x4000  }
0x17a: {  	[sflag:s26] =	ssyncset.done $0x0  }
0x17b: {  	s9 =	sadd.s32 $0x1400, s3;
	[sflag:s26] =	ssyncadd.s32 $0xFFFFC000  }
0x17c: {  	[spmem:s1] =	stream.indirect.scatter.add.f32 [tilespmem:s24], [sflag:$0x3], $0x80, s9, s23, $0xb8;
	[tilespmem:$0x1E800] =	vst v63  }
0x17d: {  	_ =	swait.ge [sflag:s21], $0x4000  }
0x17e: {  	[sflag:s21] =	ssyncset.done $0x0  }
0x17f: {  	s9 =	sadd.s32 $0x100, s3;
	[sflag:s21] =	ssyncadd.s32 $0xFFFFC000  }
0x180: {  	[tilespmem:s24], [sflag:$0x1] =	stream.indirect.gather [hbm4b:s5+s23], $0x80, s9, s23, $0xb8;
	[tilespmem:$0x1E800] =	vst v63  }
0x181: {  	_ =	swait.ge [sflag:s28], $0x4000  }
.Ltmp8:
0x182: {  	[sflag:s28] =	ssyncset.done $0x0;
	(pc) =	sbr.rel @p1 .LBB2_12-.Ltmp8, $4  }
0x183: {  	s3 =	sadd.s32 $0x1480, s3;
	[sflag:s28] =	ssyncadd.s32 $0xFFFFC000  }
0x184: {  	[spmem:s1] =	stream.indirect.scatter.add.f32 [tilespmem:s25], [sflag:$0x3], $0x80, s3, s23, $0xb8;
	[tilespmem:$0x1E800] =	vst v63  }
0x185: {  	_ =	swait.ge [sflag:s21], $0x4000  }
0x186: {  	s9 =	smov.u32 s17;
	s3 =	sshra.s32 s16, $0x2;
	[sflag:s21] =	ssyncset.done $0x0  }
0x187: {  	s9 =	sadd.s32 $0x80, s3;
	[sflag:s21] =	ssyncadd.s32 $0xFFFFC000  }
0x188: {  	[tilespmem:s25], [sflag:$0x2] =	stream.indirect.gather [hbm4b:s5+s23], $0x80, s9, s23, $0xb8;
	[tilespmem:$0x1E800] =	vst v63  }
0x189: {  	_ =	swait.ge [sflag:s26], $0x4000  }
0x18a: {  	[sflag:s26] =	ssyncset.done $0x0  }
0x18b: {  	s17 =	sadd.s32 $0x1400, s3;
	[sflag:s26] =	ssyncadd.s32 $0xFFFFC000  }
0x18c: {  	[spmem:s1] =	stream.indirect.scatter.add.f32 [tilespmem:s24], [sflag:$0x3], $0x80, s17, s23, $0xb8;
	[tilespmem:$0x1E800] =	vst v63  }
0x18d: {  	_ =	swait.ge [sflag:s21], $0x4000  }
0x18e: {  	[sflag:s21] =	ssyncset.done $0x0  }
0x18f: {  	s10 =	sadd.s32 $0x100, s3;
	[sflag:s21] =	ssyncadd.s32 $0xFFFFC000  }
0x190: {  	[tilespmem:s24], [sflag:$0x1] =	stream.indirect.gather [hbm4b:s5+s23], $0x80, s10, s23, $0xb8;
	[tilespmem:$0x1E800] =	vst v63  }
0x191: {  	_ =	swait.ge [sflag:s28], $0x4000  }
0x192: {  	[sflag:s28] =	ssyncset.done $0x0  }
0x193: {  	s16 =	sadd.s32 $0x1480, s3;
	[sflag:s28] =	ssyncadd.s32 $0xFFFFC000  }
0x194: {  	[spmem:s1] =	stream.indirect.scatter.add.f32 [tilespmem:s25], [sflag:$0x3], $0x80, s16, s23, $0xb8;
	[tilespmem:$0x1E800] =	vst v63  }
0x195: {  	_ =	swait.ge [sflag:s21], $0x4000  }
0x196: {  	[sflag:s21] =	ssyncset.done $0x0  }
0x197: {  	[sflag:s21] =	ssyncadd.s32 $0xFFFFC000  }
0x198: {  	[tilespmem:s25], [sflag:$0x2] =	stream.indirect.gather [hbm4b:s5+s23], $0x80, s29, s23, $0xb8;
	[tilespmem:$0x1E800] =	vst v63  }
0x199: {  	_ =	swait.ge [sflag:s26], $0x4000  }
0x19a: {  	[sflag:s26] =	ssyncset.done $0x0  }
0x19b: {  	[sflag:s26] =	ssyncadd.s32 $0xFFFFC000  }
0x19c: {  	[spmem:s1] =	stream.indirect.scatter.add.f32 [tilespmem:s24], [sflag:$0x3], $0x80, s30, s23, $0xb8;
	[tilespmem:$0x1E800] =	vst v63  }
0x19d: {  	_ =	swait.ge [sflag:s21], $0x4000  }
0x19e: {  	[sflag:s21] =	ssyncset.done $0x0  }
0x19f: {  	[sflag:s21] =	ssyncadd.s32 $0xFFFFC000  }
0x1a0: {  	_ =	swait.ge [sflag:s28], $0x4000  }
0x1a1: {  	[sflag:s28] =	ssyncset.done $0x0  }
0x1a2: {  	[sflag:s28] =	ssyncadd.s32 $0xFFFFC000  }
0x1a3: {  	[spmem:s1] =	stream.indirect.scatter.add.f32 [tilespmem:s25], [sflag:$0x3], $0x80, s31, s23, $0xb8;
	[tilespmem:$0x1E800] =	vst v63  }
0x1a4: {  	_ =	swait.ge [sflag:s21], $0x4000  }
0x1a5: {  	[sflag:s21] =	ssyncset.done $0x0  }
0x1a6: {  	s17 =	simm.s32 $0x0;
	[sflag:s21] =	ssyncadd.s32 $0xFFFFC000  }
0x1a7: {  	[tilespmem:s17], [sflag:$0x3] =	stream.linear.gather [hbm4b:s14+s17], $0x1400, $0x38;
	[tilespmem:$0x1E800] =	vst v63  }
0x1a8: {  	_ =	swait.ge [sflag:s21], $0x1400  }
0x1a9: {  	[sflag:s21] =	ssyncset.done $0x0  }
0x1aa: {  	[sflag:s21] =	ssyncadd.s32 $0xFFFFEC00  }
0x1ab: {  	[tilespmem:s22], [sflag:$0x3] =	stream.linear.gather [hbm4b:s15+s17], $0x1400, $0x38;
	[tilespmem:$0x1E800] =	vst v63  }
0x1ac: {  	_ =	swait.ge [sflag:s21], $0x1400  }
0x1ad: {  	[sflag:s21] =	ssyncset.done $0x0  }
0x1ae: {  	[sflag:s21] =	ssyncadd.s32 $0xFFFFEC00  }
0x1af: {  	[tilespmem:s24], [sflag:$0x1] =	stream.indirect.gather [hbm4b:s5+s23], $0x80, s17, s23, $0xb8;
	[tilespmem:$0x1E800] =	vst v63  }
0x1b0: {  	s9 =	simm.s32 $0x80  }
0x1b1: {  	[tilespmem:s25], [sflag:$0x2] =	stream.indirect.gather [hbm4b:s5+s23], $0x80, s9, s23, $0xb8;
	[tilespmem:$0x1E800] =	vst v63  }
0x1b2: {  	_ =	swait.ge [sflag:s26], $0x4000  }
0x1b3: {  	[sflag:s26] =	ssyncset.done $0x0  }
0x1b4: {  	s10 =	simm.s32 $0x1400;
	[sflag:s26] =	ssyncadd.s32 $0xFFFFC000  }
0x1b5: {  	[spmem:s1] =	stream.indirect.scatter.add.f32 [tilespmem:s24], [sflag:$0x3], $0x80, s10, s23, $0xb8;
	[tilespmem:$0x1E800] =	vst v63  }
0x1b6: {  	_ =	swait.ge [sflag:s21], $0x4000  }
0x1b7: {  	[sflag:s21] =	ssyncset.done $0x0  }
0x1b8: {  	s16 =	simm.s32 $0x100;
	[sflag:s21] =	ssyncadd.s32 $0xFFFFC000  }
0x1b9: {  	[tilespmem:s24], [sflag:$0x1] =	stream.indirect.gather [hbm4b:s5+s23], $0x80, s16, s23, $0xb8;
	[tilespmem:$0x1E800] =	vst v63  }
0x1ba: {  	_ =	swait.ge [sflag:s28], $0x4000  }
0x1bb: {  	[sflag:s28] =	ssyncset.done $0x0  }
0x1bc: {  	s17 =	simm.s32 $0x1480;
	[sflag:s28] =	ssyncadd.s32 $0xFFFFC000  }
0x1bd: {  	[spmem:s1] =	stream.indirect.scatter.add.f32 [tilespmem:s25], [sflag:$0x3], $0x80, s17, s23, $0xb8;
	[tilespmem:$0x1E800] =	vst v63  }
0x1be: {  	_ =	swait.ge [sflag:s21], $0x4000  }
0x1bf: {  	s3 =	simm.s32 $0x100;
	s9 =	simm.s32 $0x800;
	[sflag:s21] =	ssyncset.done $0x0  }
.LBB2_14:
0x1c0: {  	s10 =	sadd.s32 $0x80, s3  }
0x1c1: {  	[sflag:s21] =	ssyncadd.s32 $0xFFFFC000;
	s16 =	smov.u32 s9;
	s17 =	sadd.s32 $0x400, s9  }
0x1c2: {  	[tilespmem:s25], [sflag:$0x2] =	stream.indirect.gather [hbm4b:s5+s23], $0x80, s10, s23, $0xb8;
	[tilespmem:$0x1E800] =	vst v63  }
0x1c3: {  	p1 =	seq.s32 s9, $0x4800;
	_ =	swait.ge [sflag:s26], $0x4000  }
0x1c4: {  	[sflag:s26] =	ssyncset.done $0x0  }
0x1c5: {  	s9 =	sadd.s32 $0x1400, s3;
	[sflag:s26] =	ssyncadd.s32 $0xFFFFC000  }
0x1c6: {  	[spmem:s1] =	stream.indirect.scatter.add.f32 [tilespmem:s24], [sflag:$0x3], $0x80, s9, s23, $0xb8;
	[tilespmem:$0x1E800] =	vst v63  }
0x1c7: {  	_ =	swait.ge [sflag:s21], $0x4000  }
0x1c8: {  	[sflag:s21] =	ssyncset.done $0x0  }
0x1c9: {  	s9 =	sadd.s32 $0x100, s3;
	[sflag:s21] =	ssyncadd.s32 $0xFFFFC000  }
0x1ca: {  	[tilespmem:s24], [sflag:$0x1] =	stream.indirect.gather [hbm4b:s5+s23], $0x80, s9, s23, $0xb8;
	[tilespmem:$0x1E800] =	vst v63  }
0x1cb: {  	_ =	swait.ge [sflag:s28], $0x4000  }
.Ltmp9:
0x1cc: {  	[sflag:s28] =	ssyncset.done $0x0;
	(pc) =	sbr.rel @!p1 .LBB2_14-.Ltmp9, $4  }
0x1cd: {  	s3 =	sadd.s32 $0x1480, s3;
	[sflag:s28] =	ssyncadd.s32 $0xFFFFC000  }
0x1ce: {  	[spmem:s1] =	stream.indirect.scatter.add.f32 [tilespmem:s25], [sflag:$0x3], $0x80, s3, s23, $0xb8;
	[tilespmem:$0x1E800] =	vst v63  }
0x1cf: {  	_ =	swait.ge [sflag:s21], $0x4000  }
0x1d0: {  	s9 =	smov.u32 s17;
	s3 =	sshra.s32 s16, $0x2;
	[sflag:s21] =	ssyncset.done $0x0  }
0x1d1: {  	s9 =	sadd.s32 $0x80, s3;
	[sflag:s21] =	ssyncadd.s32 $0xFFFFC000  }
0x1d2: {  	[tilespmem:s25], [sflag:$0x2] =	stream.indirect.gather [hbm4b:s5+s23], $0x80, s9, s23, $0xb8;
	[tilespmem:$0x1E800] =	vst v63  }
0x1d3: {  	_ =	swait.ge [sflag:s26], $0x4000  }
0x1d4: {  	[sflag:s26] =	ssyncset.done $0x0  }
0x1d5: {  	s16 =	sadd.s32 $0x1400, s3;
	[sflag:s26] =	ssyncadd.s32 $0xFFFFC000  }
0x1d6: {  	[spmem:s1] =	stream.indirect.scatter.add.f32 [tilespmem:s24], [sflag:$0x3], $0x80, s16, s23, $0xb8;
	[tilespmem:$0x1E800] =	vst v63  }
0x1d7: {  	_ =	swait.ge [sflag:s21], $0x4000  }
0x1d8: {  	[sflag:s21] =	ssyncset.done $0x0  }
0x1d9: {  	s17 =	sadd.s32 $0x100, s3;
	[sflag:s21] =	ssyncadd.s32 $0xFFFFC000  }
0x1da: {  	[tilespmem:s24], [sflag:$0x1] =	stream.indirect.gather [hbm4b:s5+s23], $0x80, s17, s23, $0xb8;
	[tilespmem:$0x1E800] =	vst v63  }
0x1db: {  	_ =	swait.ge [sflag:s28], $0x4000  }
0x1dc: {  	[sflag:s28] =	ssyncset.done $0x0  }
0x1dd: {  	s10 =	sadd.s32 $0x1480, s3;
	[sflag:s28] =	ssyncadd.s32 $0xFFFFC000  }
0x1de: {  	[spmem:s1] =	stream.indirect.scatter.add.f32 [tilespmem:s25], [sflag:$0x3], $0x80, s10, s23, $0xb8;
	[tilespmem:$0x1E800] =	vst v63  }
0x1df: {  	_ =	swait.ge [sflag:s21], $0x4000  }
0x1e0: {  	[sflag:s21] =	ssyncset.done $0x0  }
0x1e1: {  	[sflag:s21] =	ssyncadd.s32 $0xFFFFC000  }
0x1e2: {  	[tilespmem:s25], [sflag:$0x2] =	stream.indirect.gather [hbm4b:s5+s23], $0x80, s29, s23, $0xb8;
	[tilespmem:$0x1E800] =	vst v63  }
0x1e3: {  	_ =	swait.ge [sflag:s26], $0x4000  }
0x1e4: {  	[sflag:s26] =	ssyncset.done $0x0  }
0x1e5: {  	[sflag:s26] =	ssyncadd.s32 $0xFFFFC000  }
0x1e6: {  	[spmem:s1] =	stream.indirect.scatter.add.f32 [tilespmem:s24], [sflag:$0x3], $0x80, s30, s23, $0xb8;
	[tilespmem:$0x1E800] =	vst v63  }
0x1e7: {  	_ =	swait.ge [sflag:s21], $0x4000  }
0x1e8: {  	[sflag:s21] =	ssyncset.done $0x0  }
0x1e9: {  	[sflag:s21] =	ssyncadd.s32 $0xFFFFC000  }
0x1ea: {  	_ =	swait.ge [sflag:s28], $0x4000  }
0x1eb: {  	[sflag:s28] =	ssyncset.done $0x0  }
0x1ec: {  	[sflag:s28] =	ssyncadd.s32 $0xFFFFC000  }
0x1ed: {  	[spmem:s1] =	stream.indirect.scatter.add.f32 [tilespmem:s25], [sflag:$0x3], $0x80, s31, s23, $0xb8;
	[tilespmem:$0x1E800] =	vst v63  }
0x1ee: {  	_ =	swait.ge [sflag:s21], $0x4000  }
0x1ef: {  	[sflag:s21] =	ssyncset.done $0x0  }
0x1f0: {  	[sflag:s21] =	ssyncadd.s32 $0xFFFFC000  }
0x1f1: {  	[bflag:$0x0] =	sbarrier.arrive $0xFFFF  }
0x1f2: {  	s16 =	rddreg [dreg:$0x6]  }
0x1f3: {  	[hbm:s16], [sflag:s19] =	dma.local [spmem:s20], $0x2800  }
0x1f4: {  	_ =	swait.ge [sflag:s21], $0x2800  }
0x1f5: {  	[sflag:s21] =	ssyncset.done $0x0  }
0x1f6: {  	[sflag:s21] =	ssyncadd.s32 $0xFFFFD800  }
0x1f7: {  	[bflag:$0x0] =	sbarrier.arrive $0xFFFF  }
0x1f8: {  	[spmem:s20], [sflag:s19] =	dma.local [hbm:s11], $0x2800  }
0x1f9: {  	_ =	swait.ge [sflag:s21], $0x2800  }
0x1fa: {  	[sflag:s21] =	ssyncset.done $0x0  }
0x1fb: {  	[sflag:s21] =	ssyncadd.s32 $0xFFFFD800  }
0x1fc: {  	s17 =	simm.s32 $0x0;
	[bflag:$0x0] =	sbarrier.arrive $0xFFFF  }
0x1fd: {  	[tilespmem:s17], [sflag:$0x3] =	stream.linear.gather [hbm4b:s12+s17], $0x1400, $0x38;
	[tilespmem:$0x1E800] =	vst v63  }
0x1fe: {  	_ =	swait.ge [sflag:s21], $0x1400  }
0x1ff: {  	[sflag:s21] =	ssyncset.done $0x0  }
0x200: {  	[sflag:s21] =	ssyncadd.s32 $0xFFFFEC00  }
0x201: {  	[tilespmem:s22], [sflag:$0x3] =	stream.linear.gather [hbm4b:s13+s17], $0x1400, $0x38;
	[tilespmem:$0x1E800] =	vst v63  }
0x202: {  	_ =	swait.ge [sflag:s21], $0x1400  }
0x203: {  	[sflag:s21] =	ssyncset.done $0x0  }
0x204: {  	[sflag:s21] =	ssyncadd.s32 $0xFFFFEC00  }
0x205: {  	[tilespmem:s24], [sflag:$0x1] =	stream.indirect.gather [hbm4b:s8+s23], $0x80, s17, s23, $0xb8;
	[tilespmem:$0x1E800] =	vst v63  }
0x206: {  	s9 =	simm.s32 $0x80  }
0x207: {  	[tilespmem:s25], [sflag:$0x2] =	stream.indirect.gather [hbm4b:s8+s23], $0x80, s9, s23, $0xb8;
	[tilespmem:$0x1E800] =	vst v63  }
0x208: {  	_ =	swait.ge [sflag:s26], $0x4000  }
0x209: {  	[sflag:s26] =	ssyncset.done $0x0  }
0x20a: {  	s10 =	simm.s32 $0x1400;
	[sflag:s26] =	ssyncadd.s32 $0xFFFFC000  }
0x20b: {  	[spmem:s1] =	stream.indirect.scatter.add.f32 [tilespmem:s24], [sflag:$0x3], $0x80, s10, s23, $0xb8;
	[tilespmem:$0x1E800] =	vst v63  }
0x20c: {  	_ =	swait.ge [sflag:s21], $0x4000  }
0x20d: {  	[sflag:s21] =	ssyncset.done $0x0  }
0x20e: {  	s16 =	simm.s32 $0x100;
	[sflag:s21] =	ssyncadd.s32 $0xFFFFC000  }
0x20f: {  	[tilespmem:s24], [sflag:$0x1] =	stream.indirect.gather [hbm4b:s8+s23], $0x80, s16, s23, $0xb8;
	[tilespmem:$0x1E800] =	vst v63  }
0x210: {  	_ =	swait.ge [sflag:s28], $0x4000  }
0x211: {  	[sflag:s28] =	ssyncset.done $0x0  }
0x212: {  	s17 =	simm.s32 $0x1480;
	[sflag:s28] =	ssyncadd.s32 $0xFFFFC000  }
0x213: {  	[spmem:s1] =	stream.indirect.scatter.add.f32 [tilespmem:s25], [sflag:$0x3], $0x80, s17, s23, $0xb8;
	[tilespmem:$0x1E800] =	vst v63  }
0x214: {  	_ =	swait.ge [sflag:s21], $0x4000  }
0x215: {  	s3 =	simm.s32 $0x100;
	s9 =	simm.s32 $0x800;
	[sflag:s21] =	ssyncset.done $0x0  }
.LBB2_16:
0x216: {  	s10 =	sadd.s32 $0x80, s3  }
0x217: {  	[sflag:s21] =	ssyncadd.s32 $0xFFFFC000;
	s16 =	smov.u32 s9;
	s17 =	sadd.s32 $0x400, s9  }
0x218: {  	[tilespmem:s25], [sflag:$0x2] =	stream.indirect.gather [hbm4b:s8+s23], $0x80, s10, s23, $0xb8;
	[tilespmem:$0x1E800] =	vst v63  }
0x219: {  	p1 =	sne.s32 s9, $0x4800;
	_ =	swait.ge [sflag:s26], $0x4000  }
0x21a: {  	[sflag:s26] =	ssyncset.done $0x0  }
0x21b: {  	s9 =	sadd.s32 $0x1400, s3;
	[sflag:s26] =	ssyncadd.s32 $0xFFFFC000  }
0x21c: {  	[spmem:s1] =	stream.indirect.scatter.add.f32 [tilespmem:s24], [sflag:$0x3], $0x80, s9, s23, $0xb8;
	[tilespmem:$0x1E800] =	vst v63  }
0x21d: {  	_ =	swait.ge [sflag:s21], $0x4000  }
0x21e: {  	[sflag:s21] =	ssyncset.done $0x0  }
0x21f: {  	s9 =	sadd.s32 $0x100, s3;
	[sflag:s21] =	ssyncadd.s32 $0xFFFFC000  }
0x220: {  	[tilespmem:s24], [sflag:$0x1] =	stream.indirect.gather [hbm4b:s8+s23], $0x80, s9, s23, $0xb8;
	[tilespmem:$0x1E800] =	vst v63  }
0x221: {  	_ =	swait.ge [sflag:s28], $0x4000  }
.Ltmp10:
0x222: {  	[sflag:s28] =	ssyncset.done $0x0;
	(pc) =	sbr.rel @p1 .LBB2_16-.Ltmp10, $4  }
0x223: {  	s3 =	sadd.s32 $0x1480, s3;
	[sflag:s28] =	ssyncadd.s32 $0xFFFFC000  }
0x224: {  	[spmem:s1] =	stream.indirect.scatter.add.f32 [tilespmem:s25], [sflag:$0x3], $0x80, s3, s23, $0xb8;
	[tilespmem:$0x1E800] =	vst v63  }
0x225: {  	_ =	swait.ge [sflag:s21], $0x4000  }
0x226: {  	s9 =	smov.u32 s17;
	s3 =	sshra.s32 s16, $0x2;
	[sflag:s21] =	ssyncset.done $0x0  }
0x227: {  	s9 =	sadd.s32 $0x80, s3;
	[sflag:s21] =	ssyncadd.s32 $0xFFFFC000  }
0x228: {  	[tilespmem:s25], [sflag:$0x2] =	stream.indirect.gather [hbm4b:s8+s23], $0x80, s9, s23, $0xb8;
	[tilespmem:$0x1E800] =	vst v63  }
0x229: {  	_ =	swait.ge [sflag:s26], $0x4000  }
0x22a: {  	[sflag:s26] =	ssyncset.done $0x0  }
0x22b: {  	s17 =	sadd.s32 $0x1400, s3;
	[sflag:s26] =	ssyncadd.s32 $0xFFFFC000  }
0x22c: {  	[spmem:s1] =	stream.indirect.scatter.add.f32 [tilespmem:s24], [sflag:$0x3], $0x80, s17, s23, $0xb8;
	[tilespmem:$0x1E800] =	vst v63  }
0x22d: {  	_ =	swait.ge [sflag:s21], $0x4000  }
0x22e: {  	[sflag:s21] =	ssyncset.done $0x0  }
0x22f: {  	s10 =	sadd.s32 $0x100, s3;
	[sflag:s21] =	ssyncadd.s32 $0xFFFFC000  }
0x230: {  	[tilespmem:s24], [sflag:$0x1] =	stream.indirect.gather [hbm4b:s8+s23], $0x80, s10, s23, $0xb8;
	[tilespmem:$0x1E800] =	vst v63  }
0x231: {  	_ =	swait.ge [sflag:s28], $0x4000  }
0x232: {  	[sflag:s28] =	ssyncset.done $0x0  }
0x233: {  	s16 =	sadd.s32 $0x1480, s3;
	[sflag:s28] =	ssyncadd.s32 $0xFFFFC000  }
0x234: {  	[spmem:s1] =	stream.indirect.scatter.add.f32 [tilespmem:s25], [sflag:$0x3], $0x80, s16, s23, $0xb8;
	[tilespmem:$0x1E800] =	vst v63  }
0x235: {  	_ =	swait.ge [sflag:s21], $0x4000  }
0x236: {  	[sflag:s21] =	ssyncset.done $0x0  }
0x237: {  	[sflag:s21] =	ssyncadd.s32 $0xFFFFC000  }
0x238: {  	[tilespmem:s25], [sflag:$0x2] =	stream.indirect.gather [hbm4b:s8+s23], $0x80, s29, s23, $0xb8;
	[tilespmem:$0x1E800] =	vst v63  }
0x239: {  	_ =	swait.ge [sflag:s26], $0x4000  }
0x23a: {  	[sflag:s26] =	ssyncset.done $0x0  }
0x23b: {  	[sflag:s26] =	ssyncadd.s32 $0xFFFFC000  }
0x23c: {  	[spmem:s1] =	stream.indirect.scatter.add.f32 [tilespmem:s24], [sflag:$0x3], $0x80, s30, s23, $0xb8;
	[tilespmem:$0x1E800] =	vst v63  }
0x23d: {  	_ =	swait.ge [sflag:s21], $0x4000  }
0x23e: {  	[sflag:s21] =	ssyncset.done $0x0  }
0x23f: {  	[sflag:s21] =	ssyncadd.s32 $0xFFFFC000  }
0x240: {  	_ =	swait.ge [sflag:s28], $0x4000  }
0x241: {  	[sflag:s28] =	ssyncset.done $0x0  }
0x242: {  	[sflag:s28] =	ssyncadd.s32 $0xFFFFC000  }
0x243: {  	[spmem:s1] =	stream.indirect.scatter.add.f32 [tilespmem:s25], [sflag:$0x3], $0x80, s31, s23, $0xb8;
	[tilespmem:$0x1E800] =	vst v63  }
0x244: {  	_ =	swait.ge [sflag:s21], $0x4000  }
0x245: {  	[sflag:s21] =	ssyncset.done $0x0  }
0x246: {  	s17 =	simm.s32 $0x0;
	[sflag:s21] =	ssyncadd.s32 $0xFFFFC000  }
0x247: {  	[tilespmem:s17], [sflag:$0x3] =	stream.linear.gather [hbm4b:s14+s17], $0x1400, $0x38;
	[tilespmem:$0x1E800] =	vst v63  }
0x248: {  	_ =	swait.ge [sflag:s21], $0x1400  }
0x249: {  	[sflag:s21] =	ssyncset.done $0x0  }
0x24a: {  	[sflag:s21] =	ssyncadd.s32 $0xFFFFEC00  }
0x24b: {  	[tilespmem:s22], [sflag:$0x3] =	stream.linear.gather [hbm4b:s15+s17], $0x1400, $0x38;
	[tilespmem:$0x1E800] =	vst v63  }
0x24c: {  	_ =	swait.ge [sflag:s21], $0x1400  }
0x24d: {  	[sflag:s21] =	ssyncset.done $0x0  }
0x24e: {  	[sflag:s21] =	ssyncadd.s32 $0xFFFFEC00  }
0x24f: {  	[tilespmem:s24], [sflag:$0x1] =	stream.indirect.gather [hbm4b:s8+s23], $0x80, s17, s23, $0xb8;
	[tilespmem:$0x1E800] =	vst v63  }
0x250: {  	s9 =	simm.s32 $0x80  }
0x251: {  	[tilespmem:s25], [sflag:$0x2] =	stream.indirect.gather [hbm4b:s8+s23], $0x80, s9, s23, $0xb8;
	[tilespmem:$0x1E800] =	vst v63  }
0x252: {  	_ =	swait.ge [sflag:s26], $0x4000  }
0x253: {  	[sflag:s26] =	ssyncset.done $0x0  }
0x254: {  	s10 =	simm.s32 $0x1400;
	[sflag:s26] =	ssyncadd.s32 $0xFFFFC000  }
0x255: {  	[spmem:s1] =	stream.indirect.scatter.add.f32 [tilespmem:s24], [sflag:$0x3], $0x80, s10, s23, $0xb8;
	[tilespmem:$0x1E800] =	vst v63  }
0x256: {  	_ =	swait.ge [sflag:s21], $0x4000  }
0x257: {  	[sflag:s21] =	ssyncset.done $0x0  }
0x258: {  	s16 =	simm.s32 $0x100;
	[sflag:s21] =	ssyncadd.s32 $0xFFFFC000  }
0x259: {  	[tilespmem:s24], [sflag:$0x1] =	stream.indirect.gather [hbm4b:s8+s23], $0x80, s16, s23, $0xb8;
	[tilespmem:$0x1E800] =	vst v63  }
0x25a: {  	_ =	swait.ge [sflag:s28], $0x4000  }
0x25b: {  	[sflag:s28] =	ssyncset.done $0x0  }
0x25c: {  	s17 =	simm.s32 $0x1480;
	[sflag:s28] =	ssyncadd.s32 $0xFFFFC000  }
0x25d: {  	[spmem:s1] =	stream.indirect.scatter.add.f32 [tilespmem:s25], [sflag:$0x3], $0x80, s17, s23, $0xb8;
	[tilespmem:$0x1E800] =	vst v63  }
0x25e: {  	_ =	swait.ge [sflag:s21], $0x4000  }
0x25f: {  	s3 =	simm.s32 $0x100;
	s9 =	simm.s32 $0x800;
	[sflag:s21] =	ssyncset.done $0x0  }
.LBB2_18:
0x260: {  	s10 =	sadd.s32 $0x80, s3  }
0x261: {  	[sflag:s21] =	ssyncadd.s32 $0xFFFFC000;
	s16 =	smov.u32 s9;
	s17 =	sadd.s32 $0x400, s9  }
0x262: {  	[tilespmem:s25], [sflag:$0x2] =	stream.indirect.gather [hbm4b:s8+s23], $0x80, s10, s23, $0xb8;
	[tilespmem:$0x1E800] =	vst v63  }
0x263: {  	p1 =	sne.s32 s9, $0x4800;
	_ =	swait.ge [sflag:s26], $0x4000  }
0x264: {  	[sflag:s26] =	ssyncset.done $0x0  }
0x265: {  	s9 =	sadd.s32 $0x1400, s3;
	[sflag:s26] =	ssyncadd.s32 $0xFFFFC000  }
0x266: {  	[spmem:s1] =	stream.indirect.scatter.add.f32 [tilespmem:s24], [sflag:$0x3], $0x80, s9, s23, $0xb8;
	[tilespmem:$0x1E800] =	vst v63  }
0x267: {  	_ =	swait.ge [sflag:s21], $0x4000  }
0x268: {  	[sflag:s21] =	ssyncset.done $0x0  }
0x269: {  	s9 =	sadd.s32 $0x100, s3;
	[sflag:s21] =	ssyncadd.s32 $0xFFFFC000  }
0x26a: {  	[tilespmem:s24], [sflag:$0x1] =	stream.indirect.gather [hbm4b:s8+s23], $0x80, s9, s23, $0xb8;
	[tilespmem:$0x1E800] =	vst v63  }
0x26b: {  	_ =	swait.ge [sflag:s28], $0x4000  }
.Ltmp11:
0x26c: {  	[sflag:s28] =	ssyncset.done $0x0;
	(pc) =	sbr.rel @p1 .LBB2_18-.Ltmp11, $4  }
0x26d: {  	s3 =	sadd.s32 $0x1480, s3;
	[sflag:s28] =	ssyncadd.s32 $0xFFFFC000  }
0x26e: {  	[spmem:s1] =	stream.indirect.scatter.add.f32 [tilespmem:s25], [sflag:$0x3], $0x80, s3, s23, $0xb8;
	[tilespmem:$0x1E800] =	vst v63  }
0x26f: {  	_ =	swait.ge [sflag:s21], $0x4000  }
0x270: {  	s9 =	smov.u32 s17;
	s3 =	sshra.s32 s16, $0x2;
	[sflag:s21] =	ssyncset.done $0x0  }
.Ltmp12:
0x271: {  	_ = 	snop;
	(pc) =	sbr.rel .LBB2_19-.Ltmp12, $1  }
0x272: {  	_ =	sdelay $0x3  }
.LBB2_21:
0x273: {  	_ =	sfence.sel $0x180000  }
0x274: {  	[bflag:$0x0] =	sbarrier.arrive $0xFFFF  }
0x275: {  	_ =	strace $0x9000004D  }
0x276: {  	s0 =	stileid.u32;
	[bflag:$0x2] =	sbarrier.arrive $0xFFFF  }
0x277: {  	p0 =	sne.s32 s0, $0x0;
	s0 =	rddreg [dreg:$0x3]  }
0x278: {  	s0 =	sadd.s32 @!p0 $0x100000, s0  }
0x279: {  	[sflag:s0] =	ssyncadd.tile.s32 @!p0 $0x1;
	_ =	shalt  }
.Lfunc_end2:
_tile_overlayer_lowered:
.L_overlay_start_2:
0x27a: {  	(tag) =	ssettag $0x2  }
0x27b: {  	s0 =	rddreg [dreg:$0x0];
	s2 =	stileid.u32  }
0x27c: {  	s1 =	rddreg [dreg:$0x1];
	p0 =	sne.s32 s2, $0x0  }
0x27d: {  	s3 =	rddreg [dreg:$0x2];
	[bflag:$0x3] =	sbarrier.arrive $0xFFFF;
	s2 =	simm.s32 @!p0 $0x1C03  }
0x27e: {  	[timem:s3], [sflag:s2] =	dma.local @!p0 [hbm:s0], s1  }
0x27f: {  	s0 =	simm.s32 @!p0 $0x3  }
0x280: {  	_ =	swait.ge @!p0 [sflag:s0], s1  }
0x281: {  	s1 =	ssub.s32 @!p0 $0x0, s1;
	[sflag:s0] =	ssyncset.done @!p0 $0x0  }
0x282: {  	[sflag:s0] =	ssyncadd.s32 @!p0 s1  }
0x283: {  	[bflag:$0x3] =	sbarrier.arrive $0xFFFF  }
0x284: {  	_ =	shalt  }

</sc_bundles>
